<compile_context>
chip_gen: v7x
topology: tpu7x:2x2x1
jax: 0.10.2.dev20260603
libtpu: 0.0.44.dev20260713+nightly
codegen_flags: <defaults>
</compile_context>

<pallas_src>
import functools

import jax
import jax.numpy as jnp
from jax import lax
from jax.experimental import pallas as pl
from jax.experimental.pallas import tpu as pltpu
from jax.experimental.pallas import tpu_sc as plsc

_NC = 2
_NS = 16
_W = 80


def _make_seg_sum(n, d, e):
    nworker = _NC * _NS
    ept = e // nworker
    wpt = ept // _W
    zc = _W
    nchunks = n // zc
    nz = -(-nchunks // _NS)
    assert ept % _W == 0 and n % zc == 0

    mesh = plsc.VectorSubcoreMesh(
        core_axis_name="c", subcore_axis_name="s",
        num_cores=_NC, num_subcores=_NS)

    @functools.partial(
        pl.kernel,
        out_type=jax.ShapeDtypeStruct((_NC * n, d), jnp.float32),
        mesh=mesh,
        scratch_types=[
            pltpu.VMEM((4, _W), jnp.int32),
            pltpu.VMEM((4, _W), jnp.int32),
            pltpu.VMEM((_W, d), jnp.float32),
            pltpu.VMEM((_W, d), jnp.float32),
            pltpu.VMEM((_W, d), jnp.float32),
            pltpu.VMEM((_W, d), jnp.float32),
            pltpu.VMEM_SHARED((n, d), jnp.float32),
            pltpu.SemaphoreType.DMA,
            pltpu.SemaphoreType.DMA,
            pltpu.SemaphoreType.DMA,
            pltpu.SemaphoreType.DMA,
            pltpu.SemaphoreType.DMA,
            pltpu.SemaphoreType.DMA,
            pltpu.SemaphoreType.DMA,
            pltpu.SemaphoreType.DMA,
            pltpu.SemaphoreType.DMA,
            pltpu.SemaphoreType.DMA,
        ],
    )
    def seg_sum(x_hbm, src_hbm, dst_hbm, out_hbm,
                swin, dwin, rows0, rows1, rows2, rows3, acc,
                sem0, sem1, sem2, sem3, ssem, dsem,
                csem0, csem1, csem2, csem3):
        c = lax.axis_index("c")
        s = lax.axis_index("s")
        wid = c * _NS + s
        ebase = wid * ept

        z16 = jnp.zeros((16,), jnp.float32)

        def zrow(i, carry):
            for j in range(d // 16):
                rows0[i, pl.ds(j * 16, 16)] = z16
            return carry

        lax.fori_loop(0, zc, zrow, 0)
        for k in range(nz):
            cid = s + k * _NS

            @pl.when(cid < nchunks)
            def _():
                pltpu.sync_copy(rows0, acc.at[pl.ds(cid * zc, zc)])
        plsc.subcore_barrier()

        bufs = (rows0, rows1, rows2, rows3)
        sems = (sem0, sem1, sem2, sem3)
        csems = (csem0, csem1, csem2, csem3)
        kd = len(bufs)

        def fetch_idx(w, j):
            pltpu.async_copy(src_hbm.at[pl.ds(ebase + w * _W, _W)],
                             swin.at[j], ssem)
            pltpu.async_copy(dst_hbm.at[pl.ds(ebase + w * _W, _W)],
                             dwin.at[j], dsem)

        def wait_idx(w, j):
            pltpu.make_async_copy(src_hbm.at[pl.ds(ebase + w * _W, _W)],
                                  swin.at[j], ssem).wait()
            pltpu.make_async_copy(dst_hbm.at[pl.ds(ebase + w * _W, _W)],
                                  dwin.at[j], dsem).wait()

        def drain_scatter(j):
            pltpu.make_async_copy(bufs[j], acc.at[dwin.at[j]],
                                  csems[j]).wait()

        def body(i, carry):
            w0 = kd * i

            @pl.when(i > 0)
            def _():
                for j in range(kd):
                    drain_scatter(j)

            for j in range(kd):
                fetch_idx(w0 + j, j)
            for j in range(kd):
                wait_idx(w0 + j, j)
                pltpu.async_copy(x_hbm.at[swin.at[j]], bufs[j], sems[j])
            for j in range(kd):
                pltpu.make_async_copy(
                    x_hbm.at[swin.at[j]], bufs[j], sems[j]).wait()
                pltpu.async_copy(bufs[j], acc.at[dwin.at[j]], csems[j],
                                 add=True)
            return carry

        lax.fori_loop(0, wpt // kd, body, 0)
        for j in range(kd):
            drain_scatter(j)
        for w in range((wpt // kd) * kd, wpt):
            j = w % kd
            fetch_idx(w, j)
            wait_idx(w, j)
            pltpu.async_copy(x_hbm.at[swin.at[j]], bufs[j], sems[j])
            pltpu.make_async_copy(
                x_hbm.at[swin.at[j]], bufs[j], sems[j]).wait()
            pltpu.async_copy(bufs[j], acc.at[dwin.at[j]], csems[j],
                             add=True)
            drain_scatter(j)

        plsc.subcore_barrier()
        for k in range(nz):
            cid = s + k * _NS

            @pl.when(cid < nchunks)
            def _():
                pltpu.sync_copy(acc.at[pl.ds(cid * zc, zc)],
                                out_hbm.at[pl.ds(c * n + cid * zc, zc)])

    return seg_sum


def _bn_relu(a, g, b):
    m = jnp.mean(a, axis=0, keepdims=True)
    v = jnp.mean((a - m) ** 2, axis=0, keepdims=True)
    return jnp.maximum(g * (a - m) * lax.rsqrt(v + 1e-5) + b, 0.0)


def _mlp_body(h_ref, agg_ref, w1_ref, b1_ref, g1_ref, e1_ref,
              w2_ref, b2_ref, g2_ref, e2_ref, out_ref):
    n = h_ref.shape[0]
    agg = agg_ref[...]
    u = h_ref[...] + agg[:n] + agg[n:]
    a = jnp.dot(u, w1_ref[...], preferred_element_type=jnp.float32)
    a = _bn_relu(a + b1_ref[...], g1_ref[...], e1_ref[...])
    a = jnp.dot(a, w2_ref[...], preferred_element_type=jnp.float32)
    out_ref[...] = _bn_relu(a + b2_ref[...], g2_ref[...], e2_ref[...])


def _mlp_pool_body(h_ref, agg_ref, w1_ref, b1_ref, g1_ref, e1_ref,
                   w2_ref, b2_ref, g2_ref, e2_ref,
                   batch_ref, wc_ref, bc_ref, out_ref):
    n = h_ref.shape[0]
    g = out_ref.shape[0]
    agg = agg_ref[...]
    u = h_ref[...] + agg[:n] + agg[n:]
    a = jnp.dot(u, w1_ref[...], preferred_element_type=jnp.float32)
    a = _bn_relu(a + b1_ref[...], g1_ref[...], e1_ref[...])
    a = jnp.dot(a, w2_ref[...], preferred_element_type=jnp.float32)
    h3 = _bn_relu(a + b2_ref[...], g2_ref[...], e2_ref[...])
    gid = lax.broadcasted_iota(jnp.int32, (g, n), 0)
    p = (batch_ref[...] == gid).astype(jnp.float32)
    sums = jnp.dot(p, h3, preferred_element_type=jnp.float32)
    counts = jnp.sum(p, axis=1, keepdims=True)
    mean = sums / jnp.maximum(counts, 1.0)
    out_ref[...] = jnp.dot(mean, wc_ref[...],
                           preferred_element_type=jnp.float32) + bc_ref[...]


def _conv_args(p):
    return (p["W1"], p["b1"].reshape(1, -1), p["g1"].reshape(1, -1),
            p["be1"].reshape(1, -1), p["W2"], p["b2"].reshape(1, -1),
            p["g2"].reshape(1, -1), p["be2"].reshape(1, -1))


def kernel(x, edge_index, batch, params):
    n, d = x.shape
    e = edge_index.shape[1]
    g = 64
    c_out = params["clf_b"].shape[0]

    src = edge_index[0]
    dst = edge_index[1]
    seg_sum = _make_seg_sum(n, d, e)

    h = x
    convs = [params["conv1"], params["conv2"], params["conv3"]]
    for li in (0, 1):
        aggp = seg_sum(h, src, dst)
        cargs = _conv_args(convs[li])
        h = pl.pallas_call(
            _mlp_body,
            out_shape=jax.ShapeDtypeStruct((n, cargs[4].shape[1]),
                                           jnp.float32),
        )(h, aggp, *cargs)

    aggp = seg_sum(h, src, dst)
    cargs = _conv_args(convs[2])
    out = pl.pallas_call(
        _mlp_pool_body,
        out_shape=jax.ShapeDtypeStruct((g, c_out), jnp.float32),
    )(h, aggp, *cargs, batch.reshape(1, n),
      params["clf_W"], params["clf_b"].reshape(1, c_out))
    return out

# --- scband reference (transcript-rebuilt; emitter-appended) ---
"""Pipeline reference for scband-ginclassification-21861383536763 (READ-ONLY COPY).

The authoritative reference and input builder live on the scoring server;
editing this copy changes nothing except your own understanding.
"""

import jax, jax.numpy as jnp
import numpy as np

N = 10000
E = 320000
D = 128
H = 128
O = 128
C = 10
G = 64


def _init_linear(key, din, dout):
    k1, k2 = jax.random.split(key)
    lim = 1.0 / np.sqrt(din)
    W = jax.random.uniform(k1, (din, dout), minval=-lim, maxval=lim, dtype=jnp.float32)
    b = jax.random.uniform(k2, (dout,), minval=-lim, maxval=lim, dtype=jnp.float32)
    return W, b


def _init_conv(key, din, dout):
    k1, k2 = jax.random.split(key)
    W1, b1 = _init_linear(k1, din, dout)
    W2, b2 = _init_linear(k2, dout, dout)
    return {"W1": W1, "b1": b1, "g1": jnp.ones((dout,), jnp.float32), "be1": jnp.zeros((dout,), jnp.float32), "W2": W2, "b2": b2, "g2": jnp.ones((dout,), jnp.float32), "be2": jnp.zeros((dout,), jnp.float32)}


def setup_inputs(seed: int = 0):
    key = jax.random.key(seed)
    ks = jax.random.split(key, 8)
    x = jax.random.normal(ks[0], (N, D), dtype=jnp.float32)
    edge_index = jax.random.randint(ks[1], (2, E), 0, N, dtype=jnp.int32)
    batch = jnp.sort(jax.random.randint(ks[2], (N,), 0, G, dtype=jnp.int32))
    params = {"conv1": _init_conv(ks[3], D, H), "conv2": _init_conv(ks[4], H, H), "conv3": _init_conv(ks[5], H, O)}
    Wc, bc = _init_linear(ks[6], O, C)
    params["clf_W"] = Wc
    params["clf_b"] = bc
    return {"x": x, "edge_index": edge_index, "batch": batch, "params": params}


def _bn_relu(h, g, b):
    # BatchNorm1d in training mode: biased batch statistics, eps=1e-5
    m = jnp.mean(h, axis=0)
    v = jnp.var(h, axis=0)
    return jax.nn.relu(g * (h - m) / jnp.sqrt(v + 1e-5) + b)


def _gin_conv(x, edge_index, p):
    # GINConv with eps=0: out = mlp((1+eps)*x + sum_{j->i} x_j)
    agg = jax.ops.segment_sum(x[edge_index[0]], edge_index[1], num_segments=N)
    h = x + agg
    h = _bn_relu(h @ p["W1"] + p["b1"], p["g1"], p["be1"])
    h = _bn_relu(h @ p["W2"] + p["b2"], p["g2"], p["be2"])
    return h


def reference(x, edge_index, batch, params):
    h = _gin_conv(x, edge_index, params["conv1"])
    h = _gin_conv(h, edge_index, params["conv2"])
    h = _gin_conv(h, edge_index, params["conv3"])
    sums = jax.ops.segment_sum(h, batch, num_segments=G)
    counts = jax.ops.segment_sum(jnp.ones((h.shape[0],), dtype=h.dtype), batch, num_segments=G)
    mean = sums / jnp.maximum(counts, 1.0)[:, None]
    return mean @ params["clf_W"] + params["clf_b"]

if __name__ == "__main__":
    import jax
    _d = setup_inputs()
    print(jax.jit(kernel)(*tuple(_d.values())))

</pallas_src>

<mosaic_0001>
#map = affine_map<(d0, d1) -> (0, 0)>
#map1 = affine_map<(d0, d1) -> (0)>
module attributes {stable_mosaic.version = 14 : i64} {
  func.func @seg_sum(%arg0: i32, %arg1: i32, %arg2: memref<10000x128xf32, #tpu.memory_space<hbm>>, %arg3: memref<320000xi32, #tpu.memory_space<hbm>>, %arg4: memref<320000xi32, #tpu.memory_space<hbm>>, %arg5: memref<20000x128xf32, #tpu.memory_space<hbm>>, %arg6: memref<4x80xi32, #tpu.memory_space<vmem>>, %arg7: memref<4x80xi32, #tpu.memory_space<vmem>>, %arg8: memref<80x128xf32, #tpu.memory_space<vmem>>, %arg9: memref<80x128xf32, #tpu.memory_space<vmem>>, %arg10: memref<80x128xf32, #tpu.memory_space<vmem>>, %arg11: memref<80x128xf32, #tpu.memory_space<vmem>>, %arg12: memref<10000x128xf32, #tpu.memory_space<vmem_shared>>, %arg13: memref<!tpu.dma_semaphore, #tpu.memory_space<semaphore_mem>>, %arg14: memref<!tpu.dma_semaphore, #tpu.memory_space<semaphore_mem>>, %arg15: memref<!tpu.dma_semaphore, #tpu.memory_space<semaphore_mem>>, %arg16: memref<!tpu.dma_semaphore, #tpu.memory_space<semaphore_mem>>, %arg17: memref<!tpu.dma_semaphore, #tpu.memory_space<semaphore_mem>>, %arg18: memref<!tpu.dma_semaphore, #tpu.memory_space<semaphore_mem>>, %arg19: memref<!tpu.dma_semaphore, #tpu.memory_space<semaphore_mem>>, %arg20: memref<!tpu.dma_semaphore, #tpu.memory_space<semaphore_mem>>, %arg21: memref<!tpu.dma_semaphore, #tpu.memory_space<semaphore_mem>>, %arg22: memref<!tpu.dma_semaphore, #tpu.memory_space<semaphore_mem>>) attributes {dimension_semantics = [#tpu.dimension_semantics<core_parallel>, #tpu.dimension_semantics<subcore_parallel>], iteration_bounds = array<i64: 2, 16>, scalar_prefetch = 0 : i64, scratch_operands = 17 : i64, tpu.core_type = #tpu.core_type<sc_vector_subcore>, window_params = [{transform_indices = #map}, {transform_indices = #map1}, {transform_indices = #map1}, {transform_indices = #map}]} {
    %mul3A = arith.constant 16 : i32
    %mul3A_0 = arith.muli %arg0, %mul3A : i32
    %add3A = arith.addi %mul3A_0, %arg1 : i32
    %mul3A_1 = arith.constant 10000 : i32
    %mul3A_2 = arith.muli %add3A, %mul3A_1 : i32
    %broadcast_in_dim3A = arith.constant 0.000000e+00 : f32
    %broadcast_in_dim3A_3 = vector.broadcast %broadcast_in_dim3A : f32 to vector<16xf32>
    %scan3A = arith.constant 0 : i32
    %scan3A_4 = arith.constant 0 : i32
    %scan3A_5 = arith.constant 80 : i32
    %scan3A_6 = arith.addi %scan3A_4, %scan3A_5 : i32
    %scan3A_7 = arith.constant 1 : i32
    scf.for %scan3A_223 = %scan3A_4 to %scan3A_6 step %scan3A_7  : i32 {
      %swap3A = arith.index_cast %scan3A_223 : i32 to index
      %swap3A_224 = arith.constant 0 : index
      %swap3A_225 = tpu.vector_load %arg8[%swap3A, %swap3A_224] {strides = array<i32>} : memref<80x128xf32, #tpu.memory_space<vmem>>, vector<1x16xf32>,
      %swap3A_226 = vector.shape_cast %swap3A_225 : vector<1x16xf32> to vector<16xf32>
      %swap3A_227 = vector.shape_cast %broadcast_in_dim3A_3 : vector<16xf32> to vector<1x16xf32>
      tpu.vector_store %arg8[%swap3A, %swap3A_224], %swap3A_227 {strides = array<i32>} : memref<80x128xf32, #tpu.memory_space<vmem>>, vector<1x16xf32>,
      %swap3A_228 = arith.index_cast %scan3A_223 : i32 to index
      %swap3A_229 = arith.constant 16 : index
      %swap3A_230 = tpu.vector_load %arg8[%swap3A_228, %swap3A_229] {strides = array<i32>} : memref<80x128xf32, #tpu.memory_space<vmem>>, vector<1x16xf32>,
      %swap3A_231 = vector.shape_cast %swap3A_230 : vector<1x16xf32> to vector<16xf32>
      %swap3A_232 = vector.shape_cast %broadcast_in_dim3A_3 : vector<16xf32> to vector<1x16xf32>
      tpu.vector_store %arg8[%swap3A_228, %swap3A_229], %swap3A_232 {strides = array<i32>} : memref<80x128xf32, #tpu.memory_space<vmem>>, vector<1x16xf32>,
      %swap3A_233 = arith.index_cast %scan3A_223 : i32 to index
      %swap3A_234 = arith.constant 32 : index
      %swap3A_235 = tpu.vector_load %arg8[%swap3A_233, %swap3A_234] {strides = array<i32>} : memref<80x128xf32, #tpu.memory_space<vmem>>, vector<1x16xf32>,
      %swap3A_236 = vector.shape_cast %swap3A_235 : vector<1x16xf32> to vector<16xf32>
      %swap3A_237 = vector.shape_cast %broadcast_in_dim3A_3 : vector<16xf32> to vector<1x16xf32>
      tpu.vector_store %arg8[%swap3A_233, %swap3A_234], %swap3A_237 {strides = array<i32>} : memref<80x128xf32, #tpu.memory_space<vmem>>, vector<1x16xf32>,
      %swap3A_238 = arith.index_cast %scan3A_223 : i32 to index
      %swap3A_239 = arith.constant 48 : index
      %swap3A_240 = tpu.vector_load %arg8[%swap3A_238, %swap3A_239] {strides = array<i32>} : memref<80x128xf32, #tpu.memory_space<vmem>>, vector<1x16xf32>,
      %swap3A_241 = vector.shape_cast %swap3A_240 : vector<1x16xf32> to vector<16xf32>
      %swap3A_242 = vector.shape_cast %broadcast_in_dim3A_3 : vector<16xf32> to vector<1x16xf32>
      tpu.vector_store %arg8[%swap3A_238, %swap3A_239], %swap3A_242 {strides = array<i32>} : memref<80x128xf32, #tpu.memory_space<vmem>>, vector<1x16xf32>,
      %swap3A_243 = arith.index_cast %scan3A_223 : i32 to index
      %swap3A_244 = arith.constant 64 : index
      %swap3A_245 = tpu.vector_load %arg8[%swap3A_243, %swap3A_244] {strides = array<i32>} : memref<80x128xf32, #tpu.memory_space<vmem>>, vector<1x16xf32>,
      %swap3A_246 = vector.shape_cast %swap3A_245 : vector<1x16xf32> to vector<16xf32>
      %swap3A_247 = vector.shape_cast %broadcast_in_dim3A_3 : vector<16xf32> to vector<1x16xf32>
      tpu.vector_store %arg8[%swap3A_243, %swap3A_244], %swap3A_247 {strides = array<i32>} : memref<80x128xf32, #tpu.memory_space<vmem>>, vector<1x16xf32>,
      %swap3A_248 = arith.index_cast %scan3A_223 : i32 to index
      %swap3A_249 = arith.constant 80 : index
      %swap3A_250 = tpu.vector_load %arg8[%swap3A_248, %swap3A_249] {strides = array<i32>} : memref<80x128xf32, #tpu.memory_space<vmem>>, vector<1x16xf32>,
      %swap3A_251 = vector.shape_cast %swap3A_250 : vector<1x16xf32> to vector<16xf32>
      %swap3A_252 = vector.shape_cast %broadcast_in_dim3A_3 : vector<16xf32> to vector<1x16xf32>
      tpu.vector_store %arg8[%swap3A_248, %swap3A_249], %swap3A_252 {strides = array<i32>} : memref<80x128xf32, #tpu.memory_space<vmem>>, vector<1x16xf32>,
      %swap3A_253 = arith.index_cast %scan3A_223 : i32 to index
      %swap3A_254 = arith.constant 96 : index
      %swap3A_255 = tpu.vector_load %arg8[%swap3A_253, %swap3A_254] {strides = array<i32>} : memref<80x128xf32, #tpu.memory_space<vmem>>, vector<1x16xf32>,
      %swap3A_256 = vector.shape_cast %swap3A_255 : vector<1x16xf32> to vector<16xf32>
      %swap3A_257 = vector.shape_cast %broadcast_in_dim3A_3 : vector<16xf32> to vector<1x16xf32>
      tpu.vector_store %arg8[%swap3A_253, %swap3A_254], %swap3A_257 {strides = array<i32>} : memref<80x128xf32, #tpu.memory_space<vmem>>, vector<1x16xf32>,
      %swap3A_258 = arith.index_cast %scan3A_223 : i32 to index
      %swap3A_259 = arith.constant 112 : index
      %swap3A_260 = tpu.vector_load %arg8[%swap3A_258, %swap3A_259] {strides = array<i32>} : memref<80x128xf32, #tpu.memory_space<vmem>>, vector<1x16xf32>,
      %swap3A_261 = vector.shape_cast %swap3A_260 : vector<1x16xf32> to vector<16xf32>
      %swap3A_262 = vector.shape_cast %broadcast_in_dim3A_3 : vector<16xf32> to vector<1x16xf32>
      tpu.vector_store %arg8[%swap3A_258, %swap3A_259], %swap3A_262 {strides = array<i32>} : memref<80x128xf32, #tpu.memory_space<vmem>>, vector<1x16xf32>,
    }
    %scan3A_8 = arith.constant 80 : i32
    %add3A_9 = arith.constant 0 : i32
    %add3A_10 = arith.addi %arg1, %add3A_9 : i32
    %lt3A = arith.constant 125 : i32
    %lt3A_11 = arith.cmpi slt, %add3A_10, %lt3A : i32
    %convert_element_type3A = arith.extui %lt3A_11 : i1 to i32
    %cond3A = arith.constant 0 : i32
    %cond3A_12 = arith.cmpi ne, %convert_element_type3A, %cond3A : i32
    scf.if %cond3A_12 {
      %mul3A_223 = arith.constant 80 : i32
      %mul3A_224 = arith.muli %add3A_10, %mul3A_223 : i32
      "tpu.region"() ({
        %run_scoped3A = tpu.sem_alloc : memref<!tpu.dma_semaphore, #tpu.memory_space<semaphore_mem>>
        %dma_start3A_225 = arith.constant 0 : i32
        %dma_start3A_226 = tpu.memref_slice %arg12[%mul3A_224, %dma_start3A_225] : memref<10000x128xf32, #tpu.memory_space<vmem_shared>> -> memref<80x128xf32, #tpu.memory_space<vmem_shared>>
        %dma_start3A_227 = arith.constant 0 : i32
        %dma_start3A_228 = tpu.memref_slice %arg12[%mul3A_224, %dma_start3A_227] : memref<10000x128xf32, #tpu.memory_space<vmem_shared>> -> memref<80x128xf32, #tpu.memory_space<vmem_shared>>
        tpu.enqueue_dma source(%arg8 : memref<80x128xf32, #tpu.memory_space<vmem>>) target(%dma_start3A_228 : memref<80x128xf32, #tpu.memory_space<vmem_shared>>) target_semaphore(%run_scoped3A : memref<!tpu.dma_semaphore, #tpu.memory_space<semaphore_mem>>)
        %dma_wait3A_229 = arith.constant 0 : i32
        %dma_wait3A_230 = tpu.memref_slice %arg12[%mul3A_224, %dma_wait3A_229] : memref<10000x128xf32, #tpu.memory_space<vmem_shared>> -> memref<80x128xf32, #tpu.memory_space<vmem_shared>>
        %dma_wait3A_231 = arith.constant 0 : i32
        %dma_wait3A_232 = tpu.memref_slice %arg12[%mul3A_224, %dma_wait3A_231] : memref<10000x128xf32, #tpu.memory_space<vmem_shared>> -> memref<80x128xf32, #tpu.memory_space<vmem_shared>>
        tpu.wait_dma2 semaphore(%run_scoped3A : memref<!tpu.dma_semaphore, #tpu.memory_space<semaphore_mem>>) src(%arg8 : memref<80x128xf32, #tpu.memory_space<vmem>>) dst(%dma_wait3A_232 : memref<80x128xf32, #tpu.memory_space<vmem_shared>>)
        tpu.yield
      }) : () -> ()
    } else {
    }
    %add3A_13 = arith.constant 16 : i32
    %add3A_14 = arith.addi %arg1, %add3A_13 : i32
    %lt3A_15 = arith.constant 125 : i32
    %lt3A_16 = arith.cmpi slt, %add3A_14, %lt3A_15 : i32
    %convert_element_type3A_17 = arith.extui %lt3A_16 : i1 to i32
    %cond3A_18 = arith.constant 0 : i32
    %cond3A_19 = arith.cmpi ne, %convert_element_type3A_17, %cond3A_18 : i32
    scf.if %cond3A_19 {
      %mul3A_223 = arith.constant 80 : i32
      %mul3A_224 = arith.muli %add3A_14, %mul3A_223 : i32
      "tpu.region"() ({
        %run_scoped3A = tpu.sem_alloc : memref<!tpu.dma_semaphore, #tpu.memory_space<semaphore_mem>>
        %dma_start3A_225 = arith.constant 0 : i32
        %dma_start3A_226 = tpu.memref_slice %arg12[%mul3A_224, %dma_start3A_225] : memref<10000x128xf32, #tpu.memory_space<vmem_shared>> -> memref<80x128xf32, #tpu.memory_space<vmem_shared>>
        %dma_start3A_227 = arith.constant 0 : i32
        %dma_start3A_228 = tpu.memref_slice %arg12[%mul3A_224, %dma_start3A_227] : memref<10000x128xf32, #tpu.memory_space<vmem_shared>> -> memref<80x128xf32, #tpu.memory_space<vmem_shared>>
        tpu.enqueue_dma source(%arg8 : memref<80x128xf32, #tpu.memory_space<vmem>>) target(%dma_start3A_228 : memref<80x128xf32, #tpu.memory_space<vmem_shared>>) target_semaphore(%run_scoped3A : memref<!tpu.dma_semaphore, #tpu.memory_space<semaphore_mem>>)
        %dma_wait3A_229 = arith.constant 0 : i32
        %dma_wait3A_230 = tpu.memref_slice %arg12[%mul3A_224, %dma_wait3A_229] : memref<10000x128xf32, #tpu.memory_space<vmem_shared>> -> memref<80x128xf32, #tpu.memory_space<vmem_shared>>
        %dma_wait3A_231 = arith.constant 0 : i32
        %dma_wait3A_232 = tpu.memref_slice %arg12[%mul3A_224, %dma_wait3A_231] : memref<10000x128xf32, #tpu.memory_space<vmem_shared>> -> memref<80x128xf32, #tpu.memory_space<vmem_shared>>
        tpu.wait_dma2 semaphore(%run_scoped3A : memref<!tpu.dma_semaphore, #tpu.memory_space<semaphore_mem>>) src(%arg8 : memref<80x128xf32, #tpu.memory_space<vmem>>) dst(%dma_wait3A_232 : memref<80x128xf32, #tpu.memory_space<vmem_shared>>)
        tpu.yield
      }) : () -> ()
    } else {
    }
    %add3A_20 = arith.constant 32 : i32
    %add3A_21 = arith.addi %arg1, %add3A_20 : i32
    %lt3A_22 = arith.constant 125 : i32
    %lt3A_23 = arith.cmpi slt, %add3A_21, %lt3A_22 : i32
    %convert_element_type3A_24 = arith.extui %lt3A_23 : i1 to i32
    %cond3A_25 = arith.constant 0 : i32
    %cond3A_26 = arith.cmpi ne, %convert_element_type3A_24, %cond3A_25 : i32
    scf.if %cond3A_26 {
      %mul3A_223 = arith.constant 80 : i32
      %mul3A_224 = arith.muli %add3A_21, %mul3A_223 : i32
      "tpu.region"() ({
        %run_scoped3A = tpu.sem_alloc : memref<!tpu.dma_semaphore, #tpu.memory_space<semaphore_mem>>
        %dma_start3A_225 = arith.constant 0 : i32
        %dma_start3A_226 = tpu.memref_slice %arg12[%mul3A_224, %dma_start3A_225] : memref<10000x128xf32, #tpu.memory_space<vmem_shared>> -> memref<80x128xf32, #tpu.memory_space<vmem_shared>>
        %dma_start3A_227 = arith.constant 0 : i32
        %dma_start3A_228 = tpu.memref_slice %arg12[%mul3A_224, %dma_start3A_227] : memref<10000x128xf32, #tpu.memory_space<vmem_shared>> -> memref<80x128xf32, #tpu.memory_space<vmem_shared>>
        tpu.enqueue_dma source(%arg8 : memref<80x128xf32, #tpu.memory_space<vmem>>) target(%dma_start3A_228 : memref<80x128xf32, #tpu.memory_space<vmem_shared>>) target_semaphore(%run_scoped3A : memref<!tpu.dma_semaphore, #tpu.memory_space<semaphore_mem>>)
        %dma_wait3A_229 = arith.constant 0 : i32
        %dma_wait3A_230 = tpu.memref_slice %arg12[%mul3A_224, %dma_wait3A_229] : memref<10000x128xf32, #tpu.memory_space<vmem_shared>> -> memref<80x128xf32, #tpu.memory_space<vmem_shared>>
        %dma_wait3A_231 = arith.constant 0 : i32
        %dma_wait3A_232 = tpu.memref_slice %arg12[%mul3A_224, %dma_wait3A_231] : memref<10000x128xf32, #tpu.memory_space<vmem_shared>> -> memref<80x128xf32, #tpu.memory_space<vmem_shared>>
        tpu.wait_dma2 semaphore(%run_scoped3A : memref<!tpu.dma_semaphore, #tpu.memory_space<semaphore_mem>>) src(%arg8 : memref<80x128xf32, #tpu.memory_space<vmem>>) dst(%dma_wait3A_232 : memref<80x128xf32, #tpu.memory_space<vmem_shared>>)
        tpu.yield
      }) : () -> ()
    } else {
    }
    %add3A_27 = arith.constant 48 : i32
    %add3A_28 = arith.addi %arg1, %add3A_27 : i32
    %lt3A_29 = arith.constant 125 : i32
    %lt3A_30 = arith.cmpi slt, %add3A_28, %lt3A_29 : i32
    %convert_element_type3A_31 = arith.extui %lt3A_30 : i1 to i32
    %cond3A_32 = arith.constant 0 : i32
    %cond3A_33 = arith.cmpi ne, %convert_element_type3A_31, %cond3A_32 : i32
    scf.if %cond3A_33 {
      %mul3A_223 = arith.constant 80 : i32
      %mul3A_224 = arith.muli %add3A_28, %mul3A_223 : i32
      "tpu.region"() ({
        %run_scoped3A = tpu.sem_alloc : memref<!tpu.dma_semaphore, #tpu.memory_space<semaphore_mem>>
        %dma_start3A_225 = arith.constant 0 : i32
        %dma_start3A_226 = tpu.memref_slice %arg12[%mul3A_224, %dma_start3A_225] : memref<10000x128xf32, #tpu.memory_space<vmem_shared>> -> memref<80x128xf32, #tpu.memory_space<vmem_shared>>
        %dma_start3A_227 = arith.constant 0 : i32
        %dma_start3A_228 = tpu.memref_slice %arg12[%mul3A_224, %dma_start3A_227] : memref<10000x128xf32, #tpu.memory_space<vmem_shared>> -> memref<80x128xf32, #tpu.memory_space<vmem_shared>>
        tpu.enqueue_dma source(%arg8 : memref<80x128xf32, #tpu.memory_space<vmem>>) target(%dma_start3A_228 : memref<80x128xf32, #tpu.memory_space<vmem_shared>>) target_semaphore(%run_scoped3A : memref<!tpu.dma_semaphore, #tpu.memory_space<semaphore_mem>>)
        %dma_wait3A_229 = arith.constant 0 : i32
        %dma_wait3A_230 = tpu.memref_slice %arg12[%mul3A_224, %dma_wait3A_229] : memref<10000x128xf32, #tpu.memory_space<vmem_shared>> -> memref<80x128xf32, #tpu.memory_space<vmem_shared>>
        %dma_wait3A_231 = arith.constant 0 : i32
        %dma_wait3A_232 = tpu.memref_slice %arg12[%mul3A_224, %dma_wait3A_231] : memref<10000x128xf32, #tpu.memory_space<vmem_shared>> -> memref<80x128xf32, #tpu.memory_space<vmem_shared>>
        tpu.wait_dma2 semaphore(%run_scoped3A : memref<!tpu.dma_semaphore, #tpu.memory_space<semaphore_mem>>) src(%arg8 : memref<80x128xf32, #tpu.memory_space<vmem>>) dst(%dma_wait3A_232 : memref<80x128xf32, #tpu.memory_space<vmem_shared>>)
        tpu.yield
      }) : () -> ()
    } else {
    }
    %add3A_34 = arith.constant 64 : i32
    %add3A_35 = arith.addi %arg1, %add3A_34 : i32
    %lt3A_36 = arith.constant 125 : i32
    %lt3A_37 = arith.cmpi slt, %add3A_35, %lt3A_36 : i32
    %convert_element_type3A_38 = arith.extui %lt3A_37 : i1 to i32
    %cond3A_39 = arith.constant 0 : i32
    %cond3A_40 = arith.cmpi ne, %convert_element_type3A_38, %cond3A_39 : i32
    scf.if %cond3A_40 {
      %mul3A_223 = arith.constant 80 : i32
      %mul3A_224 = arith.muli %add3A_35, %mul3A_223 : i32
      "tpu.region"() ({
        %run_scoped3A = tpu.sem_alloc : memref<!tpu.dma_semaphore, #tpu.memory_space<semaphore_mem>>
        %dma_start3A_225 = arith.constant 0 : i32
        %dma_start3A_226 = tpu.memref_slice %arg12[%mul3A_224, %dma_start3A_225] : memref<10000x128xf32, #tpu.memory_space<vmem_shared>> -> memref<80x128xf32, #tpu.memory_space<vmem_shared>>
        %dma_start3A_227 = arith.constant 0 : i32
        %dma_start3A_228 = tpu.memref_slice %arg12[%mul3A_224, %dma_start3A_227] : memref<10000x128xf32, #tpu.memory_space<vmem_shared>> -> memref<80x128xf32, #tpu.memory_space<vmem_shared>>
        tpu.enqueue_dma source(%arg8 : memref<80x128xf32, #tpu.memory_space<vmem>>) target(%dma_start3A_228 : memref<80x128xf32, #tpu.memory_space<vmem_shared>>) target_semaphore(%run_scoped3A : memref<!tpu.dma_semaphore, #tpu.memory_space<semaphore_mem>>)
        %dma_wait3A_229 = arith.constant 0 : i32
        %dma_wait3A_230 = tpu.memref_slice %arg12[%mul3A_224, %dma_wait3A_229] : memref<10000x128xf32, #tpu.memory_space<vmem_shared>> -> memref<80x128xf32, #tpu.memory_space<vmem_shared>>
        %dma_wait3A_231 = arith.constant 0 : i32
        %dma_wait3A_232 = tpu.memref_slice %arg12[%mul3A_224, %dma_wait3A_231] : memref<10000x128xf32, #tpu.memory_space<vmem_shared>> -> memref<80x128xf32, #tpu.memory_space<vmem_shared>>
        tpu.wait_dma2 semaphore(%run_scoped3A : memref<!tpu.dma_semaphore, #tpu.memory_space<semaphore_mem>>) src(%arg8 : memref<80x128xf32, #tpu.memory_space<vmem>>) dst(%dma_wait3A_232 : memref<80x128xf32, #tpu.memory_space<vmem_shared>>)
        tpu.yield
      }) : () -> ()
    } else {
    }
    %add3A_41 = arith.constant 80 : i32
    %add3A_42 = arith.addi %arg1, %add3A_41 : i32
    %lt3A_43 = arith.constant 125 : i32
    %lt3A_44 = arith.cmpi slt, %add3A_42, %lt3A_43 : i32
    %convert_element_type3A_45 = arith.extui %lt3A_44 : i1 to i32
    %cond3A_46 = arith.constant 0 : i32
    %cond3A_47 = arith.cmpi ne, %convert_element_type3A_45, %cond3A_46 : i32
    scf.if %cond3A_47 {
      %mul3A_223 = arith.constant 80 : i32
      %mul3A_224 = arith.muli %add3A_42, %mul3A_223 : i32
      "tpu.region"() ({
        %run_scoped3A = tpu.sem_alloc : memref<!tpu.dma_semaphore, #tpu.memory_space<semaphore_mem>>
        %dma_start3A_225 = arith.constant 0 : i32
        %dma_start3A_226 = tpu.memref_slice %arg12[%mul3A_224, %dma_start3A_225] : memref<10000x128xf32, #tpu.memory_space<vmem_shared>> -> memref<80x128xf32, #tpu.memory_space<vmem_shared>>
        %dma_start3A_227 = arith.constant 0 : i32
        %dma_start3A_228 = tpu.memref_slice %arg12[%mul3A_224, %dma_start3A_227] : memref<10000x128xf32, #tpu.memory_space<vmem_shared>> -> memref<80x128xf32, #tpu.memory_space<vmem_shared>>
        tpu.enqueue_dma source(%arg8 : memref<80x128xf32, #tpu.memory_space<vmem>>) target(%dma_start3A_228 : memref<80x128xf32, #tpu.memory_space<vmem_shared>>) target_semaphore(%run_scoped3A : memref<!tpu.dma_semaphore, #tpu.memory_space<semaphore_mem>>)
        %dma_wait3A_229 = arith.constant 0 : i32
        %dma_wait3A_230 = tpu.memref_slice %arg12[%mul3A_224, %dma_wait3A_229] : memref<10000x128xf32, #tpu.memory_space<vmem_shared>> -> memref<80x128xf32, #tpu.memory_space<vmem_shared>>
        %dma_wait3A_231 = arith.constant 0 : i32
        %dma_wait3A_232 = tpu.memref_slice %arg12[%mul3A_224, %dma_wait3A_231] : memref<10000x128xf32, #tpu.memory_space<vmem_shared>> -> memref<80x128xf32, #tpu.memory_space<vmem_shared>>
        tpu.wait_dma2 semaphore(%run_scoped3A : memref<!tpu.dma_semaphore, #tpu.memory_space<semaphore_mem>>) src(%arg8 : memref<80x128xf32, #tpu.memory_space<vmem>>) dst(%dma_wait3A_232 : memref<80x128xf32, #tpu.memory_space<vmem_shared>>)
        tpu.yield
      }) : () -> ()
    } else {
    }
    %add3A_48 = arith.constant 96 : i32
    %add3A_49 = arith.addi %arg1, %add3A_48 : i32
    %lt3A_50 = arith.constant 125 : i32
    %lt3A_51 = arith.cmpi slt, %add3A_49, %lt3A_50 : i32
    %convert_element_type3A_52 = arith.extui %lt3A_51 : i1 to i32
    %cond3A_53 = arith.constant 0 : i32
    %cond3A_54 = arith.cmpi ne, %convert_element_type3A_52, %cond3A_53 : i32
    scf.if %cond3A_54 {
      %mul3A_223 = arith.constant 80 : i32
      %mul3A_224 = arith.muli %add3A_49, %mul3A_223 : i32
      "tpu.region"() ({
        %run_scoped3A = tpu.sem_alloc : memref<!tpu.dma_semaphore, #tpu.memory_space<semaphore_mem>>
        %dma_start3A_225 = arith.constant 0 : i32
        %dma_start3A_226 = tpu.memref_slice %arg12[%mul3A_224, %dma_start3A_225] : memref<10000x128xf32, #tpu.memory_space<vmem_shared>> -> memref<80x128xf32, #tpu.memory_space<vmem_shared>>
        %dma_start3A_227 = arith.constant 0 : i32
        %dma_start3A_228 = tpu.memref_slice %arg12[%mul3A_224, %dma_start3A_227] : memref<10000x128xf32, #tpu.memory_space<vmem_shared>> -> memref<80x128xf32, #tpu.memory_space<vmem_shared>>
        tpu.enqueue_dma source(%arg8 : memref<80x128xf32, #tpu.memory_space<vmem>>) target(%dma_start3A_228 : memref<80x128xf32, #tpu.memory_space<vmem_shared>>) target_semaphore(%run_scoped3A : memref<!tpu.dma_semaphore, #tpu.memory_space<semaphore_mem>>)
        %dma_wait3A_229 = arith.constant 0 : i32
        %dma_wait3A_230 = tpu.memref_slice %arg12[%mul3A_224, %dma_wait3A_229] : memref<10000x128xf32, #tpu.memory_space<vmem_shared>> -> memref<80x128xf32, #tpu.memory_space<vmem_shared>>
        %dma_wait3A_231 = arith.constant 0 : i32
        %dma_wait3A_232 = tpu.memref_slice %arg12[%mul3A_224, %dma_wait3A_231] : memref<10000x128xf32, #tpu.memory_space<vmem_shared>> -> memref<80x128xf32, #tpu.memory_space<vmem_shared>>
        tpu.wait_dma2 semaphore(%run_scoped3A : memref<!tpu.dma_semaphore, #tpu.memory_space<semaphore_mem>>) src(%arg8 : memref<80x128xf32, #tpu.memory_space<vmem>>) dst(%dma_wait3A_232 : memref<80x128xf32, #tpu.memory_space<vmem_shared>>)
        tpu.yield
      }) : () -> ()
    } else {
    }
    %add3A_55 = arith.constant 112 : i32
    %add3A_56 = arith.addi %arg1, %add3A_55 : i32
    %lt3A_57 = arith.constant 125 : i32
    %lt3A_58 = arith.cmpi slt, %add3A_56, %lt3A_57 : i32
    %convert_element_type3A_59 = arith.extui %lt3A_58 : i1 to i32
    %cond3A_60 = arith.constant 0 : i32
    %cond3A_61 = arith.cmpi ne, %convert_element_type3A_59, %cond3A_60 : i32
    scf.if %cond3A_61 {
      %mul3A_223 = arith.constant 80 : i32
      %mul3A_224 = arith.muli %add3A_56, %mul3A_223 : i32
      "tpu.region"() ({
        %run_scoped3A = tpu.sem_alloc : memref<!tpu.dma_semaphore, #tpu.memory_space<semaphore_mem>>
        %dma_start3A_225 = arith.constant 0 : i32
        %dma_start3A_226 = tpu.memref_slice %arg12[%mul3A_224, %dma_start3A_225] : memref<10000x128xf32, #tpu.memory_space<vmem_shared>> -> memref<80x128xf32, #tpu.memory_space<vmem_shared>>
        %dma_start3A_227 = arith.constant 0 : i32
        %dma_start3A_228 = tpu.memref_slice %arg12[%mul3A_224, %dma_start3A_227] : memref<10000x128xf32, #tpu.memory_space<vmem_shared>> -> memref<80x128xf32, #tpu.memory_space<vmem_shared>>
        tpu.enqueue_dma source(%arg8 : memref<80x128xf32, #tpu.memory_space<vmem>>) target(%dma_start3A_228 : memref<80x128xf32, #tpu.memory_space<vmem_shared>>) target_semaphore(%run_scoped3A : memref<!tpu.dma_semaphore, #tpu.memory_space<semaphore_mem>>)
        %dma_wait3A_229 = arith.constant 0 : i32
        %dma_wait3A_230 = tpu.memref_slice %arg12[%mul3A_224, %dma_wait3A_229] : memref<10000x128xf32, #tpu.memory_space<vmem_shared>> -> memref<80x128xf32, #tpu.memory_space<vmem_shared>>
        %dma_wait3A_231 = arith.constant 0 : i32
        %dma_wait3A_232 = tpu.memref_slice %arg12[%mul3A_224, %dma_wait3A_231] : memref<10000x128xf32, #tpu.memory_space<vmem_shared>> -> memref<80x128xf32, #tpu.memory_space<vmem_shared>>
        tpu.wait_dma2 semaphore(%run_scoped3A : memref<!tpu.dma_semaphore, #tpu.memory_space<semaphore_mem>>) src(%arg8 : memref<80x128xf32, #tpu.memory_space<vmem>>) dst(%dma_wait3A_232 : memref<80x128xf32, #tpu.memory_space<vmem_shared>>)
        tpu.yield
      }) : () -> ()
    } else {
    }
    %barrier3A = arith.constant 0 : index
    tpu.barrier barrier_id(%barrier3A)
    %scan3A_62 = arith.constant 0 : i32
    %scan3A_63 = arith.constant 0 : i32
    %scan3A_64 = arith.constant 31 : i32
    %scan3A_65 = arith.addi %scan3A_63, %scan3A_64 : i32
    %scan3A_66 = arith.constant 1 : i32
    scf.for %scan3A_223 = %scan3A_63 to %scan3A_65 step %scan3A_66  : i32 {
      %mul3A_224 = arith.constant 4 : i32
      %mul3A_225 = arith.muli %mul3A_224, %scan3A_223 : i32
      %gt3A = arith.constant 0 : i32
      %gt3A_226 = arith.cmpi sgt, %scan3A_223, %gt3A : i32
      %convert_element_type3A_227 = arith.extui %gt3A_226 : i1 to i32
      %cond3A_228 = arith.constant 0 : i32
      %cond3A_229 = arith.cmpi ne, %convert_element_type3A_227, %cond3A_228 : i32
      scf.if %cond3A_229 {
        %dma_wait3A_522 = arith.constant 0 : i32
        %dma_wait3A_523 = arith.constant 0 : i32
        %dma_wait3A_524 = tpu.memref_slice %arg7[%dma_wait3A_522, %dma_wait3A_523] : memref<4x80xi32, #tpu.memory_space<vmem>> -> memref<1x80xi32, #tpu.memory_space<vmem>>
        %dma_wait3A_525 = tpu.memref_squeeze %dma_wait3A_524 : memref<1x80xi32, #tpu.memory_space<vmem>> -> memref<80xi32, #tpu.memory_space<vmem>>
        %dma_wait3A_526 = arith.constant 0 : i32
        %dma_wait3A_527 = arith.constant 0 : i32
        %dma_wait3A_528 = tpu.memref_slice %arg12[%dma_wait3A_526, %dma_wait3A_527] : memref<10000x128xf32, #tpu.memory_space<vmem_shared>> -> memref<10000x128xf32, #tpu.memory_space<vmem_shared>>
        tpu.wait_indirect_dma semaphore(%arg19 : memref<!tpu.dma_semaphore, #tpu.memory_space<semaphore_mem>>) src(%arg8 : memref<80x128xf32, #tpu.memory_space<vmem>>) dst(%dma_wait3A_528 : memref<10000x128xf32, #tpu.memory_space<vmem_shared>>)
        %dma_wait3A_529 = arith.constant 1 : i32
        %dma_wait3A_530 = arith.constant 0 : i32
        %dma_wait3A_531 = tpu.memref_slice %arg7[%dma_wait3A_529, %dma_wait3A_530] : memref<4x80xi32, #tpu.memory_space<vmem>> -> memref<1x80xi32, #tpu.memory_space<vmem>>
        %dma_wait3A_532 = tpu.memref_squeeze %dma_wait3A_531 : memref<1x80xi32, #tpu.memory_space<vmem>> -> memref<80xi32, #tpu.memory_space<vmem>>
        %dma_wait3A_533 = arith.constant 0 : i32
        %dma_wait3A_534 = arith.constant 0 : i32
        %dma_wait3A_535 = tpu.memref_slice %arg12[%dma_wait3A_533, %dma_wait3A_534] : memref<10000x128xf32, #tpu.memory_space<vmem_shared>> -> memref<10000x128xf32, #tpu.memory_space<vmem_shared>>
        tpu.wait_indirect_dma semaphore(%arg20 : memref<!tpu.dma_semaphore, #tpu.memory_space<semaphore_mem>>) src(%arg9 : memref<80x128xf32, #tpu.memory_space<vmem>>) dst(%dma_wait3A_535 : memref<10000x128xf32, #tpu.memory_space<vmem_shared>>)
        %dma_wait3A_536 = arith.constant 2 : i32
        %dma_wait3A_537 = arith.constant 0 : i32
        %dma_wait3A_538 = tpu.memref_slice %arg7[%dma_wait3A_536, %dma_wait3A_537] : memref<4x80xi32, #tpu.memory_space<vmem>> -> memref<1x80xi32, #tpu.memory_space<vmem>>
        %dma_wait3A_539 = tpu.memref_squeeze %dma_wait3A_538 : memref<1x80xi32, #tpu.memory_space<vmem>> -> memref<80xi32, #tpu.memory_space<vmem>>
        %dma_wait3A_540 = arith.constant 0 : i32
        %dma_wait3A_541 = arith.constant 0 : i32
        %dma_wait3A_542 = tpu.memref_slice %arg12[%dma_wait3A_540, %dma_wait3A_541] : memref<10000x128xf32, #tpu.memory_space<vmem_shared>> -> memref<10000x128xf32, #tpu.memory_space<vmem_shared>>
        tpu.wait_indirect_dma semaphore(%arg21 : memref<!tpu.dma_semaphore, #tpu.memory_space<semaphore_mem>>) src(%arg10 : memref<80x128xf32, #tpu.memory_space<vmem>>) dst(%dma_wait3A_542 : memref<10000x128xf32, #tpu.memory_space<vmem_shared>>)
        %dma_wait3A_543 = arith.constant 3 : i32
        %dma_wait3A_544 = arith.constant 0 : i32
        %dma_wait3A_545 = tpu.memref_slice %arg7[%dma_wait3A_543, %dma_wait3A_544] : memref<4x80xi32, #tpu.memory_space<vmem>> -> memref<1x80xi32, #tpu.memory_space<vmem>>
        %dma_wait3A_546 = tpu.memref_squeeze %dma_wait3A_545 : memref<1x80xi32, #tpu.memory_space<vmem>> -> memref<80xi32, #tpu.memory_space<vmem>>
        %dma_wait3A_547 = arith.constant 0 : i32
        %dma_wait3A_548 = arith.constant 0 : i32
        %dma_wait3A_549 = tpu.memref_slice %arg12[%dma_wait3A_547, %dma_wait3A_548] : memref<10000x128xf32, #tpu.memory_space<vmem_shared>> -> memref<10000x128xf32, #tpu.memory_space<vmem_shared>>
        tpu.wait_indirect_dma semaphore(%arg22 : memref<!tpu.dma_semaphore, #tpu.memory_space<semaphore_mem>>) src(%arg11 : memref<80x128xf32, #tpu.memory_space<vmem>>) dst(%dma_wait3A_549 : memref<10000x128xf32, #tpu.memory_space<vmem_shared>>)
      } else {
      }
      %add3A_230 = arith.constant 0 : i32
      %add3A_231 = arith.addi %mul3A_225, %add3A_230 : i32
      %mul3A_232 = arith.constant 80 : i32
      %mul3A_233 = arith.muli %add3A_231, %mul3A_232 : i32
      %add3A_234 = arith.addi %mul3A_2, %mul3A_233 : i32
      %dma_start3A_235 = arith.constant 0 : i32
      %dma_start3A_236 = arith.constant 0 : i32
      %dma_start3A_237 = tpu.memref_slice %arg6[%dma_start3A_235, %dma_start3A_236] : memref<4x80xi32, #tpu.memory_space<vmem>> -> memref<1x80xi32, #tpu.memory_space<vmem>>
      %dma_start3A_238 = tpu.memref_squeeze %dma_start3A_237 : memref<1x80xi32, #tpu.memory_space<vmem>> -> memref<80xi32, #tpu.memory_space<vmem>>
      %dma_start3A_239 = tpu.memref_slice %arg3[%add3A_234] : memref<320000xi32, #tpu.memory_space<hbm>> -> memref<80xi32, #tpu.memory_space<hbm>>
      %dma_start3A_240 = arith.constant 0 : i32
      %dma_start3A_241 = tpu.memref_slice %arg6[%dma_start3A_235, %dma_start3A_240] : memref<4x80xi32, #tpu.memory_space<vmem>> -> memref<1x80xi32, #tpu.memory_space<vmem>>
      %dma_start3A_242 = tpu.memref_squeeze %dma_start3A_241 : memref<1x80xi32, #tpu.memory_space<vmem>> -> memref<80xi32, #tpu.memory_space<vmem>>
      %dma_start3A_243 = tpu.memref_slice %arg3[%add3A_234] : memref<320000xi32, #tpu.memory_space<hbm>> -> memref<80xi32, #tpu.memory_space<hbm>>
      tpu.enqueue_dma source(%dma_start3A_243 : memref<80xi32, #tpu.memory_space<hbm>>) target(%dma_start3A_242 : memref<80xi32, #tpu.memory_space<vmem>>) target_semaphore(%arg17 : memref<!tpu.dma_semaphore, #tpu.memory_space<semaphore_mem>>)
      %mul3A_244 = arith.constant 80 : i32
      %mul3A_245 = arith.muli %add3A_231, %mul3A_244 : i32
      %add3A_246 = arith.addi %mul3A_2, %mul3A_245 : i32
      %dma_start3A_247 = arith.constant 0 : i32
      %dma_start3A_248 = arith.constant 0 : i32
      %dma_start3A_249 = tpu.memref_slice %arg7[%dma_start3A_247, %dma_start3A_248] : memref<4x80xi32, #tpu.memory_space<vmem>> -> memref<1x80xi32, #tpu.memory_space<vmem>>
      %dma_start3A_250 = tpu.memref_squeeze %dma_start3A_249 : memref<1x80xi32, #tpu.memory_space<vmem>> -> memref<80xi32, #tpu.memory_space<vmem>>
      %dma_start3A_251 = tpu.memref_slice %arg4[%add3A_246] : memref<320000xi32, #tpu.memory_space<hbm>> -> memref<80xi32, #tpu.memory_space<hbm>>
      %dma_start3A_252 = arith.constant 0 : i32
      %dma_start3A_253 = tpu.memref_slice %arg7[%dma_start3A_247, %dma_start3A_252] : memref<4x80xi32, #tpu.memory_space<vmem>> -> memref<1x80xi32, #tpu.memory_space<vmem>>
      %dma_start3A_254 = tpu.memref_squeeze %dma_start3A_253 : memref<1x80xi32, #tpu.memory_space<vmem>> -> memref<80xi32, #tpu.memory_space<vmem>>
      %dma_start3A_255 = tpu.memref_slice %arg4[%add3A_246] : memref<320000xi32, #tpu.memory_space<hbm>> -> memref<80xi32, #tpu.memory_space<hbm>>
      tpu.enqueue_dma source(%dma_start3A_255 : memref<80xi32, #tpu.memory_space<hbm>>) target(%dma_start3A_254 : memref<80xi32, #tpu.memory_space<vmem>>) target_semaphore(%arg18 : memref<!tpu.dma_semaphore, #tpu.memory_space<semaphore_mem>>)
      %add3A_256 = arith.constant 1 : i32
      %add3A_257 = arith.addi %mul3A_225, %add3A_256 : i32
      %mul3A_258 = arith.constant 80 : i32
      %mul3A_259 = arith.muli %add3A_257, %mul3A_258 : i32
      %add3A_260 = arith.addi %mul3A_2, %mul3A_259 : i32
      %dma_start3A_261 = arith.constant 1 : i32
      %dma_start3A_262 = arith.constant 0 : i32
      %dma_start3A_263 = tpu.memref_slice %arg6[%dma_start3A_261, %dma_start3A_262] : memref<4x80xi32, #tpu.memory_space<vmem>> -> memref<1x80xi32, #tpu.memory_space<vmem>>
      %dma_start3A_264 = tpu.memref_squeeze %dma_start3A_263 : memref<1x80xi32, #tpu.memory_space<vmem>> -> memref<80xi32, #tpu.memory_space<vmem>>
      %dma_start3A_265 = tpu.memref_slice %arg3[%add3A_260] : memref<320000xi32, #tpu.memory_space<hbm>> -> memref<80xi32, #tpu.memory_space<hbm>>
      %dma_start3A_266 = arith.constant 0 : i32
      %dma_start3A_267 = tpu.memref_slice %arg6[%dma_start3A_261, %dma_start3A_266] : memref<4x80xi32, #tpu.memory_space<vmem>> -> memref<1x80xi32, #tpu.memory_space<vmem>>
      %dma_start3A_268 = tpu.memref_squeeze %dma_start3A_267 : memref<1x80xi32, #tpu.memory_space<vmem>> -> memref<80xi32, #tpu.memory_space<vmem>>
      %dma_start3A_269 = tpu.memref_slice %arg3[%add3A_260] : memref<320000xi32, #tpu.memory_space<hbm>> -> memref<80xi32, #tpu.memory_space<hbm>>
      tpu.enqueue_dma source(%dma_start3A_269 : memref<80xi32, #tpu.memory_space<hbm>>) target(%dma_start3A_268 : memref<80xi32, #tpu.memory_space<vmem>>) target_semaphore(%arg17 : memref<!tpu.dma_semaphore, #tpu.memory_space<semaphore_mem>>)
      %mul3A_270 = arith.constant 80 : i32
      %mul3A_271 = arith.muli %add3A_257, %mul3A_270 : i32
      %add3A_272 = arith.addi %mul3A_2, %mul3A_271 : i32
      %dma_start3A_273 = arith.constant 1 : i32
      %dma_start3A_274 = arith.constant 0 : i32
      %dma_start3A_275 = tpu.memref_slice %arg7[%dma_start3A_273, %dma_start3A_274] : memref<4x80xi32, #tpu.memory_space<vmem>> -> memref<1x80xi32, #tpu.memory_space<vmem>>
      %dma_start3A_276 = tpu.memref_squeeze %dma_start3A_275 : memref<1x80xi32, #tpu.memory_space<vmem>> -> memref<80xi32, #tpu.memory_space<vmem>>
      %dma_start3A_277 = tpu.memref_slice %arg4[%add3A_272] : memref<320000xi32, #tpu.memory_space<hbm>> -> memref<80xi32, #tpu.memory_space<hbm>>
      %dma_start3A_278 = arith.constant 0 : i32
      %dma_start3A_279 = tpu.memref_slice %arg7[%dma_start3A_273, %dma_start3A_278] : memref<4x80xi32, #tpu.memory_space<vmem>> -> memref<1x80xi32, #tpu.memory_space<vmem>>
      %dma_start3A_280 = tpu.memref_squeeze %dma_start3A_279 : memref<1x80xi32, #tpu.memory_space<vmem>> -> memref<80xi32, #tpu.memory_space<vmem>>
      %dma_start3A_281 = tpu.memref_slice %arg4[%add3A_272] : memref<320000xi32, #tpu.memory_space<hbm>> -> memref<80xi32, #tpu.memory_space<hbm>>
      tpu.enqueue_dma source(%dma_start3A_281 : memref<80xi32, #tpu.memory_space<hbm>>) target(%dma_start3A_280 : memref<80xi32, #tpu.memory_space<vmem>>) target_semaphore(%arg18 : memref<!tpu.dma_semaphore, #tpu.memory_space<semaphore_mem>>)
      %add3A_282 = arith.constant 2 : i32
      %add3A_283 = arith.addi %mul3A_225, %add3A_282 : i32
      %mul3A_284 = arith.constant 80 : i32
      %mul3A_285 = arith.muli %add3A_283, %mul3A_284 : i32
      %add3A_286 = arith.addi %mul3A_2, %mul3A_285 : i32
      %dma_start3A_287 = arith.constant 2 : i32
      %dma_start3A_288 = arith.constant 0 : i32
      %dma_start3A_289 = tpu.memref_slice %arg6[%dma_start3A_287, %dma_start3A_288] : memref<4x80xi32, #tpu.memory_space<vmem>> -> memref<1x80xi32, #tpu.memory_space<vmem>>
      %dma_start3A_290 = tpu.memref_squeeze %dma_start3A_289 : memref<1x80xi32, #tpu.memory_space<vmem>> -> memref<80xi32, #tpu.memory_space<vmem>>
      %dma_start3A_291 = tpu.memref_slice %arg3[%add3A_286] : memref<320000xi32, #tpu.memory_space<hbm>> -> memref<80xi32, #tpu.memory_space<hbm>>
      %dma_start3A_292 = arith.constant 0 : i32
      %dma_start3A_293 = tpu.memref_slice %arg6[%dma_start3A_287, %dma_start3A_292] : memref<4x80xi32, #tpu.memory_space<vmem>> -> memref<1x80xi32, #tpu.memory_space<vmem>>
      %dma_start3A_294 = tpu.memref_squeeze %dma_start3A_293 : memref<1x80xi32, #tpu.memory_space<vmem>> -> memref<80xi32, #tpu.memory_space<vmem>>
      %dma_start3A_295 = tpu.memref_slice %arg3[%add3A_286] : memref<320000xi32, #tpu.memory_space<hbm>> -> memref<80xi32, #tpu.memory_space<hbm>>
      tpu.enqueue_dma source(%dma_start3A_295 : memref<80xi32, #tpu.memory_space<hbm>>) target(%dma_start3A_294 : memref<80xi32, #tpu.memory_space<vmem>>) target_semaphore(%arg17 : memref<!tpu.dma_semaphore, #tpu.memory_space<semaphore_mem>>)
      %mul3A_296 = arith.constant 80 : i32
      %mul3A_297 = arith.muli %add3A_283, %mul3A_296 : i32
      %add3A_298 = arith.addi %mul3A_2, %mul3A_297 : i32
      %dma_start3A_299 = arith.constant 2 : i32
      %dma_start3A_300 = arith.constant 0 : i32
      %dma_start3A_301 = tpu.memref_slice %arg7[%dma_start3A_299, %dma_start3A_300] : memref<4x80xi32, #tpu.memory_space<vmem>> -> memref<1x80xi32, #tpu.memory_space<vmem>>
      %dma_start3A_302 = tpu.memref_squeeze %dma_start3A_301 : memref<1x80xi32, #tpu.memory_space<vmem>> -> memref<80xi32, #tpu.memory_space<vmem>>
      %dma_start3A_303 = tpu.memref_slice %arg4[%add3A_298] : memref<320000xi32, #tpu.memory_space<hbm>> -> memref<80xi32, #tpu.memory_space<hbm>>
      %dma_start3A_304 = arith.constant 0 : i32
      %dma_start3A_305 = tpu.memref_slice %arg7[%dma_start3A_299, %dma_start3A_304] : memref<4x80xi32, #tpu.memory_space<vmem>> -> memref<1x80xi32, #tpu.memory_space<vmem>>
      %dma_start3A_306 = tpu.memref_squeeze %dma_start3A_305 : memref<1x80xi32, #tpu.memory_space<vmem>> -> memref<80xi32, #tpu.memory_space<vmem>>
      %dma_start3A_307 = tpu.memref_slice %arg4[%add3A_298] : memref<320000xi32, #tpu.memory_space<hbm>> -> memref<80xi32, #tpu.memory_space<hbm>>
      tpu.enqueue_dma source(%dma_start3A_307 : memref<80xi32, #tpu.memory_space<hbm>>) target(%dma_start3A_306 : memref<80xi32, #tpu.memory_space<vmem>>) target_semaphore(%arg18 : memref<!tpu.dma_semaphore, #tpu.memory_space<semaphore_mem>>)
      %add3A_308 = arith.constant 3 : i32
      %add3A_309 = arith.addi %mul3A_225, %add3A_308 : i32
      %mul3A_310 = arith.constant 80 : i32
      %mul3A_311 = arith.muli %add3A_309, %mul3A_310 : i32
      %add3A_312 = arith.addi %mul3A_2, %mul3A_311 : i32
      %dma_start3A_313 = arith.constant 3 : i32
      %dma_start3A_314 = arith.constant 0 : i32
      %dma_start3A_315 = tpu.memref_slice %arg6[%dma_start3A_313, %dma_start3A_314] : memref<4x80xi32, #tpu.memory_space<vmem>> -> memref<1x80xi32, #tpu.memory_space<vmem>>
      %dma_start3A_316 = tpu.memref_squeeze %dma_start3A_315 : memref<1x80xi32, #tpu.memory_space<vmem>> -> memref<80xi32, #tpu.memory_space<vmem>>
      %dma_start3A_317 = tpu.memref_slice %arg3[%add3A_312] : memref<320000xi32, #tpu.memory_space<hbm>> -> memref<80xi32, #tpu.memory_space<hbm>>
      %dma_start3A_318 = arith.constant 0 : i32
      %dma_start3A_319 = tpu.memref_slice %arg6[%dma_start3A_313, %dma_start3A_318] : memref<4x80xi32, #tpu.memory_space<vmem>> -> memref<1x80xi32, #tpu.memory_space<vmem>>
      %dma_start3A_320 = tpu.memref_squeeze %dma_start3A_319 : memref<1x80xi32, #tpu.memory_space<vmem>> -> memref<80xi32, #tpu.memory_space<vmem>>
      %dma_start3A_321 = tpu.memref_slice %arg3[%add3A_312] : memref<320000xi32, #tpu.memory_space<hbm>> -> memref<80xi32, #tpu.memory_space<hbm>>
      tpu.enqueue_dma source(%dma_start3A_321 : memref<80xi32, #tpu.memory_space<hbm>>) target(%dma_start3A_320 : memref<80xi32, #tpu.memory_space<vmem>>) target_semaphore(%arg17 : memref<!tpu.dma_semaphore, #tpu.memory_space<semaphore_mem>>)
      %mul3A_322 = arith.constant 80 : i32
      %mul3A_323 = arith.muli %add3A_309, %mul3A_322 : i32
      %add3A_324 = arith.addi %mul3A_2, %mul3A_323 : i32
      %dma_start3A_325 = arith.constant 3 : i32
      %dma_start3A_326 = arith.constant 0 : i32
      %dma_start3A_327 = tpu.memref_slice %arg7[%dma_start3A_325, %dma_start3A_326] : memref<4x80xi32, #tpu.memory_space<vmem>> -> memref<1x80xi32, #tpu.memory_space<vmem>>
      %dma_start3A_328 = tpu.memref_squeeze %dma_start3A_327 : memref<1x80xi32, #tpu.memory_space<vmem>> -> memref<80xi32, #tpu.memory_space<vmem>>
      %dma_start3A_329 = tpu.memref_slice %arg4[%add3A_324] : memref<320000xi32, #tpu.memory_space<hbm>> -> memref<80xi32, #tpu.memory_space<hbm>>
      %dma_start3A_330 = arith.constant 0 : i32
      %dma_start3A_331 = tpu.memref_slice %arg7[%dma_start3A_325, %dma_start3A_330] : memref<4x80xi32, #tpu.memory_space<vmem>> -> memref<1x80xi32, #tpu.memory_space<vmem>>
      %dma_start3A_332 = tpu.memref_squeeze %dma_start3A_331 : memref<1x80xi32, #tpu.memory_space<vmem>> -> memref<80xi32, #tpu.memory_space<vmem>>
      %dma_start3A_333 = tpu.memref_slice %arg4[%add3A_324] : memref<320000xi32, #tpu.memory_space<hbm>> -> memref<80xi32, #tpu.memory_space<hbm>>
      tpu.enqueue_dma source(%dma_start3A_333 : memref<80xi32, #tpu.memory_space<hbm>>) target(%dma_start3A_332 : memref<80xi32, #tpu.memory_space<vmem>>) target_semaphore(%arg18 : memref<!tpu.dma_semaphore, #tpu.memory_space<semaphore_mem>>)
      %add3A_334 = arith.constant 0 : i32
      %add3A_335 = arith.addi %mul3A_225, %add3A_334 : i32
      %mul3A_336 = arith.constant 80 : i32
      %mul3A_337 = arith.muli %add3A_335, %mul3A_336 : i32
      %add3A_338 = arith.addi %mul3A_2, %mul3A_337 : i32
      %dma_wait3A_339 = arith.constant 0 : i32
      %dma_wait3A_340 = arith.constant 0 : i32
      %dma_wait3A_341 = tpu.memref_slice %arg6[%dma_wait3A_339, %dma_wait3A_340] : memref<4x80xi32, #tpu.memory_space<vmem>> -> memref<1x80xi32, #tpu.memory_space<vmem>>
      %dma_wait3A_342 = tpu.memref_squeeze %dma_wait3A_341 : memref<1x80xi32, #tpu.memory_space<vmem>> -> memref<80xi32, #tpu.memory_space<vmem>>
      %dma_wait3A_343 = tpu.memref_slice %arg3[%add3A_338] : memref<320000xi32, #tpu.memory_space<hbm>> -> memref<80xi32, #tpu.memory_space<hbm>>
      %dma_wait3A_344 = arith.constant 0 : i32
      %dma_wait3A_345 = tpu.memref_slice %arg6[%dma_wait3A_339, %dma_wait3A_344] : memref<4x80xi32, #tpu.memory_space<vmem>> -> memref<1x80xi32, #tpu.memory_space<vmem>>
      %dma_wait3A_346 = tpu.memref_squeeze %dma_wait3A_345 : memref<1x80xi32, #tpu.memory_space<vmem>> -> memref<80xi32, #tpu.memory_space<vmem>>
      %dma_wait3A_347 = tpu.memref_slice %arg3[%add3A_338] : memref<320000xi32, #tpu.memory_space<hbm>> -> memref<80xi32, #tpu.memory_space<hbm>>
      tpu.wait_dma2 semaphore(%arg17 : memref<!tpu.dma_semaphore, #tpu.memory_space<semaphore_mem>>) src(%dma_wait3A_347 : memref<80xi32, #tpu.memory_space<hbm>>) dst(%dma_wait3A_346 : memref<80xi32, #tpu.memory_space<vmem>>)
      %mul3A_348 = arith.constant 80 : i32
      %mul3A_349 = arith.muli %add3A_335, %mul3A_348 : i32
      %add3A_350 = arith.addi %mul3A_2, %mul3A_349 : i32
      %dma_wait3A_351 = arith.constant 0 : i32
      %dma_wait3A_352 = arith.constant 0 : i32
      %dma_wait3A_353 = tpu.memref_slice %arg7[%dma_wait3A_351, %dma_wait3A_352] : memref<4x80xi32, #tpu.memory_space<vmem>> -> memref<1x80xi32, #tpu.memory_space<vmem>>
      %dma_wait3A_354 = tpu.memref_squeeze %dma_wait3A_353 : memref<1x80xi32, #tpu.memory_space<vmem>> -> memref<80xi32, #tpu.memory_space<vmem>>
      %dma_wait3A_355 = tpu.memref_slice %arg4[%add3A_350] : memref<320000xi32, #tpu.memory_space<hbm>> -> memref<80xi32, #tpu.memory_space<hbm>>
      %dma_wait3A_356 = arith.constant 0 : i32
      %dma_wait3A_357 = tpu.memref_slice %arg7[%dma_wait3A_351, %dma_wait3A_356] : memref<4x80xi32, #tpu.memory_space<vmem>> -> memref<1x80xi32, #tpu.memory_space<vmem>>
      %dma_wait3A_358 = tpu.memref_squeeze %dma_wait3A_357 : memref<1x80xi32, #tpu.memory_space<vmem>> -> memref<80xi32, #tpu.memory_space<vmem>>
      %dma_wait3A_359 = tpu.memref_slice %arg4[%add3A_350] : memref<320000xi32, #tpu.memory_space<hbm>> -> memref<80xi32, #tpu.memory_space<hbm>>
      tpu.wait_dma2 semaphore(%arg18 : memref<!tpu.dma_semaphore, #tpu.memory_space<semaphore_mem>>) src(%dma_wait3A_359 : memref<80xi32, #tpu.memory_space<hbm>>) dst(%dma_wait3A_358 : memref<80xi32, #tpu.memory_space<vmem>>)
      %dma_start3A_360 = arith.constant 0 : i32
      %dma_start3A_361 = arith.constant 0 : i32
      %dma_start3A_362 = tpu.memref_slice %arg6[%dma_start3A_360, %dma_start3A_361] : memref<4x80xi32, #tpu.memory_space<vmem>> -> memref<1x80xi32, #tpu.memory_space<vmem>>
      %dma_start3A_363 = tpu.memref_squeeze %dma_start3A_362 : memref<1x80xi32, #tpu.memory_space<vmem>> -> memref<80xi32, #tpu.memory_space<vmem>>
      %dma_start3A_364 = arith.constant 0 : i32
      %dma_start3A_365 = arith.constant 0 : i32
      %dma_start3A_366 = tpu.memref_slice %arg2[%dma_start3A_364, %dma_start3A_365] : memref<10000x128xf32, #tpu.memory_space<hbm>> -> memref<10000x128xf32, #tpu.memory_space<hbm>>
      tpu.enqueue_indirect_dma source(%dma_start3A_366 : memref<10000x128xf32, #tpu.memory_space<hbm>>) target(%arg8 : memref<80x128xf32, #tpu.memory_space<vmem>>) offsets(%dma_start3A_363 : memref<80xi32, #tpu.memory_space<vmem>>) semaphore(%arg13 : memref<!tpu.dma_semaphore, #tpu.memory_space<semaphore_mem>>)
      %add3A_367 = arith.constant 1 : i32
      %add3A_368 = arith.addi %mul3A_225, %add3A_367 : i32
      %mul3A_369 = arith.constant 80 : i32
      %mul3A_370 = arith.muli %add3A_368, %mul3A_369 : i32
      %add3A_371 = arith.addi %mul3A_2, %mul3A_370 : i32
      %dma_wait3A_372 = arith.constant 1 : i32
      %dma_wait3A_373 = arith.constant 0 : i32
      %dma_wait3A_374 = tpu.memref_slice %arg6[%dma_wait3A_372, %dma_wait3A_373] : memref<4x80xi32, #tpu.memory_space<vmem>> -> memref<1x80xi32, #tpu.memory_space<vmem>>
      %dma_wait3A_375 = tpu.memref_squeeze %dma_wait3A_374 : memref<1x80xi32, #tpu.memory_space<vmem>> -> memref<80xi32, #tpu.memory_space<vmem>>
      %dma_wait3A_376 = tpu.memref_slice %arg3[%add3A_371] : memref<320000xi32, #tpu.memory_space<hbm>> -> memref<80xi32, #tpu.memory_space<hbm>>
      %dma_wait3A_377 = arith.constant 0 : i32
      %dma_wait3A_378 = tpu.memref_slice %arg6[%dma_wait3A_372, %dma_wait3A_377] : memref<4x80xi32, #tpu.memory_space<vmem>> -> memref<1x80xi32, #tpu.memory_space<vmem>>
      %dma_wait3A_379 = tpu.memref_squeeze %dma_wait3A_378 : memref<1x80xi32, #tpu.memory_space<vmem>> -> memref<80xi32, #tpu.memory_space<vmem>>
      %dma_wait3A_380 = tpu.memref_slice %arg3[%add3A_371] : memref<320000xi32, #tpu.memory_space<hbm>> -> memref<80xi32, #tpu.memory_space<hbm>>
      tpu.wait_dma2 semaphore(%arg17 : memref<!tpu.dma_semaphore, #tpu.memory_space<semaphore_mem>>) src(%dma_wait3A_380 : memref<80xi32, #tpu.memory_space<hbm>>) dst(%dma_wait3A_379 : memref<80xi32, #tpu.memory_space<vmem>>)
      %mul3A_381 = arith.constant 80 : i32
      %mul3A_382 = arith.muli %add3A_368, %mul3A_381 : i32
      %add3A_383 = arith.addi %mul3A_2, %mul3A_382 : i32
      %dma_wait3A_384 = arith.constant 1 : i32
      %dma_wait3A_385 = arith.constant 0 : i32
      %dma_wait3A_386 = tpu.memref_slice %arg7[%dma_wait3A_384, %dma_wait3A_385] : memref<4x80xi32, #tpu.memory_space<vmem>> -> memref<1x80xi32, #tpu.memory_space<vmem>>
      %dma_wait3A_387 = tpu.memref_squeeze %dma_wait3A_386 : memref<1x80xi32, #tpu.memory_space<vmem>> -> memref<80xi32, #tpu.memory_space<vmem>>
      %dma_wait3A_388 = tpu.memref_slice %arg4[%add3A_383] : memref<320000xi32, #tpu.memory_space<hbm>> -> memref<80xi32, #tpu.memory_space<hbm>>
      %dma_wait3A_389 = arith.constant 0 : i32
      %dma_wait3A_390 = tpu.memref_slice %arg7[%dma_wait3A_384, %dma_wait3A_389] : memref<4x80xi32, #tpu.memory_space<vmem>> -> memref<1x80xi32, #tpu.memory_space<vmem>>
      %dma_wait3A_391 = tpu.memref_squeeze %dma_wait3A_390 : memref<1x80xi32, #tpu.memory_space<vmem>> -> memref<80xi32, #tpu.memory_space<vmem>>
      %dma_wait3A_392 = tpu.memref_slice %arg4[%add3A_383] : memref<320000xi32, #tpu.memory_space<hbm>> -> memref<80xi32, #tpu.memory_space<hbm>>
      tpu.wait_dma2 semaphore(%arg18 : memref<!tpu.dma_semaphore, #tpu.memory_space<semaphore_mem>>) src(%dma_wait3A_392 : memref<80xi32, #tpu.memory_space<hbm>>) dst(%dma_wait3A_391 : memref<80xi32, #tpu.memory_space<vmem>>)
      %dma_start3A_393 = arith.constant 1 : i32
      %dma_start3A_394 = arith.constant 0 : i32
      %dma_start3A_395 = tpu.memref_slice %arg6[%dma_start3A_393, %dma_start3A_394] : memref<4x80xi32, #tpu.memory_space<vmem>> -> memref<1x80xi32, #tpu.memory_space<vmem>>
      %dma_start3A_396 = tpu.memref_squeeze %dma_start3A_395 : memref<1x80xi32, #tpu.memory_space<vmem>> -> memref<80xi32, #tpu.memory_space<vmem>>
      %dma_start3A_397 = arith.constant 0 : i32
      %dma_start3A_398 = arith.constant 0 : i32
      %dma_start3A_399 = tpu.memref_slice %arg2[%dma_start3A_397, %dma_start3A_398] : memref<10000x128xf32, #tpu.memory_space<hbm>> -> memref<10000x128xf32, #tpu.memory_space<hbm>>
      tpu.enqueue_indirect_dma source(%dma_start3A_399 : memref<10000x128xf32, #tpu.memory_space<hbm>>) target(%arg9 : memref<80x128xf32, #tpu.memory_space<vmem>>) offsets(%dma_start3A_396 : memref<80xi32, #tpu.memory_space<vmem>>) semaphore(%arg14 : memref<!tpu.dma_semaphore, #tpu.memory_space<semaphore_mem>>)
      %add3A_400 = arith.constant 2 : i32
      %add3A_401 = arith.addi %mul3A_225, %add3A_400 : i32
      %mul3A_402 = arith.constant 80 : i32
      %mul3A_403 = arith.muli %add3A_401, %mul3A_402 : i32
      %add3A_404 = arith.addi %mul3A_2, %mul3A_403 : i32
      %dma_wait3A_405 = arith.constant 2 : i32
      %dma_wait3A_406 = arith.constant 0 : i32
      %dma_wait3A_407 = tpu.memref_slice %arg6[%dma_wait3A_405, %dma_wait3A_406] : memref<4x80xi32, #tpu.memory_space<vmem>> -> memref<1x80xi32, #tpu.memory_space<vmem>>
      %dma_wait3A_408 = tpu.memref_squeeze %dma_wait3A_407 : memref<1x80xi32, #tpu.memory_space<vmem>> -> memref<80xi32, #tpu.memory_space<vmem>>
      %dma_wait3A_409 = tpu.memref_slice %arg3[%add3A_404] : memref<320000xi32, #tpu.memory_space<hbm>> -> memref<80xi32, #tpu.memory_space<hbm>>
      %dma_wait3A_410 = arith.constant 0 : i32
      %dma_wait3A_411 = tpu.memref_slice %arg6[%dma_wait3A_405, %dma_wait3A_410] : memref<4x80xi32, #tpu.memory_space<vmem>> -> memref<1x80xi32, #tpu.memory_space<vmem>>
      %dma_wait3A_412 = tpu.memref_squeeze %dma_wait3A_411 : memref<1x80xi32, #tpu.memory_space<vmem>> -> memref<80xi32, #tpu.memory_space<vmem>>
      %dma_wait3A_413 = tpu.memref_slice %arg3[%add3A_404] : memref<320000xi32, #tpu.memory_space<hbm>> -> memref<80xi32, #tpu.memory_space<hbm>>
      tpu.wait_dma2 semaphore(%arg17 : memref<!tpu.dma_semaphore, #tpu.memory_space<semaphore_mem>>) src(%dma_wait3A_413 : memref<80xi32, #tpu.memory_space<hbm>>) dst(%dma_wait3A_412 : memref<80xi32, #tpu.memory_space<vmem>>)
      %mul3A_414 = arith.constant 80 : i32
      %mul3A_415 = arith.muli %add3A_401, %mul3A_414 : i32
      %add3A_416 = arith.addi %mul3A_2, %mul3A_415 : i32
      %dma_wait3A_417 = arith.constant 2 : i32
      %dma_wait3A_418 = arith.constant 0 : i32
      %dma_wait3A_419 = tpu.memref_slice %arg7[%dma_wait3A_417, %dma_wait3A_418] : memref<4x80xi32, #tpu.memory_space<vmem>> -> memref<1x80xi32, #tpu.memory_space<vmem>>
      %dma_wait3A_420 = tpu.memref_squeeze %dma_wait3A_419 : memref<1x80xi32, #tpu.memory_space<vmem>> -> memref<80xi32, #tpu.memory_space<vmem>>
      %dma_wait3A_421 = tpu.memref_slice %arg4[%add3A_416] : memref<320000xi32, #tpu.memory_space<hbm>> -> memref<80xi32, #tpu.memory_space<hbm>>
      %dma_wait3A_422 = arith.constant 0 : i32
      %dma_wait3A_423 = tpu.memref_slice %arg7[%dma_wait3A_417, %dma_wait3A_422] : memref<4x80xi32, #tpu.memory_space<vmem>> -> memref<1x80xi32, #tpu.memory_space<vmem>>
      %dma_wait3A_424 = tpu.memref_squeeze %dma_wait3A_423 : memref<1x80xi32, #tpu.memory_space<vmem>> -> memref<80xi32, #tpu.memory_space<vmem>>
      %dma_wait3A_425 = tpu.memref_slice %arg4[%add3A_416] : memref<320000xi32, #tpu.memory_space<hbm>> -> memref<80xi32, #tpu.memory_space<hbm>>
      tpu.wait_dma2 semaphore(%arg18 : memref<!tpu.dma_semaphore, #tpu.memory_space<semaphore_mem>>) src(%dma_wait3A_425 : memref<80xi32, #tpu.memory_space<hbm>>) dst(%dma_wait3A_424 : memref<80xi32, #tpu.memory_space<vmem>>)
      %dma_start3A_426 = arith.constant 2 : i32
      %dma_start3A_427 = arith.constant 0 : i32
      %dma_start3A_428 = tpu.memref_slice %arg6[%dma_start3A_426, %dma_start3A_427] : memref<4x80xi32, #tpu.memory_space<vmem>> -> memref<1x80xi32, #tpu.memory_space<vmem>>
      %dma_start3A_429 = tpu.memref_squeeze %dma_start3A_428 : memref<1x80xi32, #tpu.memory_space<vmem>> -> memref<80xi32, #tpu.memory_space<vmem>>
      %dma_start3A_430 = arith.constant 0 : i32
      %dma_start3A_431 = arith.constant 0 : i32
      %dma_start3A_432 = tpu.memref_slice %arg2[%dma_start3A_430, %dma_start3A_431] : memref<10000x128xf32, #tpu.memory_space<hbm>> -> memref<10000x128xf32, #tpu.memory_space<hbm>>
      tpu.enqueue_indirect_dma source(%dma_start3A_432 : memref<10000x128xf32, #tpu.memory_space<hbm>>) target(%arg10 : memref<80x128xf32, #tpu.memory_space<vmem>>) offsets(%dma_start3A_429 : memref<80xi32, #tpu.memory_space<vmem>>) semaphore(%arg15 : memref<!tpu.dma_semaphore, #tpu.memory_space<semaphore_mem>>)
      %add3A_433 = arith.constant 3 : i32
      %add3A_434 = arith.addi %mul3A_225, %add3A_433 : i32
      %mul3A_435 = arith.constant 80 : i32
      %mul3A_436 = arith.muli %add3A_434, %mul3A_435 : i32
      %add3A_437 = arith.addi %mul3A_2, %mul3A_436 : i32
      %dma_wait3A_438 = arith.constant 3 : i32
      %dma_wait3A_439 = arith.constant 0 : i32
      %dma_wait3A_440 = tpu.memref_slice %arg6[%dma_wait3A_438, %dma_wait3A_439] : memref<4x80xi32, #tpu.memory_space<vmem>> -> memref<1x80xi32, #tpu.memory_space<vmem>>
      %dma_wait3A_441 = tpu.memref_squeeze %dma_wait3A_440 : memref<1x80xi32, #tpu.memory_space<vmem>> -> memref<80xi32, #tpu.memory_space<vmem>>
      %dma_wait3A_442 = tpu.memref_slice %arg3[%add3A_437] : memref<320000xi32, #tpu.memory_space<hbm>> -> memref<80xi32, #tpu.memory_space<hbm>>
      %dma_wait3A_443 = arith.constant 0 : i32
      %dma_wait3A_444 = tpu.memref_slice %arg6[%dma_wait3A_438, %dma_wait3A_443] : memref<4x80xi32, #tpu.memory_space<vmem>> -> memref<1x80xi32, #tpu.memory_space<vmem>>
      %dma_wait3A_445 = tpu.memref_squeeze %dma_wait3A_444 : memref<1x80xi32, #tpu.memory_space<vmem>> -> memref<80xi32, #tpu.memory_space<vmem>>
      %dma_wait3A_446 = tpu.memref_slice %arg3[%add3A_437] : memref<320000xi32, #tpu.memory_space<hbm>> -> memref<80xi32, #tpu.memory_space<hbm>>
      tpu.wait_dma2 semaphore(%arg17 : memref<!tpu.dma_semaphore, #tpu.memory_space<semaphore_mem>>) src(%dma_wait3A_446 : memref<80xi32, #tpu.memory_space<hbm>>) dst(%dma_wait3A_445 : memref<80xi32, #tpu.memory_space<vmem>>)
      %mul3A_447 = arith.constant 80 : i32
      %mul3A_448 = arith.muli %add3A_434, %mul3A_447 : i32
      %add3A_449 = arith.addi %mul3A_2, %mul3A_448 : i32
      %dma_wait3A_450 = arith.constant 3 : i32
      %dma_wait3A_451 = arith.constant 0 : i32
      %dma_wait3A_452 = tpu.memref_slice %arg7[%dma_wait3A_450, %dma_wait3A_451] : memref<4x80xi32, #tpu.memory_space<vmem>> -> memref<1x80xi32, #tpu.memory_space<vmem>>
      %dma_wait3A_453 = tpu.memref_squeeze %dma_wait3A_452 : memref<1x80xi32, #tpu.memory_space<vmem>> -> memref<80xi32, #tpu.memory_space<vmem>>
      %dma_wait3A_454 = tpu.memref_slice %arg4[%add3A_449] : memref<320000xi32, #tpu.memory_space<hbm>> -> memref<80xi32, #tpu.memory_space<hbm>>
      %dma_wait3A_455 = arith.constant 0 : i32
      %dma_wait3A_456 = tpu.memref_slice %arg7[%dma_wait3A_450, %dma_wait3A_455] : memref<4x80xi32, #tpu.memory_space<vmem>> -> memref<1x80xi32, #tpu.memory_space<vmem>>
      %dma_wait3A_457 = tpu.memref_squeeze %dma_wait3A_456 : memref<1x80xi32, #tpu.memory_space<vmem>> -> memref<80xi32, #tpu.memory_space<vmem>>
      %dma_wait3A_458 = tpu.memref_slice %arg4[%add3A_449] : memref<320000xi32, #tpu.memory_space<hbm>> -> memref<80xi32, #tpu.memory_space<hbm>>
      tpu.wait_dma2 semaphore(%arg18 : memref<!tpu.dma_semaphore, #tpu.memory_space<semaphore_mem>>) src(%dma_wait3A_458 : memref<80xi32, #tpu.memory_space<hbm>>) dst(%dma_wait3A_457 : memref<80xi32, #tpu.memory_space<vmem>>)
      %dma_start3A_459 = arith.constant 3 : i32
      %dma_start3A_460 = arith.constant 0 : i32
      %dma_start3A_461 = tpu.memref_slice %arg6[%dma_start3A_459, %dma_start3A_460] : memref<4x80xi32, #tpu.memory_space<vmem>> -> memref<1x80xi32, #tpu.memory_space<vmem>>
      %dma_start3A_462 = tpu.memref_squeeze %dma_start3A_461 : memref<1x80xi32, #tpu.memory_space<vmem>> -> memref<80xi32, #tpu.memory_space<vmem>>
      %dma_start3A_463 = arith.constant 0 : i32
      %dma_start3A_464 = arith.constant 0 : i32
      %dma_start3A_465 = tpu.memref_slice %arg2[%dma_start3A_463, %dma_start3A_464] : memref<10000x128xf32, #tpu.memory_space<hbm>> -> memref<10000x128xf32, #tpu.memory_space<hbm>>
      tpu.enqueue_indirect_dma source(%dma_start3A_465 : memref<10000x128xf32, #tpu.memory_space<hbm>>) target(%arg11 : memref<80x128xf32, #tpu.memory_space<vmem>>) offsets(%dma_start3A_462 : memref<80xi32, #tpu.memory_space<vmem>>) semaphore(%arg16 : memref<!tpu.dma_semaphore, #tpu.memory_space<semaphore_mem>>)
      %dma_wait3A_466 = arith.constant 0 : i32
      %dma_wait3A_467 = arith.constant 0 : i32
      %dma_wait3A_468 = tpu.memref_slice %arg6[%dma_wait3A_466, %dma_wait3A_467] : memref<4x80xi32, #tpu.memory_space<vmem>> -> memref<1x80xi32, #tpu.memory_space<vmem>>
      %dma_wait3A_469 = tpu.memref_squeeze %dma_wait3A_468 : memref<1x80xi32, #tpu.memory_space<vmem>> -> memref<80xi32, #tpu.memory_space<vmem>>
      %dma_wait3A_470 = arith.constant 0 : i32
      %dma_wait3A_471 = arith.constant 0 : i32
      %dma_wait3A_472 = tpu.memref_slice %arg2[%dma_wait3A_470, %dma_wait3A_471] : memref<10000x128xf32, #tpu.memory_space<hbm>> -> memref<10000x128xf32, #tpu.memory_space<hbm>>
      tpu.wait_indirect_dma semaphore(%arg13 : memref<!tpu.dma_semaphore, #tpu.memory_space<semaphore_mem>>) src(%dma_wait3A_472 : memref<10000x128xf32, #tpu.memory_space<hbm>>) dst(%arg8 : memref<80x128xf32, #tpu.memory_space<vmem>>)
      %dma_start3A_473 = arith.constant 0 : i32
      %dma_start3A_474 = arith.constant 0 : i32
      %dma_start3A_475 = tpu.memref_slice %arg7[%dma_start3A_473, %dma_start3A_474] : memref<4x80xi32, #tpu.memory_space<vmem>> -> memref<1x80xi32, #tpu.memory_space<vmem>>
      %dma_start3A_476 = tpu.memref_squeeze %dma_start3A_475 : memref<1x80xi32, #tpu.memory_space<vmem>> -> memref<80xi32, #tpu.memory_space<vmem>>
      %dma_start3A_477 = arith.constant 0 : i32
      %dma_start3A_478 = arith.constant 0 : i32
      %dma_start3A_479 = tpu.memref_slice %arg12[%dma_start3A_477, %dma_start3A_478] : memref<10000x128xf32, #tpu.memory_space<vmem_shared>> -> memref<10000x128xf32, #tpu.memory_space<vmem_shared>>
      tpu.enqueue_indirect_dma source(%arg8 : memref<80x128xf32, #tpu.memory_space<vmem>>) target(%dma_start3A_479 : memref<10000x128xf32, #tpu.memory_space<vmem_shared>>) offsets(%dma_start3A_476 : memref<80xi32, #tpu.memory_space<vmem>>) semaphore(%arg19 : memref<!tpu.dma_semaphore, #tpu.memory_space<semaphore_mem>>) {add = true}
      %dma_wait3A_480 = arith.constant 1 : i32
      %dma_wait3A_481 = arith.constant 0 : i32
      %dma_wait3A_482 = tpu.memref_slice %arg6[%dma_wait3A_480, %dma_wait3A_481] : memref<4x80xi32, #tpu.memory_space<vmem>> -> memref<1x80xi32, #tpu.memory_space<vmem>>
      %dma_wait3A_483 = tpu.memref_squeeze %dma_wait3A_482 : memref<1x80xi32, #tpu.memory_space<vmem>> -> memref<80xi32, #tpu.memory_space<vmem>>
      %dma_wait3A_484 = arith.constant 0 : i32
      %dma_wait3A_485 = arith.constant 0 : i32
      %dma_wait3A_486 = tpu.memref_slice %arg2[%dma_wait3A_484, %dma_wait3A_485] : memref<10000x128xf32, #tpu.memory_space<hbm>> -> memref<10000x128xf32, #tpu.memory_space<hbm>>
      tpu.wait_indirect_dma semaphore(%arg14 : memref<!tpu.dma_semaphore, #tpu.memory_space<semaphore_mem>>) src(%dma_wait3A_486 : memref<10000x128xf32, #tpu.memory_space<hbm>>) dst(%arg9 : memref<80x128xf32, #tpu.memory_space<vmem>>)
      %dma_start3A_487 = arith.constant 1 : i32
      %dma_start3A_488 = arith.constant 0 : i32
      %dma_start3A_489 = tpu.memref_slice %arg7[%dma_start3A_487, %dma_start3A_488] : memref<4x80xi32, #tpu.memory_space<vmem>> -> memref<1x80xi32, #tpu.memory_space<vmem>>
      %dma_start3A_490 = tpu.memref_squeeze %dma_start3A_489 : memref<1x80xi32, #tpu.memory_space<vmem>> -> memref<80xi32, #tpu.memory_space<vmem>>
      %dma_start3A_491 = arith.constant 0 : i32
      %dma_start3A_492 = arith.constant 0 : i32
      %dma_start3A_493 = tpu.memref_slice %arg12[%dma_start3A_491, %dma_start3A_492] : memref<10000x128xf32, #tpu.memory_space<vmem_shared>> -> memref<10000x128xf32, #tpu.memory_space<vmem_shared>>
      tpu.enqueue_indirect_dma source(%arg9 : memref<80x128xf32, #tpu.memory_space<vmem>>) target(%dma_start3A_493 : memref<10000x128xf32, #tpu.memory_space<vmem_shared>>) offsets(%dma_start3A_490 : memref<80xi32, #tpu.memory_space<vmem>>) semaphore(%arg20 : memref<!tpu.dma_semaphore, #tpu.memory_space<semaphore_mem>>) {add = true}
      %dma_wait3A_494 = arith.constant 2 : i32
      %dma_wait3A_495 = arith.constant 0 : i32
      %dma_wait3A_496 = tpu.memref_slice %arg6[%dma_wait3A_494, %dma_wait3A_495] : memref<4x80xi32, #tpu.memory_space<vmem>> -> memref<1x80xi32, #tpu.memory_space<vmem>>
      %dma_wait3A_497 = tpu.memref_squeeze %dma_wait3A_496 : memref<1x80xi32, #tpu.memory_space<vmem>> -> memref<80xi32, #tpu.memory_space<vmem>>
      %dma_wait3A_498 = arith.constant 0 : i32
      %dma_wait3A_499 = arith.constant 0 : i32
      %dma_wait3A_500 = tpu.memref_slice %arg2[%dma_wait3A_498, %dma_wait3A_499] : memref<10000x128xf32, #tpu.memory_space<hbm>> -> memref<10000x128xf32, #tpu.memory_space<hbm>>
      tpu.wait_indirect_dma semaphore(%arg15 : memref<!tpu.dma_semaphore, #tpu.memory_space<semaphore_mem>>) src(%dma_wait3A_500 : memref<10000x128xf32, #tpu.memory_space<hbm>>) dst(%arg10 : memref<80x128xf32, #tpu.memory_space<vmem>>)
      %dma_start3A_501 = arith.constant 2 : i32
      %dma_start3A_502 = arith.constant 0 : i32
      %dma_start3A_503 = tpu.memref_slice %arg7[%dma_start3A_501, %dma_start3A_502] : memref<4x80xi32, #tpu.memory_space<vmem>> -> memref<1x80xi32, #tpu.memory_space<vmem>>
      %dma_start3A_504 = tpu.memref_squeeze %dma_start3A_503 : memref<1x80xi32, #tpu.memory_space<vmem>> -> memref<80xi32, #tpu.memory_space<vmem>>
      %dma_start3A_505 = arith.constant 0 : i32
      %dma_start3A_506 = arith.constant 0 : i32
      %dma_start3A_507 = tpu.memref_slice %arg12[%dma_start3A_505, %dma_start3A_506] : memref<10000x128xf32, #tpu.memory_space<vmem_shared>> -> memref<10000x128xf32, #tpu.memory_space<vmem_shared>>
      tpu.enqueue_indirect_dma source(%arg10 : memref<80x128xf32, #tpu.memory_space<vmem>>) target(%dma_start3A_507 : memref<10000x128xf32, #tpu.memory_space<vmem_shared>>) offsets(%dma_start3A_504 : memref<80xi32, #tpu.memory_space<vmem>>) semaphore(%arg21 : memref<!tpu.dma_semaphore, #tpu.memory_space<semaphore_mem>>) {add = true}
      %dma_wait3A_508 = arith.constant 3 : i32
      %dma_wait3A_509 = arith.constant 0 : i32
      %dma_wait3A_510 = tpu.memref_slice %arg6[%dma_wait3A_508, %dma_wait3A_509] : memref<4x80xi32, #tpu.memory_space<vmem>> -> memref<1x80xi32, #tpu.memory_space<vmem>>
      %dma_wait3A_511 = tpu.memref_squeeze %dma_wait3A_510 : memref<1x80xi32, #tpu.memory_space<vmem>> -> memref<80xi32, #tpu.memory_space<vmem>>
      %dma_wait3A_512 = arith.constant 0 : i32
      %dma_wait3A_513 = arith.constant 0 : i32
      %dma_wait3A_514 = tpu.memref_slice %arg2[%dma_wait3A_512, %dma_wait3A_513] : memref<10000x128xf32, #tpu.memory_space<hbm>> -> memref<10000x128xf32, #tpu.memory_space<hbm>>
      tpu.wait_indirect_dma semaphore(%arg16 : memref<!tpu.dma_semaphore, #tpu.memory_space<semaphore_mem>>) src(%dma_wait3A_514 : memref<10000x128xf32, #tpu.memory_space<hbm>>) dst(%arg11 : memref<80x128xf32, #tpu.memory_space<vmem>>)
      %dma_start3A_515 = arith.constant 3 : i32
      %dma_start3A_516 = arith.constant 0 : i32
      %dma_start3A_517 = tpu.memref_slice %arg7[%dma_start3A_515, %dma_start3A_516] : memref<4x80xi32, #tpu.memory_space<vmem>> -> memref<1x80xi32, #tpu.memory_space<vmem>>
      %dma_start3A_518 = tpu.memref_squeeze %dma_start3A_517 : memref<1x80xi32, #tpu.memory_space<vmem>> -> memref<80xi32, #tpu.memory_space<vmem>>
      %dma_start3A_519 = arith.constant 0 : i32
      %dma_start3A_520 = arith.constant 0 : i32
      %dma_start3A_521 = tpu.memref_slice %arg12[%dma_start3A_519, %dma_start3A_520] : memref<10000x128xf32, #tpu.memory_space<vmem_shared>> -> memref<10000x128xf32, #tpu.memory_space<vmem_shared>>
      tpu.enqueue_indirect_dma source(%arg11 : memref<80x128xf32, #tpu.memory_space<vmem>>) target(%dma_start3A_521 : memref<10000x128xf32, #tpu.memory_space<vmem_shared>>) offsets(%dma_start3A_518 : memref<80xi32, #tpu.memory_space<vmem>>) semaphore(%arg22 : memref<!tpu.dma_semaphore, #tpu.memory_space<semaphore_mem>>) {add = true}
    }
    %scan3A_67 = arith.constant 31 : i32
    %dma_wait3A = arith.constant 0 : i32
    %dma_wait3A_68 = arith.constant 0 : i32
    %dma_wait3A_69 = tpu.memref_slice %arg7[%dma_wait3A, %dma_wait3A_68] : memref<4x80xi32, #tpu.memory_space<vmem>> -> memref<1x80xi32, #tpu.memory_space<vmem>>
    %dma_wait3A_70 = tpu.memref_squeeze %dma_wait3A_69 : memref<1x80xi32, #tpu.memory_space<vmem>> -> memref<80xi32, #tpu.memory_space<vmem>>
    %dma_wait3A_71 = arith.constant 0 : i32
    %dma_wait3A_72 = arith.constant 0 : i32
    %dma_wait3A_73 = tpu.memref_slice %arg12[%dma_wait3A_71, %dma_wait3A_72] : memref<10000x128xf32, #tpu.memory_space<vmem_shared>> -> memref<10000x128xf32, #tpu.memory_space<vmem_shared>>
    tpu.wait_indirect_dma semaphore(%arg19 : memref<!tpu.dma_semaphore, #tpu.memory_space<semaphore_mem>>) src(%arg8 : memref<80x128xf32, #tpu.memory_space<vmem>>) dst(%dma_wait3A_73 : memref<10000x128xf32, #tpu.memory_space<vmem_shared>>)
    %dma_wait3A_74 = arith.constant 1 : i32
    %dma_wait3A_75 = arith.constant 0 : i32
    %dma_wait3A_76 = tpu.memref_slice %arg7[%dma_wait3A_74, %dma_wait3A_75] : memref<4x80xi32, #tpu.memory_space<vmem>> -> memref<1x80xi32, #tpu.memory_space<vmem>>
    %dma_wait3A_77 = tpu.memref_squeeze %dma_wait3A_76 : memref<1x80xi32, #tpu.memory_space<vmem>> -> memref<80xi32, #tpu.memory_space<vmem>>
    %dma_wait3A_78 = arith.constant 0 : i32
    %dma_wait3A_79 = arith.constant 0 : i32
    %dma_wait3A_80 = tpu.memref_slice %arg12[%dma_wait3A_78, %dma_wait3A_79] : memref<10000x128xf32, #tpu.memory_space<vmem_shared>> -> memref<10000x128xf32, #tpu.memory_space<vmem_shared>>
    tpu.wait_indirect_dma semaphore(%arg20 : memref<!tpu.dma_semaphore, #tpu.memory_space<semaphore_mem>>) src(%arg9 : memref<80x128xf32, #tpu.memory_space<vmem>>) dst(%dma_wait3A_80 : memref<10000x128xf32, #tpu.memory_space<vmem_shared>>)
    %dma_wait3A_81 = arith.constant 2 : i32
    %dma_wait3A_82 = arith.constant 0 : i32
    %dma_wait3A_83 = tpu.memref_slice %arg7[%dma_wait3A_81, %dma_wait3A_82] : memref<4x80xi32, #tpu.memory_space<vmem>> -> memref<1x80xi32, #tpu.memory_space<vmem>>
    %dma_wait3A_84 = tpu.memref_squeeze %dma_wait3A_83 : memref<1x80xi32, #tpu.memory_space<vmem>> -> memref<80xi32, #tpu.memory_space<vmem>>
    %dma_wait3A_85 = arith.constant 0 : i32
    %dma_wait3A_86 = arith.constant 0 : i32
    %dma_wait3A_87 = tpu.memref_slice %arg12[%dma_wait3A_85, %dma_wait3A_86] : memref<10000x128xf32, #tpu.memory_space<vmem_shared>> -> memref<10000x128xf32, #tpu.memory_space<vmem_shared>>
    tpu.wait_indirect_dma semaphore(%arg21 : memref<!tpu.dma_semaphore, #tpu.memory_space<semaphore_mem>>) src(%arg10 : memref<80x128xf32, #tpu.memory_space<vmem>>) dst(%dma_wait3A_87 : memref<10000x128xf32, #tpu.memory_space<vmem_shared>>)
    %dma_wait3A_88 = arith.constant 3 : i32
    %dma_wait3A_89 = arith.constant 0 : i32
    %dma_wait3A_90 = tpu.memref_slice %arg7[%dma_wait3A_88, %dma_wait3A_89] : memref<4x80xi32, #tpu.memory_space<vmem>> -> memref<1x80xi32, #tpu.memory_space<vmem>>
    %dma_wait3A_91 = tpu.memref_squeeze %dma_wait3A_90 : memref<1x80xi32, #tpu.memory_space<vmem>> -> memref<80xi32, #tpu.memory_space<vmem>>
    %dma_wait3A_92 = arith.constant 0 : i32
    %dma_wait3A_93 = arith.constant 0 : i32
    %dma_wait3A_94 = tpu.memref_slice %arg12[%dma_wait3A_92, %dma_wait3A_93] : memref<10000x128xf32, #tpu.memory_space<vmem_shared>> -> memref<10000x128xf32, #tpu.memory_space<vmem_shared>>
    tpu.wait_indirect_dma semaphore(%arg22 : memref<!tpu.dma_semaphore, #tpu.memory_space<semaphore_mem>>) src(%arg11 : memref<80x128xf32, #tpu.memory_space<vmem>>) dst(%dma_wait3A_94 : memref<10000x128xf32, #tpu.memory_space<vmem_shared>>)
    %add3A_95 = arith.constant 9920 : i32
    %add3A_96 = arith.addi %mul3A_2, %add3A_95 : i32
    %dma_start3A = arith.constant 0 : i32
    %dma_start3A_97 = arith.constant 0 : i32
    %dma_start3A_98 = tpu.memref_slice %arg6[%dma_start3A, %dma_start3A_97] : memref<4x80xi32, #tpu.memory_space<vmem>> -> memref<1x80xi32, #tpu.memory_space<vmem>>
    %dma_start3A_99 = tpu.memref_squeeze %dma_start3A_98 : memref<1x80xi32, #tpu.memory_space<vmem>> -> memref<80xi32, #tpu.memory_space<vmem>>
    %dma_start3A_100 = tpu.memref_slice %arg3[%add3A_96] : memref<320000xi32, #tpu.memory_space<hbm>> -> memref<80xi32, #tpu.memory_space<hbm>>
    %dma_start3A_101 = arith.constant 0 : i32
    %dma_start3A_102 = tpu.memref_slice %arg6[%dma_start3A, %dma_start3A_101] : memref<4x80xi32, #tpu.memory_space<vmem>> -> memref<1x80xi32, #tpu.memory_space<vmem>>
    %dma_start3A_103 = tpu.memref_squeeze %dma_start3A_102 : memref<1x80xi32, #tpu.memory_space<vmem>> -> memref<80xi32, #tpu.memory_space<vmem>>
    %dma_start3A_104 = tpu.memref_slice %arg3[%add3A_96] : memref<320000xi32, #tpu.memory_space<hbm>> -> memref<80xi32, #tpu.memory_space<hbm>>
    tpu.enqueue_dma source(%dma_start3A_104 : memref<80xi32, #tpu.memory_space<hbm>>) target(%dma_start3A_103 : memref<80xi32, #tpu.memory_space<vmem>>) target_semaphore(%arg17 : memref<!tpu.dma_semaphore, #tpu.memory_space<semaphore_mem>>)
    %add3A_105 = arith.constant 9920 : i32
    %add3A_106 = arith.addi %mul3A_2, %add3A_105 : i32
    %dma_start3A_107 = arith.constant 0 : i32
    %dma_start3A_108 = arith.constant 0 : i32
    %dma_start3A_109 = tpu.memref_slice %arg7[%dma_start3A_107, %dma_start3A_108] : memref<4x80xi32, #tpu.memory_space<vmem>> -> memref<1x80xi32, #tpu.memory_space<vmem>>
    %dma_start3A_110 = tpu.memref_squeeze %dma_start3A_109 : memref<1x80xi32, #tpu.memory_space<vmem>> -> memref<80xi32, #tpu.memory_space<vmem>>
    %dma_start3A_111 = tpu.memref_slice %arg4[%add3A_106] : memref<320000xi32, #tpu.memory_space<hbm>> -> memref<80xi32, #tpu.memory_space<hbm>>
    %dma_start3A_112 = arith.constant 0 : i32
    %dma_start3A_113 = tpu.memref_slice %arg7[%dma_start3A_107, %dma_start3A_112] : memref<4x80xi32, #tpu.memory_space<vmem>> -> memref<1x80xi32, #tpu.memory_space<vmem>>
    %dma_start3A_114 = tpu.memref_squeeze %dma_start3A_113 : memref<1x80xi32, #tpu.memory_space<vmem>> -> memref<80xi32, #tpu.memory_space<vmem>>
    %dma_start3A_115 = tpu.memref_slice %arg4[%add3A_106] : memref<320000xi32, #tpu.memory_space<hbm>> -> memref<80xi32, #tpu.memory_space<hbm>>
    tpu.enqueue_dma source(%dma_start3A_115 : memref<80xi32, #tpu.memory_space<hbm>>) target(%dma_start3A_114 : memref<80xi32, #tpu.memory_space<vmem>>) target_semaphore(%arg18 : memref<!tpu.dma_semaphore, #tpu.memory_space<semaphore_mem>>)
    %add3A_116 = arith.constant 9920 : i32
    %add3A_117 = arith.addi %mul3A_2, %add3A_116 : i32
    %dma_wait3A_118 = arith.constant 0 : i32
    %dma_wait3A_119 = arith.constant 0 : i32
    %dma_wait3A_120 = tpu.memref_slice %arg6[%dma_wait3A_118, %dma_wait3A_119] : memref<4x80xi32, #tpu.memory_space<vmem>> -> memref<1x80xi32, #tpu.memory_space<vmem>>
    %dma_wait3A_121 = tpu.memref_squeeze %dma_wait3A_120 : memref<1x80xi32, #tpu.memory_space<vmem>> -> memref<80xi32, #tpu.memory_space<vmem>>
    %dma_wait3A_122 = tpu.memref_slice %arg3[%add3A_117] : memref<320000xi32, #tpu.memory_space<hbm>> -> memref<80xi32, #tpu.memory_space<hbm>>
    %dma_wait3A_123 = arith.constant 0 : i32
    %dma_wait3A_124 = tpu.memref_slice %arg6[%dma_wait3A_118, %dma_wait3A_123] : memref<4x80xi32, #tpu.memory_space<vmem>> -> memref<1x80xi32, #tpu.memory_space<vmem>>
    %dma_wait3A_125 = tpu.memref_squeeze %dma_wait3A_124 : memref<1x80xi32, #tpu.memory_space<vmem>> -> memref<80xi32, #tpu.memory_space<vmem>>
    %dma_wait3A_126 = tpu.memref_slice %arg3[%add3A_117] : memref<320000xi32, #tpu.memory_space<hbm>> -> memref<80xi32, #tpu.memory_space<hbm>>
    tpu.wait_dma2 semaphore(%arg17 : memref<!tpu.dma_semaphore, #tpu.memory_space<semaphore_mem>>) src(%dma_wait3A_126 : memref<80xi32, #tpu.memory_space<hbm>>) dst(%dma_wait3A_125 : memref<80xi32, #tpu.memory_space<vmem>>)
    %add3A_127 = arith.constant 9920 : i32
    %add3A_128 = arith.addi %mul3A_2, %add3A_127 : i32
    %dma_wait3A_129 = arith.constant 0 : i32
    %dma_wait3A_130 = arith.constant 0 : i32
    %dma_wait3A_131 = tpu.memref_slice %arg7[%dma_wait3A_129, %dma_wait3A_130] : memref<4x80xi32, #tpu.memory_space<vmem>> -> memref<1x80xi32, #tpu.memory_space<vmem>>
    %dma_wait3A_132 = tpu.memref_squeeze %dma_wait3A_131 : memref<1x80xi32, #tpu.memory_space<vmem>> -> memref<80xi32, #tpu.memory_space<vmem>>
    %dma_wait3A_133 = tpu.memref_slice %arg4[%add3A_128] : memref<320000xi32, #tpu.memory_space<hbm>> -> memref<80xi32, #tpu.memory_space<hbm>>
    %dma_wait3A_134 = arith.constant 0 : i32
    %dma_wait3A_135 = tpu.memref_slice %arg7[%dma_wait3A_129, %dma_wait3A_134] : memref<4x80xi32, #tpu.memory_space<vmem>> -> memref<1x80xi32, #tpu.memory_space<vmem>>
    %dma_wait3A_136 = tpu.memref_squeeze %dma_wait3A_135 : memref<1x80xi32, #tpu.memory_space<vmem>> -> memref<80xi32, #tpu.memory_space<vmem>>
    %dma_wait3A_137 = tpu.memref_slice %arg4[%add3A_128] : memref<320000xi32, #tpu.memory_space<hbm>> -> memref<80xi32, #tpu.memory_space<hbm>>
    tpu.wait_dma2 semaphore(%arg18 : memref<!tpu.dma_semaphore, #tpu.memory_space<semaphore_mem>>) src(%dma_wait3A_137 : memref<80xi32, #tpu.memory_space<hbm>>) dst(%dma_wait3A_136 : memref<80xi32, #tpu.memory_space<vmem>>)
    %dma_start3A_138 = arith.constant 0 : i32
    %dma_start3A_139 = arith.constant 0 : i32
    %dma_start3A_140 = tpu.memref_slice %arg6[%dma_start3A_138, %dma_start3A_139] : memref<4x80xi32, #tpu.memory_space<vmem>> -> memref<1x80xi32, #tpu.memory_space<vmem>>
    %dma_start3A_141 = tpu.memref_squeeze %dma_start3A_140 : memref<1x80xi32, #tpu.memory_space<vmem>> -> memref<80xi32, #tpu.memory_space<vmem>>
    %dma_start3A_142 = arith.constant 0 : i32
    %dma_start3A_143 = arith.constant 0 : i32
    %dma_start3A_144 = tpu.memref_slice %arg2[%dma_start3A_142, %dma_start3A_143] : memref<10000x128xf32, #tpu.memory_space<hbm>> -> memref<10000x128xf32, #tpu.memory_space<hbm>>
    tpu.enqueue_indirect_dma source(%dma_start3A_144 : memref<10000x128xf32, #tpu.memory_space<hbm>>) target(%arg8 : memref<80x128xf32, #tpu.memory_space<vmem>>) offsets(%dma_start3A_141 : memref<80xi32, #tpu.memory_space<vmem>>) semaphore(%arg13 : memref<!tpu.dma_semaphore, #tpu.memory_space<semaphore_mem>>)
    %dma_wait3A_145 = arith.constant 0 : i32
    %dma_wait3A_146 = arith.constant 0 : i32
    %dma_wait3A_147 = tpu.memref_slice %arg6[%dma_wait3A_145, %dma_wait3A_146] : memref<4x80xi32, #tpu.memory_space<vmem>> -> memref<1x80xi32, #tpu.memory_space<vmem>>
    %dma_wait3A_148 = tpu.memref_squeeze %dma_wait3A_147 : memref<1x80xi32, #tpu.memory_space<vmem>> -> memref<80xi32, #tpu.memory_space<vmem>>
    %dma_wait3A_149 = arith.constant 0 : i32
    %dma_wait3A_150 = arith.constant 0 : i32
    %dma_wait3A_151 = tpu.memref_slice %arg2[%dma_wait3A_149, %dma_wait3A_150] : memref<10000x128xf32, #tpu.memory_space<hbm>> -> memref<10000x128xf32, #tpu.memory_space<hbm>>
    tpu.wait_indirect_dma semaphore(%arg13 : memref<!tpu.dma_semaphore, #tpu.memory_space<semaphore_mem>>) src(%dma_wait3A_151 : memref<10000x128xf32, #tpu.memory_space<hbm>>) dst(%arg8 : memref<80x128xf32, #tpu.memory_space<vmem>>)
    %dma_start3A_152 = arith.constant 0 : i32
    %dma_start3A_153 = arith.constant 0 : i32
    %dma_start3A_154 = tpu.memref_slice %arg7[%dma_start3A_152, %dma_start3A_153] : memref<4x80xi32, #tpu.memory_space<vmem>> -> memref<1x80xi32, #tpu.memory_space<vmem>>
    %dma_start3A_155 = tpu.memref_squeeze %dma_start3A_154 : memref<1x80xi32, #tpu.memory_space<vmem>> -> memref<80xi32, #tpu.memory_space<vmem>>
    %dma_start3A_156 = arith.constant 0 : i32
    %dma_start3A_157 = arith.constant 0 : i32
    %dma_start3A_158 = tpu.memref_slice %arg12[%dma_start3A_156, %dma_start3A_157] : memref<10000x128xf32, #tpu.memory_space<vmem_shared>> -> memref<10000x128xf32, #tpu.memory_space<vmem_shared>>
    tpu.enqueue_indirect_dma source(%arg8 : memref<80x128xf32, #tpu.memory_space<vmem>>) target(%dma_start3A_158 : memref<10000x128xf32, #tpu.memory_space<vmem_shared>>) offsets(%dma_start3A_155 : memref<80xi32, #tpu.memory_space<vmem>>) semaphore(%arg19 : memref<!tpu.dma_semaphore, #tpu.memory_space<semaphore_mem>>) {add = true}
    %dma_wait3A_159 = arith.constant 0 : i32
    %dma_wait3A_160 = arith.constant 0 : i32
    %dma_wait3A_161 = tpu.memref_slice %arg7[%dma_wait3A_159, %dma_wait3A_160] : memref<4x80xi32, #tpu.memory_space<vmem>> -> memref<1x80xi32, #tpu.memory_space<vmem>>
    %dma_wait3A_162 = tpu.memref_squeeze %dma_wait3A_161 : memref<1x80xi32, #tpu.memory_space<vmem>> -> memref<80xi32, #tpu.memory_space<vmem>>
    %dma_wait3A_163 = arith.constant 0 : i32
    %dma_wait3A_164 = arith.constant 0 : i32
    %dma_wait3A_165 = tpu.memref_slice %arg12[%dma_wait3A_163, %dma_wait3A_164] : memref<10000x128xf32, #tpu.memory_space<vmem_shared>> -> memref<10000x128xf32, #tpu.memory_space<vmem_shared>>
    tpu.wait_indirect_dma semaphore(%arg19 : memref<!tpu.dma_semaphore, #tpu.memory_space<semaphore_mem>>) src(%arg8 : memref<80x128xf32, #tpu.memory_space<vmem>>) dst(%dma_wait3A_165 : memref<10000x128xf32, #tpu.memory_space<vmem_shared>>)
    %barrier3A_166 = arith.constant 0 : index
    tpu.barrier barrier_id(%barrier3A_166)
    %add3A_167 = arith.constant 0 : i32
    %add3A_168 = arith.addi %arg1, %add3A_167 : i32
    %lt3A_169 = arith.constant 125 : i32
    %lt3A_170 = arith.cmpi slt, %add3A_168, %lt3A_169 : i32
    %convert_element_type3A_171 = arith.extui %lt3A_170 : i1 to i32
    %cond3A_172 = arith.constant 0 : i32
    %cond3A_173 = arith.cmpi ne, %convert_element_type3A_171, %cond3A_172 : i32
    scf.if %cond3A_173 {
      %mul3A_223 = arith.constant 80 : i32
      %mul3A_224 = arith.muli %add3A_168, %mul3A_223 : i32
      %mul3A_225 = arith.constant 10000 : i32
      %mul3A_226 = arith.muli %arg0, %mul3A_225 : i32
      %mul3A_227 = arith.constant 80 : i32
      %mul3A_228 = arith.muli %add3A_168, %mul3A_227 : i32
      %add3A_229 = arith.addi %mul3A_226, %mul3A_228 : i32
      "tpu.region"() ({
        %run_scoped3A = tpu.sem_alloc : memref<!tpu.dma_semaphore, #tpu.memory_space<semaphore_mem>>
        %dma_start3A_230 = arith.constant 0 : i32
        %dma_start3A_231 = tpu.memref_slice %arg5[%add3A_229, %dma_start3A_230] : memref<20000x128xf32, #tpu.memory_space<hbm>> -> memref<80x128xf32, #tpu.memory_space<hbm>>
        %dma_start3A_232 = arith.constant 0 : i32
        %dma_start3A_233 = tpu.memref_slice %arg12[%mul3A_224, %dma_start3A_232] : memref<10000x128xf32, #tpu.memory_space<vmem_shared>> -> memref<80x128xf32, #tpu.memory_space<vmem_shared>>
        tpu.enqueue_dma source(%dma_start3A_233 : memref<80x128xf32, #tpu.memory_space<vmem_shared>>) target(%dma_start3A_231 : memref<80x128xf32, #tpu.memory_space<hbm>>) target_semaphore(%run_scoped3A : memref<!tpu.dma_semaphore, #tpu.memory_space<semaphore_mem>>)
        %dma_wait3A_234 = arith.constant 0 : i32
        %dma_wait3A_235 = tpu.memref_slice %arg5[%add3A_229, %dma_wait3A_234] : memref<20000x128xf32, #tpu.memory_space<hbm>> -> memref<80x128xf32, #tpu.memory_space<hbm>>
        %dma_wait3A_236 = arith.constant 0 : i32
        %dma_wait3A_237 = tpu.memref_slice %arg12[%mul3A_224, %dma_wait3A_236] : memref<10000x128xf32, #tpu.memory_space<vmem_shared>> -> memref<80x128xf32, #tpu.memory_space<vmem_shared>>
        tpu.wait_dma2 semaphore(%run_scoped3A : memref<!tpu.dma_semaphore, #tpu.memory_space<semaphore_mem>>) src(%dma_wait3A_237 : memref<80x128xf32, #tpu.memory_space<vmem_shared>>) dst(%dma_wait3A_235 : memref<80x128xf32, #tpu.memory_space<hbm>>)
        tpu.yield
      }) : () -> ()
    } else {
    }
    %add3A_174 = arith.constant 16 : i32
    %add3A_175 = arith.addi %arg1, %add3A_174 : i32
    %lt3A_176 = arith.constant 125 : i32
    %lt3A_177 = arith.cmpi slt, %add3A_175, %lt3A_176 : i32
    %convert_element_type3A_178 = arith.extui %lt3A_177 : i1 to i32
    %cond3A_179 = arith.constant 0 : i32
    %cond3A_180 = arith.cmpi ne, %convert_element_type3A_178, %cond3A_179 : i32
    scf.if %cond3A_180 {
      %mul3A_223 = arith.constant 80 : i32
      %mul3A_224 = arith.muli %add3A_175, %mul3A_223 : i32
      %mul3A_225 = arith.constant 10000 : i32
      %mul3A_226 = arith.muli %arg0, %mul3A_225 : i32
      %mul3A_227 = arith.constant 80 : i32
      %mul3A_228 = arith.muli %add3A_175, %mul3A_227 : i32
      %add3A_229 = arith.addi %mul3A_226, %mul3A_228 : i32
      "tpu.region"() ({
        %run_scoped3A = tpu.sem_alloc : memref<!tpu.dma_semaphore, #tpu.memory_space<semaphore_mem>>
        %dma_start3A_230 = arith.constant 0 : i32
        %dma_start3A_231 = tpu.memref_slice %arg5[%add3A_229, %dma_start3A_230] : memref<20000x128xf32, #tpu.memory_space<hbm>> -> memref<80x128xf32, #tpu.memory_space<hbm>>
        %dma_start3A_232 = arith.constant 0 : i32
        %dma_start3A_233 = tpu.memref_slice %arg12[%mul3A_224, %dma_start3A_232] : memref<10000x128xf32, #tpu.memory_space<vmem_shared>> -> memref<80x128xf32, #tpu.memory_space<vmem_shared>>
        tpu.enqueue_dma source(%dma_start3A_233 : memref<80x128xf32, #tpu.memory_space<vmem_shared>>) target(%dma_start3A_231 : memref<80x128xf32, #tpu.memory_space<hbm>>) target_semaphore(%run_scoped3A : memref<!tpu.dma_semaphore, #tpu.memory_space<semaphore_mem>>)
        %dma_wait3A_234 = arith.constant 0 : i32
        %dma_wait3A_235 = tpu.memref_slice %arg5[%add3A_229, %dma_wait3A_234] : memref<20000x128xf32, #tpu.memory_space<hbm>> -> memref<80x128xf32, #tpu.memory_space<hbm>>
        %dma_wait3A_236 = arith.constant 0 : i32
        %dma_wait3A_237 = tpu.memref_slice %arg12[%mul3A_224, %dma_wait3A_236] : memref<10000x128xf32, #tpu.memory_space<vmem_shared>> -> memref<80x128xf32, #tpu.memory_space<vmem_shared>>
        tpu.wait_dma2 semaphore(%run_scoped3A : memref<!tpu.dma_semaphore, #tpu.memory_space<semaphore_mem>>) src(%dma_wait3A_237 : memref<80x128xf32, #tpu.memory_space<vmem_shared>>) dst(%dma_wait3A_235 : memref<80x128xf32, #tpu.memory_space<hbm>>)
        tpu.yield
      }) : () -> ()
    } else {
    }
    %add3A_181 = arith.constant 32 : i32
    %add3A_182 = arith.addi %arg1, %add3A_181 : i32
    %lt3A_183 = arith.constant 125 : i32
    %lt3A_184 = arith.cmpi slt, %add3A_182, %lt3A_183 : i32
    %convert_element_type3A_185 = arith.extui %lt3A_184 : i1 to i32
    %cond3A_186 = arith.constant 0 : i32
    %cond3A_187 = arith.cmpi ne, %convert_element_type3A_185, %cond3A_186 : i32
    scf.if %cond3A_187 {
      %mul3A_223 = arith.constant 80 : i32
      %mul3A_224 = arith.muli %add3A_182, %mul3A_223 : i32
      %mul3A_225 = arith.constant 10000 : i32
      %mul3A_226 = arith.muli %arg0, %mul3A_225 : i32
      %mul3A_227 = arith.constant 80 : i32
      %mul3A_228 = arith.muli %add3A_182, %mul3A_227 : i32
      %add3A_229 = arith.addi %mul3A_226, %mul3A_228 : i32
      "tpu.region"() ({
        %run_scoped3A = tpu.sem_alloc : memref<!tpu.dma_semaphore, #tpu.memory_space<semaphore_mem>>
        %dma_start3A_230 = arith.constant 0 : i32
        %dma_start3A_231 = tpu.memref_slice %arg5[%add3A_229, %dma_start3A_230] : memref<20000x128xf32, #tpu.memory_space<hbm>> -> memref<80x128xf32, #tpu.memory_space<hbm>>
        %dma_start3A_232 = arith.constant 0 : i32
        %dma_start3A_233 = tpu.memref_slice %arg12[%mul3A_224, %dma_start3A_232] : memref<10000x128xf32, #tpu.memory_space<vmem_shared>> -> memref<80x128xf32, #tpu.memory_space<vmem_shared>>
        tpu.enqueue_dma source(%dma_start3A_233 : memref<80x128xf32, #tpu.memory_space<vmem_shared>>) target(%dma_start3A_231 : memref<80x128xf32, #tpu.memory_space<hbm>>) target_semaphore(%run_scoped3A : memref<!tpu.dma_semaphore, #tpu.memory_space<semaphore_mem>>)
        %dma_wait3A_234 = arith.constant 0 : i32
        %dma_wait3A_235 = tpu.memref_slice %arg5[%add3A_229, %dma_wait3A_234] : memref<20000x128xf32, #tpu.memory_space<hbm>> -> memref<80x128xf32, #tpu.memory_space<hbm>>
        %dma_wait3A_236 = arith.constant 0 : i32
        %dma_wait3A_237 = tpu.memref_slice %arg12[%mul3A_224, %dma_wait3A_236] : memref<10000x128xf32, #tpu.memory_space<vmem_shared>> -> memref<80x128xf32, #tpu.memory_space<vmem_shared>>
        tpu.wait_dma2 semaphore(%run_scoped3A : memref<!tpu.dma_semaphore, #tpu.memory_space<semaphore_mem>>) src(%dma_wait3A_237 : memref<80x128xf32, #tpu.memory_space<vmem_shared>>) dst(%dma_wait3A_235 : memref<80x128xf32, #tpu.memory_space<hbm>>)
        tpu.yield
      }) : () -> ()
    } else {
    }
    %add3A_188 = arith.constant 48 : i32
    %add3A_189 = arith.addi %arg1, %add3A_188 : i32
    %lt3A_190 = arith.constant 125 : i32
    %lt3A_191 = arith.cmpi slt, %add3A_189, %lt3A_190 : i32
    %convert_element_type3A_192 = arith.extui %lt3A_191 : i1 to i32
    %cond3A_193 = arith.constant 0 : i32
    %cond3A_194 = arith.cmpi ne, %convert_element_type3A_192, %cond3A_193 : i32
    scf.if %cond3A_194 {
      %mul3A_223 = arith.constant 80 : i32
      %mul3A_224 = arith.muli %add3A_189, %mul3A_223 : i32
      %mul3A_225 = arith.constant 10000 : i32
      %mul3A_226 = arith.muli %arg0, %mul3A_225 : i32
      %mul3A_227 = arith.constant 80 : i32
      %mul3A_228 = arith.muli %add3A_189, %mul3A_227 : i32
      %add3A_229 = arith.addi %mul3A_226, %mul3A_228 : i32
      "tpu.region"() ({
        %run_scoped3A = tpu.sem_alloc : memref<!tpu.dma_semaphore, #tpu.memory_space<semaphore_mem>>
        %dma_start3A_230 = arith.constant 0 : i32
        %dma_start3A_231 = tpu.memref_slice %arg5[%add3A_229, %dma_start3A_230] : memref<20000x128xf32, #tpu.memory_space<hbm>> -> memref<80x128xf32, #tpu.memory_space<hbm>>
        %dma_start3A_232 = arith.constant 0 : i32
        %dma_start3A_233 = tpu.memref_slice %arg12[%mul3A_224, %dma_start3A_232] : memref<10000x128xf32, #tpu.memory_space<vmem_shared>> -> memref<80x128xf32, #tpu.memory_space<vmem_shared>>
        tpu.enqueue_dma source(%dma_start3A_233 : memref<80x128xf32, #tpu.memory_space<vmem_shared>>) target(%dma_start3A_231 : memref<80x128xf32, #tpu.memory_space<hbm>>) target_semaphore(%run_scoped3A : memref<!tpu.dma_semaphore, #tpu.memory_space<semaphore_mem>>)
        %dma_wait3A_234 = arith.constant 0 : i32
        %dma_wait3A_235 = tpu.memref_slice %arg5[%add3A_229, %dma_wait3A_234] : memref<20000x128xf32, #tpu.memory_space<hbm>> -> memref<80x128xf32, #tpu.memory_space<hbm>>
        %dma_wait3A_236 = arith.constant 0 : i32
        %dma_wait3A_237 = tpu.memref_slice %arg12[%mul3A_224, %dma_wait3A_236] : memref<10000x128xf32, #tpu.memory_space<vmem_shared>> -> memref<80x128xf32, #tpu.memory_space<vmem_shared>>
        tpu.wait_dma2 semaphore(%run_scoped3A : memref<!tpu.dma_semaphore, #tpu.memory_space<semaphore_mem>>) src(%dma_wait3A_237 : memref<80x128xf32, #tpu.memory_space<vmem_shared>>) dst(%dma_wait3A_235 : memref<80x128xf32, #tpu.memory_space<hbm>>)
        tpu.yield
      }) : () -> ()
    } else {
    }
    %add3A_195 = arith.constant 64 : i32
    %add3A_196 = arith.addi %arg1, %add3A_195 : i32
    %lt3A_197 = arith.constant 125 : i32
    %lt3A_198 = arith.cmpi slt, %add3A_196, %lt3A_197 : i32
    %convert_element_type3A_199 = arith.extui %lt3A_198 : i1 to i32
    %cond3A_200 = arith.constant 0 : i32
    %cond3A_201 = arith.cmpi ne, %convert_element_type3A_199, %cond3A_200 : i32
    scf.if %cond3A_201 {
      %mul3A_223 = arith.constant 80 : i32
      %mul3A_224 = arith.muli %add3A_196, %mul3A_223 : i32
      %mul3A_225 = arith.constant 10000 : i32
      %mul3A_226 = arith.muli %arg0, %mul3A_225 : i32
      %mul3A_227 = arith.constant 80 : i32
      %mul3A_228 = arith.muli %add3A_196, %mul3A_227 : i32
      %add3A_229 = arith.addi %mul3A_226, %mul3A_228 : i32
      "tpu.region"() ({
        %run_scoped3A = tpu.sem_alloc : memref<!tpu.dma_semaphore, #tpu.memory_space<semaphore_mem>>
        %dma_start3A_230 = arith.constant 0 : i32
        %dma_start3A_231 = tpu.memref_slice %arg5[%add3A_229, %dma_start3A_230] : memref<20000x128xf32, #tpu.memory_space<hbm>> -> memref<80x128xf32, #tpu.memory_space<hbm>>
        %dma_start3A_232 = arith.constant 0 : i32
        %dma_start3A_233 = tpu.memref_slice %arg12[%mul3A_224, %dma_start3A_232] : memref<10000x128xf32, #tpu.memory_space<vmem_shared>> -> memref<80x128xf32, #tpu.memory_space<vmem_shared>>
        tpu.enqueue_dma source(%dma_start3A_233 : memref<80x128xf32, #tpu.memory_space<vmem_shared>>) target(%dma_start3A_231 : memref<80x128xf32, #tpu.memory_space<hbm>>) target_semaphore(%run_scoped3A : memref<!tpu.dma_semaphore, #tpu.memory_space<semaphore_mem>>)
        %dma_wait3A_234 = arith.constant 0 : i32
        %dma_wait3A_235 = tpu.memref_slice %arg5[%add3A_229, %dma_wait3A_234] : memref<20000x128xf32, #tpu.memory_space<hbm>> -> memref<80x128xf32, #tpu.memory_space<hbm>>
        %dma_wait3A_236 = arith.constant 0 : i32
        %dma_wait3A_237 = tpu.memref_slice %arg12[%mul3A_224, %dma_wait3A_236] : memref<10000x128xf32, #tpu.memory_space<vmem_shared>> -> memref<80x128xf32, #tpu.memory_space<vmem_shared>>
        tpu.wait_dma2 semaphore(%run_scoped3A : memref<!tpu.dma_semaphore, #tpu.memory_space<semaphore_mem>>) src(%dma_wait3A_237 : memref<80x128xf32, #tpu.memory_space<vmem_shared>>) dst(%dma_wait3A_235 : memref<80x128xf32, #tpu.memory_space<hbm>>)
        tpu.yield
      }) : () -> ()
    } else {
    }
    %add3A_202 = arith.constant 80 : i32
    %add3A_203 = arith.addi %arg1, %add3A_202 : i32
    %lt3A_204 = arith.constant 125 : i32
    %lt3A_205 = arith.cmpi slt, %add3A_203, %lt3A_204 : i32
    %convert_element_type3A_206 = arith.extui %lt3A_205 : i1 to i32
    %cond3A_207 = arith.constant 0 : i32
    %cond3A_208 = arith.cmpi ne, %convert_element_type3A_206, %cond3A_207 : i32
    scf.if %cond3A_208 {
      %mul3A_223 = arith.constant 80 : i32
      %mul3A_224 = arith.muli %add3A_203, %mul3A_223 : i32
      %mul3A_225 = arith.constant 10000 : i32
      %mul3A_226 = arith.muli %arg0, %mul3A_225 : i32
      %mul3A_227 = arith.constant 80 : i32
      %mul3A_228 = arith.muli %add3A_203, %mul3A_227 : i32
      %add3A_229 = arith.addi %mul3A_226, %mul3A_228 : i32
      "tpu.region"() ({
        %run_scoped3A = tpu.sem_alloc : memref<!tpu.dma_semaphore, #tpu.memory_space<semaphore_mem>>
        %dma_start3A_230 = arith.constant 0 : i32
        %dma_start3A_231 = tpu.memref_slice %arg5[%add3A_229, %dma_start3A_230] : memref<20000x128xf32, #tpu.memory_space<hbm>> -> memref<80x128xf32, #tpu.memory_space<hbm>>
        %dma_start3A_232 = arith.constant 0 : i32
        %dma_start3A_233 = tpu.memref_slice %arg12[%mul3A_224, %dma_start3A_232] : memref<10000x128xf32, #tpu.memory_space<vmem_shared>> -> memref<80x128xf32, #tpu.memory_space<vmem_shared>>
        tpu.enqueue_dma source(%dma_start3A_233 : memref<80x128xf32, #tpu.memory_space<vmem_shared>>) target(%dma_start3A_231 : memref<80x128xf32, #tpu.memory_space<hbm>>) target_semaphore(%run_scoped3A : memref<!tpu.dma_semaphore, #tpu.memory_space<semaphore_mem>>)
        %dma_wait3A_234 = arith.constant 0 : i32
        %dma_wait3A_235 = tpu.memref_slice %arg5[%add3A_229, %dma_wait3A_234] : memref<20000x128xf32, #tpu.memory_space<hbm>> -> memref<80x128xf32, #tpu.memory_space<hbm>>
        %dma_wait3A_236 = arith.constant 0 : i32
        %dma_wait3A_237 = tpu.memref_slice %arg12[%mul3A_224, %dma_wait3A_236] : memref<10000x128xf32, #tpu.memory_space<vmem_shared>> -> memref<80x128xf32, #tpu.memory_space<vmem_shared>>
        tpu.wait_dma2 semaphore(%run_scoped3A : memref<!tpu.dma_semaphore, #tpu.memory_space<semaphore_mem>>) src(%dma_wait3A_237 : memref<80x128xf32, #tpu.memory_space<vmem_shared>>) dst(%dma_wait3A_235 : memref<80x128xf32, #tpu.memory_space<hbm>>)
        tpu.yield
      }) : () -> ()
    } else {
    }
    %add3A_209 = arith.constant 96 : i32
    %add3A_210 = arith.addi %arg1, %add3A_209 : i32
    %lt3A_211 = arith.constant 125 : i32
    %lt3A_212 = arith.cmpi slt, %add3A_210, %lt3A_211 : i32
    %convert_element_type3A_213 = arith.extui %lt3A_212 : i1 to i32
    %cond3A_214 = arith.constant 0 : i32
    %cond3A_215 = arith.cmpi ne, %convert_element_type3A_213, %cond3A_214 : i32
    scf.if %cond3A_215 {
      %mul3A_223 = arith.constant 80 : i32
      %mul3A_224 = arith.muli %add3A_210, %mul3A_223 : i32
      %mul3A_225 = arith.constant 10000 : i32
      %mul3A_226 = arith.muli %arg0, %mul3A_225 : i32
      %mul3A_227 = arith.constant 80 : i32
      %mul3A_228 = arith.muli %add3A_210, %mul3A_227 : i32
      %add3A_229 = arith.addi %mul3A_226, %mul3A_228 : i32
      "tpu.region"() ({
        %run_scoped3A = tpu.sem_alloc : memref<!tpu.dma_semaphore, #tpu.memory_space<semaphore_mem>>
        %dma_start3A_230 = arith.constant 0 : i32
        %dma_start3A_231 = tpu.memref_slice %arg5[%add3A_229, %dma_start3A_230] : memref<20000x128xf32, #tpu.memory_space<hbm>> -> memref<80x128xf32, #tpu.memory_space<hbm>>
        %dma_start3A_232 = arith.constant 0 : i32
        %dma_start3A_233 = tpu.memref_slice %arg12[%mul3A_224, %dma_start3A_232] : memref<10000x128xf32, #tpu.memory_space<vmem_shared>> -> memref<80x128xf32, #tpu.memory_space<vmem_shared>>
        tpu.enqueue_dma source(%dma_start3A_233 : memref<80x128xf32, #tpu.memory_space<vmem_shared>>) target(%dma_start3A_231 : memref<80x128xf32, #tpu.memory_space<hbm>>) target_semaphore(%run_scoped3A : memref<!tpu.dma_semaphore, #tpu.memory_space<semaphore_mem>>)
        %dma_wait3A_234 = arith.constant 0 : i32
        %dma_wait3A_235 = tpu.memref_slice %arg5[%add3A_229, %dma_wait3A_234] : memref<20000x128xf32, #tpu.memory_space<hbm>> -> memref<80x128xf32, #tpu.memory_space<hbm>>
        %dma_wait3A_236 = arith.constant 0 : i32
        %dma_wait3A_237 = tpu.memref_slice %arg12[%mul3A_224, %dma_wait3A_236] : memref<10000x128xf32, #tpu.memory_space<vmem_shared>> -> memref<80x128xf32, #tpu.memory_space<vmem_shared>>
        tpu.wait_dma2 semaphore(%run_scoped3A : memref<!tpu.dma_semaphore, #tpu.memory_space<semaphore_mem>>) src(%dma_wait3A_237 : memref<80x128xf32, #tpu.memory_space<vmem_shared>>) dst(%dma_wait3A_235 : memref<80x128xf32, #tpu.memory_space<hbm>>)
        tpu.yield
      }) : () -> ()
    } else {
    }
    %add3A_216 = arith.constant 112 : i32
    %add3A_217 = arith.addi %arg1, %add3A_216 : i32
    %lt3A_218 = arith.constant 125 : i32
    %lt3A_219 = arith.cmpi slt, %add3A_217, %lt3A_218 : i32
    %convert_element_type3A_220 = arith.extui %lt3A_219 : i1 to i32
    %cond3A_221 = arith.constant 0 : i32
    %cond3A_222 = arith.cmpi ne, %convert_element_type3A_220, %cond3A_221 : i32
    scf.if %cond3A_222 {
      %mul3A_223 = arith.constant 80 : i32
      %mul3A_224 = arith.muli %add3A_217, %mul3A_223 : i32
      %mul3A_225 = arith.constant 10000 : i32
      %mul3A_226 = arith.muli %arg0, %mul3A_225 : i32
      %mul3A_227 = arith.constant 80 : i32
      %mul3A_228 = arith.muli %add3A_217, %mul3A_227 : i32
      %add3A_229 = arith.addi %mul3A_226, %mul3A_228 : i32
      "tpu.region"() ({
        %run_scoped3A = tpu.sem_alloc : memref<!tpu.dma_semaphore, #tpu.memory_space<semaphore_mem>>
        %dma_start3A_230 = arith.constant 0 : i32
        %dma_start3A_231 = tpu.memref_slice %arg5[%add3A_229, %dma_start3A_230] : memref<20000x128xf32, #tpu.memory_space<hbm>> -> memref<80x128xf32, #tpu.memory_space<hbm>>
        %dma_start3A_232 = arith.constant 0 : i32
        %dma_start3A_233 = tpu.memref_slice %arg12[%mul3A_224, %dma_start3A_232] : memref<10000x128xf32, #tpu.memory_space<vmem_shared>> -> memref<80x128xf32, #tpu.memory_space<vmem_shared>>
        tpu.enqueue_dma source(%dma_start3A_233 : memref<80x128xf32, #tpu.memory_space<vmem_shared>>) target(%dma_start3A_231 : memref<80x128xf32, #tpu.memory_space<hbm>>) target_semaphore(%run_scoped3A : memref<!tpu.dma_semaphore, #tpu.memory_space<semaphore_mem>>)
        %dma_wait3A_234 = arith.constant 0 : i32
        %dma_wait3A_235 = tpu.memref_slice %arg5[%add3A_229, %dma_wait3A_234] : memref<20000x128xf32, #tpu.memory_space<hbm>> -> memref<80x128xf32, #tpu.memory_space<hbm>>
        %dma_wait3A_236 = arith.constant 0 : i32
        %dma_wait3A_237 = tpu.memref_slice %arg12[%mul3A_224, %dma_wait3A_236] : memref<10000x128xf32, #tpu.memory_space<vmem_shared>> -> memref<80x128xf32, #tpu.memory_space<vmem_shared>>
        tpu.wait_dma2 semaphore(%run_scoped3A : memref<!tpu.dma_semaphore, #tpu.memory_space<semaphore_mem>>) src(%dma_wait3A_237 : memref<80x128xf32, #tpu.memory_space<vmem_shared>>) dst(%dma_wait3A_235 : memref<80x128xf32, #tpu.memory_space<hbm>>)
        tpu.yield
      }) : () -> ()
    } else {
    }
    return
  }
}

#map = affine_map<(d0, d1) -> (0, 0)>
#map1 = affine_map<(d0, d1) -> (0)>
module attributes {stable_mosaic.version = 14 : i64} {
  func.func @seg_sum(%arg0: i32, %arg1: i32, %arg2: memref<10000x128xf32, #tpu.memory_space<hbm>>, %arg3: memref<320000xi32, #tpu.memory_space<hbm>>, %arg4: memref<320000xi32, #tpu.memory_space<hbm>>, %arg5: memref<20000x128xf32, #tpu.memory_space<hbm>>, %arg6: memref<4x80xi32, #tpu.memory_space<vmem>>, %arg7: memref<4x80xi32, #tpu.memory_space<vmem>>, %arg8: memref<80x128xf32, #tpu.memory_space<vmem>>, %arg9: memref<80x128xf32, #tpu.memory_space<vmem>>, %arg10: memref<80x128xf32, #tpu.memory_space<vmem>>, %arg11: memref<80x128xf32, #tpu.memory_space<vmem>>, %arg12: memref<10000x128xf32, #tpu.memory_space<vmem_shared>>, %arg13: memref<!tpu.dma_semaphore, #tpu.memory_space<semaphore_mem>>, %arg14: memref<!tpu.dma_semaphore, #tpu.memory_space<semaphore_mem>>, %arg15: memref<!tpu.dma_semaphore, #tpu.memory_space<semaphore_mem>>, %arg16: memref<!tpu.dma_semaphore, #tpu.memory_space<semaphore_mem>>, %arg17: memref<!tpu.dma_semaphore, #tpu.memory_space<semaphore_mem>>, %arg18: memref<!tpu.dma_semaphore, #tpu.memory_space<semaphore_mem>>, %arg19: memref<!tpu.dma_semaphore, #tpu.memory_space<semaphore_mem>>, %arg20: memref<!tpu.dma_semaphore, #tpu.memory_space<semaphore_mem>>, %arg21: memref<!tpu.dma_semaphore, #tpu.memory_space<semaphore_mem>>, %arg22: memref<!tpu.dma_semaphore, #tpu.memory_space<semaphore_mem>>) attributes {dimension_semantics = [#tpu.dimension_semantics<core_parallel>, #tpu.dimension_semantics<subcore_parallel>], iteration_bounds = array<i64: 2, 16>, scalar_prefetch = 0 : i64, scratch_operands = 17 : i64, tpu.core_type = #tpu.core_type<sc_vector_subcore>, window_params = [{transform_indices = #map}, {transform_indices = #map1}, {transform_indices = #map1}, {transform_indices = #map}]} {
    %mul3A = arith.constant 16 : i32
    %mul3A_0 = arith.muli %arg0, %mul3A : i32
    %add3A = arith.addi %mul3A_0, %arg1 : i32
    %mul3A_1 = arith.constant 10000 : i32
    %mul3A_2 = arith.muli %add3A, %mul3A_1 : i32
    %broadcast_in_dim3A = arith.constant 0.000000e+00 : f32
    %broadcast_in_dim3A_3 = vector.broadcast %broadcast_in_dim3A : f32 to vector<16xf32>
    %scan3A = arith.constant 0 : i32
    %scan3A_4 = arith.constant 0 : i32
    %scan3A_5 = arith.constant 80 : i32
    %scan3A_6 = arith.addi %scan3A_4, %scan3A_5 : i32
    %scan3A_7 = arith.constant 1 : i32
    scf.for %scan3A_223 = %scan3A_4 to %scan3A_6 step %scan3A_7  : i32 {
      %swap3A = arith.index_cast %scan3A_223 : i32 to index
      %swap3A_224 = arith.constant 0 : index
      %swap3A_225 = tpu.vector_load %arg8[%swap3A, %swap3A_224] {strides = array<i32>} : memref<80x128xf32, #tpu.memory_space<vmem>>, vector<1x16xf32>,
      %swap3A_226 = vector.shape_cast %swap3A_225 : vector<1x16xf32> to vector<16xf32>
      %swap3A_227 = vector.shape_cast %broadcast_in_dim3A_3 : vector<16xf32> to vector<1x16xf32>
      tpu.vector_store %arg8[%swap3A, %swap3A_224], %swap3A_227 {strides = array<i32>} : memref<80x128xf32, #tpu.memory_space<vmem>>, vector<1x16xf32>,
      %swap3A_228 = arith.index_cast %scan3A_223 : i32 to index
      %swap3A_229 = arith.constant 16 : index
      %swap3A_230 = tpu.vector_load %arg8[%swap3A_228, %swap3A_229] {strides = array<i32>} : memref<80x128xf32, #tpu.memory_space<vmem>>, vector<1x16xf32>,
      %swap3A_231 = vector.shape_cast %swap3A_230 : vector<1x16xf32> to vector<16xf32>
      %swap3A_232 = vector.shape_cast %broadcast_in_dim3A_3 : vector<16xf32> to vector<1x16xf32>
      tpu.vector_store %arg8[%swap3A_228, %swap3A_229], %swap3A_232 {strides = array<i32>} : memref<80x128xf32, #tpu.memory_space<vmem>>, vector<1x16xf32>,
      %swap3A_233 = arith.index_cast %scan3A_223 : i32 to index
      %swap3A_234 = arith.constant 32 : index
      %swap3A_235 = tpu.vector_load %arg8[%swap3A_233, %swap3A_234] {strides = array<i32>} : memref<80x128xf32, #tpu.memory_space<vmem>>, vector<1x16xf32>,
      %swap3A_236 = vector.shape_cast %swap3A_235 : vector<1x16xf32> to vector<16xf32>
      %swap3A_237 = vector.shape_cast %broadcast_in_dim3A_3 : vector<16xf32> to vector<1x16xf32>
      tpu.vector_store %arg8[%swap3A_233, %swap3A_234], %swap3A_237 {strides = array<i32>} : memref<80x128xf32, #tpu.memory_space<vmem>>, vector<1x16xf32>,
      %swap3A_238 = arith.index_cast %scan3A_223 : i32 to index
      %swap3A_239 = arith.constant 48 : index
      %swap3A_240 = tpu.vector_load %arg8[%swap3A_238, %swap3A_239] {strides = array<i32>} : memref<80x128xf32, #tpu.memory_space<vmem>>, vector<1x16xf32>,
      %swap3A_241 = vector.shape_cast %swap3A_240 : vector<1x16xf32> to vector<16xf32>
      %swap3A_242 = vector.shape_cast %broadcast_in_dim3A_3 : vector<16xf32> to vector<1x16xf32>
      tpu.vector_store %arg8[%swap3A_238, %swap3A_239], %swap3A_242 {strides = array<i32>} : memref<80x128xf32, #tpu.memory_space<vmem>>, vector<1x16xf32>,
      %swap3A_243 = arith.index_cast %scan3A_223 : i32 to index
      %swap3A_244 = arith.constant 64 : index
      %swap3A_245 = tpu.vector_load %arg8[%swap3A_243, %swap3A_244] {strides = array<i32>} : memref<80x128xf32, #tpu.memory_space<vmem>>, vector<1x16xf32>,
      %swap3A_246 = vector.shape_cast %swap3A_245 : vector<1x16xf32> to vector<16xf32>
      %swap3A_247 = vector.shape_cast %broadcast_in_dim3A_3 : vector<16xf32> to vector<1x16xf32>
      tpu.vector_store %arg8[%swap3A_243, %swap3A_244], %swap3A_247 {strides = array<i32>} : memref<80x128xf32, #tpu.memory_space<vmem>>, vector<1x16xf32>,
      %swap3A_248 = arith.index_cast %scan3A_223 : i32 to index
      %swap3A_249 = arith.constant 80 : index
      %swap3A_250 = tpu.vector_load %arg8[%swap3A_248, %swap3A_249] {strides = array<i32>} : memref<80x128xf32, #tpu.memory_space<vmem>>, vector<1x16xf32>,
      %swap3A_251 = vector.shape_cast %swap3A_250 : vector<1x16xf32> to vector<16xf32>
      %swap3A_252 = vector.shape_cast %broadcast_in_dim3A_3 : vector<16xf32> to vector<1x16xf32>
      tpu.vector_store %arg8[%swap3A_248, %swap3A_249], %swap3A_252 {strides = array<i32>} : memref<80x128xf32, #tpu.memory_space<vmem>>, vector<1x16xf32>,
      %swap3A_253 = arith.index_cast %scan3A_223 : i32 to index
      %swap3A_254 = arith.constant 96 : index
      %swap3A_255 = tpu.vector_load %arg8[%swap3A_253, %swap3A_254] {strides = array<i32>} : memref<80x128xf32, #tpu.memory_space<vmem>>, vector<1x16xf32>,
      %swap3A_256 = vector.shape_cast %swap3A_255 : vector<1x16xf32> to vector<16xf32>
      %swap3A_257 = vector.shape_cast %broadcast_in_dim3A_3 : vector<16xf32> to vector<1x16xf32>
      tpu.vector_store %arg8[%swap3A_253, %swap3A_254], %swap3A_257 {strides = array<i32>} : memref<80x128xf32, #tpu.memory_space<vmem>>, vector<1x16xf32>,
      %swap3A_258 = arith.index_cast %scan3A_223 : i32 to index
      %swap3A_259 = arith.constant 112 : index
      %swap3A_260 = tpu.vector_load %arg8[%swap3A_258, %swap3A_259] {strides = array<i32>} : memref<80x128xf32, #tpu.memory_space<vmem>>, vector<1x16xf32>,
      %swap3A_261 = vector.shape_cast %swap3A_260 : vector<1x16xf32> to vector<16xf32>
      %swap3A_262 = vector.shape_cast %broadcast_in_dim3A_3 : vector<16xf32> to vector<1x16xf32>
      tpu.vector_store %arg8[%swap3A_258, %swap3A_259], %swap3A_262 {strides = array<i32>} : memref<80x128xf32, #tpu.memory_space<vmem>>, vector<1x16xf32>,
    }
    %scan3A_8 = arith.constant 80 : i32
    %add3A_9 = arith.constant 0 : i32
    %add3A_10 = arith.addi %arg1, %add3A_9 : i32
    %lt3A = arith.constant 125 : i32
    %lt3A_11 = arith.cmpi slt, %add3A_10, %lt3A : i32
    %convert_element_type3A = arith.extui %lt3A_11 : i1 to i32
    %cond3A = arith.constant 0 : i32
    %cond3A_12 = arith.cmpi ne, %convert_element_type3A, %cond3A : i32
    scf.if %cond3A_12 {
      %mul3A_223 = arith.constant 80 : i32
      %mul3A_224 = arith.muli %add3A_10, %mul3A_223 : i32
      "tpu.region"() ({
        %run_scoped3A = tpu.sem_alloc : memref<!tpu.dma_semaphore, #tpu.memory_space<semaphore_mem>>
        %dma_start3A_225 = arith.constant 0 : i32
        %dma_start3A_226 = tpu.memref_slice %arg12[%mul3A_224, %dma_start3A_225] : memref<10000x128xf32, #tpu.memory_space<vmem_shared>> -> memref<80x128xf32, #tpu.memory_space<vmem_shared>>
        %dma_start3A_227 = arith.constant 0 : i32
        %dma_start3A_228 = tpu.memref_slice %arg12[%mul3A_224, %dma_start3A_227] : memref<10000x128xf32, #tpu.memory_space<vmem_shared>> -> memref<80x128xf32, #tpu.memory_space<vmem_shared>>
        tpu.enqueue_dma source(%arg8 : memref<80x128xf32, #tpu.memory_space<vmem>>) target(%dma_start3A_228 : memref<80x128xf32, #tpu.memory_space<vmem_shared>>) target_semaphore(%run_scoped3A : memref<!tpu.dma_semaphore, #tpu.memory_space<semaphore_mem>>)
        %dma_wait3A_229 = arith.constant 0 : i32
        %dma_wait3A_230 = tpu.memref_slice %arg12[%mul3A_224, %dma_wait3A_229] : memref<10000x128xf32, #tpu.memory_space<vmem_shared>> -> memref<80x128xf32, #tpu.memory_space<vmem_shared>>
        %dma_wait3A_231 = arith.constant 0 : i32
        %dma_wait3A_232 = tpu.memref_slice %arg12[%mul3A_224, %dma_wait3A_231] : memref<10000x128xf32, #tpu.memory_space<vmem_shared>> -> memref<80x128xf32, #tpu.memory_space<vmem_shared>>
        tpu.wait_dma2 semaphore(%run_scoped3A : memref<!tpu.dma_semaphore, #tpu.memory_space<semaphore_mem>>) src(%arg8 : memref<80x128xf32, #tpu.memory_space<vmem>>) dst(%dma_wait3A_232 : memref<80x128xf32, #tpu.memory_space<vmem_shared>>)
        tpu.yield
      }) : () -> ()
    } else {
    }
    %add3A_13 = arith.constant 16 : i32
    %add3A_14 = arith.addi %arg1, %add3A_13 : i32
    %lt3A_15 = arith.constant 125 : i32
    %lt3A_16 = arith.cmpi slt, %add3A_14, %lt3A_15 : i32
    %convert_element_type3A_17 = arith.extui %lt3A_16 : i1 to i32
    %cond3A_18 = arith.constant 0 : i32
    %cond3A_19 = arith.cmpi ne, %convert_element_type3A_17, %cond3A_18 : i32
    scf.if %cond3A_19 {
      %mul3A_223 = arith.constant 80 : i32
      %mul3A_224 = arith.muli %add3A_14, %mul3A_223 : i32
      "tpu.region"() ({
        %run_scoped3A = tpu.sem_alloc : memref<!tpu.dma_semaphore, #tpu.memory_space<semaphore_mem>>
        %dma_start3A_225 = arith.constant 0 : i32
        %dma_start3A_226 = tpu.memref_slice %arg12[%mul3A_224, %dma_start3A_225] : memref<10000x128xf32, #tpu.memory_space<vmem_shared>> -> memref<80x128xf32, #tpu.memory_space<vmem_shared>>
        %dma_start3A_227 = arith.constant 0 : i32
        %dma_start3A_228 = tpu.memref_slice %arg12[%mul3A_224, %dma_start3A_227] : memref<10000x128xf32, #tpu.memory_space<vmem_shared>> -> memref<80x128xf32, #tpu.memory_space<vmem_shared>>
        tpu.enqueue_dma source(%arg8 : memref<80x128xf32, #tpu.memory_space<vmem>>) target(%dma_start3A_228 : memref<80x128xf32, #tpu.memory_space<vmem_shared>>) target_semaphore(%run_scoped3A : memref<!tpu.dma_semaphore, #tpu.memory_space<semaphore_mem>>)
        %dma_wait3A_229 = arith.constant 0 : i32
        %dma_wait3A_230 = tpu.memref_slice %arg12[%mul3A_224, %dma_wait3A_229] : memref<10000x128xf32, #tpu.memory_space<vmem_shared>> -> memref<80x128xf32, #tpu.memory_space<vmem_shared>>
        %dma_wait3A_231 = arith.constant 0 : i32
        %dma_wait3A_232 = tpu.memref_slice %arg12[%mul3A_224, %dma_wait3A_231] : memref<10000x128xf32, #tpu.memory_space<vmem_shared>> -> memref<80x128xf32, #tpu.memory_space<vmem_shared>>
        tpu.wait_dma2 semaphore(%run_scoped3A : memref<!tpu.dma_semaphore, #tpu.memory_space<semaphore_mem>>) src(%arg8 : memref<80x128xf32, #tpu.memory_space<vmem>>) dst(%dma_wait3A_232 : memref<80x128xf32, #tpu.memory_space<vmem_shared>>)
        tpu.yield
      }) : () -> ()
    } else {
    }
    %add3A_20 = arith.constant 32 : i32
    %add3A_21 = arith.addi %arg1, %add3A_20 : i32
    %lt3A_22 = arith.constant 125 : i32
    %lt3A_23 = arith.cmpi slt, %add3A_21, %lt3A_22 : i32
    %convert_element_type3A_24 = arith.extui %lt3A_23 : i1 to i32
    %cond3A_25 = arith.constant 0 : i32
    %cond3A_26 = arith.cmpi ne, %convert_element_type3A_24, %cond3A_25 : i32
    scf.if %cond3A_26 {
      %mul3A_223 = arith.constant 80 : i32
      %mul3A_224 = arith.muli %add3A_21, %mul3A_223 : i32
      "tpu.region"() ({
        %run_scoped3A = tpu.sem_alloc : memref<!tpu.dma_semaphore, #tpu.memory_space<semaphore_mem>>
        %dma_start3A_225 = arith.constant 0 : i32
        %dma_start3A_226 = tpu.memref_slice %arg12[%mul3A_224, %dma_start3A_225] : memref<10000x128xf32, #tpu.memory_space<vmem_shared>> -> memref<80x128xf32, #tpu.memory_space<vmem_shared>>
        %dma_start3A_227 = arith.constant 0 : i32
        %dma_start3A_228 = tpu.memref_slice %arg12[%mul3A_224, %dma_start3A_227] : memref<10000x128xf32, #tpu.memory_space<vmem_shared>> -> memref<80x128xf32, #tpu.memory_space<vmem_shared>>
        tpu.enqueue_dma source(%arg8 : memref<80x128xf32, #tpu.memory_space<vmem>>) target(%dma_start3A_228 : memref<80x128xf32, #tpu.memory_space<vmem_shared>>) target_semaphore(%run_scoped3A : memref<!tpu.dma_semaphore, #tpu.memory_space<semaphore_mem>>)
        %dma_wait3A_229 = arith.constant 0 : i32
        %dma_wait3A_230 = tpu.memref_slice %arg12[%mul3A_224, %dma_wait3A_229] : memref<10000x128xf32, #tpu.memory_space<vmem_shared>> -> memref<80x128xf32, #tpu.memory_space<vmem_shared>>
        %dma_wait3A_231 = arith.constant 0 : i32
        %dma_wait3A_232 = tpu.memref_slice %arg12[%mul3A_224, %dma_wait3A_231] : memref<10000x128xf32, #tpu.memory_space<vmem_shared>> -> memref<80x128xf32, #tpu.memory_space<vmem_shared>>
        tpu.wait_dma2 semaphore(%run_scoped3A : memref<!tpu.dma_semaphore, #tpu.memory_space<semaphore_mem>>) src(%arg8 : memref<80x128xf32, #tpu.memory_space<vmem>>) dst(%dma_wait3A_232 : memref<80x128xf32, #tpu.memory_space<vmem_shared>>)
        tpu.yield
      }) : () -> ()
    } else {
    }
    %add3A_27 = arith.constant 48 : i32
    %add3A_28 = arith.addi %arg1, %add3A_27 : i32
    %lt3A_29 = arith.constant 125 : i32
    %lt3A_30 = arith.cmpi slt, %add3A_28, %lt3A_29 : i32
    %convert_element_type3A_31 = arith.extui %lt3A_30 : i1 to i32
    %cond3A_32 = arith.constant 0 : i32
    %cond3A_33 = arith.cmpi ne, %convert_element_type3A_31, %cond3A_32 : i32
    scf.if %cond3A_33 {
      %mul3A_223 = arith.constant 80 : i32
      %mul3A_224 = arith.muli %add3A_28, %mul3A_223 : i32
      "tpu.region"() ({
        %run_scoped3A = tpu.sem_alloc : memref<!tpu.dma_semaphore, #tpu.memory_space<semaphore_mem>>
        %dma_start3A_225 = arith.constant 0 : i32
        %dma_start3A_226 = tpu.memref_slice %arg12[%mul3A_224, %dma_start3A_225] : memref<10000x128xf32, #tpu.memory_space<vmem_shared>> -> memref<80x128xf32, #tpu.memory_space<vmem_shared>>
        %dma_start3A_227 = arith.constant 0 : i32
        %dma_start3A_228 = tpu.memref_slice %arg12[%mul3A_224, %dma_start3A_227] : memref<10000x128xf32, #tpu.memory_space<vmem_shared>> -> memref<80x128xf32, #tpu.memory_space<vmem_shared>>
        tpu.enqueue_dma source(%arg8 : memref<80x128xf32, #tpu.memory_space<vmem>>) target(%dma_start3A_228 : memref<80x128xf32, #tpu.memory_space<vmem_shared>>) target_semaphore(%run_scoped3A : memref<!tpu.dma_semaphore, #tpu.memory_space<semaphore_mem>>)
        %dma_wait3A_229 = arith.constant 0 : i32
        %dma_wait3A_230 = tpu.memref_slice %arg12[%mul3A_224, %dma_wait3A_229] : memref<10000x128xf32, #tpu.memory_space<vmem_shared>> -> memref<80x128xf32, #tpu.memory_space<vmem_shared>>
        %dma_wait3A_231 = arith.constant 0 : i32
        %dma_wait3A_232 = tpu.memref_slice %arg12[%mul3A_224, %dma_wait3A_231] : memref<10000x128xf32, #tpu.memory_space<vmem_shared>> -> memref<80x128xf32, #tpu.memory_space<vmem_shared>>
        tpu.wait_dma2 semaphore(%run_scoped3A : memref<!tpu.dma_semaphore, #tpu.memory_space<semaphore_mem>>) src(%arg8 : memref<80x128xf32, #tpu.memory_space<vmem>>) dst(%dma_wait3A_232 : memref<80x128xf32, #tpu.memory_space<vmem_shared>>)
        tpu.yield
      }) : () -> ()
    } else {
    }
    %add3A_34 = arith.constant 64 : i32
    %add3A_35 = arith.addi %arg1, %add3A_34 : i32
    %lt3A_36 = arith.constant 125 : i32
    %lt3A_37 = arith.cmpi slt, %add3A_35, %lt3A_36 : i32
    %convert_element_type3A_38 = arith.extui %lt3A_37 : i1 to i32
    %cond3A_39 = arith.constant 0 : i32
    %cond3A_40 = arith.cmpi ne, %convert_element_type3A_38, %cond3A_39 : i32
    scf.if %cond3A_40 {
      %mul3A_223 = arith.constant 80 : i32
      %mul3A_224 = arith.muli %add3A_35, %mul3A_223 : i32
      "tpu.region"() ({
        %run_scoped3A = tpu.sem_alloc : memref<!tpu.dma_semaphore, #tpu.memory_space<semaphore_mem>>
        %dma_start3A_225 = arith.constant 0 : i32
        %dma_start3A_226 = tpu.memref_slice %arg12[%mul3A_224, %dma_start3A_225] : memref<10000x128xf32, #tpu.memory_space<vmem_shared>> -> memref<80x128xf32, #tpu.memory_space<vmem_shared>>
        %dma_start3A_227 = arith.constant 0 : i32
        %dma_start3A_228 = tpu.memref_slice %arg12[%mul3A_224, %dma_start3A_227] : memref<10000x128xf32, #tpu.memory_space<vmem_shared>> -> memref<80x128xf32, #tpu.memory_space<vmem_shared>>
        tpu.enqueue_dma source(%arg8 : memref<80x128xf32, #tpu.memory_space<vmem>>) target(%dma_start3A_228 : memref<80x128xf32, #tpu.memory_space<vmem_shared>>) target_semaphore(%run_scoped3A : memref<!tpu.dma_semaphore, #tpu.memory_space<semaphore_mem>>)
        %dma_wait3A_229 = arith.constant 0 : i32
        %dma_wait3A_230 = tpu.memref_slice %arg12[%mul3A_224, %dma_wait3A_229] : memref<10000x128xf32, #tpu.memory_space<vmem_shared>> -> memref<80x128xf32, #tpu.memory_space<vmem_shared>>
        %dma_wait3A_231 = arith.constant 0 : i32
        %dma_wait3A_232 = tpu.memref_slice %arg12[%mul3A_224, %dma_wait3A_231] : memref<10000x128xf32, #tpu.memory_space<vmem_shared>> -> memref<80x128xf32, #tpu.memory_space<vmem_shared>>
        tpu.wait_dma2 semaphore(%run_scoped3A : memref<!tpu.dma_semaphore, #tpu.memory_space<semaphore_mem>>) src(%arg8 : memref<80x128xf32, #tpu.memory_space<vmem>>) dst(%dma_wait3A_232 : memref<80x128xf32, #tpu.memory_space<vmem_shared>>)
        tpu.yield
      }) : () -> ()
    } else {
    }
    %add3A_41 = arith.constant 80 : i32
    %add3A_42 = arith.addi %arg1, %add3A_41 : i32
    %lt3A_43 = arith.constant 125 : i32
    %lt3A_44 = arith.cmpi slt, %add3A_42, %lt3A_43 : i32
    %convert_element_type3A_45 = arith.extui %lt3A_44 : i1 to i32
    %cond3A_46 = arith.constant 0 : i32
    %cond3A_47 = arith.cmpi ne, %convert_element_type3A_45, %cond3A_46 : i32
    scf.if %cond3A_47 {
      %mul3A_223 = arith.constant 80 : i32
      %mul3A_224 = arith.muli %add3A_42, %mul3A_223 : i32
      "tpu.region"() ({
        %run_scoped3A = tpu.sem_alloc : memref<!tpu.dma_semaphore, #tpu.memory_space<semaphore_mem>>
        %dma_start3A_225 = arith.constant 0 : i32
        %dma_start3A_226 = tpu.memref_slice %arg12[%mul3A_224, %dma_start3A_225] : memref<10000x128xf32, #tpu.memory_space<vmem_shared>> -> memref<80x128xf32, #tpu.memory_space<vmem_shared>>
        %dma_start3A_227 = arith.constant 0 : i32
        %dma_start3A_228 = tpu.memref_slice %arg12[%mul3A_224, %dma_start3A_227] : memref<10000x128xf32, #tpu.memory_space<vmem_shared>> -> memref<80x128xf32, #tpu.memory_space<vmem_shared>>
        tpu.enqueue_dma source(%arg8 : memref<80x128xf32, #tpu.memory_space<vmem>>) target(%dma_start3A_228 : memref<80x128xf32, #tpu.memory_space<vmem_shared>>) target_semaphore(%run_scoped3A : memref<!tpu.dma_semaphore, #tpu.memory_space<semaphore_mem>>)
        %dma_wait3A_229 = arith.constant 0 : i32
        %dma_wait3A_230 = tpu.memref_slice %arg12[%mul3A_224, %dma_wait3A_229] : memref<10000x128xf32, #tpu.memory_space<vmem_shared>> -> memref<80x128xf32, #tpu.memory_space<vmem_shared>>
        %dma_wait3A_231 = arith.constant 0 : i32
        %dma_wait3A_232 = tpu.memref_slice %arg12[%mul3A_224, %dma_wait3A_231] : memref<10000x128xf32, #tpu.memory_space<vmem_shared>> -> memref<80x128xf32, #tpu.memory_space<vmem_shared>>
        tpu.wait_dma2 semaphore(%run_scoped3A : memref<!tpu.dma_semaphore, #tpu.memory_space<semaphore_mem>>) src(%arg8 : memref<80x128xf32, #tpu.memory_space<vmem>>) dst(%dma_wait3A_232 : memref<80x128xf32, #tpu.memory_space<vmem_shared>>)
        tpu.yield
      }) : () -> ()
    } else {
    }
    %add3A_48 = arith.constant 96 : i32
    %add3A_49 = arith.addi %arg1, %add3A_48 : i32
    %lt3A_50 = arith.constant 125 : i32
    %lt3A_51 = arith.cmpi slt, %add3A_49, %lt3A_50 : i32
    %convert_element_type3A_52 = arith.extui %lt3A_51 : i1 to i32
    %cond3A_53 = arith.constant 0 : i32
    %cond3A_54 = arith.cmpi ne, %convert_element_type3A_52, %cond3A_53 : i32
    scf.if %cond3A_54 {
      %mul3A_223 = arith.constant 80 : i32
      %mul3A_224 = arith.muli %add3A_49, %mul3A_223 : i32
      "tpu.region"() ({
        %run_scoped3A = tpu.sem_alloc : memref<!tpu.dma_semaphore, #tpu.memory_space<semaphore_mem>>
        %dma_start3A_225 = arith.constant 0 : i32
        %dma_start3A_226 = tpu.memref_slice %arg12[%mul3A_224, %dma_start3A_225] : memref<10000x128xf32, #tpu.memory_space<vmem_shared>> -> memref<80x128xf32, #tpu.memory_space<vmem_shared>>
        %dma_start3A_227 = arith.constant 0 : i32
        %dma_start3A_228 = tpu.memref_slice %arg12[%mul3A_224, %dma_start3A_227] : memref<10000x128xf32, #tpu.memory_space<vmem_shared>> -> memref<80x128xf32, #tpu.memory_space<vmem_shared>>
        tpu.enqueue_dma source(%arg8 : memref<80x128xf32, #tpu.memory_space<vmem>>) target(%dma_start3A_228 : memref<80x128xf32, #tpu.memory_space<vmem_shared>>) target_semaphore(%run_scoped3A : memref<!tpu.dma_semaphore, #tpu.memory_space<semaphore_mem>>)
        %dma_wait3A_229 = arith.constant 0 : i32
        %dma_wait3A_230 = tpu.memref_slice %arg12[%mul3A_224, %dma_wait3A_229] : memref<10000x128xf32, #tpu.memory_space<vmem_shared>> -> memref<80x128xf32, #tpu.memory_space<vmem_shared>>
        %dma_wait3A_231 = arith.constant 0 : i32
        %dma_wait3A_232 = tpu.memref_slice %arg12[%mul3A_224, %dma_wait3A_231] : memref<10000x128xf32, #tpu.memory_space<vmem_shared>> -> memref<80x128xf32, #tpu.memory_space<vmem_shared>>
        tpu.wait_dma2 semaphore(%run_scoped3A : memref<!tpu.dma_semaphore, #tpu.memory_space<semaphore_mem>>) src(%arg8 : memref<80x128xf32, #tpu.memory_space<vmem>>) dst(%dma_wait3A_232 : memref<80x128xf32, #tpu.memory_space<vmem_shared>>)
        tpu.yield
      }) : () -> ()
    } else {
    }
    %add3A_55 = arith.constant 112 : i32
    %add3A_56 = arith.addi %arg1, %add3A_55 : i32
    %lt3A_57 = arith.constant 125 : i32
    %lt3A_58 = arith.cmpi slt, %add3A_56, %lt3A_57 : i32
    %convert_element_type3A_59 = arith.extui %lt3A_58 : i1 to i32
    %cond3A_60 = arith.constant 0 : i32
    %cond3A_61 = arith.cmpi ne, %convert_element_type3A_59, %cond3A_60 : i32
    scf.if %cond3A_61 {
      %mul3A_223 = arith.constant 80 : i32
      %mul3A_224 = arith.muli %add3A_56, %mul3A_223 : i32
      "tpu.region"() ({
        %run_scoped3A = tpu.sem_alloc : memref<!tpu.dma_semaphore, #tpu.memory_space<semaphore_mem>>
        %dma_start3A_225 = arith.constant 0 : i32
        %dma_start3A_226 = tpu.memref_slice %arg12[%mul3A_224, %dma_start3A_225] : memref<10000x128xf32, #tpu.memory_space<vmem_shared>> -> memref<80x128xf32, #tpu.memory_space<vmem_shared>>
        %dma_start3A_227 = arith.constant 0 : i32
        %dma_start3A_228 = tpu.memref_slice %arg12[%mul3A_224, %dma_start3A_227] : memref<10000x128xf32, #tpu.memory_space<vmem_shared>> -> memref<80x128xf32, #tpu.memory_space<vmem_shared>>
        tpu.enqueue_dma source(%arg8 : memref<80x128xf32, #tpu.memory_space<vmem>>) target(%dma_start3A_228 : memref<80x128xf32, #tpu.memory_space<vmem_shared>>) target_semaphore(%run_scoped3A : memref<!tpu.dma_semaphore, #tpu.memory_space<semaphore_mem>>)
        %dma_wait3A_229 = arith.constant 0 : i32
        %dma_wait3A_230 = tpu.memref_slice %arg12[%mul3A_224, %dma_wait3A_229] : memref<10000x128xf32, #tpu.memory_space<vmem_shared>> -> memref<80x128xf32, #tpu.memory_space<vmem_shared>>
        %dma_wait3A_231 = arith.constant 0 : i32
        %dma_wait3A_232 = tpu.memref_slice %arg12[%mul3A_224, %dma_wait3A_231] : memref<10000x128xf32, #tpu.memory_space<vmem_shared>> -> memref<80x128xf32, #tpu.memory_space<vmem_shared>>
        tpu.wait_dma2 semaphore(%run_scoped3A : memref<!tpu.dma_semaphore, #tpu.memory_space<semaphore_mem>>) src(%arg8 : memref<80x128xf32, #tpu.memory_space<vmem>>) dst(%dma_wait3A_232 : memref<80x128xf32, #tpu.memory_space<vmem_shared>>)
        tpu.yield
      }) : () -> ()
    } else {
    }
    %barrier3A = arith.constant 0 : index
    tpu.barrier barrier_id(%barrier3A)
    %scan3A_62 = arith.constant 0 : i32
    %scan3A_63 = arith.constant 0 : i32
    %scan3A_64 = arith.constant 31 : i32
    %scan3A_65 = arith.addi %scan3A_63, %scan3A_64 : i32
    %scan3A_66 = arith.constant 1 : i32
    scf.for %scan3A_223 = %scan3A_63 to %scan3A_65 step %scan3A_66  : i32 {
      %mul3A_224 = arith.constant 4 : i32
      %mul3A_225 = arith.muli %mul3A_224, %scan3A_223 : i32
      %gt3A = arith.constant 0 : i32
      %gt3A_226 = arith.cmpi sgt, %scan3A_223, %gt3A : i32
      %convert_element_type3A_227 = arith.extui %gt3A_226 : i1 to i32
      %cond3A_228 = arith.constant 0 : i32
      %cond3A_229 = arith.cmpi ne, %convert_element_type3A_227, %cond3A_228 : i32
      scf.if %cond3A_229 {
        %dma_wait3A_522 = arith.constant 0 : i32
        %dma_wait3A_523 = arith.constant 0 : i32
        %dma_wait3A_524 = tpu.memref_slice %arg7[%dma_wait3A_522, %dma_wait3A_523] : memref<4x80xi32, #tpu.memory_space<vmem>> -> memref<1x80xi32, #tpu.memory_space<vmem>>
        %dma_wait3A_525 = tpu.memref_squeeze %dma_wait3A_524 : memref<1x80xi32, #tpu.memory_space<vmem>> -> memref<80xi32, #tpu.memory_space<vmem>>
        %dma_wait3A_526 = arith.constant 0 : i32
        %dma_wait3A_527 = arith.constant 0 : i32
        %dma_wait3A_528 = tpu.memref_slice %arg12[%dma_wait3A_526, %dma_wait3A_527] : memref<10000x128xf32, #tpu.memory_space<vmem_shared>> -> memref<10000x128xf32, #tpu.memory_space<vmem_shared>>
        tpu.wait_indirect_dma semaphore(%arg19 : memref<!tpu.dma_semaphore, #tpu.memory_space<semaphore_mem>>) src(%arg8 : memref<80x128xf32, #tpu.memory_space<vmem>>) dst(%dma_wait3A_528 : memref<10000x128xf32, #tpu.memory_space<vmem_shared>>)
        %dma_wait3A_529 = arith.constant 1 : i32
        %dma_wait3A_530 = arith.constant 0 : i32
        %dma_wait3A_531 = tpu.memref_slice %arg7[%dma_wait3A_529, %dma_wait3A_530] : memref<4x80xi32, #tpu.memory_space<vmem>> -> memref<1x80xi32, #tpu.memory_space<vmem>>
        %dma_wait3A_532 = tpu.memref_squeeze %dma_wait3A_531 : memref<1x80xi32, #tpu.memory_space<vmem>> -> memref<80xi32, #tpu.memory_space<vmem>>
        %dma_wait3A_533 = arith.constant 0 : i32
        %dma_wait3A_534 = arith.constant 0 : i32
        %dma_wait3A_535 = tpu.memref_slice %arg12[%dma_wait3A_533, %dma_wait3A_534] : memref<10000x128xf32, #tpu.memory_space<vmem_shared>> -> memref<10000x128xf32, #tpu.memory_space<vmem_shared>>
        tpu.wait_indirect_dma semaphore(%arg20 : memref<!tpu.dma_semaphore, #tpu.memory_space<semaphore_mem>>) src(%arg9 : memref<80x128xf32, #tpu.memory_space<vmem>>) dst(%dma_wait3A_535 : memref<10000x128xf32, #tpu.memory_space<vmem_shared>>)
        %dma_wait3A_536 = arith.constant 2 : i32
        %dma_wait3A_537 = arith.constant 0 : i32
        %dma_wait3A_538 = tpu.memref_slice %arg7[%dma_wait3A_536, %dma_wait3A_537] : memref<4x80xi32, #tpu.memory_space<vmem>> -> memref<1x80xi32, #tpu.memory_space<vmem>>
        %dma_wait3A_539 = tpu.memref_squeeze %dma_wait3A_538 : memref<1x80xi32, #tpu.memory_space<vmem>> -> memref<80xi32, #tpu.memory_space<vmem>>
        %dma_wait3A_540 = arith.constant 0 : i32
        %dma_wait3A_541 = arith.constant 0 : i32
        %dma_wait3A_542 = tpu.memref_slice %arg12[%dma_wait3A_540, %dma_wait3A_541] : memref<10000x128xf32, #tpu.memory_space<vmem_shared>> -> memref<10000x128xf32, #tpu.memory_space<vmem_shared>>
        tpu.wait_indirect_dma semaphore(%arg21 : memref<!tpu.dma_semaphore, #tpu.memory_space<semaphore_mem>>) src(%arg10 : memref<80x128xf32, #tpu.memory_space<vmem>>) dst(%dma_wait3A_542 : memref<10000x128xf32, #tpu.memory_space<vmem_shared>>)
        %dma_wait3A_543 = arith.constant 3 : i32
        %dma_wait3A_544 = arith.constant 0 : i32
        %dma_wait3A_545 = tpu.memref_slice %arg7[%dma_wait3A_543, %dma_wait3A_544] : memref<4x80xi32, #tpu.memory_space<vmem>> -> memref<1x80xi32, #tpu.memory_space<vmem>>
        %dma_wait3A_546 = tpu.memref_squeeze %dma_wait3A_545 : memref<1x80xi32, #tpu.memory_space<vmem>> -> memref<80xi32, #tpu.memory_space<vmem>>
        %dma_wait3A_547 = arith.constant 0 : i32
        %dma_wait3A_548 = arith.constant 0 : i32
        %dma_wait3A_549 = tpu.memref_slice %arg12[%dma_wait3A_547, %dma_wait3A_548] : memref<10000x128xf32, #tpu.memory_space<vmem_shared>> -> memref<10000x128xf32, #tpu.memory_space<vmem_shared>>
        tpu.wait_indirect_dma semaphore(%arg22 : memref<!tpu.dma_semaphore, #tpu.memory_space<semaphore_mem>>) src(%arg11 : memref<80x128xf32, #tpu.memory_space<vmem>>) dst(%dma_wait3A_549 : memref<10000x128xf32, #tpu.memory_space<vmem_shared>>)
      } else {
      }
      %add3A_230 = arith.constant 0 : i32
      %add3A_231 = arith.addi %mul3A_225, %add3A_230 : i32
      %mul3A_232 = arith.constant 80 : i32
      %mul3A_233 = arith.muli %add3A_231, %mul3A_232 : i32
      %add3A_234 = arith.addi %mul3A_2, %mul3A_233 : i32
      %dma_start3A_235 = arith.constant 0 : i32
      %dma_start3A_236 = arith.constant 0 : i32
      %dma_start3A_237 = tpu.memref_slice %arg6[%dma_start3A_235, %dma_start3A_236] : memref<4x80xi32, #tpu.memory_space<vmem>> -> memref<1x80xi32, #tpu.memory_space<vmem>>
      %dma_start3A_238 = tpu.memref_squeeze %dma_start3A_237 : memref<1x80xi32, #tpu.memory_space<vmem>> -> memref<80xi32, #tpu.memory_space<vmem>>
      %dma_start3A_239 = tpu.memref_slice %arg3[%add3A_234] : memref<320000xi32, #tpu.memory_space<hbm>> -> memref<80xi32, #tpu.memory_space<hbm>>
      %dma_start3A_240 = arith.constant 0 : i32
      %dma_start3A_241 = tpu.memref_slice %arg6[%dma_start3A_235, %dma_start3A_240] : memref<4x80xi32, #tpu.memory_space<vmem>> -> memref<1x80xi32, #tpu.memory_space<vmem>>
      %dma_start3A_242 = tpu.memref_squeeze %dma_start3A_241 : memref<1x80xi32, #tpu.memory_space<vmem>> -> memref<80xi32, #tpu.memory_space<vmem>>
      %dma_start3A_243 = tpu.memref_slice %arg3[%add3A_234] : memref<320000xi32, #tpu.memory_space<hbm>> -> memref<80xi32, #tpu.memory_space<hbm>>
      tpu.enqueue_dma source(%dma_start3A_243 : memref<80xi32, #tpu.memory_space<hbm>>) target(%dma_start3A_242 : memref<80xi32, #tpu.memory_space<vmem>>) target_semaphore(%arg17 : memref<!tpu.dma_semaphore, #tpu.memory_space<semaphore_mem>>)
      %mul3A_244 = arith.constant 80 : i32
      %mul3A_245 = arith.muli %add3A_231, %mul3A_244 : i32
      %add3A_246 = arith.addi %mul3A_2, %mul3A_245 : i32
      %dma_start3A_247 = arith.constant 0 : i32
      %dma_start3A_248 = arith.constant 0 : i32
      %dma_start3A_249 = tpu.memref_slice %arg7[%dma_start3A_247, %dma_start3A_248] : memref<4x80xi32, #tpu.memory_space<vmem>> -> memref<1x80xi32, #tpu.memory_space<vmem>>
      %dma_start3A_250 = tpu.memref_squeeze %dma_start3A_249 : memref<1x80xi32, #tpu.memory_space<vmem>> -> memref<80xi32, #tpu.memory_space<vmem>>
      %dma_start3A_251 = tpu.memref_slice %arg4[%add3A_246] : memref<320000xi32, #tpu.memory_space<hbm>> -> memref<80xi32, #tpu.memory_space<hbm>>
      %dma_start3A_252 = arith.constant 0 : i32
      %dma_start3A_253 = tpu.memref_slice %arg7[%dma_start3A_247, %dma_start3A_252] : memref<4x80xi32, #tpu.memory_space<vmem>> -> memref<1x80xi32, #tpu.memory_space<vmem>>
      %dma_start3A_254 = tpu.memref_squeeze %dma_start3A_253 : memref<1x80xi32, #tpu.memory_space<vmem>> -> memref<80xi32, #tpu.memory_space<vmem>>
      %dma_start3A_255 = tpu.memref_slice %arg4[%add3A_246] : memref<320000xi32, #tpu.memory_space<hbm>> -> memref<80xi32, #tpu.memory_space<hbm>>
      tpu.enqueue_dma source(%dma_start3A_255 : memref<80xi32, #tpu.memory_space<hbm>>) target(%dma_start3A_254 : memref<80xi32, #tpu.memory_space<vmem>>) target_semaphore(%arg18 : memref<!tpu.dma_semaphore, #tpu.memory_space<semaphore_mem>>)
      %add3A_256 = arith.constant 1 : i32
      %add3A_257 = arith.addi %mul3A_225, %add3A_256 : i32
      %mul3A_258 = arith.constant 80 : i32
      %mul3A_259 = arith.muli %add3A_257, %mul3A_258 : i32
      %add3A_260 = arith.addi %mul3A_2, %mul3A_259 : i32
      %dma_start3A_261 = arith.constant 1 : i32
      %dma_start3A_262 = arith.constant 0 : i32
      %dma_start3A_263 = tpu.memref_slice %arg6[%dma_start3A_261, %dma_start3A_262] : memref<4x80xi32, #tpu.memory_space<vmem>> -> memref<1x80xi32, #tpu.memory_space<vmem>>
      %dma_start3A_264 = tpu.memref_squeeze %dma_start3A_263 : memref<1x80xi32, #tpu.memory_space<vmem>> -> memref<80xi32, #tpu.memory_space<vmem>>
      %dma_start3A_265 = tpu.memref_slice %arg3[%add3A_260] : memref<320000xi32, #tpu.memory_space<hbm>> -> memref<80xi32, #tpu.memory_space<hbm>>
      %dma_start3A_266 = arith.constant 0 : i32
      %dma_start3A_267 = tpu.memref_slice %arg6[%dma_start3A_261, %dma_start3A_266] : memref<4x80xi32, #tpu.memory_space<vmem>> -> memref<1x80xi32, #tpu.memory_space<vmem>>
      %dma_start3A_268 = tpu.memref_squeeze %dma_start3A_267 : memref<1x80xi32, #tpu.memory_space<vmem>> -> memref<80xi32, #tpu.memory_space<vmem>>
      %dma_start3A_269 = tpu.memref_slice %arg3[%add3A_260] : memref<320000xi32, #tpu.memory_space<hbm>> -> memref<80xi32, #tpu.memory_space<hbm>>
      tpu.enqueue_dma source(%dma_start3A_269 : memref<80xi32, #tpu.memory_space<hbm>>) target(%dma_start3A_268 : memref<80xi32, #tpu.memory_space<vmem>>) target_semaphore(%arg17 : memref<!tpu.dma_semaphore, #tpu.memory_space<semaphore_mem>>)
      %mul3A_270 = arith.constant 80 : i32
      %mul3A_271 = arith.muli %add3A_257, %mul3A_270 : i32
      %add3A_272 = arith.addi %mul3A_2, %mul3A_271 : i32
      %dma_start3A_273 = arith.constant 1 : i32
      %dma_start3A_274 = arith.constant 0 : i32
      %dma_start3A_275 = tpu.memref_slice %arg7[%dma_start3A_273, %dma_start3A_274] : memref<4x80xi32, #tpu.memory_space<vmem>> -> memref<1x80xi32, #tpu.memory_space<vmem>>
      %dma_start3A_276 = tpu.memref_squeeze %dma_start3A_275 : memref<1x80xi32, #tpu.memory_space<vmem>> -> memref<80xi32, #tpu.memory_space<vmem>>
      %dma_start3A_277 = tpu.memref_slice %arg4[%add3A_272] : memref<320000xi32, #tpu.memory_space<hbm>> -> memref<80xi32, #tpu.memory_space<hbm>>
      %dma_start3A_278 = arith.constant 0 : i32
      %dma_start3A_279 = tpu.memref_slice %arg7[%dma_start3A_273, %dma_start3A_278] : memref<4x80xi32, #tpu.memory_space<vmem>> -> memref<1x80xi32, #tpu.memory_space<vmem>>
      %dma_start3A_280 = tpu.memref_squeeze %dma_start3A_279 : memref<1x80xi32, #tpu.memory_space<vmem>> -> memref<80xi32, #tpu.memory_space<vmem>>
      %dma_start3A_281 = tpu.memref_slice %arg4[%add3A_272] : memref<320000xi32, #tpu.memory_space<hbm>> -> memref<80xi32, #tpu.memory_space<hbm>>
      tpu.enqueue_dma source(%dma_start3A_281 : memref<80xi32, #tpu.memory_space<hbm>>) target(%dma_start3A_280 : memref<80xi32, #tpu.memory_space<vmem>>) target_semaphore(%arg18 : memref<!tpu.dma_semaphore, #tpu.memory_space<semaphore_mem>>)
      %add3A_282 = arith.constant 2 : i32
      %add3A_283 = arith.addi %mul3A_225, %add3A_282 : i32
      %mul3A_284 = arith.constant 80 : i32
      %mul3A_285 = arith.muli %add3A_283, %mul3A_284 : i32
      %add3A_286 = arith.addi %mul3A_2, %mul3A_285 : i32
      %dma_start3A_287 = arith.constant 2 : i32
      %dma_start3A_288 = arith.constant 0 : i32
      %dma_start3A_289 = tpu.memref_slice %arg6[%dma_start3A_287, %dma_start3A_288] : memref<4x80xi32, #tpu.memory_space<vmem>> -> memref<1x80xi32, #tpu.memory_space<vmem>>
      %dma_start3A_290 = tpu.memref_squeeze %dma_start3A_289 : memref<1x80xi32, #tpu.memory_space<vmem>> -> memref<80xi32, #tpu.memory_space<vmem>>
      %dma_start3A_291 = tpu.memref_slice %arg3[%add3A_286] : memref<320000xi32, #tpu.memory_space<hbm>> -> memref<80xi32, #tpu.memory_space<hbm>>
      %dma_start3A_292 = arith.constant 0 : i32
      %dma_start3A_293 = tpu.memref_slice %arg6[%dma_start3A_287, %dma_start3A_292] : memref<4x80xi32, #tpu.memory_space<vmem>> -> memref<1x80xi32, #tpu.memory_space<vmem>>
      %dma_start3A_294 = tpu.memref_squeeze %dma_start3A_293 : memref<1x80xi32, #tpu.memory_space<vmem>> -> memref<80xi32, #tpu.memory_space<vmem>>
      %dma_start3A_295 = tpu.memref_slice %arg3[%add3A_286] : memref<320000xi32, #tpu.memory_space<hbm>> -> memref<80xi32, #tpu.memory_space<hbm>>
      tpu.enqueue_dma source(%dma_start3A_295 : memref<80xi32, #tpu.memory_space<hbm>>) target(%dma_start3A_294 : memref<80xi32, #tpu.memory_space<vmem>>) target_semaphore(%arg17 : memref<!tpu.dma_semaphore, #tpu.memory_space<semaphore_mem>>)
      %mul3A_296 = arith.constant 80 : i32
      %mul3A_297 = arith.muli %add3A_283, %mul3A_296 : i32
      %add3A_298 = arith.addi %mul3A_2, %mul3A_297 : i32
      %dma_start3A_299 = arith.constant 2 : i32
      %dma_start3A_300 = arith.constant 0 : i32
      %dma_start3A_301 = tpu.memref_slice %arg7[%dma_start3A_299, %dma_start3A_300] : memref<4x80xi32, #tpu.memory_space<vmem>> -> memref<1x80xi32, #tpu.memory_space<vmem>>
      %dma_start3A_302 = tpu.memref_squeeze %dma_start3A_301 : memref<1x80xi32, #tpu.memory_space<vmem>> -> memref<80xi32, #tpu.memory_space<vmem>>
      %dma_start3A_303 = tpu.memref_slice %arg4[%add3A_298] : memref<320000xi32, #tpu.memory_space<hbm>> -> memref<80xi32, #tpu.memory_space<hbm>>
      %dma_start3A_304 = arith.constant 0 : i32
      %dma_start3A_305 = tpu.memref_slice %arg7[%dma_start3A_299, %dma_start3A_304] : memref<4x80xi32, #tpu.memory_space<vmem>> -> memref<1x80xi32, #tpu.memory_space<vmem>>
      %dma_start3A_306 = tpu.memref_squeeze %dma_start3A_305 : memref<1x80xi32, #tpu.memory_space<vmem>> -> memref<80xi32, #tpu.memory_space<vmem>>
      %dma_start3A_307 = tpu.memref_slice %arg4[%add3A_298] : memref<320000xi32, #tpu.memory_space<hbm>> -> memref<80xi32, #tpu.memory_space<hbm>>
      tpu.enqueue_dma source(%dma_start3A_307 : memref<80xi32, #tpu.memory_space<hbm>>) target(%dma_start3A_306 : memref<80xi32, #tpu.memory_space<vmem>>) target_semaphore(%arg18 : memref<!tpu.dma_semaphore, #tpu.memory_space<semaphore_mem>>)
      %add3A_308 = arith.constant 3 : i32
      %add3A_309 = arith.addi %mul3A_225, %add3A_308 : i32
      %mul3A_310 = arith.constant 80 : i32
      %mul3A_311 = arith.muli %add3A_309, %mul3A_310 : i32
      %add3A_312 = arith.addi %mul3A_2, %mul3A_311 : i32
      %dma_start3A_313 = arith.constant 3 : i32
      %dma_start3A_314 = arith.constant 0 : i32
      %dma_start3A_315 = tpu.memref_slice %arg6[%dma_start3A_313, %dma_start3A_314] : memref<4x80xi32, #tpu.memory_space<vmem>> -> memref<1x80xi32, #tpu.memory_space<vmem>>
      %dma_start3A_316 = tpu.memref_squeeze %dma_start3A_315 : memref<1x80xi32, #tpu.memory_space<vmem>> -> memref<80xi32, #tpu.memory_space<vmem>>
      %dma_start3A_317 = tpu.memref_slice %arg3[%add3A_312] : memref<320000xi32, #tpu.memory_space<hbm>> -> memref<80xi32, #tpu.memory_space<hbm>>
      %dma_start3A_318 = arith.constant 0 : i32
      %dma_start3A_319 = tpu.memref_slice %arg6[%dma_start3A_313, %dma_start3A_318] : memref<4x80xi32, #tpu.memory_space<vmem>> -> memref<1x80xi32, #tpu.memory_space<vmem>>
      %dma_start3A_320 = tpu.memref_squeeze %dma_start3A_319 : memref<1x80xi32, #tpu.memory_space<vmem>> -> memref<80xi32, #tpu.memory_space<vmem>>
      %dma_start3A_321 = tpu.memref_slice %arg3[%add3A_312] : memref<320000xi32, #tpu.memory_space<hbm>> -> memref<80xi32, #tpu.memory_space<hbm>>
      tpu.enqueue_dma source(%dma_start3A_321 : memref<80xi32, #tpu.memory_space<hbm>>) target(%dma_start3A_320 : memref<80xi32, #tpu.memory_space<vmem>>) target_semaphore(%arg17 : memref<!tpu.dma_semaphore, #tpu.memory_space<semaphore_mem>>)
      %mul3A_322 = arith.constant 80 : i32
      %mul3A_323 = arith.muli %add3A_309, %mul3A_322 : i32
      %add3A_324 = arith.addi %mul3A_2, %mul3A_323 : i32
      %dma_start3A_325 = arith.constant 3 : i32
      %dma_start3A_326 = arith.constant 0 : i32
      %dma_start3A_327 = tpu.memref_slice %arg7[%dma_start3A_325, %dma_start3A_326] : memref<4x80xi32, #tpu.memory_space<vmem>> -> memref<1x80xi32, #tpu.memory_space<vmem>>
      %dma_start3A_328 = tpu.memref_squeeze %dma_start3A_327 : memref<1x80xi32, #tpu.memory_space<vmem>> -> memref<80xi32, #tpu.memory_space<vmem>>
      %dma_start3A_329 = tpu.memref_slice %arg4[%add3A_324] : memref<320000xi32, #tpu.memory_space<hbm>> -> memref<80xi32, #tpu.memory_space<hbm>>
      %dma_start3A_330 = arith.constant 0 : i32
      %dma_start3A_331 = tpu.memref_slice %arg7[%dma_start3A_325, %dma_start3A_330] : memref<4x80xi32, #tpu.memory_space<vmem>> -> memref<1x80xi32, #tpu.memory_space<vmem>>
      %dma_start3A_332 = tpu.memref_squeeze %dma_start3A_331 : memref<1x80xi32, #tpu.memory_space<vmem>> -> memref<80xi32, #tpu.memory_space<vmem>>
      %dma_start3A_333 = tpu.memref_slice %arg4[%add3A_324] : memref<320000xi32, #tpu.memory_space<hbm>> -> memref<80xi32, #tpu.memory_space<hbm>>
      tpu.enqueue_dma source(%dma_start3A_333 : memref<80xi32, #tpu.memory_space<hbm>>) target(%dma_start3A_332 : memref<80xi32, #tpu.memory_space<vmem>>) target_semaphore(%arg18 : memref<!tpu.dma_semaphore, #tpu.memory_space<semaphore_mem>>)
      %add3A_334 = arith.constant 0 : i32
      %add3A_335 = arith.addi %mul3A_225, %add3A_334 : i32
      %mul3A_336 = arith.constant 80 : i32
      %mul3A_337 = arith.muli %add3A_335, %mul3A_336 : i32
      %add3A_338 = arith.addi %mul3A_2, %mul3A_337 : i32
      %dma_wait3A_339 = arith.constant 0 : i32
      %dma_wait3A_340 = arith.constant 0 : i32
      %dma_wait3A_341 = tpu.memref_slice %arg6[%dma_wait3A_339, %dma_wait3A_340] : memref<4x80xi32, #tpu.memory_space<vmem>> -> memref<1x80xi32, #tpu.memory_space<vmem>>
      %dma_wait3A_342 = tpu.memref_squeeze %dma_wait3A_341 : memref<1x80xi32, #tpu.memory_space<vmem>> -> memref<80xi32, #tpu.memory_space<vmem>>
      %dma_wait3A_343 = tpu.memref_slice %arg3[%add3A_338] : memref<320000xi32, #tpu.memory_space<hbm>> -> memref<80xi32, #tpu.memory_space<hbm>>
      %dma_wait3A_344 = arith.constant 0 : i32
      %dma_wait3A_345 = tpu.memref_slice %arg6[%dma_wait3A_339, %dma_wait3A_344] : memref<4x80xi32, #tpu.memory_space<vmem>> -> memref<1x80xi32, #tpu.memory_space<vmem>>
      %dma_wait3A_346 = tpu.memref_squeeze %dma_wait3A_345 : memref<1x80xi32, #tpu.memory_space<vmem>> -> memref<80xi32, #tpu.memory_space<vmem>>
      %dma_wait3A_347 = tpu.memref_slice %arg3[%add3A_338] : memref<320000xi32, #tpu.memory_space<hbm>> -> memref<80xi32, #tpu.memory_space<hbm>>
      tpu.wait_dma2 semaphore(%arg17 : memref<!tpu.dma_semaphore, #tpu.memory_space<semaphore_mem>>) src(%dma_wait3A_347 : memref<80xi32, #tpu.memory_space<hbm>>) dst(%dma_wait3A_346 : memref<80xi32, #tpu.memory_space<vmem>>)
      %mul3A_348 = arith.constant 80 : i32
      %mul3A_349 = arith.muli %add3A_335, %mul3A_348 : i32
      %add3A_350 = arith.addi %mul3A_2, %mul3A_349 : i32
      %dma_wait3A_351 = arith.constant 0 : i32
      %dma_wait3A_352 = arith.constant 0 : i32
      %dma_wait3A_353 = tpu.memref_slice %arg7[%dma_wait3A_351, %dma_wait3A_352] : memref<4x80xi32, #tpu.memory_space<vmem>> -> memref<1x80xi32, #tpu.memory_space<vmem>>
      %dma_wait3A_354 = tpu.memref_squeeze %dma_wait3A_353 : memref<1x80xi32, #tpu.memory_space<vmem>> -> memref<80xi32, #tpu.memory_space<vmem>>
      %dma_wait3A_355 = tpu.memref_slice %arg4[%add3A_350] : memref<320000xi32, #tpu.memory_space<hbm>> -> memref<80xi32, #tpu.memory_space<hbm>>
      %dma_wait3A_356 = arith.constant 0 : i32
      %dma_wait3A_357 = tpu.memref_slice %arg7[%dma_wait3A_351, %dma_wait3A_356] : memref<4x80xi32, #tpu.memory_space<vmem>> -> memref<1x80xi32, #tpu.memory_space<vmem>>
      %dma_wait3A_358 = tpu.memref_squeeze %dma_wait3A_357 : memref<1x80xi32, #tpu.memory_space<vmem>> -> memref<80xi32, #tpu.memory_space<vmem>>
      %dma_wait3A_359 = tpu.memref_slice %arg4[%add3A_350] : memref<320000xi32, #tpu.memory_space<hbm>> -> memref<80xi32, #tpu.memory_space<hbm>>
      tpu.wait_dma2 semaphore(%arg18 : memref<!tpu.dma_semaphore, #tpu.memory_space<semaphore_mem>>) src(%dma_wait3A_359 : memref<80xi32, #tpu.memory_space<hbm>>) dst(%dma_wait3A_358 : memref<80xi32, #tpu.memory_space<vmem>>)
      %dma_start3A_360 = arith.constant 0 : i32
      %dma_start3A_361 = arith.constant 0 : i32
      %dma_start3A_362 = tpu.memref_slice %arg6[%dma_start3A_360, %dma_start3A_361] : memref<4x80xi32, #tpu.memory_space<vmem>> -> memref<1x80xi32, #tpu.memory_space<vmem>>
      %dma_start3A_363 = tpu.memref_squeeze %dma_start3A_362 : memref<1x80xi32, #tpu.memory_space<vmem>> -> memref<80xi32, #tpu.memory_space<vmem>>
      %dma_start3A_364 = arith.constant 0 : i32
      %dma_start3A_365 = arith.constant 0 : i32
      %dma_start3A_366 = tpu.memref_slice %arg2[%dma_start3A_364, %dma_start3A_365] : memref<10000x128xf32, #tpu.memory_space<hbm>> -> memref<10000x128xf32, #tpu.memory_space<hbm>>
      tpu.enqueue_indirect_dma source(%dma_start3A_366 : memref<10000x128xf32, #tpu.memory_space<hbm>>) target(%arg8 : memref<80x128xf32, #tpu.memory_space<vmem>>) offsets(%dma_start3A_363 : memref<80xi32, #tpu.memory_space<vmem>>) semaphore(%arg13 : memref<!tpu.dma_semaphore, #tpu.memory_space<semaphore_mem>>)
      %add3A_367 = arith.constant 1 : i32
      %add3A_368 = arith.addi %mul3A_225, %add3A_367 : i32
      %mul3A_369 = arith.constant 80 : i32
      %mul3A_370 = arith.muli %add3A_368, %mul3A_369 : i32
      %add3A_371 = arith.addi %mul3A_2, %mul3A_370 : i32
      %dma_wait3A_372 = arith.constant 1 : i32
      %dma_wait3A_373 = arith.constant 0 : i32
      %dma_wait3A_374 = tpu.memref_slice %arg6[%dma_wait3A_372, %dma_wait3A_373] : memref<4x80xi32, #tpu.memory_space<vmem>> -> memref<1x80xi32, #tpu.memory_space<vmem>>
      %dma_wait3A_375 = tpu.memref_squeeze %dma_wait3A_374 : memref<1x80xi32, #tpu.memory_space<vmem>> -> memref<80xi32, #tpu.memory_space<vmem>>
      %dma_wait3A_376 = tpu.memref_slice %arg3[%add3A_371] : memref<320000xi32, #tpu.memory_space<hbm>> -> memref<80xi32, #tpu.memory_space<hbm>>
      %dma_wait3A_377 = arith.constant 0 : i32
      %dma_wait3A_378 = tpu.memref_slice %arg6[%dma_wait3A_372, %dma_wait3A_377] : memref<4x80xi32, #tpu.memory_space<vmem>> -> memref<1x80xi32, #tpu.memory_space<vmem>>
      %dma_wait3A_379 = tpu.memref_squeeze %dma_wait3A_378 : memref<1x80xi32, #tpu.memory_space<vmem>> -> memref<80xi32, #tpu.memory_space<vmem>>
      %dma_wait3A_380 = tpu.memref_slice %arg3[%add3A_371] : memref<320000xi32, #tpu.memory_space<hbm>> -> memref<80xi32, #tpu.memory_space<hbm>>
      tpu.wait_dma2 semaphore(%arg17 : memref<!tpu.dma_semaphore, #tpu.memory_space<semaphore_mem>>) src(%dma_wait3A_380 : memref<80xi32, #tpu.memory_space<hbm>>) dst(%dma_wait3A_379 : memref<80xi32, #tpu.memory_space<vmem>>)
      %mul3A_381 = arith.constant 80 : i32
      %mul3A_382 = arith.muli %add3A_368, %mul3A_381 : i32
      %add3A_383 = arith.addi %mul3A_2, %mul3A_382 : i32
      %dma_wait3A_384 = arith.constant 1 : i32
      %dma_wait3A_385 = arith.constant 0 : i32
      %dma_wait3A_386 = tpu.memref_slice %arg7[%dma_wait3A_384, %dma_wait3A_385] : memref<4x80xi32, #tpu.memory_space<vmem>> -> memref<1x80xi32, #tpu.memory_space<vmem>>
      %dma_wait3A_387 = tpu.memref_squeeze %dma_wait3A_386 : memref<1x80xi32, #tpu.memory_space<vmem>> -> memref<80xi32, #tpu.memory_space<vmem>>
      %dma_wait3A_388 = tpu.memref_slice %arg4[%add3A_383] : memref<320000xi32, #tpu.memory_space<hbm>> -> memref<80xi32, #tpu.memory_space<hbm>>
      %dma_wait3A_389 = arith.constant 0 : i32
      %dma_wait3A_390 = tpu.memref_slice %arg7[%dma_wait3A_384, %dma_wait3A_389] : memref<4x80xi32, #tpu.memory_space<vmem>> -> memref<1x80xi32, #tpu.memory_space<vmem>>
      %dma_wait3A_391 = tpu.memref_squeeze %dma_wait3A_390 : memref<1x80xi32, #tpu.memory_space<vmem>> -> memref<80xi32, #tpu.memory_space<vmem>>
      %dma_wait3A_392 = tpu.memref_slice %arg4[%add3A_383] : memref<320000xi32, #tpu.memory_space<hbm>> -> memref<80xi32, #tpu.memory_space<hbm>>
      tpu.wait_dma2 semaphore(%arg18 : memref<!tpu.dma_semaphore, #tpu.memory_space<semaphore_mem>>) src(%dma_wait3A_392 : memref<80xi32, #tpu.memory_space<hbm>>) dst(%dma_wait3A_391 : memref<80xi32, #tpu.memory_space<vmem>>)
      %dma_start3A_393 = arith.constant 1 : i32
      %dma_start3A_394 = arith.constant 0 : i32
      %dma_start3A_395 = tpu.memref_slice %arg6[%dma_start3A_393, %dma_start3A_394] : memref<4x80xi32, #tpu.memory_space<vmem>> -> memref<1x80xi32, #tpu.memory_space<vmem>>
      %dma_start3A_396 = tpu.memref_squeeze %dma_start3A_395 : memref<1x80xi32, #tpu.memory_space<vmem>> -> memref<80xi32, #tpu.memory_space<vmem>>
      %dma_start3A_397 = arith.constant 0 : i32
      %dma_start3A_398 = arith.constant 0 : i32
      %dma_start3A_399 = tpu.memref_slice %arg2[%dma_start3A_397, %dma_start3A_398] : memref<10000x128xf32, #tpu.memory_space<hbm>> -> memref<10000x128xf32, #tpu.memory_space<hbm>>
      tpu.enqueue_indirect_dma source(%dma_start3A_399 : memref<10000x128xf32, #tpu.memory_space<hbm>>) target(%arg9 : memref<80x128xf32, #tpu.memory_space<vmem>>) offsets(%dma_start3A_396 : memref<80xi32, #tpu.memory_space<vmem>>) semaphore(%arg14 : memref<!tpu.dma_semaphore, #tpu.memory_space<semaphore_mem>>)
      %add3A_400 = arith.constant 2 : i32
      %add3A_401 = arith.addi %mul3A_225, %add3A_400 : i32
      %mul3A_402 = arith.constant 80 : i32
      %mul3A_403 = arith.muli %add3A_401, %mul3A_402 : i32
      %add3A_404 = arith.addi %mul3A_2, %mul3A_403 : i32
      %dma_wait3A_405 = arith.constant 2 : i32
      %dma_wait3A_406 = arith.constant 0 : i32
      %dma_wait3A_407 = tpu.memref_slice %arg6[%dma_wait3A_405, %dma_wait3A_406] : memref<4x80xi32, #tpu.memory_space<vmem>> -> memref<1x80xi32, #tpu.memory_space<vmem>>
      %dma_wait3A_408 = tpu.memref_squeeze %dma_wait3A_407 : memref<1x80xi32, #tpu.memory_space<vmem>> -> memref<80xi32, #tpu.memory_space<vmem>>
      %dma_wait3A_409 = tpu.memref_slice %arg3[%add3A_404] : memref<320000xi32, #tpu.memory_space<hbm>> -> memref<80xi32, #tpu.memory_space<hbm>>
      %dma_wait3A_410 = arith.constant 0 : i32
      %dma_wait3A_411 = tpu.memref_slice %arg6[%dma_wait3A_405, %dma_wait3A_410] : memref<4x80xi32, #tpu.memory_space<vmem>> -> memref<1x80xi32, #tpu.memory_space<vmem>>
      %dma_wait3A_412 = tpu.memref_squeeze %dma_wait3A_411 : memref<1x80xi32, #tpu.memory_space<vmem>> -> memref<80xi32, #tpu.memory_space<vmem>>
      %dma_wait3A_413 = tpu.memref_slice %arg3[%add3A_404] : memref<320000xi32, #tpu.memory_space<hbm>> -> memref<80xi32, #tpu.memory_space<hbm>>
      tpu.wait_dma2 semaphore(%arg17 : memref<!tpu.dma_semaphore, #tpu.memory_space<semaphore_mem>>) src(%dma_wait3A_413 : memref<80xi32, #tpu.memory_space<hbm>>) dst(%dma_wait3A_412 : memref<80xi32, #tpu.memory_space<vmem>>)
      %mul3A_414 = arith.constant 80 : i32
      %mul3A_415 = arith.muli %add3A_401, %mul3A_414 : i32
      %add3A_416 = arith.addi %mul3A_2, %mul3A_415 : i32
      %dma_wait3A_417 = arith.constant 2 : i32
      %dma_wait3A_418 = arith.constant 0 : i32
      %dma_wait3A_419 = tpu.memref_slice %arg7[%dma_wait3A_417, %dma_wait3A_418] : memref<4x80xi32, #tpu.memory_space<vmem>> -> memref<1x80xi32, #tpu.memory_space<vmem>>
      %dma_wait3A_420 = tpu.memref_squeeze %dma_wait3A_419 : memref<1x80xi32, #tpu.memory_space<vmem>> -> memref<80xi32, #tpu.memory_space<vmem>>
      %dma_wait3A_421 = tpu.memref_slice %arg4[%add3A_416] : memref<320000xi32, #tpu.memory_space<hbm>> -> memref<80xi32, #tpu.memory_space<hbm>>
      %dma_wait3A_422 = arith.constant 0 : i32
      %dma_wait3A_423 = tpu.memref_slice %arg7[%dma_wait3A_417, %dma_wait3A_422] : memref<4x80xi32, #tpu.memory_space<vmem>> -> memref<1x80xi32, #tpu.memory_space<vmem>>
      %dma_wait3A_424 = tpu.memref_squeeze %dma_wait3A_423 : memref<1x80xi32, #tpu.memory_space<vmem>> -> memref<80xi32, #tpu.memory_space<vmem>>
      %dma_wait3A_425 = tpu.memref_slice %arg4[%add3A_416] : memref<320000xi32, #tpu.memory_space<hbm>> -> memref<80xi32, #tpu.memory_space<hbm>>
      tpu.wait_dma2 semaphore(%arg18 : memref<!tpu.dma_semaphore, #tpu.memory_space<semaphore_mem>>) src(%dma_wait3A_425 : memref<80xi32, #tpu.memory_space<hbm>>) dst(%dma_wait3A_424 : memref<80xi32, #tpu.memory_space<vmem>>)
      %dma_start3A_426 = arith.constant 2 : i32
      %dma_start3A_427 = arith.constant 0 : i32
      %dma_start3A_428 = tpu.memref_slice %arg6[%dma_start3A_426, %dma_start3A_427] : memref<4x80xi32, #tpu.memory_space<vmem>> -> memref<1x80xi32, #tpu.memory_space<vmem>>
      %dma_start3A_429 = tpu.memref_squeeze %dma_start3A_428 : memref<1x80xi32, #tpu.memory_space<vmem>> -> memref<80xi32, #tpu.memory_space<vmem>>
      %dma_start3A_430 = arith.constant 0 : i32
      %dma_start3A_431 = arith.constant 0 : i32
      %dma_start3A_432 = tpu.memref_slice %arg2[%dma_start3A_430, %dma_start3A_431] : memref<10000x128xf32, #tpu.memory_space<hbm>> -> memref<10000x128xf32, #tpu.memory_space<hbm>>
      tpu.enqueue_indirect_dma source(%dma_start3A_432 : memref<10000x128xf32, #tpu.memory_space<hbm>>) target(%arg10 : memref<80x128xf32, #tpu.memory_space<vmem>>) offsets(%dma_start3A_429 : memref<80xi32, #tpu.memory_space<vmem>>) semaphore(%arg15 : memref<!tpu.dma_semaphore, #tpu.memory_space<semaphore_mem>>)
      %add3A_433 = arith.constant 3 : i32
      %add3A_434 = arith.addi %mul3A_225, %add3A_433 : i32
      %mul3A_435 = arith.constant 80 : i32
      %mul3A_436 = arith.muli %add3A_434, %mul3A_435 : i32
      %add3A_437 = arith.addi %mul3A_2, %mul3A_436 : i32
      %dma_wait3A_438 = arith.constant 3 : i32
      %dma_wait3A_439 = arith.constant 0 : i32
      %dma_wait3A_440 = tpu.memref_slice %arg6[%dma_wait3A_438, %dma_wait3A_439] : memref<4x80xi32, #tpu.memory_space<vmem>> -> memref<1x80xi32, #tpu.memory_space<vmem>>
      %dma_wait3A_441 = tpu.memref_squeeze %dma_wait3A_440 : memref<1x80xi32, #tpu.memory_space<vmem>> -> memref<80xi32, #tpu.memory_space<vmem>>
      %dma_wait3A_442 = tpu.memref_slice %arg3[%add3A_437] : memref<320000xi32, #tpu.memory_space<hbm>> -> memref<80xi32, #tpu.memory_space<hbm>>
      %dma_wait3A_443 = arith.constant 0 : i32
      %dma_wait3A_444 = tpu.memref_slice %arg6[%dma_wait3A_438, %dma_wait3A_443] : memref<4x80xi32, #tpu.memory_space<vmem>> -> memref<1x80xi32, #tpu.memory_space<vmem>>
      %dma_wait3A_445 = tpu.memref_squeeze %dma_wait3A_444 : memref<1x80xi32, #tpu.memory_space<vmem>> -> memref<80xi32, #tpu.memory_space<vmem>>
      %dma_wait3A_446 = tpu.memref_slice %arg3[%add3A_437] : memref<320000xi32, #tpu.memory_space<hbm>> -> memref<80xi32, #tpu.memory_space<hbm>>
      tpu.wait_dma2 semaphore(%arg17 : memref<!tpu.dma_semaphore, #tpu.memory_space<semaphore_mem>>) src(%dma_wait3A_446 : memref<80xi32, #tpu.memory_space<hbm>>) dst(%dma_wait3A_445 : memref<80xi32, #tpu.memory_space<vmem>>)
      %mul3A_447 = arith.constant 80 : i32
      %mul3A_448 = arith.muli %add3A_434, %mul3A_447 : i32
      %add3A_449 = arith.addi %mul3A_2, %mul3A_448 : i32
      %dma_wait3A_450 = arith.constant 3 : i32
      %dma_wait3A_451 = arith.constant 0 : i32
      %dma_wait3A_452 = tpu.memref_slice %arg7[%dma_wait3A_450, %dma_wait3A_451] : memref<4x80xi32, #tpu.memory_space<vmem>> -> memref<1x80xi32, #tpu.memory_space<vmem>>
      %dma_wait3A_453 = tpu.memref_squeeze %dma_wait3A_452 : memref<1x80xi32, #tpu.memory_space<vmem>> -> memref<80xi32, #tpu.memory_space<vmem>>
      %dma_wait3A_454 = tpu.memref_slice %arg4[%add3A_449] : memref<320000xi32, #tpu.memory_space<hbm>> -> memref<80xi32, #tpu.memory_space<hbm>>
      %dma_wait3A_455 = arith.constant 0 : i32
      %dma_wait3A_456 = tpu.memref_slice %arg7[%dma_wait3A_450, %dma_wait3A_455] : memref<4x80xi32, #tpu.memory_space<vmem>> -> memref<1x80xi32, #tpu.memory_space<vmem>>
      %dma_wait3A_457 = tpu.memref_squeeze %dma_wait3A_456 : memref<1x80xi32, #tpu.memory_space<vmem>> -> memref<80xi32, #tpu.memory_space<vmem>>
      %dma_wait3A_458 = tpu.memref_slice %arg4[%add3A_449] : memref<320000xi32, #tpu.memory_space<hbm>> -> memref<80xi32, #tpu.memory_space<hbm>>
      tpu.wait_dma2 semaphore(%arg18 : memref<!tpu.dma_semaphore, #tpu.memory_space<semaphore_mem>>) src(%dma_wait3A_458 : memref<80xi32, #tpu.memory_space<hbm>>) dst(%dma_wait3A_457 : memref<80xi32, #tpu.memory_space<vmem>>)
      %dma_start3A_459 = arith.constant 3 : i32
      %dma_start3A_460 = arith.constant 0 : i32
      %dma_start3A_461 = tpu.memref_slice %arg6[%dma_start3A_459, %dma_start3A_460] : memref<4x80xi32, #tpu.memory_space<vmem>> -> memref<1x80xi32, #tpu.memory_space<vmem>>
      %dma_start3A_462 = tpu.memref_squeeze %dma_start3A_461 : memref<1x80xi32, #tpu.memory_space<vmem>> -> memref<80xi32, #tpu.memory_space<vmem>>
      %dma_start3A_463 = arith.constant 0 : i32
      %dma_start3A_464 = arith.constant 0 : i32
      %dma_start3A_465 = tpu.memref_slice %arg2[%dma_start3A_463, %dma_start3A_464] : memref<10000x128xf32, #tpu.memory_space<hbm>> -> memref<10000x128xf32, #tpu.memory_space<hbm>>
      tpu.enqueue_indirect_dma source(%dma_start3A_465 : memref<10000x128xf32, #tpu.memory_space<hbm>>) target(%arg11 : memref<80x128xf32, #tpu.memory_space<vmem>>) offsets(%dma_start3A_462 : memref<80xi32, #tpu.memory_space<vmem>>) semaphore(%arg16 : memref<!tpu.dma_semaphore, #tpu.memory_space<semaphore_mem>>)
      %dma_wait3A_466 = arith.constant 0 : i32
      %dma_wait3A_467 = arith.constant 0 : i32
      %dma_wait3A_468 = tpu.memref_slice %arg6[%dma_wait3A_466, %dma_wait3A_467] : memref<4x80xi32, #tpu.memory_space<vmem>> -> memref<1x80xi32, #tpu.memory_space<vmem>>
      %dma_wait3A_469 = tpu.memref_squeeze %dma_wait3A_468 : memref<1x80xi32, #tpu.memory_space<vmem>> -> memref<80xi32, #tpu.memory_space<vmem>>
      %dma_wait3A_470 = arith.constant 0 : i32
      %dma_wait3A_471 = arith.constant 0 : i32
      %dma_wait3A_472 = tpu.memref_slice %arg2[%dma_wait3A_470, %dma_wait3A_471] : memref<10000x128xf32, #tpu.memory_space<hbm>> -> memref<10000x128xf32, #tpu.memory_space<hbm>>
      tpu.wait_indirect_dma semaphore(%arg13 : memref<!tpu.dma_semaphore, #tpu.memory_space<semaphore_mem>>) src(%dma_wait3A_472 : memref<10000x128xf32, #tpu.memory_space<hbm>>) dst(%arg8 : memref<80x128xf32, #tpu.memory_space<vmem>>)
      %dma_start3A_473 = arith.constant 0 : i32
      %dma_start3A_474 = arith.constant 0 : i32
      %dma_start3A_475 = tpu.memref_slice %arg7[%dma_start3A_473, %dma_start3A_474] : memref<4x80xi32, #tpu.memory_space<vmem>> -> memref<1x80xi32, #tpu.memory_space<vmem>>
      %dma_start3A_476 = tpu.memref_squeeze %dma_start3A_475 : memref<1x80xi32, #tpu.memory_space<vmem>> -> memref<80xi32, #tpu.memory_space<vmem>>
      %dma_start3A_477 = arith.constant 0 : i32
      %dma_start3A_478 = arith.constant 0 : i32
      %dma_start3A_479 = tpu.memref_slice %arg12[%dma_start3A_477, %dma_start3A_478] : memref<10000x128xf32, #tpu.memory_space<vmem_shared>> -> memref<10000x128xf32, #tpu.memory_space<vmem_shared>>
      tpu.enqueue_indirect_dma source(%arg8 : memref<80x128xf32, #tpu.memory_space<vmem>>) target(%dma_start3A_479 : memref<10000x128xf32, #tpu.memory_space<vmem_shared>>) offsets(%dma_start3A_476 : memref<80xi32, #tpu.memory_space<vmem>>) semaphore(%arg19 : memref<!tpu.dma_semaphore, #tpu.memory_space<semaphore_mem>>) {add = true}
      %dma_wait3A_480 = arith.constant 1 : i32
      %dma_wait3A_481 = arith.constant 0 : i32
      %dma_wait3A_482 = tpu.memref_slice %arg6[%dma_wait3A_480, %dma_wait3A_481] : memref<4x80xi32, #tpu.memory_space<vmem>> -> memref<1x80xi32, #tpu.memory_space<vmem>>
      %dma_wait3A_483 = tpu.memref_squeeze %dma_wait3A_482 : memref<1x80xi32, #tpu.memory_space<vmem>> -> memref<80xi32, #tpu.memory_space<vmem>>
      %dma_wait3A_484 = arith.constant 0 : i32
      %dma_wait3A_485 = arith.constant 0 : i32
      %dma_wait3A_486 = tpu.memref_slice %arg2[%dma_wait3A_484, %dma_wait3A_485] : memref<10000x128xf32, #tpu.memory_space<hbm>> -> memref<10000x128xf32, #tpu.memory_space<hbm>>
      tpu.wait_indirect_dma semaphore(%arg14 : memref<!tpu.dma_semaphore, #tpu.memory_space<semaphore_mem>>) src(%dma_wait3A_486 : memref<10000x128xf32, #tpu.memory_space<hbm>>) dst(%arg9 : memref<80x128xf32, #tpu.memory_space<vmem>>)
      %dma_start3A_487 = arith.constant 1 : i32
      %dma_start3A_488 = arith.constant 0 : i32
      %dma_start3A_489 = tpu.memref_slice %arg7[%dma_start3A_487, %dma_start3A_488] : memref<4x80xi32, #tpu.memory_space<vmem>> -> memref<1x80xi32, #tpu.memory_space<vmem>>
      %dma_start3A_490 = tpu.memref_squeeze %dma_start3A_489 : memref<1x80xi32, #tpu.memory_space<vmem>> -> memref<80xi32, #tpu.memory_space<vmem>>
      %dma_start3A_491 = arith.constant 0 : i32
      %dma_start3A_492 = arith.constant 0 : i32
      %dma_start3A_493 = tpu.memref_slice %arg12[%dma_start3A_491, %dma_start3A_492] : memref<10000x128xf32, #tpu.memory_space<vmem_shared>> -> memref<10000x128xf32, #tpu.memory_space<vmem_shared>>
      tpu.enqueue_indirect_dma source(%arg9 : memref<80x128xf32, #tpu.memory_space<vmem>>) target(%dma_start3A_493 : memref<10000x128xf32, #tpu.memory_space<vmem_shared>>) offsets(%dma_start3A_490 : memref<80xi32, #tpu.memory_space<vmem>>) semaphore(%arg20 : memref<!tpu.dma_semaphore, #tpu.memory_space<semaphore_mem>>) {add = true}
      %dma_wait3A_494 = arith.constant 2 : i32
      %dma_wait3A_495 = arith.constant 0 : i32
      %dma_wait3A_496 = tpu.memref_slice %arg6[%dma_wait3A_494, %dma_wait3A_495] : memref<4x80xi32, #tpu.memory_space<vmem>> -> memref<1x80xi32, #tpu.memory_space<vmem>>
      %dma_wait3A_497 = tpu.memref_squeeze %dma_wait3A_496 : memref<1x80xi32, #tpu.memory_space<vmem>> -> memref<80xi32, #tpu.memory_space<vmem>>
      %dma_wait3A_498 = arith.constant 0 : i32
      %dma_wait3A_499 = arith.constant 0 : i32
      %dma_wait3A_500 = tpu.memref_slice %arg2[%dma_wait3A_498, %dma_wait3A_499] : memref<10000x128xf32, #tpu.memory_space<hbm>> -> memref<10000x128xf32, #tpu.memory_space<hbm>>
      tpu.wait_indirect_dma semaphore(%arg15 : memref<!tpu.dma_semaphore, #tpu.memory_space<semaphore_mem>>) src(%dma_wait3A_500 : memref<10000x128xf32, #tpu.memory_space<hbm>>) dst(%arg10 : memref<80x128xf32, #tpu.memory_space<vmem>>)
      %dma_start3A_501 = arith.constant 2 : i32
      %dma_start3A_502 = arith.constant 0 : i32
      %dma_start3A_503 = tpu.memref_slice %arg7[%dma_start3A_501, %dma_start3A_502] : memref<4x80xi32, #tpu.memory_space<vmem>> -> memref<1x80xi32, #tpu.memory_space<vmem>>
      %dma_start3A_504 = tpu.memref_squeeze %dma_start3A_503 : memref<1x80xi32, #tpu.memory_space<vmem>> -> memref<80xi32, #tpu.memory_space<vmem>>
      %dma_start3A_505 = arith.constant 0 : i32
      %dma_start3A_506 = arith.constant 0 : i32
      %dma_start3A_507 = tpu.memref_slice %arg12[%dma_start3A_505, %dma_start3A_506] : memref<10000x128xf32, #tpu.memory_space<vmem_shared>> -> memref<10000x128xf32, #tpu.memory_space<vmem_shared>>
      tpu.enqueue_indirect_dma source(%arg10 : memref<80x128xf32, #tpu.memory_space<vmem>>) target(%dma_start3A_507 : memref<10000x128xf32, #tpu.memory_space<vmem_shared>>) offsets(%dma_start3A_504 : memref<80xi32, #tpu.memory_space<vmem>>) semaphore(%arg21 : memref<!tpu.dma_semaphore, #tpu.memory_space<semaphore_mem>>) {add = true}
      %dma_wait3A_508 = arith.constant 3 : i32
      %dma_wait3A_509 = arith.constant 0 : i32
      %dma_wait3A_510 = tpu.memref_slice %arg6[%dma_wait3A_508, %dma_wait3A_509] : memref<4x80xi32, #tpu.memory_space<vmem>> -> memref<1x80xi32, #tpu.memory_space<vmem>>
      %dma_wait3A_511 = tpu.memref_squeeze %dma_wait3A_510 : memref<1x80xi32, #tpu.memory_space<vmem>> -> memref<80xi32, #tpu.memory_space<vmem>>
      %dma_wait3A_512 = arith.constant 0 : i32
      %dma_wait3A_513 = arith.constant 0 : i32
      %dma_wait3A_514 = tpu.memref_slice %arg2[%dma_wait3A_512, %dma_wait3A_513] : memref<10000x128xf32, #tpu.memory_space<hbm>> -> memref<10000x128xf32, #tpu.memory_space<hbm>>
      tpu.wait_indirect_dma semaphore(%arg16 : memref<!tpu.dma_semaphore, #tpu.memory_space<semaphore_mem>>) src(%dma_wait3A_514 : memref<10000x128xf32, #tpu.memory_space<hbm>>) dst(%arg11 : memref<80x128xf32, #tpu.memory_space<vmem>>)
      %dma_start3A_515 = arith.constant 3 : i32
      %dma_start3A_516 = arith.constant 0 : i32
      %dma_start3A_517 = tpu.memref_slice %arg7[%dma_start3A_515, %dma_start3A_516] : memref<4x80xi32, #tpu.memory_space<vmem>> -> memref<1x80xi32, #tpu.memory_space<vmem>>
      %dma_start3A_518 = tpu.memref_squeeze %dma_start3A_517 : memref<1x80xi32, #tpu.memory_space<vmem>> -> memref<80xi32, #tpu.memory_space<vmem>>
      %dma_start3A_519 = arith.constant 0 : i32
      %dma_start3A_520 = arith.constant 0 : i32
      %dma_start3A_521 = tpu.memref_slice %arg12[%dma_start3A_519, %dma_start3A_520] : memref<10000x128xf32, #tpu.memory_space<vmem_shared>> -> memref<10000x128xf32, #tpu.memory_space<vmem_shared>>
      tpu.enqueue_indirect_dma source(%arg11 : memref<80x128xf32, #tpu.memory_space<vmem>>) target(%dma_start3A_521 : memref<10000x128xf32, #tpu.memory_space<vmem_shared>>) offsets(%dma_start3A_518 : memref<80xi32, #tpu.memory_space<vmem>>) semaphore(%arg22 : memref<!tpu.dma_semaphore, #tpu.memory_space<semaphore_mem>>) {add = true}
    }
    %scan3A_67 = arith.constant 31 : i32
    %dma_wait3A = arith.constant 0 : i32
    %dma_wait3A_68 = arith.constant 0 : i32
    %dma_wait3A_69 = tpu.memref_slice %arg7[%dma_wait3A, %dma_wait3A_68] : memref<4x80xi32, #tpu.memory_space<vmem>> -> memref<1x80xi32, #tpu.memory_space<vmem>>
    %dma_wait3A_70 = tpu.memref_squeeze %dma_wait3A_69 : memref<1x80xi32, #tpu.memory_space<vmem>> -> memref<80xi32, #tpu.memory_space<vmem>>
    %dma_wait3A_71 = arith.constant 0 : i32
    %dma_wait3A_72 = arith.constant 0 : i32
    %dma_wait3A_73 = tpu.memref_slice %arg12[%dma_wait3A_71, %dma_wait3A_72] : memref<10000x128xf32, #tpu.memory_space<vmem_shared>> -> memref<10000x128xf32, #tpu.memory_space<vmem_shared>>
    tpu.wait_indirect_dma semaphore(%arg19 : memref<!tpu.dma_semaphore, #tpu.memory_space<semaphore_mem>>) src(%arg8 : memref<80x128xf32, #tpu.memory_space<vmem>>) dst(%dma_wait3A_73 : memref<10000x128xf32, #tpu.memory_space<vmem_shared>>)
    %dma_wait3A_74 = arith.constant 1 : i32
    %dma_wait3A_75 = arith.constant 0 : i32
    %dma_wait3A_76 = tpu.memref_slice %arg7[%dma_wait3A_74, %dma_wait3A_75] : memref<4x80xi32, #tpu.memory_space<vmem>> -> memref<1x80xi32, #tpu.memory_space<vmem>>
    %dma_wait3A_77 = tpu.memref_squeeze %dma_wait3A_76 : memref<1x80xi32, #tpu.memory_space<vmem>> -> memref<80xi32, #tpu.memory_space<vmem>>
    %dma_wait3A_78 = arith.constant 0 : i32
    %dma_wait3A_79 = arith.constant 0 : i32
    %dma_wait3A_80 = tpu.memref_slice %arg12[%dma_wait3A_78, %dma_wait3A_79] : memref<10000x128xf32, #tpu.memory_space<vmem_shared>> -> memref<10000x128xf32, #tpu.memory_space<vmem_shared>>
    tpu.wait_indirect_dma semaphore(%arg20 : memref<!tpu.dma_semaphore, #tpu.memory_space<semaphore_mem>>) src(%arg9 : memref<80x128xf32, #tpu.memory_space<vmem>>) dst(%dma_wait3A_80 : memref<10000x128xf32, #tpu.memory_space<vmem_shared>>)
    %dma_wait3A_81 = arith.constant 2 : i32
    %dma_wait3A_82 = arith.constant 0 : i32
    %dma_wait3A_83 = tpu.memref_slice %arg7[%dma_wait3A_81, %dma_wait3A_82] : memref<4x80xi32, #tpu.memory_space<vmem>> -> memref<1x80xi32, #tpu.memory_space<vmem>>
    %dma_wait3A_84 = tpu.memref_squeeze %dma_wait3A_83 : memref<1x80xi32, #tpu.memory_space<vmem>> -> memref<80xi32, #tpu.memory_space<vmem>>
    %dma_wait3A_85 = arith.constant 0 : i32
    %dma_wait3A_86 = arith.constant 0 : i32
    %dma_wait3A_87 = tpu.memref_slice %arg12[%dma_wait3A_85, %dma_wait3A_86] : memref<10000x128xf32, #tpu.memory_space<vmem_shared>> -> memref<10000x128xf32, #tpu.memory_space<vmem_shared>>
    tpu.wait_indirect_dma semaphore(%arg21 : memref<!tpu.dma_semaphore, #tpu.memory_space<semaphore_mem>>) src(%arg10 : memref<80x128xf32, #tpu.memory_space<vmem>>) dst(%dma_wait3A_87 : memref<10000x128xf32, #tpu.memory_space<vmem_shared>>)
    %dma_wait3A_88 = arith.constant 3 : i32
    %dma_wait3A_89 = arith.constant 0 : i32
    %dma_wait3A_90 = tpu.memref_slice %arg7[%dma_wait3A_88, %dma_wait3A_89] : memref<4x80xi32, #tpu.memory_space<vmem>> -> memref<1x80xi32, #tpu.memory_space<vmem>>
    %dma_wait3A_91 = tpu.memref_squeeze %dma_wait3A_90 : memref<1x80xi32, #tpu.memory_space<vmem>> -> memref<80xi32, #tpu.memory_space<vmem>>
    %dma_wait3A_92 = arith.constant 0 : i32
    %dma_wait3A_93 = arith.constant 0 : i32
    %dma_wait3A_94 = tpu.memref_slice %arg12[%dma_wait3A_92, %dma_wait3A_93] : memref<10000x128xf32, #tpu.memory_space<vmem_shared>> -> memref<10000x128xf32, #tpu.memory_space<vmem_shared>>
    tpu.wait_indirect_dma semaphore(%arg22 : memref<!tpu.dma_semaphore, #tpu.memory_space<semaphore_mem>>) src(%arg11 : memref<80x128xf32, #tpu.memory_space<vmem>>) dst(%dma_wait3A_94 : memref<10000x128xf32, #tpu.memory_space<vmem_shared>>)
    %add3A_95 = arith.constant 9920 : i32
    %add3A_96 = arith.addi %mul3A_2, %add3A_95 : i32
    %dma_start3A = arith.constant 0 : i32
    %dma_start3A_97 = arith.constant 0 : i32
    %dma_start3A_98 = tpu.memref_slice %arg6[%dma_start3A, %dma_start3A_97] : memref<4x80xi32, #tpu.memory_space<vmem>> -> memref<1x80xi32, #tpu.memory_space<vmem>>
    %dma_start3A_99 = tpu.memref_squeeze %dma_start3A_98 : memref<1x80xi32, #tpu.memory_space<vmem>> -> memref<80xi32, #tpu.memory_space<vmem>>
    %dma_start3A_100 = tpu.memref_slice %arg3[%add3A_96] : memref<320000xi32, #tpu.memory_space<hbm>> -> memref<80xi32, #tpu.memory_space<hbm>>
    %dma_start3A_101 = arith.constant 0 : i32
    %dma_start3A_102 = tpu.memref_slice %arg6[%dma_start3A, %dma_start3A_101] : memref<4x80xi32, #tpu.memory_space<vmem>> -> memref<1x80xi32, #tpu.memory_space<vmem>>
    %dma_start3A_103 = tpu.memref_squeeze %dma_start3A_102 : memref<1x80xi32, #tpu.memory_space<vmem>> -> memref<80xi32, #tpu.memory_space<vmem>>
    %dma_start3A_104 = tpu.memref_slice %arg3[%add3A_96] : memref<320000xi32, #tpu.memory_space<hbm>> -> memref<80xi32, #tpu.memory_space<hbm>>
    tpu.enqueue_dma source(%dma_start3A_104 : memref<80xi32, #tpu.memory_space<hbm>>) target(%dma_start3A_103 : memref<80xi32, #tpu.memory_space<vmem>>) target_semaphore(%arg17 : memref<!tpu.dma_semaphore, #tpu.memory_space<semaphore_mem>>)
    %add3A_105 = arith.constant 9920 : i32
    %add3A_106 = arith.addi %mul3A_2, %add3A_105 : i32
    %dma_start3A_107 = arith.constant 0 : i32
    %dma_start3A_108 = arith.constant 0 : i32
    %dma_start3A_109 = tpu.memref_slice %arg7[%dma_start3A_107, %dma_start3A_108] : memref<4x80xi32, #tpu.memory_space<vmem>> -> memref<1x80xi32, #tpu.memory_space<vmem>>
    %dma_start3A_110 = tpu.memref_squeeze %dma_start3A_109 : memref<1x80xi32, #tpu.memory_space<vmem>> -> memref<80xi32, #tpu.memory_space<vmem>>
    %dma_start3A_111 = tpu.memref_slice %arg4[%add3A_106] : memref<320000xi32, #tpu.memory_space<hbm>> -> memref<80xi32, #tpu.memory_space<hbm>>
    %dma_start3A_112 = arith.constant 0 : i32
    %dma_start3A_113 = tpu.memref_slice %arg7[%dma_start3A_107, %dma_start3A_112] : memref<4x80xi32, #tpu.memory_space<vmem>> -> memref<1x80xi32, #tpu.memory_space<vmem>>
    %dma_start3A_114 = tpu.memref_squeeze %dma_start3A_113 : memref<1x80xi32, #tpu.memory_space<vmem>> -> memref<80xi32, #tpu.memory_space<vmem>>
    %dma_start3A_115 = tpu.memref_slice %arg4[%add3A_106] : memref<320000xi32, #tpu.memory_space<hbm>> -> memref<80xi32, #tpu.memory_space<hbm>>
    tpu.enqueue_dma source(%dma_start3A_115 : memref<80xi32, #tpu.memory_space<hbm>>) target(%dma_start3A_114 : memref<80xi32, #tpu.memory_space<vmem>>) target_semaphore(%arg18 : memref<!tpu.dma_semaphore, #tpu.memory_space<semaphore_mem>>)
    %add3A_116 = arith.constant 9920 : i32
    %add3A_117 = arith.addi %mul3A_2, %add3A_116 : i32
    %dma_wait3A_118 = arith.constant 0 : i32
    %dma_wait3A_119 = arith.constant 0 : i32
    %dma_wait3A_120 = tpu.memref_slice %arg6[%dma_wait3A_118, %dma_wait3A_119] : memref<4x80xi32, #tpu.memory_space<vmem>> -> memref<1x80xi32, #tpu.memory_space<vmem>>
    %dma_wait3A_121 = tpu.memref_squeeze %dma_wait3A_120 : memref<1x80xi32, #tpu.memory_space<vmem>> -> memref<80xi32, #tpu.memory_space<vmem>>
    %dma_wait3A_122 = tpu.memref_slice %arg3[%add3A_117] : memref<320000xi32, #tpu.memory_space<hbm>> -> memref<80xi32, #tpu.memory_space<hbm>>
    %dma_wait3A_123 = arith.constant 0 : i32
    %dma_wait3A_124 = tpu.memref_slice %arg6[%dma_wait3A_118, %dma_wait3A_123] : memref<4x80xi32, #tpu.memory_space<vmem>> -> memref<1x80xi32, #tpu.memory_space<vmem>>
    %dma_wait3A_125 = tpu.memref_squeeze %dma_wait3A_124 : memref<1x80xi32, #tpu.memory_space<vmem>> -> memref<80xi32, #tpu.memory_space<vmem>>
    %dma_wait3A_126 = tpu.memref_slice %arg3[%add3A_117] : memref<320000xi32, #tpu.memory_space<hbm>> -> memref<80xi32, #tpu.memory_space<hbm>>
    tpu.wait_dma2 semaphore(%arg17 : memref<!tpu.dma_semaphore, #tpu.memory_space<semaphore_mem>>) src(%dma_wait3A_126 : memref<80xi32, #tpu.memory_space<hbm>>) dst(%dma_wait3A_125 : memref<80xi32, #tpu.memory_space<vmem>>)
    %add3A_127 = arith.constant 9920 : i32
    %add3A_128 = arith.addi %mul3A_2, %add3A_127 : i32
    %dma_wait3A_129 = arith.constant 0 : i32
    %dma_wait3A_130 = arith.constant 0 : i32
    %dma_wait3A_131 = tpu.memref_slice %arg7[%dma_wait3A_129, %dma_wait3A_130] : memref<4x80xi32, #tpu.memory_space<vmem>> -> memref<1x80xi32, #tpu.memory_space<vmem>>
    %dma_wait3A_132 = tpu.memref_squeeze %dma_wait3A_131 : memref<1x80xi32, #tpu.memory_space<vmem>> -> memref<80xi32, #tpu.memory_space<vmem>>
    %dma_wait3A_133 = tpu.memref_slice %arg4[%add3A_128] : memref<320000xi32, #tpu.memory_space<hbm>> -> memref<80xi32, #tpu.memory_space<hbm>>
    %dma_wait3A_134 = arith.constant 0 : i32
    %dma_wait3A_135 = tpu.memref_slice %arg7[%dma_wait3A_129, %dma_wait3A_134] : memref<4x80xi32, #tpu.memory_space<vmem>> -> memref<1x80xi32, #tpu.memory_space<vmem>>
    %dma_wait3A_136 = tpu.memref_squeeze %dma_wait3A_135 : memref<1x80xi32, #tpu.memory_space<vmem>> -> memref<80xi32, #tpu.memory_space<vmem>>
    %dma_wait3A_137 = tpu.memref_slice %arg4[%add3A_128] : memref<320000xi32, #tpu.memory_space<hbm>> -> memref<80xi32, #tpu.memory_space<hbm>>
    tpu.wait_dma2 semaphore(%arg18 : memref<!tpu.dma_semaphore, #tpu.memory_space<semaphore_mem>>) src(%dma_wait3A_137 : memref<80xi32, #tpu.memory_space<hbm>>) dst(%dma_wait3A_136 : memref<80xi32, #tpu.memory_space<vmem>>)
    %dma_start3A_138 = arith.constant 0 : i32
    %dma_start3A_139 = arith.constant 0 : i32
    %dma_start3A_140 = tpu.memref_slice %arg6[%dma_start3A_138, %dma_start3A_139] : memref<4x80xi32, #tpu.memory_space<vmem>> -> memref<1x80xi32, #tpu.memory_space<vmem>>
    %dma_start3A_141 = tpu.memref_squeeze %dma_start3A_140 : memref<1x80xi32, #tpu.memory_space<vmem>> -> memref<80xi32, #tpu.memory_space<vmem>>
    %dma_start3A_142 = arith.constant 0 : i32
    %dma_start3A_143 = arith.constant 0 : i32
    %dma_start3A_144 = tpu.memref_slice %arg2[%dma_start3A_142, %dma_start3A_143] : memref<10000x128xf32, #tpu.memory_space<hbm>> -> memref<10000x128xf32, #tpu.memory_space<hbm>>
    tpu.enqueue_indirect_dma source(%dma_start3A_144 : memref<10000x128xf32, #tpu.memory_space<hbm>>) target(%arg8 : memref<80x128xf32, #tpu.memory_space<vmem>>) offsets(%dma_start3A_141 : memref<80xi32, #tpu.memory_space<vmem>>) semaphore(%arg13 : memref<!tpu.dma_semaphore, #tpu.memory_space<semaphore_mem>>)
    %dma_wait3A_145 = arith.constant 0 : i32
    %dma_wait3A_146 = arith.constant 0 : i32
    %dma_wait3A_147 = tpu.memref_slice %arg6[%dma_wait3A_145, %dma_wait3A_146] : memref<4x80xi32, #tpu.memory_space<vmem>> -> memref<1x80xi32, #tpu.memory_space<vmem>>
    %dma_wait3A_148 = tpu.memref_squeeze %dma_wait3A_147 : memref<1x80xi32, #tpu.memory_space<vmem>> -> memref<80xi32, #tpu.memory_space<vmem>>
    %dma_wait3A_149 = arith.constant 0 : i32
    %dma_wait3A_150 = arith.constant 0 : i32
    %dma_wait3A_151 = tpu.memref_slice %arg2[%dma_wait3A_149, %dma_wait3A_150] : memref<10000x128xf32, #tpu.memory_space<hbm>> -> memref<10000x128xf32, #tpu.memory_space<hbm>>
    tpu.wait_indirect_dma semaphore(%arg13 : memref<!tpu.dma_semaphore, #tpu.memory_space<semaphore_mem>>) src(%dma_wait3A_151 : memref<10000x128xf32, #tpu.memory_space<hbm>>) dst(%arg8 : memref<80x128xf32, #tpu.memory_space<vmem>>)
    %dma_start3A_152 = arith.constant 0 : i32
    %dma_start3A_153 = arith.constant 0 : i32
    %dma_start3A_154 = tpu.memref_slice %arg7[%dma_start3A_152, %dma_start3A_153] : memref<4x80xi32, #tpu.memory_space<vmem>> -> memref<1x80xi32, #tpu.memory_space<vmem>>
    %dma_start3A_155 = tpu.memref_squeeze %dma_start3A_154 : memref<1x80xi32, #tpu.memory_space<vmem>> -> memref<80xi32, #tpu.memory_space<vmem>>
    %dma_start3A_156 = arith.constant 0 : i32
    %dma_start3A_157 = arith.constant 0 : i32
    %dma_start3A_158 = tpu.memref_slice %arg12[%dma_start3A_156, %dma_start3A_157] : memref<10000x128xf32, #tpu.memory_space<vmem_shared>> -> memref<10000x128xf32, #tpu.memory_space<vmem_shared>>
    tpu.enqueue_indirect_dma source(%arg8 : memref<80x128xf32, #tpu.memory_space<vmem>>) target(%dma_start3A_158 : memref<10000x128xf32, #tpu.memory_space<vmem_shared>>) offsets(%dma_start3A_155 : memref<80xi32, #tpu.memory_space<vmem>>) semaphore(%arg19 : memref<!tpu.dma_semaphore, #tpu.memory_space<semaphore_mem>>) {add = true}
    %dma_wait3A_159 = arith.constant 0 : i32
    %dma_wait3A_160 = arith.constant 0 : i32
    %dma_wait3A_161 = tpu.memref_slice %arg7[%dma_wait3A_159, %dma_wait3A_160] : memref<4x80xi32, #tpu.memory_space<vmem>> -> memref<1x80xi32, #tpu.memory_space<vmem>>
    %dma_wait3A_162 = tpu.memref_squeeze %dma_wait3A_161 : memref<1x80xi32, #tpu.memory_space<vmem>> -> memref<80xi32, #tpu.memory_space<vmem>>
    %dma_wait3A_163 = arith.constant 0 : i32
    %dma_wait3A_164 = arith.constant 0 : i32
    %dma_wait3A_165 = tpu.memref_slice %arg12[%dma_wait3A_163, %dma_wait3A_164] : memref<10000x128xf32, #tpu.memory_space<vmem_shared>> -> memref<10000x128xf32, #tpu.memory_space<vmem_shared>>
    tpu.wait_indirect_dma semaphore(%arg19 : memref<!tpu.dma_semaphore, #tpu.memory_space<semaphore_mem>>) src(%arg8 : memref<80x128xf32, #tpu.memory_space<vmem>>) dst(%dma_wait3A_165 : memref<10000x128xf32, #tpu.memory_space<vmem_shared>>)
    %barrier3A_166 = arith.constant 0 : index
    tpu.barrier barrier_id(%barrier3A_166)
    %add3A_167 = arith.constant 0 : i32
    %add3A_168 = arith.addi %arg1, %add3A_167 : i32
    %lt3A_169 = arith.constant 125 : i32
    %lt3A_170 = arith.cmpi slt, %add3A_168, %lt3A_169 : i32
    %convert_element_type3A_171 = arith.extui %lt3A_170 : i1 to i32
    %cond3A_172 = arith.constant 0 : i32
    %cond3A_173 = arith.cmpi ne, %convert_element_type3A_171, %cond3A_172 : i32
    scf.if %cond3A_173 {
      %mul3A_223 = arith.constant 80 : i32
      %mul3A_224 = arith.muli %add3A_168, %mul3A_223 : i32
      %mul3A_225 = arith.constant 10000 : i32
      %mul3A_226 = arith.muli %arg0, %mul3A_225 : i32
      %mul3A_227 = arith.constant 80 : i32
      %mul3A_228 = arith.muli %add3A_168, %mul3A_227 : i32
      %add3A_229 = arith.addi %mul3A_226, %mul3A_228 : i32
      "tpu.region"() ({
        %run_scoped3A = tpu.sem_alloc : memref<!tpu.dma_semaphore, #tpu.memory_space<semaphore_mem>>
        %dma_start3A_230 = arith.constant 0 : i32
        %dma_start3A_231 = tpu.memref_slice %arg5[%add3A_229, %dma_start3A_230] : memref<20000x128xf32, #tpu.memory_space<hbm>> -> memref<80x128xf32, #tpu.memory_space<hbm>>
        %dma_start3A_232 = arith.constant 0 : i32
        %dma_start3A_233 = tpu.memref_slice %arg12[%mul3A_224, %dma_start3A_232] : memref<10000x128xf32, #tpu.memory_space<vmem_shared>> -> memref<80x128xf32, #tpu.memory_space<vmem_shared>>
        tpu.enqueue_dma source(%dma_start3A_233 : memref<80x128xf32, #tpu.memory_space<vmem_shared>>) target(%dma_start3A_231 : memref<80x128xf32, #tpu.memory_space<hbm>>) target_semaphore(%run_scoped3A : memref<!tpu.dma_semaphore, #tpu.memory_space<semaphore_mem>>)
        %dma_wait3A_234 = arith.constant 0 : i32
        %dma_wait3A_235 = tpu.memref_slice %arg5[%add3A_229, %dma_wait3A_234] : memref<20000x128xf32, #tpu.memory_space<hbm>> -> memref<80x128xf32, #tpu.memory_space<hbm>>
        %dma_wait3A_236 = arith.constant 0 : i32
        %dma_wait3A_237 = tpu.memref_slice %arg12[%mul3A_224, %dma_wait3A_236] : memref<10000x128xf32, #tpu.memory_space<vmem_shared>> -> memref<80x128xf32, #tpu.memory_space<vmem_shared>>
        tpu.wait_dma2 semaphore(%run_scoped3A : memref<!tpu.dma_semaphore, #tpu.memory_space<semaphore_mem>>) src(%dma_wait3A_237 : memref<80x128xf32, #tpu.memory_space<vmem_shared>>) dst(%dma_wait3A_235 : memref<80x128xf32, #tpu.memory_space<hbm>>)
        tpu.yield
      }) : () -> ()
    } else {
    }
    %add3A_174 = arith.constant 16 : i32
    %add3A_175 = arith.addi %arg1, %add3A_174 : i32
    %lt3A_176 = arith.constant 125 : i32
    %lt3A_177 = arith.cmpi slt, %add3A_175, %lt3A_176 : i32
    %convert_element_type3A_178 = arith.extui %lt3A_177 : i1 to i32
    %cond3A_179 = arith.constant 0 : i32
    %cond3A_180 = arith.cmpi ne, %convert_element_type3A_178, %cond3A_179 : i32
    scf.if %cond3A_180 {
      %mul3A_223 = arith.constant 80 : i32
      %mul3A_224 = arith.muli %add3A_175, %mul3A_223 : i32
      %mul3A_225 = arith.constant 10000 : i32
      %mul3A_226 = arith.muli %arg0, %mul3A_225 : i32
      %mul3A_227 = arith.constant 80 : i32
      %mul3A_228 = arith.muli %add3A_175, %mul3A_227 : i32
      %add3A_229 = arith.addi %mul3A_226, %mul3A_228 : i32
      "tpu.region"() ({
        %run_scoped3A = tpu.sem_alloc : memref<!tpu.dma_semaphore, #tpu.memory_space<semaphore_mem>>
        %dma_start3A_230 = arith.constant 0 : i32
        %dma_start3A_231 = tpu.memref_slice %arg5[%add3A_229, %dma_start3A_230] : memref<20000x128xf32, #tpu.memory_space<hbm>> -> memref<80x128xf32, #tpu.memory_space<hbm>>
        %dma_start3A_232 = arith.constant 0 : i32
        %dma_start3A_233 = tpu.memref_slice %arg12[%mul3A_224, %dma_start3A_232] : memref<10000x128xf32, #tpu.memory_space<vmem_shared>> -> memref<80x128xf32, #tpu.memory_space<vmem_shared>>
        tpu.enqueue_dma source(%dma_start3A_233 : memref<80x128xf32, #tpu.memory_space<vmem_shared>>) target(%dma_start3A_231 : memref<80x128xf32, #tpu.memory_space<hbm>>) target_semaphore(%run_scoped3A : memref<!tpu.dma_semaphore, #tpu.memory_space<semaphore_mem>>)
        %dma_wait3A_234 = arith.constant 0 : i32
        %dma_wait3A_235 = tpu.memref_slice %arg5[%add3A_229, %dma_wait3A_234] : memref<20000x128xf32, #tpu.memory_space<hbm>> -> memref<80x128xf32, #tpu.memory_space<hbm>>
        %dma_wait3A_236 = arith.constant 0 : i32
        %dma_wait3A_237 = tpu.memref_slice %arg12[%mul3A_224, %dma_wait3A_236] : memref<10000x128xf32, #tpu.memory_space<vmem_shared>> -> memref<80x128xf32, #tpu.memory_space<vmem_shared>>
        tpu.wait_dma2 semaphore(%run_scoped3A : memref<!tpu.dma_semaphore, #tpu.memory_space<semaphore_mem>>) src(%dma_wait3A_237 : memref<80x128xf32, #tpu.memory_space<vmem_shared>>) dst(%dma_wait3A_235 : memref<80x128xf32, #tpu.memory_space<hbm>>)
        tpu.yield
      }) : () -> ()
    } else {
    }
    %add3A_181 = arith.constant 32 : i32
    %add3A_182 = arith.addi %arg1, %add3A_181 : i32
    %lt3A_183 = arith.constant 125 : i32
    %lt3A_184 = arith.cmpi slt, %add3A_182, %lt3A_183 : i32
    %convert_element_type3A_185 = arith.extui %lt3A_184 : i1 to i32
    %cond3A_186 = arith.constant 0 : i32
    %cond3A_187 = arith.cmpi ne, %convert_element_type3A_185, %cond3A_186 : i32
    scf.if %cond3A_187 {
      %mul3A_223 = arith.constant 80 : i32
      %mul3A_224 = arith.muli %add3A_182, %mul3A_223 : i32
      %mul3A_225 = arith.constant 10000 : i32
      %mul3A_226 = arith.muli %arg0, %mul3A_225 : i32
      %mul3A_227 = arith.constant 80 : i32
      %mul3A_228 = arith.muli %add3A_182, %mul3A_227 : i32
      %add3A_229 = arith.addi %mul3A_226, %mul3A_228 : i32
      "tpu.region"() ({
        %run_scoped3A = tpu.sem_alloc : memref<!tpu.dma_semaphore, #tpu.memory_space<semaphore_mem>>
        %dma_start3A_230 = arith.constant 0 : i32
        %dma_start3A_231 = tpu.memref_slice %arg5[%add3A_229, %dma_start3A_230] : memref<20000x128xf32, #tpu.memory_space<hbm>> -> memref<80x128xf32, #tpu.memory_space<hbm>>
        %dma_start3A_232 = arith.constant 0 : i32
        %dma_start3A_233 = tpu.memref_slice %arg12[%mul3A_224, %dma_start3A_232] : memref<10000x128xf32, #tpu.memory_space<vmem_shared>> -> memref<80x128xf32, #tpu.memory_space<vmem_shared>>
        tpu.enqueue_dma source(%dma_start3A_233 : memref<80x128xf32, #tpu.memory_space<vmem_shared>>) target(%dma_start3A_231 : memref<80x128xf32, #tpu.memory_space<hbm>>) target_semaphore(%run_scoped3A : memref<!tpu.dma_semaphore, #tpu.memory_space<semaphore_mem>>)
        %dma_wait3A_234 = arith.constant 0 : i32
        %dma_wait3A_235 = tpu.memref_slice %arg5[%add3A_229, %dma_wait3A_234] : memref<20000x128xf32, #tpu.memory_space<hbm>> -> memref<80x128xf32, #tpu.memory_space<hbm>>
        %dma_wait3A_236 = arith.constant 0 : i32
        %dma_wait3A_237 = tpu.memref_slice %arg12[%mul3A_224, %dma_wait3A_236] : memref<10000x128xf32, #tpu.memory_space<vmem_shared>> -> memref<80x128xf32, #tpu.memory_space<vmem_shared>>
        tpu.wait_dma2 semaphore(%run_scoped3A : memref<!tpu.dma_semaphore, #tpu.memory_space<semaphore_mem>>) src(%dma_wait3A_237 : memref<80x128xf32, #tpu.memory_space<vmem_shared>>) dst(%dma_wait3A_235 : memref<80x128xf32, #tpu.memory_space<hbm>>)
        tpu.yield
      }) : () -> ()
    } else {
    }
    %add3A_188 = arith.constant 48 : i32
    %add3A_189 = arith.addi %arg1, %add3A_188 : i32
    %lt3A_190 = arith.constant 125 : i32
    %lt3A_191 = arith.cmpi slt, %add3A_189, %lt3A_190 : i32
    %convert_element_type3A_192 = arith.extui %lt3A_191 : i1 to i32
    %cond3A_193 = arith.constant 0 : i32
    %cond3A_194 = arith.cmpi ne, %convert_element_type3A_192, %cond3A_193 : i32
    scf.if %cond3A_194 {
      %mul3A_223 = arith.constant 80 : i32
      %mul3A_224 = arith.muli %add3A_189, %mul3A_223 : i32
      %mul3A_225 = arith.constant 10000 : i32
      %mul3A_226 = arith.muli %arg0, %mul3A_225 : i32
      %mul3A_227 = arith.constant 80 : i32
      %mul3A_228 = arith.muli %add3A_189, %mul3A_227 : i32
      %add3A_229 = arith.addi %mul3A_226, %mul3A_228 : i32
      "tpu.region"() ({
        %run_scoped3A = tpu.sem_alloc : memref<!tpu.dma_semaphore, #tpu.memory_space<semaphore_mem>>
        %dma_start3A_230 = arith.constant 0 : i32
        %dma_start3A_231 = tpu.memref_slice %arg5[%add3A_229, %dma_start3A_230] : memref<20000x128xf32, #tpu.memory_space<hbm>> -> memref<80x128xf32, #tpu.memory_space<hbm>>
        %dma_start3A_232 = arith.constant 0 : i32
        %dma_start3A_233 = tpu.memref_slice %arg12[%mul3A_224, %dma_start3A_232] : memref<10000x128xf32, #tpu.memory_space<vmem_shared>> -> memref<80x128xf32, #tpu.memory_space<vmem_shared>>
        tpu.enqueue_dma source(%dma_start3A_233 : memref<80x128xf32, #tpu.memory_space<vmem_shared>>) target(%dma_start3A_231 : memref<80x128xf32, #tpu.memory_space<hbm>>) target_semaphore(%run_scoped3A : memref<!tpu.dma_semaphore, #tpu.memory_space<semaphore_mem>>)
        %dma_wait3A_234 = arith.constant 0 : i32
        %dma_wait3A_235 = tpu.memref_slice %arg5[%add3A_229, %dma_wait3A_234] : memref<20000x128xf32, #tpu.memory_space<hbm>> -> memref<80x128xf32, #tpu.memory_space<hbm>>
        %dma_wait3A_236 = arith.constant 0 : i32
        %dma_wait3A_237 = tpu.memref_slice %arg12[%mul3A_224, %dma_wait3A_236] : memref<10000x128xf32, #tpu.memory_space<vmem_shared>> -> memref<80x128xf32, #tpu.memory_space<vmem_shared>>
        tpu.wait_dma2 semaphore(%run_scoped3A : memref<!tpu.dma_semaphore, #tpu.memory_space<semaphore_mem>>) src(%dma_wait3A_237 : memref<80x128xf32, #tpu.memory_space<vmem_shared>>) dst(%dma_wait3A_235 : memref<80x128xf32, #tpu.memory_space<hbm>>)
        tpu.yield
      }) : () -> ()
    } else {
    }
    %add3A_195 = arith.constant 64 : i32
    %add3A_196 = arith.addi %arg1, %add3A_195 : i32
    %lt3A_197 = arith.constant 125 : i32
    %lt3A_198 = arith.cmpi slt, %add3A_196, %lt3A_197 : i32
    %convert_element_type3A_199 = arith.extui %lt3A_198 : i1 to i32
    %cond3A_200 = arith.constant 0 : i32
    %cond3A_201 = arith.cmpi ne, %convert_element_type3A_199, %cond3A_200 : i32
    scf.if %cond3A_201 {
      %mul3A_223 = arith.constant 80 : i32
      %mul3A_224 = arith.muli %add3A_196, %mul3A_223 : i32
      %mul3A_225 = arith.constant 10000 : i32
      %mul3A_226 = arith.muli %arg0, %mul3A_225 : i32
      %mul3A_227 = arith.constant 80 : i32
      %mul3A_228 = arith.muli %add3A_196, %mul3A_227 : i32
      %add3A_229 = arith.addi %mul3A_226, %mul3A_228 : i32
      "tpu.region"() ({
        %run_scoped3A = tpu.sem_alloc : memref<!tpu.dma_semaphore, #tpu.memory_space<semaphore_mem>>
        %dma_start3A_230 = arith.constant 0 : i32
        %dma_start3A_231 = tpu.memref_slice %arg5[%add3A_229, %dma_start3A_230] : memref<20000x128xf32, #tpu.memory_space<hbm>> -> memref<80x128xf32, #tpu.memory_space<hbm>>
        %dma_start3A_232 = arith.constant 0 : i32
        %dma_start3A_233 = tpu.memref_slice %arg12[%mul3A_224, %dma_start3A_232] : memref<10000x128xf32, #tpu.memory_space<vmem_shared>> -> memref<80x128xf32, #tpu.memory_space<vmem_shared>>
        tpu.enqueue_dma source(%dma_start3A_233 : memref<80x128xf32, #tpu.memory_space<vmem_shared>>) target(%dma_start3A_231 : memref<80x128xf32, #tpu.memory_space<hbm>>) target_semaphore(%run_scoped3A : memref<!tpu.dma_semaphore, #tpu.memory_space<semaphore_mem>>)
        %dma_wait3A_234 = arith.constant 0 : i32
        %dma_wait3A_235 = tpu.memref_slice %arg5[%add3A_229, %dma_wait3A_234] : memref<20000x128xf32, #tpu.memory_space<hbm>> -> memref<80x128xf32, #tpu.memory_space<hbm>>
        %dma_wait3A_236 = arith.constant 0 : i32
        %dma_wait3A_237 = tpu.memref_slice %arg12[%mul3A_224, %dma_wait3A_236] : memref<10000x128xf32, #tpu.memory_space<vmem_shared>> -> memref<80x128xf32, #tpu.memory_space<vmem_shared>>
        tpu.wait_dma2 semaphore(%run_scoped3A : memref<!tpu.dma_semaphore, #tpu.memory_space<semaphore_mem>>) src(%dma_wait3A_237 : memref<80x128xf32, #tpu.memory_space<vmem_shared>>) dst(%dma_wait3A_235 : memref<80x128xf32, #tpu.memory_space<hbm>>)
        tpu.yield
      }) : () -> ()
    } else {
    }
    %add3A_202 = arith.constant 80 : i32
    %add3A_203 = arith.addi %arg1, %add3A_202 : i32
    %lt3A_204 = arith.constant 125 : i32
    %lt3A_205 = arith.cmpi slt, %add3A_203, %lt3A_204 : i32
    %convert_element_type3A_206 = arith.extui %lt3A_205 : i1 to i32
    %cond3A_207 = arith.constant 0 : i32
    %cond3A_208 = arith.cmpi ne, %convert_element_type3A_206, %cond3A_207 : i32
    scf.if %cond3A_208 {
      %mul3A_223 = arith.constant 80 : i32
      %mul3A_224 = arith.muli %add3A_203, %mul3A_223 : i32
      %mul3A_225 = arith.constant 10000 : i32
      %mul3A_226 = arith.muli %arg0, %mul3A_225 : i32
      %mul3A_227 = arith.constant 80 : i32
      %mul3A_228 = arith.muli %add3A_203, %mul3A_227 : i32
      %add3A_229 = arith.addi %mul3A_226, %mul3A_228 : i32
      "tpu.region"() ({
        %run_scoped3A = tpu.sem_alloc : memref<!tpu.dma_semaphore, #tpu.memory_space<semaphore_mem>>
        %dma_start3A_230 = arith.constant 0 : i32
        %dma_start3A_231 = tpu.memref_slice %arg5[%add3A_229, %dma_start3A_230] : memref<20000x128xf32, #tpu.memory_space<hbm>> -> memref<80x128xf32, #tpu.memory_space<hbm>>
        %dma_start3A_232 = arith.constant 0 : i32
        %dma_start3A_233 = tpu.memref_slice %arg12[%mul3A_224, %dma_start3A_232] : memref<10000x128xf32, #tpu.memory_space<vmem_shared>> -> memref<80x128xf32, #tpu.memory_space<vmem_shared>>
        tpu.enqueue_dma source(%dma_start3A_233 : memref<80x128xf32, #tpu.memory_space<vmem_shared>>) target(%dma_start3A_231 : memref<80x128xf32, #tpu.memory_space<hbm>>) target_semaphore(%run_scoped3A : memref<!tpu.dma_semaphore, #tpu.memory_space<semaphore_mem>>)
        %dma_wait3A_234 = arith.constant 0 : i32
        %dma_wait3A_235 = tpu.memref_slice %arg5[%add3A_229, %dma_wait3A_234] : memref<20000x128xf32, #tpu.memory_space<hbm>> -> memref<80x128xf32, #tpu.memory_space<hbm>>
        %dma_wait3A_236 = arith.constant 0 : i32
        %dma_wait3A_237 = tpu.memref_slice %arg12[%mul3A_224, %dma_wait3A_236] : memref<10000x128xf32, #tpu.memory_space<vmem_shared>> -> memref<80x128xf32, #tpu.memory_space<vmem_shared>>
        tpu.wait_dma2 semaphore(%run_scoped3A : memref<!tpu.dma_semaphore, #tpu.memory_space<semaphore_mem>>) src(%dma_wait3A_237 : memref<80x128xf32, #tpu.memory_space<vmem_shared>>) dst(%dma_wait3A_235 : memref<80x128xf32, #tpu.memory_space<hbm>>)
        tpu.yield
      }) : () -> ()
    } else {
    }
    %add3A_209 = arith.constant 96 : i32
    %add3A_210 = arith.addi %arg1, %add3A_209 : i32
    %lt3A_211 = arith.constant 125 : i32
    %lt3A_212 = arith.cmpi slt, %add3A_210, %lt3A_211 : i32
    %convert_element_type3A_213 = arith.extui %lt3A_212 : i1 to i32
    %cond3A_214 = arith.constant 0 : i32
    %cond3A_215 = arith.cmpi ne, %convert_element_type3A_213, %cond3A_214 : i32
    scf.if %cond3A_215 {
      %mul3A_223 = arith.constant 80 : i32
      %mul3A_224 = arith.muli %add3A_210, %mul3A_223 : i32
      %mul3A_225 = arith.constant 10000 : i32
      %mul3A_226 = arith.muli %arg0, %mul3A_225 : i32
      %mul3A_227 = arith.constant 80 : i32
      %mul3A_228 = arith.muli %add3A_210, %mul3A_227 : i32
      %add3A_229 = arith.addi %mul3A_226, %mul3A_228 : i32
      "tpu.region"() ({
        %run_scoped3A = tpu.sem_alloc : memref<!tpu.dma_semaphore, #tpu.memory_space<semaphore_mem>>
        %dma_start3A_230 = arith.constant 0 : i32
        %dma_start3A_231 = tpu.memref_slice %arg5[%add3A_229, %dma_start3A_230] : memref<20000x128xf32, #tpu.memory_space<hbm>> -> memref<80x128xf32, #tpu.memory_space<hbm>>
        %dma_start3A_232 = arith.constant 0 : i32
        %dma_start3A_233 = tpu.memref_slice %arg12[%mul3A_224, %dma_start3A_232] : memref<10000x128xf32, #tpu.memory_space<vmem_shared>> -> memref<80x128xf32, #tpu.memory_space<vmem_shared>>
        tpu.enqueue_dma source(%dma_start3A_233 : memref<80x128xf32, #tpu.memory_space<vmem_shared>>) target(%dma_start3A_231 : memref<80x128xf32, #tpu.memory_space<hbm>>) target_semaphore(%run_scoped3A : memref<!tpu.dma_semaphore, #tpu.memory_space<semaphore_mem>>)
        %dma_wait3A_234 = arith.constant 0 : i32
        %dma_wait3A_235 = tpu.memref_slice %arg5[%add3A_229, %dma_wait3A_234] : memref<20000x128xf32, #tpu.memory_space<hbm>> -> memref<80x128xf32, #tpu.memory_space<hbm>>
        %dma_wait3A_236 = arith.constant 0 : i32
        %dma_wait3A_237 = tpu.memref_slice %arg12[%mul3A_224, %dma_wait3A_236] : memref<10000x128xf32, #tpu.memory_space<vmem_shared>> -> memref<80x128xf32, #tpu.memory_space<vmem_shared>>
        tpu.wait_dma2 semaphore(%run_scoped3A : memref<!tpu.dma_semaphore, #tpu.memory_space<semaphore_mem>>) src(%dma_wait3A_237 : memref<80x128xf32, #tpu.memory_space<vmem_shared>>) dst(%dma_wait3A_235 : memref<80x128xf32, #tpu.memory_space<hbm>>)
        tpu.yield
      }) : () -> ()
    } else {
    }
    %add3A_216 = arith.constant 112 : i32
    %add3A_217 = arith.addi %arg1, %add3A_216 : i32
    %lt3A_218 = arith.constant 125 : i32
    %lt3A_219 = arith.cmpi slt, %add3A_217, %lt3A_218 : i32
    %convert_element_type3A_220 = arith.extui %lt3A_219 : i1 to i32
    %cond3A_221 = arith.constant 0 : i32
    %cond3A_222 = arith.cmpi ne, %convert_element_type3A_220, %cond3A_221 : i32
    scf.if %cond3A_222 {
      %mul3A_223 = arith.constant 80 : i32
      %mul3A_224 = arith.muli %add3A_217, %mul3A_223 : i32
      %mul3A_225 = arith.constant 10000 : i32
      %mul3A_226 = arith.muli %arg0, %mul3A_225 : i32
      %mul3A_227 = arith.constant 80 : i32
      %mul3A_228 = arith.muli %add3A_217, %mul3A_227 : i32
      %add3A_229 = arith.addi %mul3A_226, %mul3A_228 : i32
      "tpu.region"() ({
        %run_scoped3A = tpu.sem_alloc : memref<!tpu.dma_semaphore, #tpu.memory_space<semaphore_mem>>
        %dma_start3A_230 = arith.constant 0 : i32
        %dma_start3A_231 = tpu.memref_slice %arg5[%add3A_229, %dma_start3A_230] : memref<20000x128xf32, #tpu.memory_space<hbm>> -> memref<80x128xf32, #tpu.memory_space<hbm>>
        %dma_start3A_232 = arith.constant 0 : i32
        %dma_start3A_233 = tpu.memref_slice %arg12[%mul3A_224, %dma_start3A_232] : memref<10000x128xf32, #tpu.memory_space<vmem_shared>> -> memref<80x128xf32, #tpu.memory_space<vmem_shared>>
        tpu.enqueue_dma source(%dma_start3A_233 : memref<80x128xf32, #tpu.memory_space<vmem_shared>>) target(%dma_start3A_231 : memref<80x128xf32, #tpu.memory_space<hbm>>) target_semaphore(%run_scoped3A : memref<!tpu.dma_semaphore, #tpu.memory_space<semaphore_mem>>)
        %dma_wait3A_234 = arith.constant 0 : i32
        %dma_wait3A_235 = tpu.memref_slice %arg5[%add3A_229, %dma_wait3A_234] : memref<20000x128xf32, #tpu.memory_space<hbm>> -> memref<80x128xf32, #tpu.memory_space<hbm>>
        %dma_wait3A_236 = arith.constant 0 : i32
        %dma_wait3A_237 = tpu.memref_slice %arg12[%mul3A_224, %dma_wait3A_236] : memref<10000x128xf32, #tpu.memory_space<vmem_shared>> -> memref<80x128xf32, #tpu.memory_space<vmem_shared>>
        tpu.wait_dma2 semaphore(%run_scoped3A : memref<!tpu.dma_semaphore, #tpu.memory_space<semaphore_mem>>) src(%dma_wait3A_237 : memref<80x128xf32, #tpu.memory_space<vmem_shared>>) dst(%dma_wait3A_235 : memref<80x128xf32, #tpu.memory_space<hbm>>)
        tpu.yield
      }) : () -> ()
    } else {
    }
    return
  }
}

#map = affine_map<(d0, d1) -> (0, 0)>
#map1 = affine_map<(d0, d1) -> (0)>
module attributes {stable_mosaic.version = 14 : i64} {
  func.func @seg_sum(%arg0: i32, %arg1: i32, %arg2: memref<10000x128xf32, #tpu.memory_space<hbm>>, %arg3: memref<320000xi32, #tpu.memory_space<hbm>>, %arg4: memref<320000xi32, #tpu.memory_space<hbm>>, %arg5: memref<20000x128xf32, #tpu.memory_space<hbm>>, %arg6: memref<4x80xi32, #tpu.memory_space<vmem>>, %arg7: memref<4x80xi32, #tpu.memory_space<vmem>>, %arg8: memref<80x128xf32, #tpu.memory_space<vmem>>, %arg9: memref<80x128xf32, #tpu.memory_space<vmem>>, %arg10: memref<80x128xf32, #tpu.memory_space<vmem>>, %arg11: memref<80x128xf32, #tpu.memory_space<vmem>>, %arg12: memref<10000x128xf32, #tpu.memory_space<vmem_shared>>, %arg13: memref<!tpu.dma_semaphore, #tpu.memory_space<semaphore_mem>>, %arg14: memref<!tpu.dma_semaphore, #tpu.memory_space<semaphore_mem>>, %arg15: memref<!tpu.dma_semaphore, #tpu.memory_space<semaphore_mem>>, %arg16: memref<!tpu.dma_semaphore, #tpu.memory_space<semaphore_mem>>, %arg17: memref<!tpu.dma_semaphore, #tpu.memory_space<semaphore_mem>>, %arg18: memref<!tpu.dma_semaphore, #tpu.memory_space<semaphore_mem>>, %arg19: memref<!tpu.dma_semaphore, #tpu.memory_space<semaphore_mem>>, %arg20: memref<!tpu.dma_semaphore, #tpu.memory_space<semaphore_mem>>, %arg21: memref<!tpu.dma_semaphore, #tpu.memory_space<semaphore_mem>>, %arg22: memref<!tpu.dma_semaphore, #tpu.memory_space<semaphore_mem>>) attributes {dimension_semantics = [#tpu.dimension_semantics<core_parallel>, #tpu.dimension_semantics<subcore_parallel>], iteration_bounds = array<i64: 2, 16>, scalar_prefetch = 0 : i64, scratch_operands = 17 : i64, tpu.core_type = #tpu.core_type<sc_vector_subcore>, window_params = [{transform_indices = #map}, {transform_indices = #map1}, {transform_indices = #map1}, {transform_indices = #map}]} {
    %mul3A = arith.constant 16 : i32
    %mul3A_0 = arith.muli %arg0, %mul3A : i32
    %add3A = arith.addi %mul3A_0, %arg1 : i32
    %mul3A_1 = arith.constant 10000 : i32
    %mul3A_2 = arith.muli %add3A, %mul3A_1 : i32
    %broadcast_in_dim3A = arith.constant 0.000000e+00 : f32
    %broadcast_in_dim3A_3 = vector.broadcast %broadcast_in_dim3A : f32 to vector<16xf32>
    %scan3A = arith.constant 0 : i32
    %scan3A_4 = arith.constant 0 : i32
    %scan3A_5 = arith.constant 80 : i32
    %scan3A_6 = arith.addi %scan3A_4, %scan3A_5 : i32
    %scan3A_7 = arith.constant 1 : i32
    scf.for %scan3A_223 = %scan3A_4 to %scan3A_6 step %scan3A_7  : i32 {
      %swap3A = arith.index_cast %scan3A_223 : i32 to index
      %swap3A_224 = arith.constant 0 : index
      %swap3A_225 = tpu.vector_load %arg8[%swap3A, %swap3A_224] {strides = array<i32>} : memref<80x128xf32, #tpu.memory_space<vmem>>, vector<1x16xf32>,
      %swap3A_226 = vector.shape_cast %swap3A_225 : vector<1x16xf32> to vector<16xf32>
      %swap3A_227 = vector.shape_cast %broadcast_in_dim3A_3 : vector<16xf32> to vector<1x16xf32>
      tpu.vector_store %arg8[%swap3A, %swap3A_224], %swap3A_227 {strides = array<i32>} : memref<80x128xf32, #tpu.memory_space<vmem>>, vector<1x16xf32>,
      %swap3A_228 = arith.index_cast %scan3A_223 : i32 to index
      %swap3A_229 = arith.constant 16 : index
      %swap3A_230 = tpu.vector_load %arg8[%swap3A_228, %swap3A_229] {strides = array<i32>} : memref<80x128xf32, #tpu.memory_space<vmem>>, vector<1x16xf32>,
      %swap3A_231 = vector.shape_cast %swap3A_230 : vector<1x16xf32> to vector<16xf32>
      %swap3A_232 = vector.shape_cast %broadcast_in_dim3A_3 : vector<16xf32> to vector<1x16xf32>
      tpu.vector_store %arg8[%swap3A_228, %swap3A_229], %swap3A_232 {strides = array<i32>} : memref<80x128xf32, #tpu.memory_space<vmem>>, vector<1x16xf32>,
      %swap3A_233 = arith.index_cast %scan3A_223 : i32 to index
      %swap3A_234 = arith.constant 32 : index
      %swap3A_235 = tpu.vector_load %arg8[%swap3A_233, %swap3A_234] {strides = array<i32>} : memref<80x128xf32, #tpu.memory_space<vmem>>, vector<1x16xf32>,
      %swap3A_236 = vector.shape_cast %swap3A_235 : vector<1x16xf32> to vector<16xf32>
      %swap3A_237 = vector.shape_cast %broadcast_in_dim3A_3 : vector<16xf32> to vector<1x16xf32>
      tpu.vector_store %arg8[%swap3A_233, %swap3A_234], %swap3A_237 {strides = array<i32>} : memref<80x128xf32, #tpu.memory_space<vmem>>, vector<1x16xf32>,
      %swap3A_238 = arith.index_cast %scan3A_223 : i32 to index
      %swap3A_239 = arith.constant 48 : index
      %swap3A_240 = tpu.vector_load %arg8[%swap3A_238, %swap3A_239] {strides = array<i32>} : memref<80x128xf32, #tpu.memory_space<vmem>>, vector<1x16xf32>,
      %swap3A_241 = vector.shape_cast %swap3A_240 : vector<1x16xf32> to vector<16xf32>
      %swap3A_242 = vector.shape_cast %broadcast_in_dim3A_3 : vector<16xf32> to vector<1x16xf32>
      tpu.vector_store %arg8[%swap3A_238, %swap3A_239], %swap3A_242 {strides = array<i32>} : memref<80x128xf32, #tpu.memory_space<vmem>>, vector<1x16xf32>,
      %swap3A_243 = arith.index_cast %scan3A_223 : i32 to index
      %swap3A_244 = arith.constant 64 : index
      %swap3A_245 = tpu.vector_load %arg8[%swap3A_243, %swap3A_244] {strides = array<i32>} : memref<80x128xf32, #tpu.memory_space<vmem>>, vector<1x16xf32>,
      %swap3A_246 = vector.shape_cast %swap3A_245 : vector<1x16xf32> to vector<16xf32>
      %swap3A_247 = vector.shape_cast %broadcast_in_dim3A_3 : vector<16xf32> to vector<1x16xf32>
      tpu.vector_store %arg8[%swap3A_243, %swap3A_244], %swap3A_247 {strides = array<i32>} : memref<80x128xf32, #tpu.memory_space<vmem>>, vector<1x16xf32>,
      %swap3A_248 = arith.index_cast %scan3A_223 : i32 to index
      %swap3A_249 = arith.constant 80 : index
      %swap3A_250 = tpu.vector_load %arg8[%swap3A_248, %swap3A_249] {strides = array<i32>} : memref<80x128xf32, #tpu.memory_space<vmem>>, vector<1x16xf32>,
      %swap3A_251 = vector.shape_cast %swap3A_250 : vector<1x16xf32> to vector<16xf32>
      %swap3A_252 = vector.shape_cast %broadcast_in_dim3A_3 : vector<16xf32> to vector<1x16xf32>
      tpu.vector_store %arg8[%swap3A_248, %swap3A_249], %swap3A_252 {strides = array<i32>} : memref<80x128xf32, #tpu.memory_space<vmem>>, vector<1x16xf32>,
      %swap3A_253 = arith.index_cast %scan3A_223 : i32 to index
      %swap3A_254 = arith.constant 96 : index
      %swap3A_255 = tpu.vector_load %arg8[%swap3A_253, %swap3A_254] {strides = array<i32>} : memref<80x128xf32, #tpu.memory_space<vmem>>, vector<1x16xf32>,
      %swap3A_256 = vector.shape_cast %swap3A_255 : vector<1x16xf32> to vector<16xf32>
      %swap3A_257 = vector.shape_cast %broadcast_in_dim3A_3 : vector<16xf32> to vector<1x16xf32>
      tpu.vector_store %arg8[%swap3A_253, %swap3A_254], %swap3A_257 {strides = array<i32>} : memref<80x128xf32, #tpu.memory_space<vmem>>, vector<1x16xf32>,
      %swap3A_258 = arith.index_cast %scan3A_223 : i32 to index
      %swap3A_259 = arith.constant 112 : index
      %swap3A_260 = tpu.vector_load %arg8[%swap3A_258, %swap3A_259] {strides = array<i32>} : memref<80x128xf32, #tpu.memory_space<vmem>>, vector<1x16xf32>,
      %swap3A_261 = vector.shape_cast %swap3A_260 : vector<1x16xf32> to vector<16xf32>
      %swap3A_262 = vector.shape_cast %broadcast_in_dim3A_3 : vector<16xf32> to vector<1x16xf32>
      tpu.vector_store %arg8[%swap3A_258, %swap3A_259], %swap3A_262 {strides = array<i32>} : memref<80x128xf32, #tpu.memory_space<vmem>>, vector<1x16xf32>,
    }
    %scan3A_8 = arith.constant 80 : i32
    %add3A_9 = arith.constant 0 : i32
    %add3A_10 = arith.addi %arg1, %add3A_9 : i32
    %lt3A = arith.constant 125 : i32
    %lt3A_11 = arith.cmpi slt, %add3A_10, %lt3A : i32
    %convert_element_type3A = arith.extui %lt3A_11 : i1 to i32
    %cond3A = arith.constant 0 : i32
    %cond3A_12 = arith.cmpi ne, %convert_element_type3A, %cond3A : i32
    scf.if %cond3A_12 {
      %mul3A_223 = arith.constant 80 : i32
      %mul3A_224 = arith.muli %add3A_10, %mul3A_223 : i32
      "tpu.region"() ({
        %run_scoped3A = tpu.sem_alloc : memref<!tpu.dma_semaphore, #tpu.memory_space<semaphore_mem>>
        %dma_start3A_225 = arith.constant 0 : i32
        %dma_start3A_226 = tpu.memref_slice %arg12[%mul3A_224, %dma_start3A_225] : memref<10000x128xf32, #tpu.memory_space<vmem_shared>> -> memref<80x128xf32, #tpu.memory_space<vmem_shared>>
        %dma_start3A_227 = arith.constant 0 : i32
        %dma_start3A_228 = tpu.memref_slice %arg12[%mul3A_224, %dma_start3A_227] : memref<10000x128xf32, #tpu.memory_space<vmem_shared>> -> memref<80x128xf32, #tpu.memory_space<vmem_shared>>
        tpu.enqueue_dma source(%arg8 : memref<80x128xf32, #tpu.memory_space<vmem>>) target(%dma_start3A_228 : memref<80x128xf32, #tpu.memory_space<vmem_shared>>) target_semaphore(%run_scoped3A : memref<!tpu.dma_semaphore, #tpu.memory_space<semaphore_mem>>)
        %dma_wait3A_229 = arith.constant 0 : i32
        %dma_wait3A_230 = tpu.memref_slice %arg12[%mul3A_224, %dma_wait3A_229] : memref<10000x128xf32, #tpu.memory_space<vmem_shared>> -> memref<80x128xf32, #tpu.memory_space<vmem_shared>>
        %dma_wait3A_231 = arith.constant 0 : i32
        %dma_wait3A_232 = tpu.memref_slice %arg12[%mul3A_224, %dma_wait3A_231] : memref<10000x128xf32, #tpu.memory_space<vmem_shared>> -> memref<80x128xf32, #tpu.memory_space<vmem_shared>>
        tpu.wait_dma2 semaphore(%run_scoped3A : memref<!tpu.dma_semaphore, #tpu.memory_space<semaphore_mem>>) src(%arg8 : memref<80x128xf32, #tpu.memory_space<vmem>>) dst(%dma_wait3A_232 : memref<80x128xf32, #tpu.memory_space<vmem_shared>>)
        tpu.yield
      }) : () -> ()
    } else {
    }
    %add3A_13 = arith.constant 16 : i32
    %add3A_14 = arith.addi %arg1, %add3A_13 : i32
    %lt3A_15 = arith.constant 125 : i32
    %lt3A_16 = arith.cmpi slt, %add3A_14, %lt3A_15 : i32
    %convert_element_type3A_17 = arith.extui %lt3A_16 : i1 to i32
    %cond3A_18 = arith.constant 0 : i32
    %cond3A_19 = arith.cmpi ne, %convert_element_type3A_17, %cond3A_18 : i32
    scf.if %cond3A_19 {
      %mul3A_223 = arith.constant 80 : i32
      %mul3A_224 = arith.muli %add3A_14, %mul3A_223 : i32
      "tpu.region"() ({
        %run_scoped3A = tpu.sem_alloc : memref<!tpu.dma_semaphore, #tpu.memory_space<semaphore_mem>>
        %dma_start3A_225 = arith.constant 0 : i32
        %dma_start3A_226 = tpu.memref_slice %arg12[%mul3A_224, %dma_start3A_225] : memref<10000x128xf32, #tpu.memory_space<vmem_shared>> -> memref<80x128xf32, #tpu.memory_space<vmem_shared>>
        %dma_start3A_227 = arith.constant 0 : i32
        %dma_start3A_228 = tpu.memref_slice %arg12[%mul3A_224, %dma_start3A_227] : memref<10000x128xf32, #tpu.memory_space<vmem_shared>> -> memref<80x128xf32, #tpu.memory_space<vmem_shared>>
        tpu.enqueue_dma source(%arg8 : memref<80x128xf32, #tpu.memory_space<vmem>>) target(%dma_start3A_228 : memref<80x128xf32, #tpu.memory_space<vmem_shared>>) target_semaphore(%run_scoped3A : memref<!tpu.dma_semaphore, #tpu.memory_space<semaphore_mem>>)
        %dma_wait3A_229 = arith.constant 0 : i32
        %dma_wait3A_230 = tpu.memref_slice %arg12[%mul3A_224, %dma_wait3A_229] : memref<10000x128xf32, #tpu.memory_space<vmem_shared>> -> memref<80x128xf32, #tpu.memory_space<vmem_shared>>
        %dma_wait3A_231 = arith.constant 0 : i32
        %dma_wait3A_232 = tpu.memref_slice %arg12[%mul3A_224, %dma_wait3A_231] : memref<10000x128xf32, #tpu.memory_space<vmem_shared>> -> memref<80x128xf32, #tpu.memory_space<vmem_shared>>
        tpu.wait_dma2 semaphore(%run_scoped3A : memref<!tpu.dma_semaphore, #tpu.memory_space<semaphore_mem>>) src(%arg8 : memref<80x128xf32, #tpu.memory_space<vmem>>) dst(%dma_wait3A_232 : memref<80x128xf32, #tpu.memory_space<vmem_shared>>)
        tpu.yield
      }) : () -> ()
    } else {
    }
    %add3A_20 = arith.constant 32 : i32
    %add3A_21 = arith.addi %arg1, %add3A_20 : i32
    %lt3A_22 = arith.constant 125 : i32
    %lt3A_23 = arith.cmpi slt, %add3A_21, %lt3A_22 : i32
    %convert_element_type3A_24 = arith.extui %lt3A_23 : i1 to i32
    %cond3A_25 = arith.constant 0 : i32
    %cond3A_26 = arith.cmpi ne, %convert_element_type3A_24, %cond3A_25 : i32
    scf.if %cond3A_26 {
      %mul3A_223 = arith.constant 80 : i32
      %mul3A_224 = arith.muli %add3A_21, %mul3A_223 : i32
      "tpu.region"() ({
        %run_scoped3A = tpu.sem_alloc : memref<!tpu.dma_semaphore, #tpu.memory_space<semaphore_mem>>
        %dma_start3A_225 = arith.constant 0 : i32
        %dma_start3A_226 = tpu.memref_slice %arg12[%mul3A_224, %dma_start3A_225] : memref<10000x128xf32, #tpu.memory_space<vmem_shared>> -> memref<80x128xf32, #tpu.memory_space<vmem_shared>>
        %dma_start3A_227 = arith.constant 0 : i32
        %dma_start3A_228 = tpu.memref_slice %arg12[%mul3A_224, %dma_start3A_227] : memref<10000x128xf32, #tpu.memory_space<vmem_shared>> -> memref<80x128xf32, #tpu.memory_space<vmem_shared>>
        tpu.enqueue_dma source(%arg8 : memref<80x128xf32, #tpu.memory_space<vmem>>) target(%dma_start3A_228 : memref<80x128xf32, #tpu.memory_space<vmem_shared>>) target_semaphore(%run_scoped3A : memref<!tpu.dma_semaphore, #tpu.memory_space<semaphore_mem>>)
        %dma_wait3A_229 = arith.constant 0 : i32
        %dma_wait3A_230 = tpu.memref_slice %arg12[%mul3A_224, %dma_wait3A_229] : memref<10000x128xf32, #tpu.memory_space<vmem_shared>> -> memref<80x128xf32, #tpu.memory_space<vmem_shared>>
        %dma_wait3A_231 = arith.constant 0 : i32
        %dma_wait3A_232 = tpu.memref_slice %arg12[%mul3A_224, %dma_wait3A_231] : memref<10000x128xf32, #tpu.memory_space<vmem_shared>> -> memref<80x128xf32, #tpu.memory_space<vmem_shared>>
        tpu.wait_dma2 semaphore(%run_scoped3A : memref<!tpu.dma_semaphore, #tpu.memory_space<semaphore_mem>>) src(%arg8 : memref<80x128xf32, #tpu.memory_space<vmem>>) dst(%dma_wait3A_232 : memref<80x128xf32, #tpu.memory_space<vmem_shared>>)
        tpu.yield
      }) : () -> ()
    } else {
    }
    %add3A_27 = arith.constant 48 : i32
    %add3A_28 = arith.addi %arg1, %add3A_27 : i32
    %lt3A_29 = arith.constant 125 : i32
    %lt3A_30 = arith.cmpi slt, %add3A_28, %lt3A_29 : i32
    %convert_element_type3A_31 = arith.extui %lt3A_30 : i1 to i32
    %cond3A_32 = arith.constant 0 : i32
    %cond3A_33 = arith.cmpi ne, %convert_element_type3A_31, %cond3A_32 : i32
    scf.if %cond3A_33 {
      %mul3A_223 = arith.constant 80 : i32
      %mul3A_224 = arith.muli %add3A_28, %mul3A_223 : i32
      "tpu.region"() ({
        %run_scoped3A = tpu.sem_alloc : memref<!tpu.dma_semaphore, #tpu.memory_space<semaphore_mem>>
        %dma_start3A_225 = arith.constant 0 : i32
        %dma_start3A_226 = tpu.memref_slice %arg12[%mul3A_224, %dma_start3A_225] : memref<10000x128xf32, #tpu.memory_space<vmem_shared>> -> memref<80x128xf32, #tpu.memory_space<vmem_shared>>
        %dma_start3A_227 = arith.constant 0 : i32
        %dma_start3A_228 = tpu.memref_slice %arg12[%mul3A_224, %dma_start3A_227] : memref<10000x128xf32, #tpu.memory_space<vmem_shared>> -> memref<80x128xf32, #tpu.memory_space<vmem_shared>>
        tpu.enqueue_dma source(%arg8 : memref<80x128xf32, #tpu.memory_space<vmem>>) target(%dma_start3A_228 : memref<80x128xf32, #tpu.memory_space<vmem_shared>>) target_semaphore(%run_scoped3A : memref<!tpu.dma_semaphore, #tpu.memory_space<semaphore_mem>>)
        %dma_wait3A_229 = arith.constant 0 : i32
        %dma_wait3A_230 = tpu.memref_slice %arg12[%mul3A_224, %dma_wait3A_229] : memref<10000x128xf32, #tpu.memory_space<vmem_shared>> -> memref<80x128xf32, #tpu.memory_space<vmem_shared>>
        %dma_wait3A_231 = arith.constant 0 : i32
        %dma_wait3A_232 = tpu.memref_slice %arg12[%mul3A_224, %dma_wait3A_231] : memref<10000x128xf32, #tpu.memory_space<vmem_shared>> -> memref<80x128xf32, #tpu.memory_space<vmem_shared>>
        tpu.wait_dma2 semaphore(%run_scoped3A : memref<!tpu.dma_semaphore, #tpu.memory_space<semaphore_mem>>) src(%arg8 : memref<80x128xf32, #tpu.memory_space<vmem>>) dst(%dma_wait3A_232 : memref<80x128xf32, #tpu.memory_space<vmem_shared>>)
        tpu.yield
      }) : () -> ()
    } else {
    }
    %add3A_34 = arith.constant 64 : i32
    %add3A_35 = arith.addi %arg1, %add3A_34 : i32
    %lt3A_36 = arith.constant 125 : i32
    %lt3A_37 = arith.cmpi slt, %add3A_35, %lt3A_36 : i32
    %convert_element_type3A_38 = arith.extui %lt3A_37 : i1 to i32
    %cond3A_39 = arith.constant 0 : i32
    %cond3A_40 = arith.cmpi ne, %convert_element_type3A_38, %cond3A_39 : i32
    scf.if %cond3A_40 {
      %mul3A_223 = arith.constant 80 : i32
      %mul3A_224 = arith.muli %add3A_35, %mul3A_223 : i32
      "tpu.region"() ({
        %run_scoped3A = tpu.sem_alloc : memref<!tpu.dma_semaphore, #tpu.memory_space<semaphore_mem>>
        %dma_start3A_225 = arith.constant 0 : i32
        %dma_start3A_226 = tpu.memref_slice %arg12[%mul3A_224, %dma_start3A_225] : memref<10000x128xf32, #tpu.memory_space<vmem_shared>> -> memref<80x128xf32, #tpu.memory_space<vmem_shared>>
        %dma_start3A_227 = arith.constant 0 : i32
        %dma_start3A_228 = tpu.memref_slice %arg12[%mul3A_224, %dma_start3A_227] : memref<10000x128xf32, #tpu.memory_space<vmem_shared>> -> memref<80x128xf32, #tpu.memory_space<vmem_shared>>
        tpu.enqueue_dma source(%arg8 : memref<80x128xf32, #tpu.memory_space<vmem>>) target(%dma_start3A_228 : memref<80x128xf32, #tpu.memory_space<vmem_shared>>) target_semaphore(%run_scoped3A : memref<!tpu.dma_semaphore, #tpu.memory_space<semaphore_mem>>)
        %dma_wait3A_229 = arith.constant 0 : i32
        %dma_wait3A_230 = tpu.memref_slice %arg12[%mul3A_224, %dma_wait3A_229] : memref<10000x128xf32, #tpu.memory_space<vmem_shared>> -> memref<80x128xf32, #tpu.memory_space<vmem_shared>>
        %dma_wait3A_231 = arith.constant 0 : i32
        %dma_wait3A_232 = tpu.memref_slice %arg12[%mul3A_224, %dma_wait3A_231] : memref<10000x128xf32, #tpu.memory_space<vmem_shared>> -> memref<80x128xf32, #tpu.memory_space<vmem_shared>>
        tpu.wait_dma2 semaphore(%run_scoped3A : memref<!tpu.dma_semaphore, #tpu.memory_space<semaphore_mem>>) src(%arg8 : memref<80x128xf32, #tpu.memory_space<vmem>>) dst(%dma_wait3A_232 : memref<80x128xf32, #tpu.memory_space<vmem_shared>>)
        tpu.yield
      }) : () -> ()
    } else {
    }
    %add3A_41 = arith.constant 80 : i32
    %add3A_42 = arith.addi %arg1, %add3A_41 : i32
    %lt3A_43 = arith.constant 125 : i32
    %lt3A_44 = arith.cmpi slt, %add3A_42, %lt3A_43 : i32
    %convert_element_type3A_45 = arith.extui %lt3A_44 : i1 to i32
    %cond3A_46 = arith.constant 0 : i32
    %cond3A_47 = arith.cmpi ne, %convert_element_type3A_45, %cond3A_46 : i32
    scf.if %cond3A_47 {
      %mul3A_223 = arith.constant 80 : i32
      %mul3A_224 = arith.muli %add3A_42, %mul3A_223 : i32
      "tpu.region"() ({
        %run_scoped3A = tpu.sem_alloc : memref<!tpu.dma_semaphore, #tpu.memory_space<semaphore_mem>>
        %dma_start3A_225 = arith.constant 0 : i32
        %dma_start3A_226 = tpu.memref_slice %arg12[%mul3A_224, %dma_start3A_225] : memref<10000x128xf32, #tpu.memory_space<vmem_shared>> -> memref<80x128xf32, #tpu.memory_space<vmem_shared>>
        %dma_start3A_227 = arith.constant 0 : i32
        %dma_start3A_228 = tpu.memref_slice %arg12[%mul3A_224, %dma_start3A_227] : memref<10000x128xf32, #tpu.memory_space<vmem_shared>> -> memref<80x128xf32, #tpu.memory_space<vmem_shared>>
        tpu.enqueue_dma source(%arg8 : memref<80x128xf32, #tpu.memory_space<vmem>>) target(%dma_start3A_228 : memref<80x128xf32, #tpu.memory_space<vmem_shared>>) target_semaphore(%run_scoped3A : memref<!tpu.dma_semaphore, #tpu.memory_space<semaphore_mem>>)
        %dma_wait3A_229 = arith.constant 0 : i32
        %dma_wait3A_230 = tpu.memref_slice %arg12[%mul3A_224, %dma_wait3A_229] : memref<10000x128xf32, #tpu.memory_space<vmem_shared>> -> memref<80x128xf32, #tpu.memory_space<vmem_shared>>
        %dma_wait3A_231 = arith.constant 0 : i32
        %dma_wait3A_232 = tpu.memref_slice %arg12[%mul3A_224, %dma_wait3A_231] : memref<10000x128xf32, #tpu.memory_space<vmem_shared>> -> memref<80x128xf32, #tpu.memory_space<vmem_shared>>
        tpu.wait_dma2 semaphore(%run_scoped3A : memref<!tpu.dma_semaphore, #tpu.memory_space<semaphore_mem>>) src(%arg8 : memref<80x128xf32, #tpu.memory_space<vmem>>) dst(%dma_wait3A_232 : memref<80x128xf32, #tpu.memory_space<vmem_shared>>)
        tpu.yield
      }) : () -> ()
    } else {
    }
    %add3A_48 = arith.constant 96 : i32
    %add3A_49 = arith.addi %arg1, %add3A_48 : i32
    %lt3A_50 = arith.constant 125 : i32
    %lt3A_51 = arith.cmpi slt, %add3A_49, %lt3A_50 : i32
    %convert_element_type3A_52 = arith.extui %lt3A_51 : i1 to i32
    %cond3A_53 = arith.constant 0 : i32
    %cond3A_54 = arith.cmpi ne, %convert_element_type3A_52, %cond3A_53 : i32
    scf.if %cond3A_54 {
      %mul3A_223 = arith.constant 80 : i32
      %mul3A_224 = arith.muli %add3A_49, %mul3A_223 : i32
      "tpu.region"() ({
        %run_scoped3A = tpu.sem_alloc : memref<!tpu.dma_semaphore, #tpu.memory_space<semaphore_mem>>
        %dma_start3A_225 = arith.constant 0 : i32
        %dma_start3A_226 = tpu.memref_slice %arg12[%mul3A_224, %dma_start3A_225] : memref<10000x128xf32, #tpu.memory_space<vmem_shared>> -> memref<80x128xf32, #tpu.memory_space<vmem_shared>>
        %dma_start3A_227 = arith.constant 0 : i32
        %dma_start3A_228 = tpu.memref_slice %arg12[%mul3A_224, %dma_start3A_227] : memref<10000x128xf32, #tpu.memory_space<vmem_shared>> -> memref<80x128xf32, #tpu.memory_space<vmem_shared>>
        tpu.enqueue_dma source(%arg8 : memref<80x128xf32, #tpu.memory_space<vmem>>) target(%dma_start3A_228 : memref<80x128xf32, #tpu.memory_space<vmem_shared>>) target_semaphore(%run_scoped3A : memref<!tpu.dma_semaphore, #tpu.memory_space<semaphore_mem>>)
        %dma_wait3A_229 = arith.constant 0 : i32
        %dma_wait3A_230 = tpu.memref_slice %arg12[%mul3A_224, %dma_wait3A_229] : memref<10000x128xf32, #tpu.memory_space<vmem_shared>> -> memref<80x128xf32, #tpu.memory_space<vmem_shared>>
        %dma_wait3A_231 = arith.constant 0 : i32
        %dma_wait3A_232 = tpu.memref_slice %arg12[%mul3A_224, %dma_wait3A_231] : memref<10000x128xf32, #tpu.memory_space<vmem_shared>> -> memref<80x128xf32, #tpu.memory_space<vmem_shared>>
        tpu.wait_dma2 semaphore(%run_scoped3A : memref<!tpu.dma_semaphore, #tpu.memory_space<semaphore_mem>>) src(%arg8 : memref<80x128xf32, #tpu.memory_space<vmem>>) dst(%dma_wait3A_232 : memref<80x128xf32, #tpu.memory_space<vmem_shared>>)
        tpu.yield
      }) : () -> ()
    } else {
    }
    %add3A_55 = arith.constant 112 : i32
    %add3A_56 = arith.addi %arg1, %add3A_55 : i32
    %lt3A_57 = arith.constant 125 : i32
    %lt3A_58 = arith.cmpi slt, %add3A_56, %lt3A_57 : i32
    %convert_element_type3A_59 = arith.extui %lt3A_58 : i1 to i32
    %cond3A_60 = arith.constant 0 : i32
    %cond3A_61 = arith.cmpi ne, %convert_element_type3A_59, %cond3A_60 : i32
    scf.if %cond3A_61 {
      %mul3A_223 = arith.constant 80 : i32
      %mul3A_224 = arith.muli %add3A_56, %mul3A_223 : i32
      "tpu.region"() ({
        %run_scoped3A = tpu.sem_alloc : memref<!tpu.dma_semaphore, #tpu.memory_space<semaphore_mem>>
        %dma_start3A_225 = arith.constant 0 : i32
        %dma_start3A_226 = tpu.memref_slice %arg12[%mul3A_224, %dma_start3A_225] : memref<10000x128xf32, #tpu.memory_space<vmem_shared>> -> memref<80x128xf32, #tpu.memory_space<vmem_shared>>
        %dma_start3A_227 = arith.constant 0 : i32
        %dma_start3A_228 = tpu.memref_slice %arg12[%mul3A_224, %dma_start3A_227] : memref<10000x128xf32, #tpu.memory_space<vmem_shared>> -> memref<80x128xf32, #tpu.memory_space<vmem_shared>>
        tpu.enqueue_dma source(%arg8 : memref<80x128xf32, #tpu.memory_space<vmem>>) target(%dma_start3A_228 : memref<80x128xf32, #tpu.memory_space<vmem_shared>>) target_semaphore(%run_scoped3A : memref<!tpu.dma_semaphore, #tpu.memory_space<semaphore_mem>>)
        %dma_wait3A_229 = arith.constant 0 : i32
        %dma_wait3A_230 = tpu.memref_slice %arg12[%mul3A_224, %dma_wait3A_229] : memref<10000x128xf32, #tpu.memory_space<vmem_shared>> -> memref<80x128xf32, #tpu.memory_space<vmem_shared>>
        %dma_wait3A_231 = arith.constant 0 : i32
        %dma_wait3A_232 = tpu.memref_slice %arg12[%mul3A_224, %dma_wait3A_231] : memref<10000x128xf32, #tpu.memory_space<vmem_shared>> -> memref<80x128xf32, #tpu.memory_space<vmem_shared>>
        tpu.wait_dma2 semaphore(%run_scoped3A : memref<!tpu.dma_semaphore, #tpu.memory_space<semaphore_mem>>) src(%arg8 : memref<80x128xf32, #tpu.memory_space<vmem>>) dst(%dma_wait3A_232 : memref<80x128xf32, #tpu.memory_space<vmem_shared>>)
        tpu.yield
      }) : () -> ()
    } else {
    }
    %barrier3A = arith.constant 0 : index
    tpu.barrier barrier_id(%barrier3A)
    %scan3A_62 = arith.constant 0 : i32
    %scan3A_63 = arith.constant 0 : i32
    %scan3A_64 = arith.constant 31 : i32
    %scan3A_65 = arith.addi %scan3A_63, %scan3A_64 : i32
    %scan3A_66 = arith.constant 1 : i32
    scf.for %scan3A_223 = %scan3A_63 to %scan3A_65 step %scan3A_66  : i32 {
      %mul3A_224 = arith.constant 4 : i32
      %mul3A_225 = arith.muli %mul3A_224, %scan3A_223 : i32
      %gt3A = arith.constant 0 : i32
      %gt3A_226 = arith.cmpi sgt, %scan3A_223, %gt3A : i32
      %convert_element_type3A_227 = arith.extui %gt3A_226 : i1 to i32
      %cond3A_228 = arith.constant 0 : i32
      %cond3A_229 = arith.cmpi ne, %convert_element_type3A_227, %cond3A_228 : i32
      scf.if %cond3A_229 {
        %dma_wait3A_522 = arith.constant 0 : i32
        %dma_wait3A_523 = arith.constant 0 : i32
        %dma_wait3A_524 = tpu.memref_slice %arg7[%dma_wait3A_522, %dma_wait3A_523] : memref<4x80xi32, #tpu.memory_space<vmem>> -> memref<1x80xi32, #tpu.memory_space<vmem>>
        %dma_wait3A_525 = tpu.memref_squeeze %dma_wait3A_524 : memref<1x80xi32, #tpu.memory_space<vmem>> -> memref<80xi32, #tpu.memory_space<vmem>>
        %dma_wait3A_526 = arith.constant 0 : i32
        %dma_wait3A_527 = arith.constant 0 : i32
        %dma_wait3A_528 = tpu.memref_slice %arg12[%dma_wait3A_526, %dma_wait3A_527] : memref<10000x128xf32, #tpu.memory_space<vmem_shared>> -> memref<10000x128xf32, #tpu.memory_space<vmem_shared>>
        tpu.wait_indirect_dma semaphore(%arg19 : memref<!tpu.dma_semaphore, #tpu.memory_space<semaphore_mem>>) src(%arg8 : memref<80x128xf32, #tpu.memory_space<vmem>>) dst(%dma_wait3A_528 : memref<10000x128xf32, #tpu.memory_space<vmem_shared>>)
        %dma_wait3A_529 = arith.constant 1 : i32
        %dma_wait3A_530 = arith.constant 0 : i32
        %dma_wait3A_531 = tpu.memref_slice %arg7[%dma_wait3A_529, %dma_wait3A_530] : memref<4x80xi32, #tpu.memory_space<vmem>> -> memref<1x80xi32, #tpu.memory_space<vmem>>
        %dma_wait3A_532 = tpu.memref_squeeze %dma_wait3A_531 : memref<1x80xi32, #tpu.memory_space<vmem>> -> memref<80xi32, #tpu.memory_space<vmem>>
        %dma_wait3A_533 = arith.constant 0 : i32
        %dma_wait3A_534 = arith.constant 0 : i32
        %dma_wait3A_535 = tpu.memref_slice %arg12[%dma_wait3A_533, %dma_wait3A_534] : memref<10000x128xf32, #tpu.memory_space<vmem_shared>> -> memref<10000x128xf32, #tpu.memory_space<vmem_shared>>
        tpu.wait_indirect_dma semaphore(%arg20 : memref<!tpu.dma_semaphore, #tpu.memory_space<semaphore_mem>>) src(%arg9 : memref<80x128xf32, #tpu.memory_space<vmem>>) dst(%dma_wait3A_535 : memref<10000x128xf32, #tpu.memory_space<vmem_shared>>)
        %dma_wait3A_536 = arith.constant 2 : i32
        %dma_wait3A_537 = arith.constant 0 : i32
        %dma_wait3A_538 = tpu.memref_slice %arg7[%dma_wait3A_536, %dma_wait3A_537] : memref<4x80xi32, #tpu.memory_space<vmem>> -> memref<1x80xi32, #tpu.memory_space<vmem>>
        %dma_wait3A_539 = tpu.memref_squeeze %dma_wait3A_538 : memref<1x80xi32, #tpu.memory_space<vmem>> -> memref<80xi32, #tpu.memory_space<vmem>>
        %dma_wait3A_540 = arith.constant 0 : i32
        %dma_wait3A_541 = arith.constant 0 : i32
        %dma_wait3A_542 = tpu.memref_slice %arg12[%dma_wait3A_540, %dma_wait3A_541] : memref<10000x128xf32, #tpu.memory_space<vmem_shared>> -> memref<10000x128xf32, #tpu.memory_space<vmem_shared>>
        tpu.wait_indirect_dma semaphore(%arg21 : memref<!tpu.dma_semaphore, #tpu.memory_space<semaphore_mem>>) src(%arg10 : memref<80x128xf32, #tpu.memory_space<vmem>>) dst(%dma_wait3A_542 : memref<10000x128xf32, #tpu.memory_space<vmem_shared>>)
        %dma_wait3A_543 = arith.constant 3 : i32
        %dma_wait3A_544 = arith.constant 0 : i32
        %dma_wait3A_545 = tpu.memref_slice %arg7[%dma_wait3A_543, %dma_wait3A_544] : memref<4x80xi32, #tpu.memory_space<vmem>> -> memref<1x80xi32, #tpu.memory_space<vmem>>
        %dma_wait3A_546 = tpu.memref_squeeze %dma_wait3A_545 : memref<1x80xi32, #tpu.memory_space<vmem>> -> memref<80xi32, #tpu.memory_space<vmem>>
        %dma_wait3A_547 = arith.constant 0 : i32
        %dma_wait3A_548 = arith.constant 0 : i32
        %dma_wait3A_549 = tpu.memref_slice %arg12[%dma_wait3A_547, %dma_wait3A_548] : memref<10000x128xf32, #tpu.memory_space<vmem_shared>> -> memref<10000x128xf32, #tpu.memory_space<vmem_shared>>
        tpu.wait_indirect_dma semaphore(%arg22 : memref<!tpu.dma_semaphore, #tpu.memory_space<semaphore_mem>>) src(%arg11 : memref<80x128xf32, #tpu.memory_space<vmem>>) dst(%dma_wait3A_549 : memref<10000x128xf32, #tpu.memory_space<vmem_shared>>)
      } else {
      }
      %add3A_230 = arith.constant 0 : i32
      %add3A_231 = arith.addi %mul3A_225, %add3A_230 : i32
      %mul3A_232 = arith.constant 80 : i32
      %mul3A_233 = arith.muli %add3A_231, %mul3A_232 : i32
      %add3A_234 = arith.addi %mul3A_2, %mul3A_233 : i32
      %dma_start3A_235 = arith.constant 0 : i32
      %dma_start3A_236 = arith.constant 0 : i32
      %dma_start3A_237 = tpu.memref_slice %arg6[%dma_start3A_235, %dma_start3A_236] : memref<4x80xi32, #tpu.memory_space<vmem>> -> memref<1x80xi32, #tpu.memory_space<vmem>>
      %dma_start3A_238 = tpu.memref_squeeze %dma_start3A_237 : memref<1x80xi32, #tpu.memory_space<vmem>> -> memref<80xi32, #tpu.memory_space<vmem>>
      %dma_start3A_239 = tpu.memref_slice %arg3[%add3A_234] : memref<320000xi32, #tpu.memory_space<hbm>> -> memref<80xi32, #tpu.memory_space<hbm>>
      %dma_start3A_240 = arith.constant 0 : i32
      %dma_start3A_241 = tpu.memref_slice %arg6[%dma_start3A_235, %dma_start3A_240] : memref<4x80xi32, #tpu.memory_space<vmem>> -> memref<1x80xi32, #tpu.memory_space<vmem>>
      %dma_start3A_242 = tpu.memref_squeeze %dma_start3A_241 : memref<1x80xi32, #tpu.memory_space<vmem>> -> memref<80xi32, #tpu.memory_space<vmem>>
      %dma_start3A_243 = tpu.memref_slice %arg3[%add3A_234] : memref<320000xi32, #tpu.memory_space<hbm>> -> memref<80xi32, #tpu.memory_space<hbm>>
      tpu.enqueue_dma source(%dma_start3A_243 : memref<80xi32, #tpu.memory_space<hbm>>) target(%dma_start3A_242 : memref<80xi32, #tpu.memory_space<vmem>>) target_semaphore(%arg17 : memref<!tpu.dma_semaphore, #tpu.memory_space<semaphore_mem>>)
      %mul3A_244 = arith.constant 80 : i32
      %mul3A_245 = arith.muli %add3A_231, %mul3A_244 : i32
      %add3A_246 = arith.addi %mul3A_2, %mul3A_245 : i32
      %dma_start3A_247 = arith.constant 0 : i32
      %dma_start3A_248 = arith.constant 0 : i32
      %dma_start3A_249 = tpu.memref_slice %arg7[%dma_start3A_247, %dma_start3A_248] : memref<4x80xi32, #tpu.memory_space<vmem>> -> memref<1x80xi32, #tpu.memory_space<vmem>>
      %dma_start3A_250 = tpu.memref_squeeze %dma_start3A_249 : memref<1x80xi32, #tpu.memory_space<vmem>> -> memref<80xi32, #tpu.memory_space<vmem>>
      %dma_start3A_251 = tpu.memref_slice %arg4[%add3A_246] : memref<320000xi32, #tpu.memory_space<hbm>> -> memref<80xi32, #tpu.memory_space<hbm>>
      %dma_start3A_252 = arith.constant 0 : i32
      %dma_start3A_253 = tpu.memref_slice %arg7[%dma_start3A_247, %dma_start3A_252] : memref<4x80xi32, #tpu.memory_space<vmem>> -> memref<1x80xi32, #tpu.memory_space<vmem>>
      %dma_start3A_254 = tpu.memref_squeeze %dma_start3A_253 : memref<1x80xi32, #tpu.memory_space<vmem>> -> memref<80xi32, #tpu.memory_space<vmem>>
      %dma_start3A_255 = tpu.memref_slice %arg4[%add3A_246] : memref<320000xi32, #tpu.memory_space<hbm>> -> memref<80xi32, #tpu.memory_space<hbm>>
      tpu.enqueue_dma source(%dma_start3A_255 : memref<80xi32, #tpu.memory_space<hbm>>) target(%dma_start3A_254 : memref<80xi32, #tpu.memory_space<vmem>>) target_semaphore(%arg18 : memref<!tpu.dma_semaphore, #tpu.memory_space<semaphore_mem>>)
      %add3A_256 = arith.constant 1 : i32
      %add3A_257 = arith.addi %mul3A_225, %add3A_256 : i32
      %mul3A_258 = arith.constant 80 : i32
      %mul3A_259 = arith.muli %add3A_257, %mul3A_258 : i32
      %add3A_260 = arith.addi %mul3A_2, %mul3A_259 : i32
      %dma_start3A_261 = arith.constant 1 : i32
      %dma_start3A_262 = arith.constant 0 : i32
      %dma_start3A_263 = tpu.memref_slice %arg6[%dma_start3A_261, %dma_start3A_262] : memref<4x80xi32, #tpu.memory_space<vmem>> -> memref<1x80xi32, #tpu.memory_space<vmem>>
      %dma_start3A_264 = tpu.memref_squeeze %dma_start3A_263 : memref<1x80xi32, #tpu.memory_space<vmem>> -> memref<80xi32, #tpu.memory_space<vmem>>
      %dma_start3A_265 = tpu.memref_slice %arg3[%add3A_260] : memref<320000xi32, #tpu.memory_space<hbm>> -> memref<80xi32, #tpu.memory_space<hbm>>
      %dma_start3A_266 = arith.constant 0 : i32
      %dma_start3A_267 = tpu.memref_slice %arg6[%dma_start3A_261, %dma_start3A_266] : memref<4x80xi32, #tpu.memory_space<vmem>> -> memref<1x80xi32, #tpu.memory_space<vmem>>
      %dma_start3A_268 = tpu.memref_squeeze %dma_start3A_267 : memref<1x80xi32, #tpu.memory_space<vmem>> -> memref<80xi32, #tpu.memory_space<vmem>>
      %dma_start3A_269 = tpu.memref_slice %arg3[%add3A_260] : memref<320000xi32, #tpu.memory_space<hbm>> -> memref<80xi32, #tpu.memory_space<hbm>>
      tpu.enqueue_dma source(%dma_start3A_269 : memref<80xi32, #tpu.memory_space<hbm>>) target(%dma_start3A_268 : memref<80xi32, #tpu.memory_space<vmem>>) target_semaphore(%arg17 : memref<!tpu.dma_semaphore, #tpu.memory_space<semaphore_mem>>)
      %mul3A_270 = arith.constant 80 : i32
      %mul3A_271 = arith.muli %add3A_257, %mul3A_270 : i32
      %add3A_272 = arith.addi %mul3A_2, %mul3A_271 : i32
      %dma_start3A_273 = arith.constant 1 : i32
      %dma_start3A_274 = arith.constant 0 : i32
      %dma_start3A_275 = tpu.memref_slice %arg7[%dma_start3A_273, %dma_start3A_274] : memref<4x80xi32, #tpu.memory_space<vmem>> -> memref<1x80xi32, #tpu.memory_space<vmem>>
      %dma_start3A_276 = tpu.memref_squeeze %dma_start3A_275 : memref<1x80xi32, #tpu.memory_space<vmem>> -> memref<80xi32, #tpu.memory_space<vmem>>
      %dma_start3A_277 = tpu.memref_slice %arg4[%add3A_272] : memref<320000xi32, #tpu.memory_space<hbm>> -> memref<80xi32, #tpu.memory_space<hbm>>
      %dma_start3A_278 = arith.constant 0 : i32
      %dma_start3A_279 = tpu.memref_slice %arg7[%dma_start3A_273, %dma_start3A_278] : memref<4x80xi32, #tpu.memory_space<vmem>> -> memref<1x80xi32, #tpu.memory_space<vmem>>
      %dma_start3A_280 = tpu.memref_squeeze %dma_start3A_279 : memref<1x80xi32, #tpu.memory_space<vmem>> -> memref<80xi32, #tpu.memory_space<vmem>>
      %dma_start3A_281 = tpu.memref_slice %arg4[%add3A_272] : memref<320000xi32, #tpu.memory_space<hbm>> -> memref<80xi32, #tpu.memory_space<hbm>>
      tpu.enqueue_dma source(%dma_start3A_281 : memref<80xi32, #tpu.memory_space<hbm>>) target(%dma_start3A_280 : memref<80xi32, #tpu.memory_space<vmem>>) target_semaphore(%arg18 : memref<!tpu.dma_semaphore, #tpu.memory_space<semaphore_mem>>)
      %add3A_282 = arith.constant 2 : i32
      %add3A_283 = arith.addi %mul3A_225, %add3A_282 : i32
      %mul3A_284 = arith.constant 80 : i32
      %mul3A_285 = arith.muli %add3A_283, %mul3A_284 : i32
      %add3A_286 = arith.addi %mul3A_2, %mul3A_285 : i32
      %dma_start3A_287 = arith.constant 2 : i32
      %dma_start3A_288 = arith.constant 0 : i32
      %dma_start3A_289 = tpu.memref_slice %arg6[%dma_start3A_287, %dma_start3A_288] : memref<4x80xi32, #tpu.memory_space<vmem>> -> memref<1x80xi32, #tpu.memory_space<vmem>>
      %dma_start3A_290 = tpu.memref_squeeze %dma_start3A_289 : memref<1x80xi32, #tpu.memory_space<vmem>> -> memref<80xi32, #tpu.memory_space<vmem>>
      %dma_start3A_291 = tpu.memref_slice %arg3[%add3A_286] : memref<320000xi32, #tpu.memory_space<hbm>> -> memref<80xi32, #tpu.memory_space<hbm>>
      %dma_start3A_292 = arith.constant 0 : i32
      %dma_start3A_293 = tpu.memref_slice %arg6[%dma_start3A_287, %dma_start3A_292] : memref<4x80xi32, #tpu.memory_space<vmem>> -> memref<1x80xi32, #tpu.memory_space<vmem>>
      %dma_start3A_294 = tpu.memref_squeeze %dma_start3A_293 : memref<1x80xi32, #tpu.memory_space<vmem>> -> memref<80xi32, #tpu.memory_space<vmem>>
      %dma_start3A_295 = tpu.memref_slice %arg3[%add3A_286] : memref<320000xi32, #tpu.memory_space<hbm>> -> memref<80xi32, #tpu.memory_space<hbm>>
      tpu.enqueue_dma source(%dma_start3A_295 : memref<80xi32, #tpu.memory_space<hbm>>) target(%dma_start3A_294 : memref<80xi32, #tpu.memory_space<vmem>>) target_semaphore(%arg17 : memref<!tpu.dma_semaphore, #tpu.memory_space<semaphore_mem>>)
      %mul3A_296 = arith.constant 80 : i32
      %mul3A_297 = arith.muli %add3A_283, %mul3A_296 : i32
      %add3A_298 = arith.addi %mul3A_2, %mul3A_297 : i32
      %dma_start3A_299 = arith.constant 2 : i32
      %dma_start3A_300 = arith.constant 0 : i32
      %dma_start3A_301 = tpu.memref_slice %arg7[%dma_start3A_299, %dma_start3A_300] : memref<4x80xi32, #tpu.memory_space<vmem>> -> memref<1x80xi32, #tpu.memory_space<vmem>>
      %dma_start3A_302 = tpu.memref_squeeze %dma_start3A_301 : memref<1x80xi32, #tpu.memory_space<vmem>> -> memref<80xi32, #tpu.memory_space<vmem>>
      %dma_start3A_303 = tpu.memref_slice %arg4[%add3A_298] : memref<320000xi32, #tpu.memory_space<hbm>> -> memref<80xi32, #tpu.memory_space<hbm>>
      %dma_start3A_304 = arith.constant 0 : i32
      %dma_start3A_305 = tpu.memref_slice %arg7[%dma_start3A_299, %dma_start3A_304] : memref<4x80xi32, #tpu.memory_space<vmem>> -> memref<1x80xi32, #tpu.memory_space<vmem>>
      %dma_start3A_306 = tpu.memref_squeeze %dma_start3A_305 : memref<1x80xi32, #tpu.memory_space<vmem>> -> memref<80xi32, #tpu.memory_space<vmem>>
      %dma_start3A_307 = tpu.memref_slice %arg4[%add3A_298] : memref<320000xi32, #tpu.memory_space<hbm>> -> memref<80xi32, #tpu.memory_space<hbm>>
      tpu.enqueue_dma source(%dma_start3A_307 : memref<80xi32, #tpu.memory_space<hbm>>) target(%dma_start3A_306 : memref<80xi32, #tpu.memory_space<vmem>>) target_semaphore(%arg18 : memref<!tpu.dma_semaphore, #tpu.memory_space<semaphore_mem>>)
      %add3A_308 = arith.constant 3 : i32
      %add3A_309 = arith.addi %mul3A_225, %add3A_308 : i32
      %mul3A_310 = arith.constant 80 : i32
      %mul3A_311 = arith.muli %add3A_309, %mul3A_310 : i32
      %add3A_312 = arith.addi %mul3A_2, %mul3A_311 : i32
      %dma_start3A_313 = arith.constant 3 : i32
      %dma_start3A_314 = arith.constant 0 : i32
      %dma_start3A_315 = tpu.memref_slice %arg6[%dma_start3A_313, %dma_start3A_314] : memref<4x80xi32, #tpu.memory_space<vmem>> -> memref<1x80xi32, #tpu.memory_space<vmem>>
      %dma_start3A_316 = tpu.memref_squeeze %dma_start3A_315 : memref<1x80xi32, #tpu.memory_space<vmem>> -> memref<80xi32, #tpu.memory_space<vmem>>
      %dma_start3A_317 = tpu.memref_slice %arg3[%add3A_312] : memref<320000xi32, #tpu.memory_space<hbm>> -> memref<80xi32, #tpu.memory_space<hbm>>
      %dma_start3A_318 = arith.constant 0 : i32
      %dma_start3A_319 = tpu.memref_slice %arg6[%dma_start3A_313, %dma_start3A_318] : memref<4x80xi32, #tpu.memory_space<vmem>> -> memref<1x80xi32, #tpu.memory_space<vmem>>
      %dma_start3A_320 = tpu.memref_squeeze %dma_start3A_319 : memref<1x80xi32, #tpu.memory_space<vmem>> -> memref<80xi32, #tpu.memory_space<vmem>>
      %dma_start3A_321 = tpu.memref_slice %arg3[%add3A_312] : memref<320000xi32, #tpu.memory_space<hbm>> -> memref<80xi32, #tpu.memory_space<hbm>>
      tpu.enqueue_dma source(%dma_start3A_321 : memref<80xi32, #tpu.memory_space<hbm>>) target(%dma_start3A_320 : memref<80xi32, #tpu.memory_space<vmem>>) target_semaphore(%arg17 : memref<!tpu.dma_semaphore, #tpu.memory_space<semaphore_mem>>)
      %mul3A_322 = arith.constant 80 : i32
      %mul3A_323 = arith.muli %add3A_309, %mul3A_322 : i32
      %add3A_324 = arith.addi %mul3A_2, %mul3A_323 : i32
      %dma_start3A_325 = arith.constant 3 : i32
      %dma_start3A_326 = arith.constant 0 : i32
      %dma_start3A_327 = tpu.memref_slice %arg7[%dma_start3A_325, %dma_start3A_326] : memref<4x80xi32, #tpu.memory_space<vmem>> -> memref<1x80xi32, #tpu.memory_space<vmem>>
      %dma_start3A_328 = tpu.memref_squeeze %dma_start3A_327 : memref<1x80xi32, #tpu.memory_space<vmem>> -> memref<80xi32, #tpu.memory_space<vmem>>
      %dma_start3A_329 = tpu.memref_slice %arg4[%add3A_324] : memref<320000xi32, #tpu.memory_space<hbm>> -> memref<80xi32, #tpu.memory_space<hbm>>
      %dma_start3A_330 = arith.constant 0 : i32
      %dma_start3A_331 = tpu.memref_slice %arg7[%dma_start3A_325, %dma_start3A_330] : memref<4x80xi32, #tpu.memory_space<vmem>> -> memref<1x80xi32, #tpu.memory_space<vmem>>
      %dma_start3A_332 = tpu.memref_squeeze %dma_start3A_331 : memref<1x80xi32, #tpu.memory_space<vmem>> -> memref<80xi32, #tpu.memory_space<vmem>>
      %dma_start3A_333 = tpu.memref_slice %arg4[%add3A_324] : memref<320000xi32, #tpu.memory_space<hbm>> -> memref<80xi32, #tpu.memory_space<hbm>>
      tpu.enqueue_dma source(%dma_start3A_333 : memref<80xi32, #tpu.memory_space<hbm>>) target(%dma_start3A_332 : memref<80xi32, #tpu.memory_space<vmem>>) target_semaphore(%arg18 : memref<!tpu.dma_semaphore, #tpu.memory_space<semaphore_mem>>)
      %add3A_334 = arith.constant 0 : i32
      %add3A_335 = arith.addi %mul3A_225, %add3A_334 : i32
      %mul3A_336 = arith.constant 80 : i32
      %mul3A_337 = arith.muli %add3A_335, %mul3A_336 : i32
      %add3A_338 = arith.addi %mul3A_2, %mul3A_337 : i32
      %dma_wait3A_339 = arith.constant 0 : i32
      %dma_wait3A_340 = arith.constant 0 : i32
      %dma_wait3A_341 = tpu.memref_slice %arg6[%dma_wait3A_339, %dma_wait3A_340] : memref<4x80xi32, #tpu.memory_space<vmem>> -> memref<1x80xi32, #tpu.memory_space<vmem>>
      %dma_wait3A_342 = tpu.memref_squeeze %dma_wait3A_341 : memref<1x80xi32, #tpu.memory_space<vmem>> -> memref<80xi32, #tpu.memory_space<vmem>>
      %dma_wait3A_343 = tpu.memref_slice %arg3[%add3A_338] : memref<320000xi32, #tpu.memory_space<hbm>> -> memref<80xi32, #tpu.memory_space<hbm>>
      %dma_wait3A_344 = arith.constant 0 : i32
      %dma_wait3A_345 = tpu.memref_slice %arg6[%dma_wait3A_339, %dma_wait3A_344] : memref<4x80xi32, #tpu.memory_space<vmem>> -> memref<1x80xi32, #tpu.memory_space<vmem>>
      %dma_wait3A_346 = tpu.memref_squeeze %dma_wait3A_345 : memref<1x80xi32, #tpu.memory_space<vmem>> -> memref<80xi32, #tpu.memory_space<vmem>>
      %dma_wait3A_347 = tpu.memref_slice %arg3[%add3A_338] : memref<320000xi32, #tpu.memory_space<hbm>> -> memref<80xi32, #tpu.memory_space<hbm>>
      tpu.wait_dma2 semaphore(%arg17 : memref<!tpu.dma_semaphore, #tpu.memory_space<semaphore_mem>>) src(%dma_wait3A_347 : memref<80xi32, #tpu.memory_space<hbm>>) dst(%dma_wait3A_346 : memref<80xi32, #tpu.memory_space<vmem>>)
      %mul3A_348 = arith.constant 80 : i32
      %mul3A_349 = arith.muli %add3A_335, %mul3A_348 : i32
      %add3A_350 = arith.addi %mul3A_2, %mul3A_349 : i32
      %dma_wait3A_351 = arith.constant 0 : i32
      %dma_wait3A_352 = arith.constant 0 : i32
      %dma_wait3A_353 = tpu.memref_slice %arg7[%dma_wait3A_351, %dma_wait3A_352] : memref<4x80xi32, #tpu.memory_space<vmem>> -> memref<1x80xi32, #tpu.memory_space<vmem>>
      %dma_wait3A_354 = tpu.memref_squeeze %dma_wait3A_353 : memref<1x80xi32, #tpu.memory_space<vmem>> -> memref<80xi32, #tpu.memory_space<vmem>>
      %dma_wait3A_355 = tpu.memref_slice %arg4[%add3A_350] : memref<320000xi32, #tpu.memory_space<hbm>> -> memref<80xi32, #tpu.memory_space<hbm>>
      %dma_wait3A_356 = arith.constant 0 : i32
      %dma_wait3A_357 = tpu.memref_slice %arg7[%dma_wait3A_351, %dma_wait3A_356] : memref<4x80xi32, #tpu.memory_space<vmem>> -> memref<1x80xi32, #tpu.memory_space<vmem>>
      %dma_wait3A_358 = tpu.memref_squeeze %dma_wait3A_357 : memref<1x80xi32, #tpu.memory_space<vmem>> -> memref<80xi32, #tpu.memory_space<vmem>>
      %dma_wait3A_359 = tpu.memref_slice %arg4[%add3A_350] : memref<320000xi32, #tpu.memory_space<hbm>> -> memref<80xi32, #tpu.memory_space<hbm>>
      tpu.wait_dma2 semaphore(%arg18 : memref<!tpu.dma_semaphore, #tpu.memory_space<semaphore_mem>>) src(%dma_wait3A_359 : memref<80xi32, #tpu.memory_space<hbm>>) dst(%dma_wait3A_358 : memref<80xi32, #tpu.memory_space<vmem>>)
      %dma_start3A_360 = arith.constant 0 : i32
      %dma_start3A_361 = arith.constant 0 : i32
      %dma_start3A_362 = tpu.memref_slice %arg6[%dma_start3A_360, %dma_start3A_361] : memref<4x80xi32, #tpu.memory_space<vmem>> -> memref<1x80xi32, #tpu.memory_space<vmem>>
      %dma_start3A_363 = tpu.memref_squeeze %dma_start3A_362 : memref<1x80xi32, #tpu.memory_space<vmem>> -> memref<80xi32, #tpu.memory_space<vmem>>
      %dma_start3A_364 = arith.constant 0 : i32
      %dma_start3A_365 = arith.constant 0 : i32
      %dma_start3A_366 = tpu.memref_slice %arg2[%dma_start3A_364, %dma_start3A_365] : memref<10000x128xf32, #tpu.memory_space<hbm>> -> memref<10000x128xf32, #tpu.memory_space<hbm>>
      tpu.enqueue_indirect_dma source(%dma_start3A_366 : memref<10000x128xf32, #tpu.memory_space<hbm>>) target(%arg8 : memref<80x128xf32, #tpu.memory_space<vmem>>) offsets(%dma_start3A_363 : memref<80xi32, #tpu.memory_space<vmem>>) semaphore(%arg13 : memref<!tpu.dma_semaphore, #tpu.memory_space<semaphore_mem>>)
      %add3A_367 = arith.constant 1 : i32
      %add3A_368 = arith.addi %mul3A_225, %add3A_367 : i32
      %mul3A_369 = arith.constant 80 : i32
      %mul3A_370 = arith.muli %add3A_368, %mul3A_369 : i32
      %add3A_371 = arith.addi %mul3A_2, %mul3A_370 : i32
      %dma_wait3A_372 = arith.constant 1 : i32
      %dma_wait3A_373 = arith.constant 0 : i32
      %dma_wait3A_374 = tpu.memref_slice %arg6[%dma_wait3A_372, %dma_wait3A_373] : memref<4x80xi32, #tpu.memory_space<vmem>> -> memref<1x80xi32, #tpu.memory_space<vmem>>
      %dma_wait3A_375 = tpu.memref_squeeze %dma_wait3A_374 : memref<1x80xi32, #tpu.memory_space<vmem>> -> memref<80xi32, #tpu.memory_space<vmem>>
      %dma_wait3A_376 = tpu.memref_slice %arg3[%add3A_371] : memref<320000xi32, #tpu.memory_space<hbm>> -> memref<80xi32, #tpu.memory_space<hbm>>
      %dma_wait3A_377 = arith.constant 0 : i32
      %dma_wait3A_378 = tpu.memref_slice %arg6[%dma_wait3A_372, %dma_wait3A_377] : memref<4x80xi32, #tpu.memory_space<vmem>> -> memref<1x80xi32, #tpu.memory_space<vmem>>
      %dma_wait3A_379 = tpu.memref_squeeze %dma_wait3A_378 : memref<1x80xi32, #tpu.memory_space<vmem>> -> memref<80xi32, #tpu.memory_space<vmem>>
      %dma_wait3A_380 = tpu.memref_slice %arg3[%add3A_371] : memref<320000xi32, #tpu.memory_space<hbm>> -> memref<80xi32, #tpu.memory_space<hbm>>
      tpu.wait_dma2 semaphore(%arg17 : memref<!tpu.dma_semaphore, #tpu.memory_space<semaphore_mem>>) src(%dma_wait3A_380 : memref<80xi32, #tpu.memory_space<hbm>>) dst(%dma_wait3A_379 : memref<80xi32, #tpu.memory_space<vmem>>)
      %mul3A_381 = arith.constant 80 : i32
      %mul3A_382 = arith.muli %add3A_368, %mul3A_381 : i32
      %add3A_383 = arith.addi %mul3A_2, %mul3A_382 : i32
      %dma_wait3A_384 = arith.constant 1 : i32
      %dma_wait3A_385 = arith.constant 0 : i32
      %dma_wait3A_386 = tpu.memref_slice %arg7[%dma_wait3A_384, %dma_wait3A_385] : memref<4x80xi32, #tpu.memory_space<vmem>> -> memref<1x80xi32, #tpu.memory_space<vmem>>
      %dma_wait3A_387 = tpu.memref_squeeze %dma_wait3A_386 : memref<1x80xi32, #tpu.memory_space<vmem>> -> memref<80xi32, #tpu.memory_space<vmem>>
      %dma_wait3A_388 = tpu.memref_slice %arg4[%add3A_383] : memref<320000xi32, #tpu.memory_space<hbm>> -> memref<80xi32, #tpu.memory_space<hbm>>
      %dma_wait3A_389 = arith.constant 0 : i32
      %dma_wait3A_390 = tpu.memref_slice %arg7[%dma_wait3A_384, %dma_wait3A_389] : memref<4x80xi32, #tpu.memory_space<vmem>> -> memref<1x80xi32, #tpu.memory_space<vmem>>
      %dma_wait3A_391 = tpu.memref_squeeze %dma_wait3A_390 : memref<1x80xi32, #tpu.memory_space<vmem>> -> memref<80xi32, #tpu.memory_space<vmem>>
      %dma_wait3A_392 = tpu.memref_slice %arg4[%add3A_383] : memref<320000xi32, #tpu.memory_space<hbm>> -> memref<80xi32, #tpu.memory_space<hbm>>
      tpu.wait_dma2 semaphore(%arg18 : memref<!tpu.dma_semaphore, #tpu.memory_space<semaphore_mem>>) src(%dma_wait3A_392 : memref<80xi32, #tpu.memory_space<hbm>>) dst(%dma_wait3A_391 : memref<80xi32, #tpu.memory_space<vmem>>)
      %dma_start3A_393 = arith.constant 1 : i32
      %dma_start3A_394 = arith.constant 0 : i32
      %dma_start3A_395 = tpu.memref_slice %arg6[%dma_start3A_393, %dma_start3A_394] : memref<4x80xi32, #tpu.memory_space<vmem>> -> memref<1x80xi32, #tpu.memory_space<vmem>>
      %dma_start3A_396 = tpu.memref_squeeze %dma_start3A_395 : memref<1x80xi32, #tpu.memory_space<vmem>> -> memref<80xi32, #tpu.memory_space<vmem>>
      %dma_start3A_397 = arith.constant 0 : i32
      %dma_start3A_398 = arith.constant 0 : i32
      %dma_start3A_399 = tpu.memref_slice %arg2[%dma_start3A_397, %dma_start3A_398] : memref<10000x128xf32, #tpu.memory_space<hbm>> -> memref<10000x128xf32, #tpu.memory_space<hbm>>
      tpu.enqueue_indirect_dma source(%dma_start3A_399 : memref<10000x128xf32, #tpu.memory_space<hbm>>) target(%arg9 : memref<80x128xf32, #tpu.memory_space<vmem>>) offsets(%dma_start3A_396 : memref<80xi32, #tpu.memory_space<vmem>>) semaphore(%arg14 : memref<!tpu.dma_semaphore, #tpu.memory_space<semaphore_mem>>)
      %add3A_400 = arith.constant 2 : i32
      %add3A_401 = arith.addi %mul3A_225, %add3A_400 : i32
      %mul3A_402 = arith.constant 80 : i32
      %mul3A_403 = arith.muli %add3A_401, %mul3A_402 : i32
      %add3A_404 = arith.addi %mul3A_2, %mul3A_403 : i32
      %dma_wait3A_405 = arith.constant 2 : i32
      %dma_wait3A_406 = arith.constant 0 : i32
      %dma_wait3A_407 = tpu.memref_slice %arg6[%dma_wait3A_405, %dma_wait3A_406] : memref<4x80xi32, #tpu.memory_space<vmem>> -> memref<1x80xi32, #tpu.memory_space<vmem>>
      %dma_wait3A_408 = tpu.memref_squeeze %dma_wait3A_407 : memref<1x80xi32, #tpu.memory_space<vmem>> -> memref<80xi32, #tpu.memory_space<vmem>>
      %dma_wait3A_409 = tpu.memref_slice %arg3[%add3A_404] : memref<320000xi32, #tpu.memory_space<hbm>> -> memref<80xi32, #tpu.memory_space<hbm>>
      %dma_wait3A_410 = arith.constant 0 : i32
      %dma_wait3A_411 = tpu.memref_slice %arg6[%dma_wait3A_405, %dma_wait3A_410] : memref<4x80xi32, #tpu.memory_space<vmem>> -> memref<1x80xi32, #tpu.memory_space<vmem>>
      %dma_wait3A_412 = tpu.memref_squeeze %dma_wait3A_411 : memref<1x80xi32, #tpu.memory_space<vmem>> -> memref<80xi32, #tpu.memory_space<vmem>>
      %dma_wait3A_413 = tpu.memref_slice %arg3[%add3A_404] : memref<320000xi32, #tpu.memory_space<hbm>> -> memref<80xi32, #tpu.memory_space<hbm>>
      tpu.wait_dma2 semaphore(%arg17 : memref<!tpu.dma_semaphore, #tpu.memory_space<semaphore_mem>>) src(%dma_wait3A_413 : memref<80xi32, #tpu.memory_space<hbm>>) dst(%dma_wait3A_412 : memref<80xi32, #tpu.memory_space<vmem>>)
      %mul3A_414 = arith.constant 80 : i32
      %mul3A_415 = arith.muli %add3A_401, %mul3A_414 : i32
      %add3A_416 = arith.addi %mul3A_2, %mul3A_415 : i32
      %dma_wait3A_417 = arith.constant 2 : i32
      %dma_wait3A_418 = arith.constant 0 : i32
      %dma_wait3A_419 = tpu.memref_slice %arg7[%dma_wait3A_417, %dma_wait3A_418] : memref<4x80xi32, #tpu.memory_space<vmem>> -> memref<1x80xi32, #tpu.memory_space<vmem>>
      %dma_wait3A_420 = tpu.memref_squeeze %dma_wait3A_419 : memref<1x80xi32, #tpu.memory_space<vmem>> -> memref<80xi32, #tpu.memory_space<vmem>>
      %dma_wait3A_421 = tpu.memref_slice %arg4[%add3A_416] : memref<320000xi32, #tpu.memory_space<hbm>> -> memref<80xi32, #tpu.memory_space<hbm>>
      %dma_wait3A_422 = arith.constant 0 : i32
      %dma_wait3A_423 = tpu.memref_slice %arg7[%dma_wait3A_417, %dma_wait3A_422] : memref<4x80xi32, #tpu.memory_space<vmem>> -> memref<1x80xi32, #tpu.memory_space<vmem>>
      %dma_wait3A_424 = tpu.memref_squeeze %dma_wait3A_423 : memref<1x80xi32, #tpu.memory_space<vmem>> -> memref<80xi32, #tpu.memory_space<vmem>>
      %dma_wait3A_425 = tpu.memref_slice %arg4[%add3A_416] : memref<320000xi32, #tpu.memory_space<hbm>> -> memref<80xi32, #tpu.memory_space<hbm>>
      tpu.wait_dma2 semaphore(%arg18 : memref<!tpu.dma_semaphore, #tpu.memory_space<semaphore_mem>>) src(%dma_wait3A_425 : memref<80xi32, #tpu.memory_space<hbm>>) dst(%dma_wait3A_424 : memref<80xi32, #tpu.memory_space<vmem>>)
      %dma_start3A_426 = arith.constant 2 : i32
      %dma_start3A_427 = arith.constant 0 : i32
      %dma_start3A_428 = tpu.memref_slice %arg6[%dma_start3A_426, %dma_start3A_427] : memref<4x80xi32, #tpu.memory_space<vmem>> -> memref<1x80xi32, #tpu.memory_space<vmem>>
      %dma_start3A_429 = tpu.memref_squeeze %dma_start3A_428 : memref<1x80xi32, #tpu.memory_space<vmem>> -> memref<80xi32, #tpu.memory_space<vmem>>
      %dma_start3A_430 = arith.constant 0 : i32
      %dma_start3A_431 = arith.constant 0 : i32
      %dma_start3A_432 = tpu.memref_slice %arg2[%dma_start3A_430, %dma_start3A_431] : memref<10000x128xf32, #tpu.memory_space<hbm>> -> memref<10000x128xf32, #tpu.memory_space<hbm>>
      tpu.enqueue_indirect_dma source(%dma_start3A_432 : memref<10000x128xf32, #tpu.memory_space<hbm>>) target(%arg10 : memref<80x128xf32, #tpu.memory_space<vmem>>) offsets(%dma_start3A_429 : memref<80xi32, #tpu.memory_space<vmem>>) semaphore(%arg15 : memref<!tpu.dma_semaphore, #tpu.memory_space<semaphore_mem>>)
      %add3A_433 = arith.constant 3 : i32
      %add3A_434 = arith.addi %mul3A_225, %add3A_433 : i32
      %mul3A_435 = arith.constant 80 : i32
      %mul3A_436 = arith.muli %add3A_434, %mul3A_435 : i32
      %add3A_437 = arith.addi %mul3A_2, %mul3A_436 : i32
      %dma_wait3A_438 = arith.constant 3 : i32
      %dma_wait3A_439 = arith.constant 0 : i32
      %dma_wait3A_440 = tpu.memref_slice %arg6[%dma_wait3A_438, %dma_wait3A_439] : memref<4x80xi32, #tpu.memory_space<vmem>> -> memref<1x80xi32, #tpu.memory_space<vmem>>
      %dma_wait3A_441 = tpu.memref_squeeze %dma_wait3A_440 : memref<1x80xi32, #tpu.memory_space<vmem>> -> memref<80xi32, #tpu.memory_space<vmem>>
      %dma_wait3A_442 = tpu.memref_slice %arg3[%add3A_437] : memref<320000xi32, #tpu.memory_space<hbm>> -> memref<80xi32, #tpu.memory_space<hbm>>
      %dma_wait3A_443 = arith.constant 0 : i32
      %dma_wait3A_444 = tpu.memref_slice %arg6[%dma_wait3A_438, %dma_wait3A_443] : memref<4x80xi32, #tpu.memory_space<vmem>> -> memref<1x80xi32, #tpu.memory_space<vmem>>
      %dma_wait3A_445 = tpu.memref_squeeze %dma_wait3A_444 : memref<1x80xi32, #tpu.memory_space<vmem>> -> memref<80xi32, #tpu.memory_space<vmem>>
      %dma_wait3A_446 = tpu.memref_slice %arg3[%add3A_437] : memref<320000xi32, #tpu.memory_space<hbm>> -> memref<80xi32, #tpu.memory_space<hbm>>
      tpu.wait_dma2 semaphore(%arg17 : memref<!tpu.dma_semaphore, #tpu.memory_space<semaphore_mem>>) src(%dma_wait3A_446 : memref<80xi32, #tpu.memory_space<hbm>>) dst(%dma_wait3A_445 : memref<80xi32, #tpu.memory_space<vmem>>)
      %mul3A_447 = arith.constant 80 : i32
      %mul3A_448 = arith.muli %add3A_434, %mul3A_447 : i32
      %add3A_449 = arith.addi %mul3A_2, %mul3A_448 : i32
      %dma_wait3A_450 = arith.constant 3 : i32
      %dma_wait3A_451 = arith.constant 0 : i32
      %dma_wait3A_452 = tpu.memref_slice %arg7[%dma_wait3A_450, %dma_wait3A_451] : memref<4x80xi32, #tpu.memory_space<vmem>> -> memref<1x80xi32, #tpu.memory_space<vmem>>
      %dma_wait3A_453 = tpu.memref_squeeze %dma_wait3A_452 : memref<1x80xi32, #tpu.memory_space<vmem>> -> memref<80xi32, #tpu.memory_space<vmem>>
      %dma_wait3A_454 = tpu.memref_slice %arg4[%add3A_449] : memref<320000xi32, #tpu.memory_space<hbm>> -> memref<80xi32, #tpu.memory_space<hbm>>
      %dma_wait3A_455 = arith.constant 0 : i32
      %dma_wait3A_456 = tpu.memref_slice %arg7[%dma_wait3A_450, %dma_wait3A_455] : memref<4x80xi32, #tpu.memory_space<vmem>> -> memref<1x80xi32, #tpu.memory_space<vmem>>
      %dma_wait3A_457 = tpu.memref_squeeze %dma_wait3A_456 : memref<1x80xi32, #tpu.memory_space<vmem>> -> memref<80xi32, #tpu.memory_space<vmem>>
      %dma_wait3A_458 = tpu.memref_slice %arg4[%add3A_449] : memref<320000xi32, #tpu.memory_space<hbm>> -> memref<80xi32, #tpu.memory_space<hbm>>
      tpu.wait_dma2 semaphore(%arg18 : memref<!tpu.dma_semaphore, #tpu.memory_space<semaphore_mem>>) src(%dma_wait3A_458 : memref<80xi32, #tpu.memory_space<hbm>>) dst(%dma_wait3A_457 : memref<80xi32, #tpu.memory_space<vmem>>)
      %dma_start3A_459 = arith.constant 3 : i32
      %dma_start3A_460 = arith.constant 0 : i32
      %dma_start3A_461 = tpu.memref_slice %arg6[%dma_start3A_459, %dma_start3A_460] : memref<4x80xi32, #tpu.memory_space<vmem>> -> memref<1x80xi32, #tpu.memory_space<vmem>>
      %dma_start3A_462 = tpu.memref_squeeze %dma_start3A_461 : memref<1x80xi32, #tpu.memory_space<vmem>> -> memref<80xi32, #tpu.memory_space<vmem>>
      %dma_start3A_463 = arith.constant 0 : i32
      %dma_start3A_464 = arith.constant 0 : i32
      %dma_start3A_465 = tpu.memref_slice %arg2[%dma_start3A_463, %dma_start3A_464] : memref<10000x128xf32, #tpu.memory_space<hbm>> -> memref<10000x128xf32, #tpu.memory_space<hbm>>
      tpu.enqueue_indirect_dma source(%dma_start3A_465 : memref<10000x128xf32, #tpu.memory_space<hbm>>) target(%arg11 : memref<80x128xf32, #tpu.memory_space<vmem>>) offsets(%dma_start3A_462 : memref<80xi32, #tpu.memory_space<vmem>>) semaphore(%arg16 : memref<!tpu.dma_semaphore, #tpu.memory_space<semaphore_mem>>)
      %dma_wait3A_466 = arith.constant 0 : i32
      %dma_wait3A_467 = arith.constant 0 : i32
      %dma_wait3A_468 = tpu.memref_slice %arg6[%dma_wait3A_466, %dma_wait3A_467] : memref<4x80xi32, #tpu.memory_space<vmem>> -> memref<1x80xi32, #tpu.memory_space<vmem>>
      %dma_wait3A_469 = tpu.memref_squeeze %dma_wait3A_468 : memref<1x80xi32, #tpu.memory_space<vmem>> -> memref<80xi32, #tpu.memory_space<vmem>>
      %dma_wait3A_470 = arith.constant 0 : i32
      %dma_wait3A_471 = arith.constant 0 : i32
      %dma_wait3A_472 = tpu.memref_slice %arg2[%dma_wait3A_470, %dma_wait3A_471] : memref<10000x128xf32, #tpu.memory_space<hbm>> -> memref<10000x128xf32, #tpu.memory_space<hbm>>
      tpu.wait_indirect_dma semaphore(%arg13 : memref<!tpu.dma_semaphore, #tpu.memory_space<semaphore_mem>>) src(%dma_wait3A_472 : memref<10000x128xf32, #tpu.memory_space<hbm>>) dst(%arg8 : memref<80x128xf32, #tpu.memory_space<vmem>>)
      %dma_start3A_473 = arith.constant 0 : i32
      %dma_start3A_474 = arith.constant 0 : i32
      %dma_start3A_475 = tpu.memref_slice %arg7[%dma_start3A_473, %dma_start3A_474] : memref<4x80xi32, #tpu.memory_space<vmem>> -> memref<1x80xi32, #tpu.memory_space<vmem>>
      %dma_start3A_476 = tpu.memref_squeeze %dma_start3A_475 : memref<1x80xi32, #tpu.memory_space<vmem>> -> memref<80xi32, #tpu.memory_space<vmem>>
      %dma_start3A_477 = arith.constant 0 : i32
      %dma_start3A_478 = arith.constant 0 : i32
      %dma_start3A_479 = tpu.memref_slice %arg12[%dma_start3A_477, %dma_start3A_478] : memref<10000x128xf32, #tpu.memory_space<vmem_shared>> -> memref<10000x128xf32, #tpu.memory_space<vmem_shared>>
      tpu.enqueue_indirect_dma source(%arg8 : memref<80x128xf32, #tpu.memory_space<vmem>>) target(%dma_start3A_479 : memref<10000x128xf32, #tpu.memory_space<vmem_shared>>) offsets(%dma_start3A_476 : memref<80xi32, #tpu.memory_space<vmem>>) semaphore(%arg19 : memref<!tpu.dma_semaphore, #tpu.memory_space<semaphore_mem>>) {add = true}
      %dma_wait3A_480 = arith.constant 1 : i32
      %dma_wait3A_481 = arith.constant 0 : i32
      %dma_wait3A_482 = tpu.memref_slice %arg6[%dma_wait3A_480, %dma_wait3A_481] : memref<4x80xi32, #tpu.memory_space<vmem>> -> memref<1x80xi32, #tpu.memory_space<vmem>>
      %dma_wait3A_483 = tpu.memref_squeeze %dma_wait3A_482 : memref<1x80xi32, #tpu.memory_space<vmem>> -> memref<80xi32, #tpu.memory_space<vmem>>
      %dma_wait3A_484 = arith.constant 0 : i32
      %dma_wait3A_485 = arith.constant 0 : i32
      %dma_wait3A_486 = tpu.memref_slice %arg2[%dma_wait3A_484, %dma_wait3A_485] : memref<10000x128xf32, #tpu.memory_space<hbm>> -> memref<10000x128xf32, #tpu.memory_space<hbm>>
      tpu.wait_indirect_dma semaphore(%arg14 : memref<!tpu.dma_semaphore, #tpu.memory_space<semaphore_mem>>) src(%dma_wait3A_486 : memref<10000x128xf32, #tpu.memory_space<hbm>>) dst(%arg9 : memref<80x128xf32, #tpu.memory_space<vmem>>)
      %dma_start3A_487 = arith.constant 1 : i32
      %dma_start3A_488 = arith.constant 0 : i32
      %dma_start3A_489 = tpu.memref_slice %arg7[%dma_start3A_487, %dma_start3A_488] : memref<4x80xi32, #tpu.memory_space<vmem>> -> memref<1x80xi32, #tpu.memory_space<vmem>>
      %dma_start3A_490 = tpu.memref_squeeze %dma_start3A_489 : memref<1x80xi32, #tpu.memory_space<vmem>> -> memref<80xi32, #tpu.memory_space<vmem>>
      %dma_start3A_491 = arith.constant 0 : i32
      %dma_start3A_492 = arith.constant 0 : i32
      %dma_start3A_493 = tpu.memref_slice %arg12[%dma_start3A_491, %dma_start3A_492] : memref<10000x128xf32, #tpu.memory_space<vmem_shared>> -> memref<10000x128xf32, #tpu.memory_space<vmem_shared>>
      tpu.enqueue_indirect_dma source(%arg9 : memref<80x128xf32, #tpu.memory_space<vmem>>) target(%dma_start3A_493 : memref<10000x128xf32, #tpu.memory_space<vmem_shared>>) offsets(%dma_start3A_490 : memref<80xi32, #tpu.memory_space<vmem>>) semaphore(%arg20 : memref<!tpu.dma_semaphore, #tpu.memory_space<semaphore_mem>>) {add = true}
      %dma_wait3A_494 = arith.constant 2 : i32
      %dma_wait3A_495 = arith.constant 0 : i32
      %dma_wait3A_496 = tpu.memref_slice %arg6[%dma_wait3A_494, %dma_wait3A_495] : memref<4x80xi32, #tpu.memory_space<vmem>> -> memref<1x80xi32, #tpu.memory_space<vmem>>
      %dma_wait3A_497 = tpu.memref_squeeze %dma_wait3A_496 : memref<1x80xi32, #tpu.memory_space<vmem>> -> memref<80xi32, #tpu.memory_space<vmem>>
      %dma_wait3A_498 = arith.constant 0 : i32
      %dma_wait3A_499 = arith.constant 0 : i32
      %dma_wait3A_500 = tpu.memref_slice %arg2[%dma_wait3A_498, %dma_wait3A_499] : memref<10000x128xf32, #tpu.memory_space<hbm>> -> memref<10000x128xf32, #tpu.memory_space<hbm>>
      tpu.wait_indirect_dma semaphore(%arg15 : memref<!tpu.dma_semaphore, #tpu.memory_space<semaphore_mem>>) src(%dma_wait3A_500 : memref<10000x128xf32, #tpu.memory_space<hbm>>) dst(%arg10 : memref<80x128xf32, #tpu.memory_space<vmem>>)
      %dma_start3A_501 = arith.constant 2 : i32
      %dma_start3A_502 = arith.constant 0 : i32
      %dma_start3A_503 = tpu.memref_slice %arg7[%dma_start3A_501, %dma_start3A_502] : memref<4x80xi32, #tpu.memory_space<vmem>> -> memref<1x80xi32, #tpu.memory_space<vmem>>
      %dma_start3A_504 = tpu.memref_squeeze %dma_start3A_503 : memref<1x80xi32, #tpu.memory_space<vmem>> -> memref<80xi32, #tpu.memory_space<vmem>>
      %dma_start3A_505 = arith.constant 0 : i32
      %dma_start3A_506 = arith.constant 0 : i32
      %dma_start3A_507 = tpu.memref_slice %arg12[%dma_start3A_505, %dma_start3A_506] : memref<10000x128xf32, #tpu.memory_space<vmem_shared>> -> memref<10000x128xf32, #tpu.memory_space<vmem_shared>>
      tpu.enqueue_indirect_dma source(%arg10 : memref<80x128xf32, #tpu.memory_space<vmem>>) target(%dma_start3A_507 : memref<10000x128xf32, #tpu.memory_space<vmem_shared>>) offsets(%dma_start3A_504 : memref<80xi32, #tpu.memory_space<vmem>>) semaphore(%arg21 : memref<!tpu.dma_semaphore, #tpu.memory_space<semaphore_mem>>) {add = true}
      %dma_wait3A_508 = arith.constant 3 : i32
      %dma_wait3A_509 = arith.constant 0 : i32
      %dma_wait3A_510 = tpu.memref_slice %arg6[%dma_wait3A_508, %dma_wait3A_509] : memref<4x80xi32, #tpu.memory_space<vmem>> -> memref<1x80xi32, #tpu.memory_space<vmem>>
      %dma_wait3A_511 = tpu.memref_squeeze %dma_wait3A_510 : memref<1x80xi32, #tpu.memory_space<vmem>> -> memref<80xi32, #tpu.memory_space<vmem>>
      %dma_wait3A_512 = arith.constant 0 : i32
      %dma_wait3A_513 = arith.constant 0 : i32
      %dma_wait3A_514 = tpu.memref_slice %arg2[%dma_wait3A_512, %dma_wait3A_513] : memref<10000x128xf32, #tpu.memory_space<hbm>> -> memref<10000x128xf32, #tpu.memory_space<hbm>>
      tpu.wait_indirect_dma semaphore(%arg16 : memref<!tpu.dma_semaphore, #tpu.memory_space<semaphore_mem>>) src(%dma_wait3A_514 : memref<10000x128xf32, #tpu.memory_space<hbm>>) dst(%arg11 : memref<80x128xf32, #tpu.memory_space<vmem>>)
      %dma_start3A_515 = arith.constant 3 : i32
      %dma_start3A_516 = arith.constant 0 : i32
      %dma_start3A_517 = tpu.memref_slice %arg7[%dma_start3A_515, %dma_start3A_516] : memref<4x80xi32, #tpu.memory_space<vmem>> -> memref<1x80xi32, #tpu.memory_space<vmem>>
      %dma_start3A_518 = tpu.memref_squeeze %dma_start3A_517 : memref<1x80xi32, #tpu.memory_space<vmem>> -> memref<80xi32, #tpu.memory_space<vmem>>
      %dma_start3A_519 = arith.constant 0 : i32
      %dma_start3A_520 = arith.constant 0 : i32
      %dma_start3A_521 = tpu.memref_slice %arg12[%dma_start3A_519, %dma_start3A_520] : memref<10000x128xf32, #tpu.memory_space<vmem_shared>> -> memref<10000x128xf32, #tpu.memory_space<vmem_shared>>
      tpu.enqueue_indirect_dma source(%arg11 : memref<80x128xf32, #tpu.memory_space<vmem>>) target(%dma_start3A_521 : memref<10000x128xf32, #tpu.memory_space<vmem_shared>>) offsets(%dma_start3A_518 : memref<80xi32, #tpu.memory_space<vmem>>) semaphore(%arg22 : memref<!tpu.dma_semaphore, #tpu.memory_space<semaphore_mem>>) {add = true}
    }
    %scan3A_67 = arith.constant 31 : i32
    %dma_wait3A = arith.constant 0 : i32
    %dma_wait3A_68 = arith.constant 0 : i32
    %dma_wait3A_69 = tpu.memref_slice %arg7[%dma_wait3A, %dma_wait3A_68] : memref<4x80xi32, #tpu.memory_space<vmem>> -> memref<1x80xi32, #tpu.memory_space<vmem>>
    %dma_wait3A_70 = tpu.memref_squeeze %dma_wait3A_69 : memref<1x80xi32, #tpu.memory_space<vmem>> -> memref<80xi32, #tpu.memory_space<vmem>>
    %dma_wait3A_71 = arith.constant 0 : i32
    %dma_wait3A_72 = arith.constant 0 : i32
    %dma_wait3A_73 = tpu.memref_slice %arg12[%dma_wait3A_71, %dma_wait3A_72] : memref<10000x128xf32, #tpu.memory_space<vmem_shared>> -> memref<10000x128xf32, #tpu.memory_space<vmem_shared>>
    tpu.wait_indirect_dma semaphore(%arg19 : memref<!tpu.dma_semaphore, #tpu.memory_space<semaphore_mem>>) src(%arg8 : memref<80x128xf32, #tpu.memory_space<vmem>>) dst(%dma_wait3A_73 : memref<10000x128xf32, #tpu.memory_space<vmem_shared>>)
    %dma_wait3A_74 = arith.constant 1 : i32
    %dma_wait3A_75 = arith.constant 0 : i32
    %dma_wait3A_76 = tpu.memref_slice %arg7[%dma_wait3A_74, %dma_wait3A_75] : memref<4x80xi32, #tpu.memory_space<vmem>> -> memref<1x80xi32, #tpu.memory_space<vmem>>
    %dma_wait3A_77 = tpu.memref_squeeze %dma_wait3A_76 : memref<1x80xi32, #tpu.memory_space<vmem>> -> memref<80xi32, #tpu.memory_space<vmem>>
    %dma_wait3A_78 = arith.constant 0 : i32
    %dma_wait3A_79 = arith.constant 0 : i32
    %dma_wait3A_80 = tpu.memref_slice %arg12[%dma_wait3A_78, %dma_wait3A_79] : memref<10000x128xf32, #tpu.memory_space<vmem_shared>> -> memref<10000x128xf32, #tpu.memory_space<vmem_shared>>
    tpu.wait_indirect_dma semaphore(%arg20 : memref<!tpu.dma_semaphore, #tpu.memory_space<semaphore_mem>>) src(%arg9 : memref<80x128xf32, #tpu.memory_space<vmem>>) dst(%dma_wait3A_80 : memref<10000x128xf32, #tpu.memory_space<vmem_shared>>)
    %dma_wait3A_81 = arith.constant 2 : i32
    %dma_wait3A_82 = arith.constant 0 : i32
    %dma_wait3A_83 = tpu.memref_slice %arg7[%dma_wait3A_81, %dma_wait3A_82] : memref<4x80xi32, #tpu.memory_space<vmem>> -> memref<1x80xi32, #tpu.memory_space<vmem>>
    %dma_wait3A_84 = tpu.memref_squeeze %dma_wait3A_83 : memref<1x80xi32, #tpu.memory_space<vmem>> -> memref<80xi32, #tpu.memory_space<vmem>>
    %dma_wait3A_85 = arith.constant 0 : i32
    %dma_wait3A_86 = arith.constant 0 : i32
    %dma_wait3A_87 = tpu.memref_slice %arg12[%dma_wait3A_85, %dma_wait3A_86] : memref<10000x128xf32, #tpu.memory_space<vmem_shared>> -> memref<10000x128xf32, #tpu.memory_space<vmem_shared>>
    tpu.wait_indirect_dma semaphore(%arg21 : memref<!tpu.dma_semaphore, #tpu.memory_space<semaphore_mem>>) src(%arg10 : memref<80x128xf32, #tpu.memory_space<vmem>>) dst(%dma_wait3A_87 : memref<10000x128xf32, #tpu.memory_space<vmem_shared>>)
    %dma_wait3A_88 = arith.constant 3 : i32
    %dma_wait3A_89 = arith.constant 0 : i32
    %dma_wait3A_90 = tpu.memref_slice %arg7[%dma_wait3A_88, %dma_wait3A_89] : memref<4x80xi32, #tpu.memory_space<vmem>> -> memref<1x80xi32, #tpu.memory_space<vmem>>
    %dma_wait3A_91 = tpu.memref_squeeze %dma_wait3A_90 : memref<1x80xi32, #tpu.memory_space<vmem>> -> memref<80xi32, #tpu.memory_space<vmem>>
    %dma_wait3A_92 = arith.constant 0 : i32
    %dma_wait3A_93 = arith.constant 0 : i32
    %dma_wait3A_94 = tpu.memref_slice %arg12[%dma_wait3A_92, %dma_wait3A_93] : memref<10000x128xf32, #tpu.memory_space<vmem_shared>> -> memref<10000x128xf32, #tpu.memory_space<vmem_shared>>
    tpu.wait_indirect_dma semaphore(%arg22 : memref<!tpu.dma_semaphore, #tpu.memory_space<semaphore_mem>>) src(%arg11 : memref<80x128xf32, #tpu.memory_space<vmem>>) dst(%dma_wait3A_94 : memref<10000x128xf32, #tpu.memory_space<vmem_shared>>)
    %add3A_95 = arith.constant 9920 : i32
    %add3A_96 = arith.addi %mul3A_2, %add3A_95 : i32
    %dma_start3A = arith.constant 0 : i32
    %dma_start3A_97 = arith.constant 0 : i32
    %dma_start3A_98 = tpu.memref_slice %arg6[%dma_start3A, %dma_start3A_97] : memref<4x80xi32, #tpu.memory_space<vmem>> -> memref<1x80xi32, #tpu.memory_space<vmem>>
    %dma_start3A_99 = tpu.memref_squeeze %dma_start3A_98 : memref<1x80xi32, #tpu.memory_space<vmem>> -> memref<80xi32, #tpu.memory_space<vmem>>
    %dma_start3A_100 = tpu.memref_slice %arg3[%add3A_96] : memref<320000xi32, #tpu.memory_space<hbm>> -> memref<80xi32, #tpu.memory_space<hbm>>
    %dma_start3A_101 = arith.constant 0 : i32
    %dma_start3A_102 = tpu.memref_slice %arg6[%dma_start3A, %dma_start3A_101] : memref<4x80xi32, #tpu.memory_space<vmem>> -> memref<1x80xi32, #tpu.memory_space<vmem>>
    %dma_start3A_103 = tpu.memref_squeeze %dma_start3A_102 : memref<1x80xi32, #tpu.memory_space<vmem>> -> memref<80xi32, #tpu.memory_space<vmem>>
    %dma_start3A_104 = tpu.memref_slice %arg3[%add3A_96] : memref<320000xi32, #tpu.memory_space<hbm>> -> memref<80xi32, #tpu.memory_space<hbm>>
    tpu.enqueue_dma source(%dma_start3A_104 : memref<80xi32, #tpu.memory_space<hbm>>) target(%dma_start3A_103 : memref<80xi32, #tpu.memory_space<vmem>>) target_semaphore(%arg17 : memref<!tpu.dma_semaphore, #tpu.memory_space<semaphore_mem>>)
    %add3A_105 = arith.constant 9920 : i32
    %add3A_106 = arith.addi %mul3A_2, %add3A_105 : i32
    %dma_start3A_107 = arith.constant 0 : i32
    %dma_start3A_108 = arith.constant 0 : i32
    %dma_start3A_109 = tpu.memref_slice %arg7[%dma_start3A_107, %dma_start3A_108] : memref<4x80xi32, #tpu.memory_space<vmem>> -> memref<1x80xi32, #tpu.memory_space<vmem>>
    %dma_start3A_110 = tpu.memref_squeeze %dma_start3A_109 : memref<1x80xi32, #tpu.memory_space<vmem>> -> memref<80xi32, #tpu.memory_space<vmem>>
    %dma_start3A_111 = tpu.memref_slice %arg4[%add3A_106] : memref<320000xi32, #tpu.memory_space<hbm>> -> memref<80xi32, #tpu.memory_space<hbm>>
    %dma_start3A_112 = arith.constant 0 : i32
    %dma_start3A_113 = tpu.memref_slice %arg7[%dma_start3A_107, %dma_start3A_112] : memref<4x80xi32, #tpu.memory_space<vmem>> -> memref<1x80xi32, #tpu.memory_space<vmem>>
    %dma_start3A_114 = tpu.memref_squeeze %dma_start3A_113 : memref<1x80xi32, #tpu.memory_space<vmem>> -> memref<80xi32, #tpu.memory_space<vmem>>
    %dma_start3A_115 = tpu.memref_slice %arg4[%add3A_106] : memref<320000xi32, #tpu.memory_space<hbm>> -> memref<80xi32, #tpu.memory_space<hbm>>
    tpu.enqueue_dma source(%dma_start3A_115 : memref<80xi32, #tpu.memory_space<hbm>>) target(%dma_start3A_114 : memref<80xi32, #tpu.memory_space<vmem>>) target_semaphore(%arg18 : memref<!tpu.dma_semaphore, #tpu.memory_space<semaphore_mem>>)
    %add3A_116 = arith.constant 9920 : i32
    %add3A_117 = arith.addi %mul3A_2, %add3A_116 : i32
    %dma_wait3A_118 = arith.constant 0 : i32
    %dma_wait3A_119 = arith.constant 0 : i32
    %dma_wait3A_120 = tpu.memref_slice %arg6[%dma_wait3A_118, %dma_wait3A_119] : memref<4x80xi32, #tpu.memory_space<vmem>> -> memref<1x80xi32, #tpu.memory_space<vmem>>
    %dma_wait3A_121 = tpu.memref_squeeze %dma_wait3A_120 : memref<1x80xi32, #tpu.memory_space<vmem>> -> memref<80xi32, #tpu.memory_space<vmem>>
    %dma_wait3A_122 = tpu.memref_slice %arg3[%add3A_117] : memref<320000xi32, #tpu.memory_space<hbm>> -> memref<80xi32, #tpu.memory_space<hbm>>
    %dma_wait3A_123 = arith.constant 0 : i32
    %dma_wait3A_124 = tpu.memref_slice %arg6[%dma_wait3A_118, %dma_wait3A_123] : memref<4x80xi32, #tpu.memory_space<vmem>> -> memref<1x80xi32, #tpu.memory_space<vmem>>
    %dma_wait3A_125 = tpu.memref_squeeze %dma_wait3A_124 : memref<1x80xi32, #tpu.memory_space<vmem>> -> memref<80xi32, #tpu.memory_space<vmem>>
    %dma_wait3A_126 = tpu.memref_slice %arg3[%add3A_117] : memref<320000xi32, #tpu.memory_space<hbm>> -> memref<80xi32, #tpu.memory_space<hbm>>
    tpu.wait_dma2 semaphore(%arg17 : memref<!tpu.dma_semaphore, #tpu.memory_space<semaphore_mem>>) src(%dma_wait3A_126 : memref<80xi32, #tpu.memory_space<hbm>>) dst(%dma_wait3A_125 : memref<80xi32, #tpu.memory_space<vmem>>)
    %add3A_127 = arith.constant 9920 : i32
    %add3A_128 = arith.addi %mul3A_2, %add3A_127 : i32
    %dma_wait3A_129 = arith.constant 0 : i32
    %dma_wait3A_130 = arith.constant 0 : i32
    %dma_wait3A_131 = tpu.memref_slice %arg7[%dma_wait3A_129, %dma_wait3A_130] : memref<4x80xi32, #tpu.memory_space<vmem>> -> memref<1x80xi32, #tpu.memory_space<vmem>>
    %dma_wait3A_132 = tpu.memref_squeeze %dma_wait3A_131 : memref<1x80xi32, #tpu.memory_space<vmem>> -> memref<80xi32, #tpu.memory_space<vmem>>
    %dma_wait3A_133 = tpu.memref_slice %arg4[%add3A_128] : memref<320000xi32, #tpu.memory_space<hbm>> -> memref<80xi32, #tpu.memory_space<hbm>>
    %dma_wait3A_134 = arith.constant 0 : i32
    %dma_wait3A_135 = tpu.memref_slice %arg7[%dma_wait3A_129, %dma_wait3A_134] : memref<4x80xi32, #tpu.memory_space<vmem>> -> memref<1x80xi32, #tpu.memory_space<vmem>>
    %dma_wait3A_136 = tpu.memref_squeeze %dma_wait3A_135 : memref<1x80xi32, #tpu.memory_space<vmem>> -> memref<80xi32, #tpu.memory_space<vmem>>
    %dma_wait3A_137 = tpu.memref_slice %arg4[%add3A_128] : memref<320000xi32, #tpu.memory_space<hbm>> -> memref<80xi32, #tpu.memory_space<hbm>>
    tpu.wait_dma2 semaphore(%arg18 : memref<!tpu.dma_semaphore, #tpu.memory_space<semaphore_mem>>) src(%dma_wait3A_137 : memref<80xi32, #tpu.memory_space<hbm>>) dst(%dma_wait3A_136 : memref<80xi32, #tpu.memory_space<vmem>>)
    %dma_start3A_138 = arith.constant 0 : i32
    %dma_start3A_139 = arith.constant 0 : i32
    %dma_start3A_140 = tpu.memref_slice %arg6[%dma_start3A_138, %dma_start3A_139] : memref<4x80xi32, #tpu.memory_space<vmem>> -> memref<1x80xi32, #tpu.memory_space<vmem>>
    %dma_start3A_141 = tpu.memref_squeeze %dma_start3A_140 : memref<1x80xi32, #tpu.memory_space<vmem>> -> memref<80xi32, #tpu.memory_space<vmem>>
    %dma_start3A_142 = arith.constant 0 : i32
    %dma_start3A_143 = arith.constant 0 : i32
    %dma_start3A_144 = tpu.memref_slice %arg2[%dma_start3A_142, %dma_start3A_143] : memref<10000x128xf32, #tpu.memory_space<hbm>> -> memref<10000x128xf32, #tpu.memory_space<hbm>>
    tpu.enqueue_indirect_dma source(%dma_start3A_144 : memref<10000x128xf32, #tpu.memory_space<hbm>>) target(%arg8 : memref<80x128xf32, #tpu.memory_space<vmem>>) offsets(%dma_start3A_141 : memref<80xi32, #tpu.memory_space<vmem>>) semaphore(%arg13 : memref<!tpu.dma_semaphore, #tpu.memory_space<semaphore_mem>>)
    %dma_wait3A_145 = arith.constant 0 : i32
    %dma_wait3A_146 = arith.constant 0 : i32
    %dma_wait3A_147 = tpu.memref_slice %arg6[%dma_wait3A_145, %dma_wait3A_146] : memref<4x80xi32, #tpu.memory_space<vmem>> -> memref<1x80xi32, #tpu.memory_space<vmem>>
    %dma_wait3A_148 = tpu.memref_squeeze %dma_wait3A_147 : memref<1x80xi32, #tpu.memory_space<vmem>> -> memref<80xi32, #tpu.memory_space<vmem>>
    %dma_wait3A_149 = arith.constant 0 : i32
    %dma_wait3A_150 = arith.constant 0 : i32
    %dma_wait3A_151 = tpu.memref_slice %arg2[%dma_wait3A_149, %dma_wait3A_150] : memref<10000x128xf32, #tpu.memory_space<hbm>> -> memref<10000x128xf32, #tpu.memory_space<hbm>>
    tpu.wait_indirect_dma semaphore(%arg13 : memref<!tpu.dma_semaphore, #tpu.memory_space<semaphore_mem>>) src(%dma_wait3A_151 : memref<10000x128xf32, #tpu.memory_space<hbm>>) dst(%arg8 : memref<80x128xf32, #tpu.memory_space<vmem>>)
    %dma_start3A_152 = arith.constant 0 : i32
    %dma_start3A_153 = arith.constant 0 : i32
    %dma_start3A_154 = tpu.memref_slice %arg7[%dma_start3A_152, %dma_start3A_153] : memref<4x80xi32, #tpu.memory_space<vmem>> -> memref<1x80xi32, #tpu.memory_space<vmem>>
    %dma_start3A_155 = tpu.memref_squeeze %dma_start3A_154 : memref<1x80xi32, #tpu.memory_space<vmem>> -> memref<80xi32, #tpu.memory_space<vmem>>
    %dma_start3A_156 = arith.constant 0 : i32
    %dma_start3A_157 = arith.constant 0 : i32
    %dma_start3A_158 = tpu.memref_slice %arg12[%dma_start3A_156, %dma_start3A_157] : memref<10000x128xf32, #tpu.memory_space<vmem_shared>> -> memref<10000x128xf32, #tpu.memory_space<vmem_shared>>
    tpu.enqueue_indirect_dma source(%arg8 : memref<80x128xf32, #tpu.memory_space<vmem>>) target(%dma_start3A_158 : memref<10000x128xf32, #tpu.memory_space<vmem_shared>>) offsets(%dma_start3A_155 : memref<80xi32, #tpu.memory_space<vmem>>) semaphore(%arg19 : memref<!tpu.dma_semaphore, #tpu.memory_space<semaphore_mem>>) {add = true}
    %dma_wait3A_159 = arith.constant 0 : i32
    %dma_wait3A_160 = arith.constant 0 : i32
    %dma_wait3A_161 = tpu.memref_slice %arg7[%dma_wait3A_159, %dma_wait3A_160] : memref<4x80xi32, #tpu.memory_space<vmem>> -> memref<1x80xi32, #tpu.memory_space<vmem>>
    %dma_wait3A_162 = tpu.memref_squeeze %dma_wait3A_161 : memref<1x80xi32, #tpu.memory_space<vmem>> -> memref<80xi32, #tpu.memory_space<vmem>>
    %dma_wait3A_163 = arith.constant 0 : i32
    %dma_wait3A_164 = arith.constant 0 : i32
    %dma_wait3A_165 = tpu.memref_slice %arg12[%dma_wait3A_163, %dma_wait3A_164] : memref<10000x128xf32, #tpu.memory_space<vmem_shared>> -> memref<10000x128xf32, #tpu.memory_space<vmem_shared>>
    tpu.wait_indirect_dma semaphore(%arg19 : memref<!tpu.dma_semaphore, #tpu.memory_space<semaphore_mem>>) src(%arg8 : memref<80x128xf32, #tpu.memory_space<vmem>>) dst(%dma_wait3A_165 : memref<10000x128xf32, #tpu.memory_space<vmem_shared>>)
    %barrier3A_166 = arith.constant 0 : index
    tpu.barrier barrier_id(%barrier3A_166)
    %add3A_167 = arith.constant 0 : i32
    %add3A_168 = arith.addi %arg1, %add3A_167 : i32
    %lt3A_169 = arith.constant 125 : i32
    %lt3A_170 = arith.cmpi slt, %add3A_168, %lt3A_169 : i32
    %convert_element_type3A_171 = arith.extui %lt3A_170 : i1 to i32
    %cond3A_172 = arith.constant 0 : i32
    %cond3A_173 = arith.cmpi ne, %convert_element_type3A_171, %cond3A_172 : i32
    scf.if %cond3A_173 {
      %mul3A_223 = arith.constant 80 : i32
      %mul3A_224 = arith.muli %add3A_168, %mul3A_223 : i32
      %mul3A_225 = arith.constant 10000 : i32
      %mul3A_226 = arith.muli %arg0, %mul3A_225 : i32
      %mul3A_227 = arith.constant 80 : i32
      %mul3A_228 = arith.muli %add3A_168, %mul3A_227 : i32
      %add3A_229 = arith.addi %mul3A_226, %mul3A_228 : i32
      "tpu.region"() ({
        %run_scoped3A = tpu.sem_alloc : memref<!tpu.dma_semaphore, #tpu.memory_space<semaphore_mem>>
        %dma_start3A_230 = arith.constant 0 : i32
        %dma_start3A_231 = tpu.memref_slice %arg5[%add3A_229, %dma_start3A_230] : memref<20000x128xf32, #tpu.memory_space<hbm>> -> memref<80x128xf32, #tpu.memory_space<hbm>>
        %dma_start3A_232 = arith.constant 0 : i32
        %dma_start3A_233 = tpu.memref_slice %arg12[%mul3A_224, %dma_start3A_232] : memref<10000x128xf32, #tpu.memory_space<vmem_shared>> -> memref<80x128xf32, #tpu.memory_space<vmem_shared>>
        tpu.enqueue_dma source(%dma_start3A_233 : memref<80x128xf32, #tpu.memory_space<vmem_shared>>) target(%dma_start3A_231 : memref<80x128xf32, #tpu.memory_space<hbm>>) target_semaphore(%run_scoped3A : memref<!tpu.dma_semaphore, #tpu.memory_space<semaphore_mem>>)
        %dma_wait3A_234 = arith.constant 0 : i32
        %dma_wait3A_235 = tpu.memref_slice %arg5[%add3A_229, %dma_wait3A_234] : memref<20000x128xf32, #tpu.memory_space<hbm>> -> memref<80x128xf32, #tpu.memory_space<hbm>>
        %dma_wait3A_236 = arith.constant 0 : i32
        %dma_wait3A_237 = tpu.memref_slice %arg12[%mul3A_224, %dma_wait3A_236] : memref<10000x128xf32, #tpu.memory_space<vmem_shared>> -> memref<80x128xf32, #tpu.memory_space<vmem_shared>>
        tpu.wait_dma2 semaphore(%run_scoped3A : memref<!tpu.dma_semaphore, #tpu.memory_space<semaphore_mem>>) src(%dma_wait3A_237 : memref<80x128xf32, #tpu.memory_space<vmem_shared>>) dst(%dma_wait3A_235 : memref<80x128xf32, #tpu.memory_space<hbm>>)
        tpu.yield
      }) : () -> ()
    } else {
    }
    %add3A_174 = arith.constant 16 : i32
    %add3A_175 = arith.addi %arg1, %add3A_174 : i32
    %lt3A_176 = arith.constant 125 : i32
    %lt3A_177 = arith.cmpi slt, %add3A_175, %lt3A_176 : i32
    %convert_element_type3A_178 = arith.extui %lt3A_177 : i1 to i32
    %cond3A_179 = arith.constant 0 : i32
    %cond3A_180 = arith.cmpi ne, %convert_element_type3A_178, %cond3A_179 : i32
    scf.if %cond3A_180 {
      %mul3A_223 = arith.constant 80 : i32
      %mul3A_224 = arith.muli %add3A_175, %mul3A_223 : i32
      %mul3A_225 = arith.constant 10000 : i32
      %mul3A_226 = arith.muli %arg0, %mul3A_225 : i32
      %mul3A_227 = arith.constant 80 : i32
      %mul3A_228 = arith.muli %add3A_175, %mul3A_227 : i32
      %add3A_229 = arith.addi %mul3A_226, %mul3A_228 : i32
      "tpu.region"() ({
        %run_scoped3A = tpu.sem_alloc : memref<!tpu.dma_semaphore, #tpu.memory_space<semaphore_mem>>
        %dma_start3A_230 = arith.constant 0 : i32
        %dma_start3A_231 = tpu.memref_slice %arg5[%add3A_229, %dma_start3A_230] : memref<20000x128xf32, #tpu.memory_space<hbm>> -> memref<80x128xf32, #tpu.memory_space<hbm>>
        %dma_start3A_232 = arith.constant 0 : i32
        %dma_start3A_233 = tpu.memref_slice %arg12[%mul3A_224, %dma_start3A_232] : memref<10000x128xf32, #tpu.memory_space<vmem_shared>> -> memref<80x128xf32, #tpu.memory_space<vmem_shared>>
        tpu.enqueue_dma source(%dma_start3A_233 : memref<80x128xf32, #tpu.memory_space<vmem_shared>>) target(%dma_start3A_231 : memref<80x128xf32, #tpu.memory_space<hbm>>) target_semaphore(%run_scoped3A : memref<!tpu.dma_semaphore, #tpu.memory_space<semaphore_mem>>)
        %dma_wait3A_234 = arith.constant 0 : i32
        %dma_wait3A_235 = tpu.memref_slice %arg5[%add3A_229, %dma_wait3A_234] : memref<20000x128xf32, #tpu.memory_space<hbm>> -> memref<80x128xf32, #tpu.memory_space<hbm>>
        %dma_wait3A_236 = arith.constant 0 : i32
        %dma_wait3A_237 = tpu.memref_slice %arg12[%mul3A_224, %dma_wait3A_236] : memref<10000x128xf32, #tpu.memory_space<vmem_shared>> -> memref<80x128xf32, #tpu.memory_space<vmem_shared>>
        tpu.wait_dma2 semaphore(%run_scoped3A : memref<!tpu.dma_semaphore, #tpu.memory_space<semaphore_mem>>) src(%dma_wait3A_237 : memref<80x128xf32, #tpu.memory_space<vmem_shared>>) dst(%dma_wait3A_235 : memref<80x128xf32, #tpu.memory_space<hbm>>)
        tpu.yield
      }) : () -> ()
    } else {
    }
    %add3A_181 = arith.constant 32 : i32
    %add3A_182 = arith.addi %arg1, %add3A_181 : i32
    %lt3A_183 = arith.constant 125 : i32
    %lt3A_184 = arith.cmpi slt, %add3A_182, %lt3A_183 : i32
    %convert_element_type3A_185 = arith.extui %lt3A_184 : i1 to i32
    %cond3A_186 = arith.constant 0 : i32
    %cond3A_187 = arith.cmpi ne, %convert_element_type3A_185, %cond3A_186 : i32
    scf.if %cond3A_187 {
      %mul3A_223 = arith.constant 80 : i32
      %mul3A_224 = arith.muli %add3A_182, %mul3A_223 : i32
      %mul3A_225 = arith.constant 10000 : i32
      %mul3A_226 = arith.muli %arg0, %mul3A_225 : i32
      %mul3A_227 = arith.constant 80 : i32
      %mul3A_228 = arith.muli %add3A_182, %mul3A_227 : i32
      %add3A_229 = arith.addi %mul3A_226, %mul3A_228 : i32
      "tpu.region"() ({
        %run_scoped3A = tpu.sem_alloc : memref<!tpu.dma_semaphore, #tpu.memory_space<semaphore_mem>>
        %dma_start3A_230 = arith.constant 0 : i32
        %dma_start3A_231 = tpu.memref_slice %arg5[%add3A_229, %dma_start3A_230] : memref<20000x128xf32, #tpu.memory_space<hbm>> -> memref<80x128xf32, #tpu.memory_space<hbm>>
        %dma_start3A_232 = arith.constant 0 : i32
        %dma_start3A_233 = tpu.memref_slice %arg12[%mul3A_224, %dma_start3A_232] : memref<10000x128xf32, #tpu.memory_space<vmem_shared>> -> memref<80x128xf32, #tpu.memory_space<vmem_shared>>
        tpu.enqueue_dma source(%dma_start3A_233 : memref<80x128xf32, #tpu.memory_space<vmem_shared>>) target(%dma_start3A_231 : memref<80x128xf32, #tpu.memory_space<hbm>>) target_semaphore(%run_scoped3A : memref<!tpu.dma_semaphore, #tpu.memory_space<semaphore_mem>>)
        %dma_wait3A_234 = arith.constant 0 : i32
        %dma_wait3A_235 = tpu.memref_slice %arg5[%add3A_229, %dma_wait3A_234] : memref<20000x128xf32, #tpu.memory_space<hbm>> -> memref<80x128xf32, #tpu.memory_space<hbm>>
        %dma_wait3A_236 = arith.constant 0 : i32
        %dma_wait3A_237 = tpu.memref_slice %arg12[%mul3A_224, %dma_wait3A_236] : memref<10000x128xf32, #tpu.memory_space<vmem_shared>> -> memref<80x128xf32, #tpu.memory_space<vmem_shared>>
        tpu.wait_dma2 semaphore(%run_scoped3A : memref<!tpu.dma_semaphore, #tpu.memory_space<semaphore_mem>>) src(%dma_wait3A_237 : memref<80x128xf32, #tpu.memory_space<vmem_shared>>) dst(%dma_wait3A_235 : memref<80x128xf32, #tpu.memory_space<hbm>>)
        tpu.yield
      }) : () -> ()
    } else {
    }
    %add3A_188 = arith.constant 48 : i32
    %add3A_189 = arith.addi %arg1, %add3A_188 : i32
    %lt3A_190 = arith.constant 125 : i32
    %lt3A_191 = arith.cmpi slt, %add3A_189, %lt3A_190 : i32
    %convert_element_type3A_192 = arith.extui %lt3A_191 : i1 to i32
    %cond3A_193 = arith.constant 0 : i32
    %cond3A_194 = arith.cmpi ne, %convert_element_type3A_192, %cond3A_193 : i32
    scf.if %cond3A_194 {
      %mul3A_223 = arith.constant 80 : i32
      %mul3A_224 = arith.muli %add3A_189, %mul3A_223 : i32
      %mul3A_225 = arith.constant 10000 : i32
      %mul3A_226 = arith.muli %arg0, %mul3A_225 : i32
      %mul3A_227 = arith.constant 80 : i32
      %mul3A_228 = arith.muli %add3A_189, %mul3A_227 : i32
      %add3A_229 = arith.addi %mul3A_226, %mul3A_228 : i32
      "tpu.region"() ({
        %run_scoped3A = tpu.sem_alloc : memref<!tpu.dma_semaphore, #tpu.memory_space<semaphore_mem>>
        %dma_start3A_230 = arith.constant 0 : i32
        %dma_start3A_231 = tpu.memref_slice %arg5[%add3A_229, %dma_start3A_230] : memref<20000x128xf32, #tpu.memory_space<hbm>> -> memref<80x128xf32, #tpu.memory_space<hbm>>
        %dma_start3A_232 = arith.constant 0 : i32
        %dma_start3A_233 = tpu.memref_slice %arg12[%mul3A_224, %dma_start3A_232] : memref<10000x128xf32, #tpu.memory_space<vmem_shared>> -> memref<80x128xf32, #tpu.memory_space<vmem_shared>>
        tpu.enqueue_dma source(%dma_start3A_233 : memref<80x128xf32, #tpu.memory_space<vmem_shared>>) target(%dma_start3A_231 : memref<80x128xf32, #tpu.memory_space<hbm>>) target_semaphore(%run_scoped3A : memref<!tpu.dma_semaphore, #tpu.memory_space<semaphore_mem>>)
        %dma_wait3A_234 = arith.constant 0 : i32
        %dma_wait3A_235 = tpu.memref_slice %arg5[%add3A_229, %dma_wait3A_234] : memref<20000x128xf32, #tpu.memory_space<hbm>> -> memref<80x128xf32, #tpu.memory_space<hbm>>
        %dma_wait3A_236 = arith.constant 0 : i32
        %dma_wait3A_237 = tpu.memref_slice %arg12[%mul3A_224, %dma_wait3A_236] : memref<10000x128xf32, #tpu.memory_space<vmem_shared>> -> memref<80x128xf32, #tpu.memory_space<vmem_shared>>
        tpu.wait_dma2 semaphore(%run_scoped3A : memref<!tpu.dma_semaphore, #tpu.memory_space<semaphore_mem>>) src(%dma_wait3A_237 : memref<80x128xf32, #tpu.memory_space<vmem_shared>>) dst(%dma_wait3A_235 : memref<80x128xf32, #tpu.memory_space<hbm>>)
        tpu.yield
      }) : () -> ()
    } else {
    }
    %add3A_195 = arith.constant 64 : i32
    %add3A_196 = arith.addi %arg1, %add3A_195 : i32
    %lt3A_197 = arith.constant 125 : i32
    %lt3A_198 = arith.cmpi slt, %add3A_196, %lt3A_197 : i32
    %convert_element_type3A_199 = arith.extui %lt3A_198 : i1 to i32
    %cond3A_200 = arith.constant 0 : i32
    %cond3A_201 = arith.cmpi ne, %convert_element_type3A_199, %cond3A_200 : i32
    scf.if %cond3A_201 {
      %mul3A_223 = arith.constant 80 : i32
      %mul3A_224 = arith.muli %add3A_196, %mul3A_223 : i32
      %mul3A_225 = arith.constant 10000 : i32
      %mul3A_226 = arith.muli %arg0, %mul3A_225 : i32
      %mul3A_227 = arith.constant 80 : i32
      %mul3A_228 = arith.muli %add3A_196, %mul3A_227 : i32
      %add3A_229 = arith.addi %mul3A_226, %mul3A_228 : i32
      "tpu.region"() ({
        %run_scoped3A = tpu.sem_alloc : memref<!tpu.dma_semaphore, #tpu.memory_space<semaphore_mem>>
        %dma_start3A_230 = arith.constant 0 : i32
        %dma_start3A_231 = tpu.memref_slice %arg5[%add3A_229, %dma_start3A_230] : memref<20000x128xf32, #tpu.memory_space<hbm>> -> memref<80x128xf32, #tpu.memory_space<hbm>>
        %dma_start3A_232 = arith.constant 0 : i32
        %dma_start3A_233 = tpu.memref_slice %arg12[%mul3A_224, %dma_start3A_232] : memref<10000x128xf32, #tpu.memory_space<vmem_shared>> -> memref<80x128xf32, #tpu.memory_space<vmem_shared>>
        tpu.enqueue_dma source(%dma_start3A_233 : memref<80x128xf32, #tpu.memory_space<vmem_shared>>) target(%dma_start3A_231 : memref<80x128xf32, #tpu.memory_space<hbm>>) target_semaphore(%run_scoped3A : memref<!tpu.dma_semaphore, #tpu.memory_space<semaphore_mem>>)
        %dma_wait3A_234 = arith.constant 0 : i32
        %dma_wait3A_235 = tpu.memref_slice %arg5[%add3A_229, %dma_wait3A_234] : memref<20000x128xf32, #tpu.memory_space<hbm>> -> memref<80x128xf32, #tpu.memory_space<hbm>>
        %dma_wait3A_236 = arith.constant 0 : i32
        %dma_wait3A_237 = tpu.memref_slice %arg12[%mul3A_224, %dma_wait3A_236] : memref<10000x128xf32, #tpu.memory_space<vmem_shared>> -> memref<80x128xf32, #tpu.memory_space<vmem_shared>>
        tpu.wait_dma2 semaphore(%run_scoped3A : memref<!tpu.dma_semaphore, #tpu.memory_space<semaphore_mem>>) src(%dma_wait3A_237 : memref<80x128xf32, #tpu.memory_space<vmem_shared>>) dst(%dma_wait3A_235 : memref<80x128xf32, #tpu.memory_space<hbm>>)
        tpu.yield
      }) : () -> ()
    } else {
    }
    %add3A_202 = arith.constant 80 : i32
    %add3A_203 = arith.addi %arg1, %add3A_202 : i32
    %lt3A_204 = arith.constant 125 : i32
    %lt3A_205 = arith.cmpi slt, %add3A_203, %lt3A_204 : i32
    %convert_element_type3A_206 = arith.extui %lt3A_205 : i1 to i32
    %cond3A_207 = arith.constant 0 : i32
    %cond3A_208 = arith.cmpi ne, %convert_element_type3A_206, %cond3A_207 : i32
    scf.if %cond3A_208 {
      %mul3A_223 = arith.constant 80 : i32
      %mul3A_224 = arith.muli %add3A_203, %mul3A_223 : i32
      %mul3A_225 = arith.constant 10000 : i32
      %mul3A_226 = arith.muli %arg0, %mul3A_225 : i32
      %mul3A_227 = arith.constant 80 : i32
      %mul3A_228 = arith.muli %add3A_203, %mul3A_227 : i32
      %add3A_229 = arith.addi %mul3A_226, %mul3A_228 : i32
      "tpu.region"() ({
        %run_scoped3A = tpu.sem_alloc : memref<!tpu.dma_semaphore, #tpu.memory_space<semaphore_mem>>
        %dma_start3A_230 = arith.constant 0 : i32
        %dma_start3A_231 = tpu.memref_slice %arg5[%add3A_229, %dma_start3A_230] : memref<20000x128xf32, #tpu.memory_space<hbm>> -> memref<80x128xf32, #tpu.memory_space<hbm>>
        %dma_start3A_232 = arith.constant 0 : i32
        %dma_start3A_233 = tpu.memref_slice %arg12[%mul3A_224, %dma_start3A_232] : memref<10000x128xf32, #tpu.memory_space<vmem_shared>> -> memref<80x128xf32, #tpu.memory_space<vmem_shared>>
        tpu.enqueue_dma source(%dma_start3A_233 : memref<80x128xf32, #tpu.memory_space<vmem_shared>>) target(%dma_start3A_231 : memref<80x128xf32, #tpu.memory_space<hbm>>) target_semaphore(%run_scoped3A : memref<!tpu.dma_semaphore, #tpu.memory_space<semaphore_mem>>)
        %dma_wait3A_234 = arith.constant 0 : i32
        %dma_wait3A_235 = tpu.memref_slice %arg5[%add3A_229, %dma_wait3A_234] : memref<20000x128xf32, #tpu.memory_space<hbm>> -> memref<80x128xf32, #tpu.memory_space<hbm>>
        %dma_wait3A_236 = arith.constant 0 : i32
        %dma_wait3A_237 = tpu.memref_slice %arg12[%mul3A_224, %dma_wait3A_236] : memref<10000x128xf32, #tpu.memory_space<vmem_shared>> -> memref<80x128xf32, #tpu.memory_space<vmem_shared>>
        tpu.wait_dma2 semaphore(%run_scoped3A : memref<!tpu.dma_semaphore, #tpu.memory_space<semaphore_mem>>) src(%dma_wait3A_237 : memref<80x128xf32, #tpu.memory_space<vmem_shared>>) dst(%dma_wait3A_235 : memref<80x128xf32, #tpu.memory_space<hbm>>)
        tpu.yield
      }) : () -> ()
    } else {
    }
    %add3A_209 = arith.constant 96 : i32
    %add3A_210 = arith.addi %arg1, %add3A_209 : i32
    %lt3A_211 = arith.constant 125 : i32
    %lt3A_212 = arith.cmpi slt, %add3A_210, %lt3A_211 : i32
    %convert_element_type3A_213 = arith.extui %lt3A_212 : i1 to i32
    %cond3A_214 = arith.constant 0 : i32
    %cond3A_215 = arith.cmpi ne, %convert_element_type3A_213, %cond3A_214 : i32
    scf.if %cond3A_215 {
      %mul3A_223 = arith.constant 80 : i32
      %mul3A_224 = arith.muli %add3A_210, %mul3A_223 : i32
      %mul3A_225 = arith.constant 10000 : i32
      %mul3A_226 = arith.muli %arg0, %mul3A_225 : i32
      %mul3A_227 = arith.constant 80 : i32
      %mul3A_228 = arith.muli %add3A_210, %mul3A_227 : i32
      %add3A_229 = arith.addi %mul3A_226, %mul3A_228 : i32
      "tpu.region"() ({
        %run_scoped3A = tpu.sem_alloc : memref<!tpu.dma_semaphore, #tpu.memory_space<semaphore_mem>>
        %dma_start3A_230 = arith.constant 0 : i32
        %dma_start3A_231 = tpu.memref_slice %arg5[%add3A_229, %dma_start3A_230] : memref<20000x128xf32, #tpu.memory_space<hbm>> -> memref<80x128xf32, #tpu.memory_space<hbm>>
        %dma_start3A_232 = arith.constant 0 : i32
        %dma_start3A_233 = tpu.memref_slice %arg12[%mul3A_224, %dma_start3A_232] : memref<10000x128xf32, #tpu.memory_space<vmem_shared>> -> memref<80x128xf32, #tpu.memory_space<vmem_shared>>
        tpu.enqueue_dma source(%dma_start3A_233 : memref<80x128xf32, #tpu.memory_space<vmem_shared>>) target(%dma_start3A_231 : memref<80x128xf32, #tpu.memory_space<hbm>>) target_semaphore(%run_scoped3A : memref<!tpu.dma_semaphore, #tpu.memory_space<semaphore_mem>>)
        %dma_wait3A_234 = arith.constant 0 : i32
        %dma_wait3A_235 = tpu.memref_slice %arg5[%add3A_229, %dma_wait3A_234] : memref<20000x128xf32, #tpu.memory_space<hbm>> -> memref<80x128xf32, #tpu.memory_space<hbm>>
        %dma_wait3A_236 = arith.constant 0 : i32
        %dma_wait3A_237 = tpu.memref_slice %arg12[%mul3A_224, %dma_wait3A_236] : memref<10000x128xf32, #tpu.memory_space<vmem_shared>> -> memref<80x128xf32, #tpu.memory_space<vmem_shared>>
        tpu.wait_dma2 semaphore(%run_scoped3A : memref<!tpu.dma_semaphore, #tpu.memory_space<semaphore_mem>>) src(%dma_wait3A_237 : memref<80x128xf32, #tpu.memory_space<vmem_shared>>) dst(%dma_wait3A_235 : memref<80x128xf32, #tpu.memory_space<hbm>>)
        tpu.yield
      }) : () -> ()
    } else {
    }
    %add3A_216 = arith.constant 112 : i32
    %add3A_217 = arith.addi %arg1, %add3A_216 : i32
    %lt3A_218 = arith.constant 125 : i32
    %lt3A_219 = arith.cmpi slt, %add3A_217, %lt3A_218 : i32
    %convert_element_type3A_220 = arith.extui %lt3A_219 : i1 to i32
    %cond3A_221 = arith.constant 0 : i32
    %cond3A_222 = arith.cmpi ne, %convert_element_type3A_220, %cond3A_221 : i32
    scf.if %cond3A_222 {
      %mul3A_223 = arith.constant 80 : i32
      %mul3A_224 = arith.muli %add3A_217, %mul3A_223 : i32
      %mul3A_225 = arith.constant 10000 : i32
      %mul3A_226 = arith.muli %arg0, %mul3A_225 : i32
      %mul3A_227 = arith.constant 80 : i32
      %mul3A_228 = arith.muli %add3A_217, %mul3A_227 : i32
      %add3A_229 = arith.addi %mul3A_226, %mul3A_228 : i32
      "tpu.region"() ({
        %run_scoped3A = tpu.sem_alloc : memref<!tpu.dma_semaphore, #tpu.memory_space<semaphore_mem>>
        %dma_start3A_230 = arith.constant 0 : i32
        %dma_start3A_231 = tpu.memref_slice %arg5[%add3A_229, %dma_start3A_230] : memref<20000x128xf32, #tpu.memory_space<hbm>> -> memref<80x128xf32, #tpu.memory_space<hbm>>
        %dma_start3A_232 = arith.constant 0 : i32
        %dma_start3A_233 = tpu.memref_slice %arg12[%mul3A_224, %dma_start3A_232] : memref<10000x128xf32, #tpu.memory_space<vmem_shared>> -> memref<80x128xf32, #tpu.memory_space<vmem_shared>>
        tpu.enqueue_dma source(%dma_start3A_233 : memref<80x128xf32, #tpu.memory_space<vmem_shared>>) target(%dma_start3A_231 : memref<80x128xf32, #tpu.memory_space<hbm>>) target_semaphore(%run_scoped3A : memref<!tpu.dma_semaphore, #tpu.memory_space<semaphore_mem>>)
        %dma_wait3A_234 = arith.constant 0 : i32
        %dma_wait3A_235 = tpu.memref_slice %arg5[%add3A_229, %dma_wait3A_234] : memref<20000x128xf32, #tpu.memory_space<hbm>> -> memref<80x128xf32, #tpu.memory_space<hbm>>
        %dma_wait3A_236 = arith.constant 0 : i32
        %dma_wait3A_237 = tpu.memref_slice %arg12[%mul3A_224, %dma_wait3A_236] : memref<10000x128xf32, #tpu.memory_space<vmem_shared>> -> memref<80x128xf32, #tpu.memory_space<vmem_shared>>
        tpu.wait_dma2 semaphore(%run_scoped3A : memref<!tpu.dma_semaphore, #tpu.memory_space<semaphore_mem>>) src(%dma_wait3A_237 : memref<80x128xf32, #tpu.memory_space<vmem_shared>>) dst(%dma_wait3A_235 : memref<80x128xf32, #tpu.memory_space<hbm>>)
        tpu.yield
      }) : () -> ()
    } else {
    }
    return
  }
}

module attributes {stable_mosaic.version = 14 : i64} {
  func.func @_mlp_body(%arg0: memref<10000x128xf32, #tpu.memory_space<vmem>>, %arg1: memref<20000x128xf32, #tpu.memory_space<vmem>>, %arg2: memref<128x128xf32, #tpu.memory_space<vmem>>, %arg3: memref<1x128xf32, #tpu.memory_space<vmem>>, %arg4: memref<1x128xf32, #tpu.memory_space<vmem>>, %arg5: memref<1x128xf32, #tpu.memory_space<vmem>>, %arg6: memref<128x128xf32, #tpu.memory_space<vmem>>, %arg7: memref<1x128xf32, #tpu.memory_space<vmem>>, %arg8: memref<1x128xf32, #tpu.memory_space<vmem>>, %arg9: memref<1x128xf32, #tpu.memory_space<vmem>>, %arg10: memref<10000x128xf32, #tpu.memory_space<vmem>>) attributes {dimension_semantics = [], scalar_prefetch = 0 : i64, scratch_operands = 0 : i64, tpu.core_type = #tpu.core_type<tc>} {
    %get3A = arith.constant 0 : index
    %get3A_0 = arith.constant 0 : index
    %get3A_1 = vector.load %arg1[%get3A, %get3A_0] : memref<20000x128xf32, #tpu.memory_space<vmem>>, vector<20000x128xf32>
    %get3A_2 = arith.constant 0 : index
    %get3A_3 = arith.constant 0 : index
    %get3A_4 = vector.load %arg0[%get3A_2, %get3A_3] : memref<10000x128xf32, #tpu.memory_space<vmem>>, vector<10000x128xf32>
    %slice3A = vector.extract_strided_slice %get3A_1 {offsets = [0, 0], sizes = [10000, 128], strides = [1, 1]} : vector<20000x128xf32> to vector<10000x128xf32>
    %add3A = arith.addf %get3A_4, %slice3A : vector<10000x128xf32>
    %slice3A_5 = vector.extract_strided_slice %get3A_1 {offsets = [10000, 0], sizes = [10000, 128], strides = [1, 1]} : vector<20000x128xf32> to vector<10000x128xf32>
    %add3A_6 = arith.addf %add3A, %slice3A_5 : vector<10000x128xf32>
    %get3A_7 = arith.constant 0 : index
    %get3A_8 = arith.constant 0 : index
    %get3A_9 = vector.load %arg2[%get3A_7, %get3A_8] : memref<128x128xf32, #tpu.memory_space<vmem>>, vector<128x128xf32>
    %dot_general3A = arith.constant dense<0.000000e+00> : vector<10000x128xf32>
    %dot_general3A_10 = tpu.matmul %add3A_6, %get3A_9, %dot_general3A {dimension_numbers = #tpu.dot_dimension_numbers<[1], [0], [0], [1], [0, 0, 1, 1], [], []>, transpose_lhs_hint = false} : vector<10000x128xf32>, vector<128x128xf32>, vector<10000x128xf32> -> vector<10000x128xf32>
    %get3A_11 = arith.constant 0 : index
    %get3A_12 = arith.constant 0 : index
    %get3A_13 = vector.load %arg3[%get3A_11, %get3A_12] : memref<1x128xf32, #tpu.memory_space<vmem>>, vector<1x128xf32>
    %add3A_14 = vector.broadcast %get3A_13 : vector<1x128xf32> to vector<10000x128xf32>
    %add3A_15 = arith.addf %dot_general3A_10, %add3A_14 : vector<10000x128xf32>
    %get3A_16 = arith.constant 0 : index
    %get3A_17 = arith.constant 0 : index
    %get3A_18 = vector.load %arg4[%get3A_16, %get3A_17] : memref<1x128xf32, #tpu.memory_space<vmem>>, vector<1x128xf32>
    %get3A_19 = arith.constant 0 : index
    %get3A_20 = arith.constant 0 : index
    %get3A_21 = vector.load %arg5[%get3A_19, %get3A_20] : memref<1x128xf32, #tpu.memory_space<vmem>>, vector<1x128xf32>
    %reduce_sum3A = arith.constant dense<0.000000e+00> : vector<128xf32>
    %reduce_sum3A_22 = vector.multi_reduction <add>, %add3A_15, %reduce_sum3A [0] : vector<10000x128xf32> to vector<128xf32>
    %div3A = arith.constant 1.000000e+04 : f32
    %div3A_23 = vector.broadcast %div3A : f32 to vector<128xf32>
    %div3A_24 = arith.divf %reduce_sum3A_22, %div3A_23 : vector<128xf32>
    %jit3A = arith.constant 0 : i32
    %reduce_sum3A_25 = arith.constant dense<0.000000e+00> : vector<128xf32>
    %reduce_sum3A_26 = vector.multi_reduction <add>, %add3A_15, %reduce_sum3A_25 [0] : vector<10000x128xf32> to vector<128xf32>
    %broadcast_in_dim3A = vector.shape_cast %reduce_sum3A_26 : vector<128xf32> to vector<1x128xf32>
    %div3A_27 = arith.constant 1.000000e+04 : f32
    %div3A_28 = vector.broadcast %div3A_27 : f32 to vector<1x128xf32>
    %div3A_29 = arith.divf %broadcast_in_dim3A, %div3A_28 : vector<1x128xf32>
    %sub3A = vector.broadcast %div3A_29 : vector<1x128xf32> to vector<10000x128xf32>
    %sub3A_30 = arith.subf %add3A_15, %sub3A : vector<10000x128xf32>
    %square3A = arith.mulf %sub3A_30, %sub3A_30 : vector<10000x128xf32>
    %convert_element_type3A = arith.sitofp %jit3A : i32 to f32
    %sub3A_31 = arith.constant 1.000000e+04 : f32
    %sub3A_32 = arith.subf %sub3A_31, %convert_element_type3A : f32
    %reduce_sum3A_33 = arith.constant dense<0.000000e+00> : vector<128xf32>
    %reduce_sum3A_34 = vector.multi_reduction <add>, %square3A, %reduce_sum3A_33 [0] : vector<10000x128xf32> to vector<128xf32>
    %div3A_35 = vector.broadcast %sub3A_32 : f32 to vector<128xf32>
    %div3A_36 = arith.divf %reduce_sum3A_34, %div3A_35 : vector<128xf32>
    %gt3A = arith.constant 0.000000e+00 : f32
    %gt3A_37 = arith.cmpf ogt, %sub3A_32, %gt3A : f32
    %jit3A_38 = arith.constant 0x7FC00000 : f32
    %broadcast_in_dim3A_39 = vector.broadcast %jit3A_38 : f32 to vector<128xf32>
    %select_n3A = arith.select %gt3A_37, %div3A_36, %broadcast_in_dim3A_39 : vector<128xf32>
    %broadcast_in_dim3A_40 = vector.shape_cast %div3A_24 : vector<128xf32> to vector<1x128xf32>
    %sub3A_41 = vector.broadcast %broadcast_in_dim3A_40 : vector<1x128xf32> to vector<10000x128xf32>
    %sub3A_42 = arith.subf %add3A_15, %sub3A_41 : vector<10000x128xf32>
    %mul3A = vector.broadcast %get3A_18 : vector<1x128xf32> to vector<10000x128xf32>
    %mul3A_43 = arith.mulf %mul3A, %sub3A_42 : vector<10000x128xf32>
    %add3A_44 = arith.constant 9.99999974E-6 : f32
    %add3A_45 = vector.broadcast %add3A_44 : f32 to vector<128xf32>
    %add3A_46 = arith.addf %select_n3A, %add3A_45 : vector<128xf32>
    %sqrt3A = math.sqrt %add3A_46 : vector<128xf32>
    %broadcast_in_dim3A_47 = vector.shape_cast %sqrt3A : vector<128xf32> to vector<1x128xf32>
    %div3A_48 = vector.broadcast %broadcast_in_dim3A_47 : vector<1x128xf32> to vector<10000x128xf32>
    %div3A_49 = arith.divf %mul3A_43, %div3A_48 : vector<10000x128xf32>
    %add3A_50 = vector.broadcast %get3A_21 : vector<1x128xf32> to vector<10000x128xf32>
    %add3A_51 = arith.addf %div3A_49, %add3A_50 : vector<10000x128xf32>
    %max3A = arith.constant 0.000000e+00 : f32
    %max3A_52 = vector.broadcast %max3A : f32 to vector<10000x128xf32>
    %max3A_53 = arith.maximumf %add3A_51, %max3A_52 : vector<10000x128xf32>
    %get3A_54 = arith.constant 0 : index
    %get3A_55 = arith.constant 0 : index
    %get3A_56 = vector.load %arg6[%get3A_54, %get3A_55] : memref<128x128xf32, #tpu.memory_space<vmem>>, vector<128x128xf32>
    %dot_general3A_57 = arith.constant dense<0.000000e+00> : vector<10000x128xf32>
    %dot_general3A_58 = tpu.matmul %max3A_53, %get3A_56, %dot_general3A_57 {dimension_numbers = #tpu.dot_dimension_numbers<[1], [0], [0], [1], [0, 0, 1, 1], [], []>, transpose_lhs_hint = false} : vector<10000x128xf32>, vector<128x128xf32>, vector<10000x128xf32> -> vector<10000x128xf32>
    %get3A_59 = arith.constant 0 : index
    %get3A_60 = arith.constant 0 : index
    %get3A_61 = vector.load %arg7[%get3A_59, %get3A_60] : memref<1x128xf32, #tpu.memory_space<vmem>>, vector<1x128xf32>
    %add3A_62 = vector.broadcast %get3A_61 : vector<1x128xf32> to vector<10000x128xf32>
    %add3A_63 = arith.addf %dot_general3A_58, %add3A_62 : vector<10000x128xf32>
    %get3A_64 = arith.constant 0 : index
    %get3A_65 = arith.constant 0 : index
    %get3A_66 = vector.load %arg8[%get3A_64, %get3A_65] : memref<1x128xf32, #tpu.memory_space<vmem>>, vector<1x128xf32>
    %get3A_67 = arith.constant 0 : index
    %get3A_68 = arith.constant 0 : index
    %get3A_69 = vector.load %arg9[%get3A_67, %get3A_68] : memref<1x128xf32, #tpu.memory_space<vmem>>, vector<1x128xf32>
    %reduce_sum3A_70 = arith.constant dense<0.000000e+00> : vector<128xf32>
    %reduce_sum3A_71 = vector.multi_reduction <add>, %add3A_63, %reduce_sum3A_70 [0] : vector<10000x128xf32> to vector<128xf32>
    %div3A_72 = arith.constant 1.000000e+04 : f32
    %div3A_73 = vector.broadcast %div3A_72 : f32 to vector<128xf32>
    %div3A_74 = arith.divf %reduce_sum3A_71, %div3A_73 : vector<128xf32>
    %jit3A_75 = arith.constant 0 : i32
    %reduce_sum3A_76 = arith.constant dense<0.000000e+00> : vector<128xf32>
    %reduce_sum3A_77 = vector.multi_reduction <add>, %add3A_63, %reduce_sum3A_76 [0] : vector<10000x128xf32> to vector<128xf32>
    %broadcast_in_dim3A_78 = vector.shape_cast %reduce_sum3A_77 : vector<128xf32> to vector<1x128xf32>
    %div3A_79 = arith.constant 1.000000e+04 : f32
    %div3A_80 = vector.broadcast %div3A_79 : f32 to vector<1x128xf32>
    %div3A_81 = arith.divf %broadcast_in_dim3A_78, %div3A_80 : vector<1x128xf32>
    %sub3A_82 = vector.broadcast %div3A_81 : vector<1x128xf32> to vector<10000x128xf32>
    %sub3A_83 = arith.subf %add3A_63, %sub3A_82 : vector<10000x128xf32>
    %square3A_84 = arith.mulf %sub3A_83, %sub3A_83 : vector<10000x128xf32>
    %convert_element_type3A_85 = arith.sitofp %jit3A_75 : i32 to f32
    %sub3A_86 = arith.constant 1.000000e+04 : f32
    %sub3A_87 = arith.subf %sub3A_86, %convert_element_type3A_85 : f32
    %reduce_sum3A_88 = arith.constant dense<0.000000e+00> : vector<128xf32>
    %reduce_sum3A_89 = vector.multi_reduction <add>, %square3A_84, %reduce_sum3A_88 [0] : vector<10000x128xf32> to vector<128xf32>
    %div3A_90 = vector.broadcast %sub3A_87 : f32 to vector<128xf32>
    %div3A_91 = arith.divf %reduce_sum3A_89, %div3A_90 : vector<128xf32>
    %gt3A_92 = arith.constant 0.000000e+00 : f32
    %gt3A_93 = arith.cmpf ogt, %sub3A_87, %gt3A_92 : f32
    %jit3A_94 = arith.constant 0x7FC00000 : f32
    %broadcast_in_dim3A_95 = vector.broadcast %jit3A_94 : f32 to vector<128xf32>
    %select_n3A_96 = arith.select %gt3A_93, %div3A_91, %broadcast_in_dim3A_95 : vector<128xf32>
    %broadcast_in_dim3A_97 = vector.shape_cast %div3A_74 : vector<128xf32> to vector<1x128xf32>
    %sub3A_98 = vector.broadcast %broadcast_in_dim3A_97 : vector<1x128xf32> to vector<10000x128xf32>
    %sub3A_99 = arith.subf %add3A_63, %sub3A_98 : vector<10000x128xf32>
    %mul3A_100 = vector.broadcast %get3A_66 : vector<1x128xf32> to vector<10000x128xf32>
    %mul3A_101 = arith.mulf %mul3A_100, %sub3A_99 : vector<10000x128xf32>
    %add3A_102 = arith.constant 9.99999974E-6 : f32
    %add3A_103 = vector.broadcast %add3A_102 : f32 to vector<128xf32>
    %add3A_104 = arith.addf %select_n3A_96, %add3A_103 : vector<128xf32>
    %sqrt3A_105 = math.sqrt %add3A_104 : vector<128xf32>
    %broadcast_in_dim3A_106 = vector.shape_cast %sqrt3A_105 : vector<128xf32> to vector<1x128xf32>
    %div3A_107 = vector.broadcast %broadcast_in_dim3A_106 : vector<1x128xf32> to vector<10000x128xf32>
    %div3A_108 = arith.divf %mul3A_101, %div3A_107 : vector<10000x128xf32>
    %add3A_109 = vector.broadcast %get3A_69 : vector<1x128xf32> to vector<10000x128xf32>
    %add3A_110 = arith.addf %div3A_108, %add3A_109 : vector<10000x128xf32>
    %max3A_111 = arith.constant 0.000000e+00 : f32
    %max3A_112 = vector.broadcast %max3A_111 : f32 to vector<10000x128xf32>
    %max3A_113 = arith.maximumf %add3A_110, %max3A_112 : vector<10000x128xf32>
    %swap3A = arith.constant 0 : index
    %swap3A_114 = arith.constant 0 : index
    %swap3A_115 = vector.load %arg10[%swap3A, %swap3A_114] : memref<10000x128xf32, #tpu.memory_space<vmem>>, vector<10000x128xf32>
    tpu.vector_store %arg10[%swap3A, %swap3A_114], %max3A_113 {strides = array<i32>} : memref<10000x128xf32, #tpu.memory_space<vmem>>, vector<10000x128xf32>,
    return
  }
}

module attributes {stable_mosaic.version = 14 : i64} {
  func.func @_mlp_pool_body(%arg0: memref<10000x128xf32, #tpu.memory_space<vmem>>, %arg1: memref<20000x128xf32, #tpu.memory_space<vmem>>, %arg2: memref<128x128xf32, #tpu.memory_space<vmem>>, %arg3: memref<1x128xf32, #tpu.memory_space<vmem>>, %arg4: memref<1x128xf32, #tpu.memory_space<vmem>>, %arg5: memref<1x128xf32, #tpu.memory_space<vmem>>, %arg6: memref<128x128xf32, #tpu.memory_space<vmem>>, %arg7: memref<1x128xf32, #tpu.memory_space<vmem>>, %arg8: memref<1x128xf32, #tpu.memory_space<vmem>>, %arg9: memref<1x128xf32, #tpu.memory_space<vmem>>, %arg10: memref<1x10000xi32, #tpu.memory_space<vmem>>, %arg11: memref<128x10xf32, #tpu.memory_space<vmem>>, %arg12: memref<1x10xf32, #tpu.memory_space<vmem>>, %arg13: memref<64x10xf32, #tpu.memory_space<vmem>>) attributes {dimension_semantics = [], scalar_prefetch = 0 : i64, scratch_operands = 0 : i64, tpu.core_type = #tpu.core_type<tc>} {
    %get3A = arith.constant 0 : index
    %get3A_0 = arith.constant 0 : index
    %get3A_1 = vector.load %arg1[%get3A, %get3A_0] : memref<20000x128xf32, #tpu.memory_space<vmem>>, vector<20000x128xf32>
    %get3A_2 = arith.constant 0 : index
    %get3A_3 = arith.constant 0 : index
    %get3A_4 = vector.load %arg0[%get3A_2, %get3A_3] : memref<10000x128xf32, #tpu.memory_space<vmem>>, vector<10000x128xf32>
    %slice3A = vector.extract_strided_slice %get3A_1 {offsets = [0, 0], sizes = [10000, 128], strides = [1, 1]} : vector<20000x128xf32> to vector<10000x128xf32>
    %add3A = arith.addf %get3A_4, %slice3A : vector<10000x128xf32>
    %slice3A_5 = vector.extract_strided_slice %get3A_1 {offsets = [10000, 0], sizes = [10000, 128], strides = [1, 1]} : vector<20000x128xf32> to vector<10000x128xf32>
    %add3A_6 = arith.addf %add3A, %slice3A_5 : vector<10000x128xf32>
    %get3A_7 = arith.constant 0 : index
    %get3A_8 = arith.constant 0 : index
    %get3A_9 = vector.load %arg2[%get3A_7, %get3A_8] : memref<128x128xf32, #tpu.memory_space<vmem>>, vector<128x128xf32>
    %dot_general3A = arith.constant dense<0.000000e+00> : vector<10000x128xf32>
    %dot_general3A_10 = tpu.matmul %add3A_6, %get3A_9, %dot_general3A {dimension_numbers = #tpu.dot_dimension_numbers<[1], [0], [0], [1], [0, 0, 1, 1], [], []>, transpose_lhs_hint = false} : vector<10000x128xf32>, vector<128x128xf32>, vector<10000x128xf32> -> vector<10000x128xf32>
    %get3A_11 = arith.constant 0 : index
    %get3A_12 = arith.constant 0 : index
    %get3A_13 = vector.load %arg3[%get3A_11, %get3A_12] : memref<1x128xf32, #tpu.memory_space<vmem>>, vector<1x128xf32>
    %add3A_14 = vector.broadcast %get3A_13 : vector<1x128xf32> to vector<10000x128xf32>
    %add3A_15 = arith.addf %dot_general3A_10, %add3A_14 : vector<10000x128xf32>
    %get3A_16 = arith.constant 0 : index
    %get3A_17 = arith.constant 0 : index
    %get3A_18 = vector.load %arg4[%get3A_16, %get3A_17] : memref<1x128xf32, #tpu.memory_space<vmem>>, vector<1x128xf32>
    %get3A_19 = arith.constant 0 : index
    %get3A_20 = arith.constant 0 : index
    %get3A_21 = vector.load %arg5[%get3A_19, %get3A_20] : memref<1x128xf32, #tpu.memory_space<vmem>>, vector<1x128xf32>
    %reduce_sum3A = arith.constant dense<0.000000e+00> : vector<128xf32>
    %reduce_sum3A_22 = vector.multi_reduction <add>, %add3A_15, %reduce_sum3A [0] : vector<10000x128xf32> to vector<128xf32>
    %div3A = arith.constant 1.000000e+04 : f32
    %div3A_23 = vector.broadcast %div3A : f32 to vector<128xf32>
    %div3A_24 = arith.divf %reduce_sum3A_22, %div3A_23 : vector<128xf32>
    %jit3A = arith.constant 0 : i32
    %reduce_sum3A_25 = arith.constant dense<0.000000e+00> : vector<128xf32>
    %reduce_sum3A_26 = vector.multi_reduction <add>, %add3A_15, %reduce_sum3A_25 [0] : vector<10000x128xf32> to vector<128xf32>
    %broadcast_in_dim3A = vector.shape_cast %reduce_sum3A_26 : vector<128xf32> to vector<1x128xf32>
    %div3A_27 = arith.constant 1.000000e+04 : f32
    %div3A_28 = vector.broadcast %div3A_27 : f32 to vector<1x128xf32>
    %div3A_29 = arith.divf %broadcast_in_dim3A, %div3A_28 : vector<1x128xf32>
    %sub3A = vector.broadcast %div3A_29 : vector<1x128xf32> to vector<10000x128xf32>
    %sub3A_30 = arith.subf %add3A_15, %sub3A : vector<10000x128xf32>
    %square3A = arith.mulf %sub3A_30, %sub3A_30 : vector<10000x128xf32>
    %convert_element_type3A = arith.sitofp %jit3A : i32 to f32
    %sub3A_31 = arith.constant 1.000000e+04 : f32
    %sub3A_32 = arith.subf %sub3A_31, %convert_element_type3A : f32
    %reduce_sum3A_33 = arith.constant dense<0.000000e+00> : vector<128xf32>
    %reduce_sum3A_34 = vector.multi_reduction <add>, %square3A, %reduce_sum3A_33 [0] : vector<10000x128xf32> to vector<128xf32>
    %div3A_35 = vector.broadcast %sub3A_32 : f32 to vector<128xf32>
    %div3A_36 = arith.divf %reduce_sum3A_34, %div3A_35 : vector<128xf32>
    %gt3A = arith.constant 0.000000e+00 : f32
    %gt3A_37 = arith.cmpf ogt, %sub3A_32, %gt3A : f32
    %jit3A_38 = arith.constant 0x7FC00000 : f32
    %broadcast_in_dim3A_39 = vector.broadcast %jit3A_38 : f32 to vector<128xf32>
    %select_n3A = arith.select %gt3A_37, %div3A_36, %broadcast_in_dim3A_39 : vector<128xf32>
    %broadcast_in_dim3A_40 = vector.shape_cast %div3A_24 : vector<128xf32> to vector<1x128xf32>
    %sub3A_41 = vector.broadcast %broadcast_in_dim3A_40 : vector<1x128xf32> to vector<10000x128xf32>
    %sub3A_42 = arith.subf %add3A_15, %sub3A_41 : vector<10000x128xf32>
    %mul3A = vector.broadcast %get3A_18 : vector<1x128xf32> to vector<10000x128xf32>
    %mul3A_43 = arith.mulf %mul3A, %sub3A_42 : vector<10000x128xf32>
    %add3A_44 = arith.constant 9.99999974E-6 : f32
    %add3A_45 = vector.broadcast %add3A_44 : f32 to vector<128xf32>
    %add3A_46 = arith.addf %select_n3A, %add3A_45 : vector<128xf32>
    %sqrt3A = math.sqrt %add3A_46 : vector<128xf32>
    %broadcast_in_dim3A_47 = vector.shape_cast %sqrt3A : vector<128xf32> to vector<1x128xf32>
    %div3A_48 = vector.broadcast %broadcast_in_dim3A_47 : vector<1x128xf32> to vector<10000x128xf32>
    %div3A_49 = arith.divf %mul3A_43, %div3A_48 : vector<10000x128xf32>
    %add3A_50 = vector.broadcast %get3A_21 : vector<1x128xf32> to vector<10000x128xf32>
    %add3A_51 = arith.addf %div3A_49, %add3A_50 : vector<10000x128xf32>
    %max3A = arith.constant 0.000000e+00 : f32
    %max3A_52 = vector.broadcast %max3A : f32 to vector<10000x128xf32>
    %max3A_53 = arith.maximumf %add3A_51, %max3A_52 : vector<10000x128xf32>
    %get3A_54 = arith.constant 0 : index
    %get3A_55 = arith.constant 0 : index
    %get3A_56 = vector.load %arg6[%get3A_54, %get3A_55] : memref<128x128xf32, #tpu.memory_space<vmem>>, vector<128x128xf32>
    %dot_general3A_57 = arith.constant dense<0.000000e+00> : vector<10000x128xf32>
    %dot_general3A_58 = tpu.matmul %max3A_53, %get3A_56, %dot_general3A_57 {dimension_numbers = #tpu.dot_dimension_numbers<[1], [0], [0], [1], [0, 0, 1, 1], [], []>, transpose_lhs_hint = false} : vector<10000x128xf32>, vector<128x128xf32>, vector<10000x128xf32> -> vector<10000x128xf32>
    %get3A_59 = arith.constant 0 : index
    %get3A_60 = arith.constant 0 : index
    %get3A_61 = vector.load %arg7[%get3A_59, %get3A_60] : memref<1x128xf32, #tpu.memory_space<vmem>>, vector<1x128xf32>
    %add3A_62 = vector.broadcast %get3A_61 : vector<1x128xf32> to vector<10000x128xf32>
    %add3A_63 = arith.addf %dot_general3A_58, %add3A_62 : vector<10000x128xf32>
    %get3A_64 = arith.constant 0 : index
    %get3A_65 = arith.constant 0 : index
    %get3A_66 = vector.load %arg8[%get3A_64, %get3A_65] : memref<1x128xf32, #tpu.memory_space<vmem>>, vector<1x128xf32>
    %get3A_67 = arith.constant 0 : index
    %get3A_68 = arith.constant 0 : index
    %get3A_69 = vector.load %arg9[%get3A_67, %get3A_68] : memref<1x128xf32, #tpu.memory_space<vmem>>, vector<1x128xf32>
    %reduce_sum3A_70 = arith.constant dense<0.000000e+00> : vector<128xf32>
    %reduce_sum3A_71 = vector.multi_reduction <add>, %add3A_63, %reduce_sum3A_70 [0] : vector<10000x128xf32> to vector<128xf32>
    %div3A_72 = arith.constant 1.000000e+04 : f32
    %div3A_73 = vector.broadcast %div3A_72 : f32 to vector<128xf32>
    %div3A_74 = arith.divf %reduce_sum3A_71, %div3A_73 : vector<128xf32>
    %jit3A_75 = arith.constant 0 : i32
    %reduce_sum3A_76 = arith.constant dense<0.000000e+00> : vector<128xf32>
    %reduce_sum3A_77 = vector.multi_reduction <add>, %add3A_63, %reduce_sum3A_76 [0] : vector<10000x128xf32> to vector<128xf32>
    %broadcast_in_dim3A_78 = vector.shape_cast %reduce_sum3A_77 : vector<128xf32> to vector<1x128xf32>
    %div3A_79 = arith.constant 1.000000e+04 : f32
    %div3A_80 = vector.broadcast %div3A_79 : f32 to vector<1x128xf32>
    %div3A_81 = arith.divf %broadcast_in_dim3A_78, %div3A_80 : vector<1x128xf32>
    %sub3A_82 = vector.broadcast %div3A_81 : vector<1x128xf32> to vector<10000x128xf32>
    %sub3A_83 = arith.subf %add3A_63, %sub3A_82 : vector<10000x128xf32>
    %square3A_84 = arith.mulf %sub3A_83, %sub3A_83 : vector<10000x128xf32>
    %convert_element_type3A_85 = arith.sitofp %jit3A_75 : i32 to f32
    %sub3A_86 = arith.constant 1.000000e+04 : f32
    %sub3A_87 = arith.subf %sub3A_86, %convert_element_type3A_85 : f32
    %reduce_sum3A_88 = arith.constant dense<0.000000e+00> : vector<128xf32>
    %reduce_sum3A_89 = vector.multi_reduction <add>, %square3A_84, %reduce_sum3A_88 [0] : vector<10000x128xf32> to vector<128xf32>
    %div3A_90 = vector.broadcast %sub3A_87 : f32 to vector<128xf32>
    %div3A_91 = arith.divf %reduce_sum3A_89, %div3A_90 : vector<128xf32>
    %gt3A_92 = arith.constant 0.000000e+00 : f32
    %gt3A_93 = arith.cmpf ogt, %sub3A_87, %gt3A_92 : f32
    %jit3A_94 = arith.constant 0x7FC00000 : f32
    %broadcast_in_dim3A_95 = vector.broadcast %jit3A_94 : f32 to vector<128xf32>
    %select_n3A_96 = arith.select %gt3A_93, %div3A_91, %broadcast_in_dim3A_95 : vector<128xf32>
    %broadcast_in_dim3A_97 = vector.shape_cast %div3A_74 : vector<128xf32> to vector<1x128xf32>
    %sub3A_98 = vector.broadcast %broadcast_in_dim3A_97 : vector<1x128xf32> to vector<10000x128xf32>
    %sub3A_99 = arith.subf %add3A_63, %sub3A_98 : vector<10000x128xf32>
    %mul3A_100 = vector.broadcast %get3A_66 : vector<1x128xf32> to vector<10000x128xf32>
    %mul3A_101 = arith.mulf %mul3A_100, %sub3A_99 : vector<10000x128xf32>
    %add3A_102 = arith.constant 9.99999974E-6 : f32
    %add3A_103 = vector.broadcast %add3A_102 : f32 to vector<128xf32>
    %add3A_104 = arith.addf %select_n3A_96, %add3A_103 : vector<128xf32>
    %sqrt3A_105 = math.sqrt %add3A_104 : vector<128xf32>
    %broadcast_in_dim3A_106 = vector.shape_cast %sqrt3A_105 : vector<128xf32> to vector<1x128xf32>
    %div3A_107 = vector.broadcast %broadcast_in_dim3A_106 : vector<1x128xf32> to vector<10000x128xf32>
    %div3A_108 = arith.divf %mul3A_101, %div3A_107 : vector<10000x128xf32>
    %add3A_109 = vector.broadcast %get3A_69 : vector<1x128xf32> to vector<10000x128xf32>
    %add3A_110 = arith.addf %div3A_108, %add3A_109 : vector<10000x128xf32>
    %max3A_111 = arith.constant 0.000000e+00 : f32
    %max3A_112 = vector.broadcast %max3A_111 : f32 to vector<10000x128xf32>
    %max3A_113 = arith.maximumf %add3A_110, %max3A_112 : vector<10000x128xf32>
    %iota3A = tpu.iota {dimensions = array<i32: 0>} : vector<64x10000xi32>
    %get3A_114 = arith.constant 0 : index
    %get3A_115 = arith.constant 0 : index
    %get3A_116 = vector.load %arg10[%get3A_114, %get3A_115] : memref<1x10000xi32, #tpu.memory_space<vmem>>, vector<1x10000xi32>
    %eq3A = vector.broadcast %get3A_116 : vector<1x10000xi32> to vector<64x10000xi32>
    %eq3A_117 = arith.cmpi eq, %eq3A, %iota3A : vector<64x10000xi32>
    %convert_element_type3A_118 = arith.extui %eq3A_117 : vector<64x10000xi1> to vector<64x10000xi32>
    %convert_element_type3A_119 = arith.sitofp %convert_element_type3A_118 : vector<64x10000xi32> to vector<64x10000xf32>
    %dot_general3A_120 = arith.constant dense<0.000000e+00> : vector<64x128xf32>
    %dot_general3A_121 = tpu.matmul %convert_element_type3A_119, %max3A_113, %dot_general3A_120 {dimension_numbers = #tpu.dot_dimension_numbers<[1], [0], [0], [1], [0, 0, 1, 1], [], []>, transpose_lhs_hint = false} : vector<64x10000xf32>, vector<10000x128xf32>, vector<64x128xf32> -> vector<64x128xf32>
    %reduce_sum3A_122 = arith.constant dense<0.000000e+00> : vector<64xf32>
    %reduce_sum3A_123 = vector.multi_reduction <add>, %convert_element_type3A_119, %reduce_sum3A_122 [1] : vector<64x10000xf32> to vector<64xf32>
    %broadcast_in_dim3A_124 = vector.shape_cast %reduce_sum3A_123 : vector<64xf32> to vector<64x1xf32>
    %max3A_125 = arith.constant 1.000000e+00 : f32
    %max3A_126 = vector.broadcast %max3A_125 : f32 to vector<64x1xf32>
    %max3A_127 = arith.maximumf %broadcast_in_dim3A_124, %max3A_126 : vector<64x1xf32>
    %div3A_128 = vector.broadcast %max3A_127 : vector<64x1xf32> to vector<64x128xf32>
    %div3A_129 = arith.divf %dot_general3A_121, %div3A_128 : vector<64x128xf32>
    %get3A_130 = arith.constant 0 : index
    %get3A_131 = arith.constant 0 : index
    %get3A_132 = vector.load %arg11[%get3A_130, %get3A_131] : memref<128x10xf32, #tpu.memory_space<vmem>>, vector<128x10xf32>
    %dot_general3A_133 = arith.constant dense<0.000000e+00> : vector<64x10xf32>
    %dot_general3A_134 = tpu.matmul %div3A_129, %get3A_132, %dot_general3A_133 {dimension_numbers = #tpu.dot_dimension_numbers<[1], [0], [0], [1], [0, 0, 1, 1], [], []>, transpose_lhs_hint = false} : vector<64x128xf32>, vector<128x10xf32>, vector<64x10xf32> -> vector<64x10xf32>
    %get3A_135 = arith.constant 0 : index
    %get3A_136 = arith.constant 0 : index
    %get3A_137 = vector.load %arg12[%get3A_135, %get3A_136] : memref<1x10xf32, #tpu.memory_space<vmem>>, vector<1x10xf32>
    %add3A_138 = vector.broadcast %get3A_137 : vector<1x10xf32> to vector<64x10xf32>
    %add3A_139 = arith.addf %dot_general3A_134, %add3A_138 : vector<64x10xf32>
    %swap3A = arith.constant 0 : index
    %swap3A_140 = arith.constant 0 : index
    %swap3A_141 = vector.load %arg13[%swap3A, %swap3A_140] : memref<64x10xf32, #tpu.memory_space<vmem>>, vector<64x10xf32>
    tpu.vector_store %arg13[%swap3A, %swap3A_140], %add3A_139 {strides = array<i32>} : memref<64x10xf32, #tpu.memory_space<vmem>>, vector<64x10xf32>,
    return
  }
}

</mosaic_0001>

<sc_bundles>
// kernel: kernel.11.cloned.1.call-start
scs
__scs_entry_jumppad:
0x0: {  	(pc) =	sbr.rel $0x88, $3  }
0x1: {  	(tag) =	ssettag $0x0;
	lr =	simm.s32 $0x1  }
0x2: {  	[smem:$0x3F84] =	sst lr;
	_ =	strace $0xD0000000  }
0x3: {  	_ = 	snop  }
0x4: {  	_ = 	snop  }
0x5: {  	_ = 	snop  }
0x6: {  	_ = 	snop  }
0x7: {  	_ = 	snop  }
__scs_overlays_trampoline_lowered:
0x8: {  	[smem:$0x3F93] =	sst s0  }
0x9: {  	[smem:$0x3F94] =	sst s1  }
0xa: {  	[smem:$0x3F95] =	sst s2  }
0xb: {  	[smem:$0x3F96] =	sst s3  }
0xc: {  	[smem:$0x3F97] =	sst s4  }
0xd: {  	[smem:$0x3F98] =	sst s5  }
0xe: {  	[smem:$0x3F99] =	sst s6  }
0xf: {  	[smem:$0x3F9A] =	sst s7  }
0x10: {  	[smem:$0x3F9B] =	sst s8  }
0x11: {  	[smem:$0x3F9C] =	sst s9;
	s0 =	simm.s32 @!p0 $0x0  }
0x12: {  	s1 =	sld [smem:$0x3F82];
	s0 =	simm.s32 @p0 $0x1  }
0x13: {  	[smem:$0x3F9D] =	sst s0;
	s0 =	simm.s32 @!p1 $0x0  }
0x14: {  	s2 =	sld [smem:$0x3F81];
	s0 =	simm.s32 @p1 $0x1  }
0x15: {  	[smem:$0x3F9E] =	sst s0;
	s0 =	simm.s32 @!p2 $0x0  }
0x16: {  	s3 =	sld [smem:$0x3FDB];
	s0 =	simm.s32 @p2 $0x1  }
0x17: {  	s4 =	simm.s32 $0x1BF5;
	[smem:$0x3FA0] =	sst s0  }
0x18: {  	s0 =	sld [smem:$0x3F83];
	_ =	swait.ge [sflag:s4], $0x0  }
0x19: {  	s7 =	sld [smem:$0x3F84]  }
0x1a: {  	s8 =	sadd.s32 $0xFFFFE003, lr  }
0x1b: {  	s9 =	sadd.s32 $0xFFFFFEF7, lr;
	s5 =	simm.s32 $0xFFFFFFFF;
	p2 =	slt.u32 s8, $0xFFFFF086  }
0x1c: {  	p1 =	slt.u32 s9, $0xF7A;
	s5 =	simm.s32 @!p2 $0x0  }
0x1d: {  	s5 =	simm.s32 @p1 $0x1;
	p0 =	seq.s32 s7, s2  }
0x1e: {  	s7 =	smul.u32 @!p0 $0xF7A, s2;
	p2 =	seq.s32 @!p0 s5, $0x0  }
0x1f: {  	s9 =	smul.u32 $0xF7A, s1;
	s8 =	simm.s32 @!p0 $0x1BF5;
	p2 =	por !p2, p0  }
0x20: {  	[sflag:s8] =	ssyncset.s32 @!p0 $0xFFFFF086;
	s6 =	sadd.s32 @!p0 s3, s7;
	s7 =	simm.s32 @!p0 $0x108  }
0x21: {  	s3 =	sadd.s32 s3, s9;
	s6 =	sadd.s32 @!p0 $0x88, s6;
	s7 =	simm.s32 @p2 $0x1082  }
0x22: {  	[simem:s7], [sflag:s8] =	dma.local @!p0 [hbm:s6], $0xF7A  }
0x23: {  	s9 =	sor.u32 $0xD0000000, s2;
	s6 =	simm.s32 $0x108;
	_ =	swait.ge @!p0 [sflag:s8], $0x0  }
0x24: {  	s3 =	sadd.s32 $0x88, s3;
	s6 =	simm.s32 @!p1 $0x1082;
	[sflag:s4] =	ssyncset.s32 $0xFFFFF086  }
0x25: {  	[simem:s6], [sflag:s4] =	dma.local [hbm:s3], $0xF7A  }
0x26: {  	[smem:$0x3F84] =	sst s1;
	(tag) =	ssettag s2;
	_ =	strace s9  }
0x27: {  	s1 =	sld [smem:$0x3F94]  }
0x28: {  	s2 =	sld [smem:$0x3F95]  }
0x29: {  	s4 =	sld [smem:$0x3F97]  }
0x2a: {  	p0 =	seq.s32 s5, $0x0;
	s5 =	sld [smem:$0x3F98]  }
0x2b: {  	s6 =	sld [smem:$0x3F99]  }
0x2c: {  	s7 =	sld [smem:$0x3F9A]  }
0x2d: {  	s3 =	simm.s32 $0x108;
	s8 =	sld [smem:$0x3F9B]  }
0x2e: {  	s3 =	simm.s32 @!p0 $0x1082;
	s9 =	sld [smem:$0x3F9C]  }
0x2f: {  	lr =	sadd.s32 s0, s3;
	s0 =	sld [smem:$0x3F93]  }
0x30: {  	s3 =	sld [smem:$0x3F96]  }
0x31: {  	[smem:$0x3F9F] =	sst s10  }
0x32: {  	s10 =	sld [smem:$0x3F9D];
	_ =	sdelay $0x3  }
0x33: {  	p0 =	seq.s32 s10, $0x1;
	s10 =	sld [smem:$0x3F9F];
	_ =	sdelay $0x3  }
0x34: {  	[smem:$0x3F9F] =	sst s10  }
0x35: {  	s10 =	sld [smem:$0x3F9E];
	_ =	sdelay $0x3  }
0x36: {  	p1 =	seq.s32 s10, $0x1;
	s10 =	sld [smem:$0x3F9F];
	_ =	sdelay $0x3  }
0x37: {  	[smem:$0x3F9F] =	sst s10  }
0x38: {  	s10 =	sld [smem:$0x3FA0]  }
0x39: {  	_ = 	snop;
	(pc) =	sbr.ind lr, $3  }
0x3a: {  	_ = 	snop  }
0x3b: {  	_ = 	snop  }
0x3c: {  	p2 =	seq.s32 s10, $0x1;
	s10 =	sld [smem:$0x3F9F]  }
0x3d: {  	_ =	shalt  }
0x3e: {  	_ =	shalt  }
0x3f: {  	_ =	shalt  }
0x40: {  	_ =	shalt  }
0x41: {  	_ =	shalt  }
0x42: {  	_ =	shalt  }
0x43: {  	_ =	shalt  }
0x44: {  	_ =	shalt  }
0x45: {  	_ =	shalt  }
0x46: {  	_ =	shalt  }
0x47: {  	_ =	shalt  }
0x48: {  	_ =	shalt  }
0x49: {  	_ =	shalt  }
0x4a: {  	_ =	shalt  }
0x4b: {  	_ =	shalt  }
0x4c: {  	_ =	shalt  }
0x4d: {  	_ =	shalt  }
0x4e: {  	_ =	shalt  }
0x4f: {  	_ =	shalt  }
0x50: {  	_ =	shalt  }
0x51: {  	_ =	shalt  }
0x52: {  	_ =	shalt  }
0x53: {  	_ =	shalt  }
0x54: {  	_ =	shalt  }
0x55: {  	_ =	shalt  }
0x56: {  	_ =	shalt  }
0x57: {  	_ =	shalt  }
0x58: {  	_ =	shalt  }
0x59: {  	_ =	shalt  }
0x5a: {  	_ =	shalt  }
0x5b: {  	_ =	shalt  }
0x5c: {  	_ =	shalt  }
0x5d: {  	_ =	shalt  }
0x5e: {  	_ =	shalt  }
0x5f: {  	_ =	shalt  }
0x60: {  	_ =	shalt  }
0x61: {  	_ =	shalt  }
0x62: {  	_ =	shalt  }
0x63: {  	_ =	shalt  }
0x64: {  	_ =	shalt  }
0x65: {  	_ =	shalt  }
0x66: {  	_ =	shalt  }
0x67: {  	_ =	shalt  }
0x68: {  	_ =	shalt  }
0x69: {  	_ =	shalt  }
0x6a: {  	_ =	shalt  }
0x6b: {  	_ =	shalt  }
0x6c: {  	_ =	shalt  }
0x6d: {  	_ =	shalt  }
0x6e: {  	_ =	shalt  }
0x6f: {  	_ =	shalt  }
0x70: {  	_ =	shalt  }
0x71: {  	_ =	shalt  }
0x72: {  	_ =	shalt  }
0x73: {  	_ =	shalt  }
0x74: {  	_ =	shalt  }
0x75: {  	_ =	shalt  }
0x76: {  	_ =	shalt  }
0x77: {  	_ =	shalt  }
0x78: {  	_ =	shalt  }
0x79: {  	_ =	shalt  }
0x7a: {  	_ =	shalt  }
0x7b: {  	_ =	shalt  }
0x7c: {  	_ =	shalt  }
0x7d: {  	_ =	shalt  }
0x7e: {  	_ =	shalt  }
0x7f: {  	_ =	shalt  }
0x80: {  	_ =	shalt  }
0x81: {  	_ =	shalt  }
0x82: {  	_ =	shalt  }
0x83: {  	_ =	shalt  }
0x84: {  	_ =	shalt  }
0x85: {  	_ =	shalt  }
0x86: {  	_ =	shalt  }
0x87: {  	_ =	shalt  }
.Lfunc_end0:
.L_simem_size_0:
called_computation.1_lowered:
.L_overlay_start_0:
0x88: {  	s2 =	sld [smem:$0x3FD9]  }
0x89: {  	s3 =	sld [smem:$0x3FFE];
	_ =	sdelay $0x1  }
0x8a: {  	s1 =	srdreg.scid  }
0x8b: {  	s0 =	sand.u32 $0x1, s1  }
0x8c: {  	s16 =	sshll.u32 s0, $0xA;
	s2 =	sadd.s32 s3, s2  }
0x8d: {  	s2 =	sadd.s32 s2, s16  }
0x8e: {  	[smem:$0x3FAB] =	sst s2  }
0x8f: {  	_ = 	snop  }
0x90: {  	(tm) =	ssettm $0x1  }
0x91: {  	s17 =	sld [smem:$0x3FFB];
	_ =	sdelay $0x3  }
0x92: {  	_ =	strace s17  }
0x93: {  	s2 =	sld [smem:$0x3FFC];
	_ =	sdelay $0x3  }
0x94: {  	_ =	strace s2  }
0x95: {  	s2 =	sld [smem:$0x3FFD];
	_ =	sdelay $0x3  }
0x96: {  	_ =	strace s2  }
0x97: {  	_ =	strace $0x8FFFFFFF  }
0x98: {  	s18 =	sld [smem:$0x3FDB];
	_ =	sdelay $0x1  }
0x99: {  	s19 =	simm.s32 $_scs_section_size  }
0x9a: {  	s4 =	simm.s32 $_size__tile_overlayer_lowered;
	s5 =	simm.s32 $_tile_overlayer_lowered  }
0x9b: {  	s22 =	simm.s32 $0x1BFF;
	s21 =	sshll.u32 s5, $0x1;
	s2 =	sadd.s32 s19, s18  }
0x9c: {  	s6 =	simm.s32 $0x0;
	s20 =	sshll.u32 s4, $0x1;
	s4 =	sadd.s32 s21, s2  }
0x9d: {  	[timem:s6], [sflag:s22] =	dma.local [hbm:s4], s20  }
0x9e: {  	_ =	swait.ge [sflag:s22], s20  }
0x9f: {  	s3 =	ssub.s32 $0x0, s20;
	[sflag:s22] =	ssyncset.done $0x0  }
0xa0: {  	[sflag:s22] =	ssyncadd.s32 s3;
	_ =	sdelay $0x1  }
0xa1: {  	s23 =	simm.s32 $0x1B8B  }
0xa2: {  	_ =	swait.ge [sflag:s23], $0x1  }
0xa3: {  	[sflag:s23] =	ssyncset.done $0x0  }
0xa4: {  	s25 =	simm.s32 $0x1B8E;
	s24 =	sld [smem:$0x3FFE];
	[sflag:s23] =	ssyncadd.s32 $0xFFFFFFFF  }
0xa5: {  	s26 =	simm.s32 $execute0_lowered;
	[smem:$0x3FD2] =	sst s25  }
0xa6: {  	s4 =	sshll.u32 s26, $0x1;
	_ =	strace $0x80000049;
	[dreg:$0x1] =	wrdreg $0xFFFFFFFF  }
0xa7: {  	s28 =	simm.s32 $_size_execute0_lowered;
	s2 =	sadd.s32 s2, s4;
	[dreg:$0x0] =	wrdreg $0x0  }
0xa8: {  	s4 =	sshll.u32 s28, $0x1;
	[dreg:$0x2] =	wrdreg s2  }
0xa9: {  	[dreg:$0x3] =	wrdreg s4  }
0xaa: {  	[dreg:$0x4] =	wrdreg $0xC0  }
0xab: {  	_ =	task [dreg:s6], $0x5FFFF  }
0xac: {  	[dreg:$0x1] =	wrdreg $0xFFFFFFFF  }
0xad: {  	[dreg:$0x0] =	wrdreg $0x60  }
0xae: {  	[dreg:$0x2] =	wrdreg s24  }
0xaf: {  	[dreg:$0x3] =	wrdreg $0xA4000  }
0xb0: {  	[dreg:$0x4] =	wrdreg $0x9  }
0xb1: {  	_ =	task.clear_ibuf [dreg:s6], $0x5FFFF;
	_ =	strace $0x90000049  }
0xb2: {  	s29 =	simm.s32 $0x9;
	_ =	strace $0x8000004B  }
0xb3: {  	_ =	swait.ge [sflag:s29], $0x1  }
0xb4: {  	[sflag:s29] =	ssyncadd.s32 $0xFFFFFFFF  }
0xb5: {  	_ =	strace $0x9000004B  }
0xb6: {  	_ =	sfence  }
0xb7: {  	s30 =	sld [smem:$0x0];
	_ =	sdelay $0x2  }
0xb8: {  	s31 =	sshll.u32 s1, $0xD;
	s1 =	sshrl.u32 s1, $0x2  }
0xb9: {  	s3 =	sand.u32 $0x4000, s31;
	s1 =	sadd.s32 s1, s30  }
0xba: {  	s0 =	sor.u32 s3, s0;
	s1 =	sshll.u32 s1, $0x11  }
0xbb: {  	s0 =	sor.u32 s1, s0  }
0xbc: {  	s0 =	sadd.s32 $0x8F2B, s0  }
0xbd: {  	[sflag:s0] =	ssyncadd.remote.s32 $0x1  }
0xbe: {  	_ =	sfence.sel $0xFFFF  }
0xbf: {  	[dreg:$0x0] =	wrdreg $0xFFFFFFFF;
	(pc) =	sbr.abs _section_cstart, $3  }
0xc0: {  	[dreg:$0x1] =	wrdreg $0xFFFFFFFF  }
0xc1: {  	_ =	task.clear_ibuf [dreg:s6], $0x2FFFF;
	_ =	strace $0x9FFFFFFF  }
0xc2: {  	(tm) =	ssettm $0x7FFFFFFF  }
0xc3: {  	_ =	shalt  }
tec
execute0_lowered:
.L_overlay_start_1:
0x0: {  	(tag) =	ssettag $0x1  }
0x1: {  	s5 =	rddreg [dreg:$0x0]  }
0x2: {  	s1 =	rddreg [dreg:$0x1];
	s2 =	simm.s32 $0x0  }
0x3: {  	s0 =	srdreg.scid;
	s25 =	stileid.u32;
	s28 =	simm.s32 $0x80  }
0x4: {  	s29 =	simm.s32 $0x280;
	s30 =	simm.s32 $0x100;
	s16 =	smul.u32 $0x2710, s25  }
0x5: {  	s31 =	simm.s32 $0x300;
	s6 =	sand.u32 $0x1, s0;
	s17 =	smul.u32 $0x50, s25  }
0x6: {  	[smem:$0x7FF] =	sst s2;
	s0 =	sadd.s32 $0xEE00, s5;
	s13 =	smul.u32 $0x2710, s6  }
0x7: {  	s3 =	sadd.s32 $0x5000, s5;
	s14 =	sor.u32 $0x10, s25;
	s15 =	smul.u32 $0x27100, s6  }
0x8: {  	s11 =	sor.u32 $0x20, s25;
	s10 =	sor.u32 $0x30, s25;
	s18 =	smul.u32 $0x50, s14  }
0x9: {  	s9 =	sor.u32 $0x40, s25;
	s8 =	sor.u32 $0x50, s25;
	s20 =	smul.u32 $0x50, s10  }
0xa: {  	p0 =	sgt.u32 s25, $0xC;
	_ =	strace $0x8000004A;
	s21 =	smul.u32 $0x50, s9  }
0xb: {  	s4 =	ssub.s32 $0x2, s6;
	s12 =	sshll.u32 s6, $0x4;
	s14 =	smul.u32 $0xA000, s14  }
0xc: {  	s6 =	sor.u32 $0x70, s25;
	s10 =	smul.u32 $0xA000, s10;
	s7 =	sshrl.u32 s4, $0x1  }
0xd: {  	s9 =	smul.u32 $0xA000, s9;
	s12 =	sor.u32 s25, s12;
	s4 =	ssub.s32 s4, s7  }
0xe: {  	s7 =	sor.u32 $0x60, s25;
	s15 =	sadd.s32 s16, s15;
	s16 =	sadd.s32 s17, s13  }
0xf: {  	s17 =	smul.u32 $0x50, s11;
	s18 =	sadd.s32 s13, s18;
	s20 =	sadd.s32 s13, s20  }
0x10: {  	s21 =	sadd.s32 s13, s21;
	s11 =	smul.u32 $0xA000, s11;
	s9 =	sshrl.u32 s9, $0x2  }
0x11: {  	s19 =	sadd.s32 $0xF0, s15;
	s23 =	sadd.s32 $0xA0, s15;
	s24 =	sadd.s32 $0x50, s15  }
0x12: {  	s15 =	sshrl.u32 s15, $0x3;
	s19 =	sshrl.u32 s19, $0x3;
	s26 =	sshrl.u32 s23, $0x3  }
0x13: {  	s17 =	sadd.s32 s13, s17;
	s11 =	sshrl.u32 s11, $0x2;
	s22 =	sadd.s32 s19, s3  }
0x14: {  	s19 =	sadd.s32 s19, s0;
	s23 =	sadd.s32 s26, s3;
	[dreg:$0x3] =	wrdreg s22  }
0x15: {  	s26 =	sadd.s32 s26, s0;
	[dreg:$0x5] =	wrdreg s23;
	s23 =	smul.u32 $0x50, s8  }
0x16: {  	s17 =	sshll.u32 s17, $0x4;
	[dreg:$0x6] =	wrdreg s26;
	s26 =	smul.u32 $0x50, s7  }
0x17: {  	[dreg:$0x4] =	wrdreg s19;
	s22 =	sshrl.u32 s24, $0x3;
	s8 =	smul.u32 $0xA000, s8  }
0x18: {  	s7 =	smul.u32 $0xA000, s7;
	s24 =	sadd.s32 s22, s3;
	s22 =	sadd.s32 s22, s0  }
0x19: {  	[dreg:$0x7] =	wrdreg s24;
	s24 =	smul.u32 $0x50, s6;
	s23 =	sadd.s32 s13, s23  }
0x1a: {  	s19 =	sadd.s32 s13, s26;
	[dreg:$0x8] =	wrdreg s22;
	s22 =	sadd.s32 $0x3FE00, s5  }
0x1b: {  	s26 =	sshll.u32 s16, $0x4;
	s16 =	sshll.u32 s18, $0x4;
	s18 =	sshll.u32 s20, $0x4  }
0x1c: {  	s8 =	sshrl.u32 s8, $0x2;
	s6 =	smul.u32 $0xA000, s6;
	s20 =	sadd.s32 s22, s18  }
0x1d: {  	s13 =	sadd.s32 s13, s24;
	s24 =	smul.u32 $0x2710, s12;
	s12 =	sadd.s32 s22, s26  }
0x1e: {  	[dreg:$0xe] =	wrdreg s20;
	s26 =	sshll.u32 s21, $0x4;
	s20 =	smul.u32 $0xA000, s25  }
0x1f: {  	s21 =	sadd.s32 s15, s3;
	s6 =	sshrl.u32 s6, $0x2;
	[dreg:$0xb] =	wrdreg s12  }
0x20: {  	s25 =	simm.s32 $0xB;
	s12 =	sadd.s32 s22, s16;
	[dreg:$0x9] =	wrdreg s21  }
0x21: {  	s16 =	sshll.u32 s23, $0x4;
	[dreg:$0xc] =	wrdreg s12;
	s12 =	sadd.s32 s22, s17  }
0x22: {  	s17 =	sshll.u32 s19, $0x4;
	s19 =	sshll.u32 s13, $0x4;
	s23 =	sshrl.u32 s20, $0x2  }
0x23: {  	s13 =	sshrl.u32 s10, $0x2;
	s20 =	sshrl.u32 s7, $0x2;
	s21 =	sshrl.u32 s24, $0x3  }
0x24: {  	s7 =	simm.s32 $0x2C00;
	s10 =	simm.s32 $0x1;
	[dreg:$0xd] =	wrdreg s12  }
0x25: {  	s12 =	sadd.s32 s22, s26;
	s18 =	sadd.s32 s22, s17;
	s17 =	sadd.s32 s23, s1  }
0x26: {  	s26 =	sshrl.u32 s14, $0x2;
	s14 =	sadd.s32 s9, s1;
	[dreg:$0xf] =	wrdreg s12  }
0x27: {  	s23 =	sadd.s32 $0x4D8, s21;
	s9 =	simm.s32 $0x7C00;
	[dreg:$0x11] =	wrdreg s18  }
0x28: {  	s21 =	simm.s32 $0x3;
	s12 =	sadd.s32 s22, s16;
	[dreg:$0x16] =	wrdreg s14  }
0x29: {  	s18 =	sadd.s32 s26, s1;
	s16 =	sadd.s32 s8, s1;
	[dreg:$0x10] =	wrdreg s12  }
0x2a: {  	s3 =	sadd.s32 s3, s23;
	s24 =	sadd.s32 s0, s23;
	[dreg:$0x17] =	wrdreg s16  }
0x2b: {  	s0 =	sadd.s32 s15, s0;
	s26 =	smax.u32 s4, $0x1;
	[dreg:$0x1a] =	wrdreg s3  }
0x2c: {  	s4 =	simm.s32 $0x5;
	s8 =	simm.s32 $0x5400;
	[dreg:$0x1b] =	wrdreg s24  }
0x2d: {  	s23 =	simm.s32 $0x7;
	s12 =	sadd.s32 s22, s19;
	[dreg:$0x1c] =	wrdreg s26  }
0x2e: {  	s19 =	sadd.s32 s11, s1;
	s22 =	sadd.s32 s6, s1;
	[dreg:$0xa] =	wrdreg s0  }
0x2f: {  	s24 =	simm.s32 $0x400;
	s26 =	simm.s32 $0x200;
	[dreg:$0x13] =	wrdreg s18  }
0x30: {  	s0 =	simm.s32 $0x180;
	s3 =	simm.s32 $0x380;
	[dreg:$0x12] =	wrdreg s12  }
0x31: {  	s6 =	simm.s32 $0x50;
	s11 =	simm.s32 $0x2;
	[dreg:$0x19] =	wrdreg s22  }
0x32: {  	s12 =	sadd.s32 $0x18C00, s5;
	s5 =	sadd.s32 s13, s1;
	[dreg:$0x14] =	wrdreg s19  }
0x33: {  	s22 =	simm.s32 $0x4;
	[dreg:$0x15] =	wrdreg s5;
	s5 =	sadd.s32 s20, s1  }
0x34: {  	v0 =	vimm.f32 $0.0e+00;
	s13 =	simm.s32 $0x0;
	[dreg:$0x18] =	wrdreg s5;
	s5 =	simm.s32 $0x6  }
.LBB2_1:
0x35: {  	s14 =	simm.s32 $0x0;
	s15 =	simm.s32 $0x200  }
.LBB2_2:
0x36: {  	p1 =	sne.s32 s15, $0x9E00;
	[tilespmem:s14+$0x470] =	vst v0  }
0x37: {  	[tilespmem:s14+$0x400] =	vst v0  }
0x38: {  	[tilespmem:s14+$0x410] =	vst v0  }
.Ltmp0:
0x39: {  	[tilespmem:s14+$0x420] =	vst v0;
	(pc) =	sbr.rel @p1 .LBB2_2-.Ltmp0, $4  }
0x3a: {  	[tilespmem:s14+$0x430] =	vst v0  }
0x3b: {  	[tilespmem:s14+$0x440] =	vst v0  }
0x3c: {  	[tilespmem:s14+$0x450] =	vst v0  }
0x3d: {  	[tilespmem:s14+$0x460] =	vst v0;
	s14 =	sshra.s32 s15, $0x2;
	s15 =	sadd.s32 $0x200, s15  }
0x3e: {  	[tilespmem:s14+$0x470] =	vst v0  }
0x3f: {  	[tilespmem:s14+$0x400] =	vst v0  }
0x40: {  	[tilespmem:s14+$0x410] =	vst v0  }
0x41: {  	[tilespmem:s14+$0x420] =	vst v0  }
0x42: {  	[tilespmem:s14+$0x430] =	vst v0  }
0x43: {  	[tilespmem:s14+$0x440] =	vst v0  }
0x44: {  	[tilespmem:s14+$0x450] =	vst v0  }
0x45: {  	[tilespmem:s14+$0x460] =	vst v0  }
0x46: {  	[spmem:s17] =	stream.linear.scatter [tilespmem:s24], [sflag:$0xB], $0x2800, $0x38;
	[tilespmem:$0x1DC80] =	vst v63  }
0x47: {  	_ =	swait.ge [sflag:s25], $0x2800  }
0x48: {  	[sflag:s25] =	ssyncset.done $0x0  }
0x49: {  	[sflag:s25] =	ssyncadd.s32 $0xFFFFD800  }
0x4a: {  	[spmem:s18] =	stream.linear.scatter [tilespmem:s24], [sflag:$0xB], $0x2800, $0x38;
	[tilespmem:$0x1DC80] =	vst v63  }
0x4b: {  	_ =	swait.ge [sflag:s25], $0x2800  }
0x4c: {  	[sflag:s25] =	ssyncset.done $0x0  }
0x4d: {  	[sflag:s25] =	ssyncadd.s32 $0xFFFFD800  }
0x4e: {  	[spmem:s19] =	stream.linear.scatter [tilespmem:s24], [sflag:$0xB], $0x2800, $0x38;
	[tilespmem:$0x1DC80] =	vst v63  }
0x4f: {  	_ =	swait.ge [sflag:s25], $0x2800  }
0x50: {  	[sflag:s25] =	ssyncset.done $0x0  }
0x51: {  	s18 =	rddreg [dreg:$0x15];
	[sflag:s25] =	ssyncadd.s32 $0xFFFFD800  }
0x52: {  	[spmem:s18] =	stream.linear.scatter [tilespmem:s24], [sflag:$0xB], $0x2800, $0x38;
	[tilespmem:$0x1DC80] =	vst v63  }
0x53: {  	_ =	swait.ge [sflag:s25], $0x2800  }
0x54: {  	[sflag:s25] =	ssyncset.done $0x0  }
0x55: {  	s19 =	rddreg [dreg:$0x16];
	[sflag:s25] =	ssyncadd.s32 $0xFFFFD800  }
0x56: {  	[spmem:s19] =	stream.linear.scatter [tilespmem:s24], [sflag:$0xB], $0x2800, $0x38;
	[tilespmem:$0x1DC80] =	vst v63  }
0x57: {  	_ =	swait.ge [sflag:s25], $0x2800  }
0x58: {  	[sflag:s25] =	ssyncset.done $0x0  }
0x59: {  	s15 =	rddreg [dreg:$0x17];
	[sflag:s25] =	ssyncadd.s32 $0xFFFFD800  }
0x5a: {  	[spmem:s15] =	stream.linear.scatter [tilespmem:s24], [sflag:$0xB], $0x2800, $0x38;
	[tilespmem:$0x1DC80] =	vst v63  }
0x5b: {  	_ =	swait.ge [sflag:s25], $0x2800  }
0x5c: {  	[sflag:s25] =	ssyncset.done $0x0  }
0x5d: {  	s16 =	rddreg [dreg:$0x18];
	[sflag:s25] =	ssyncadd.s32 $0xFFFFD800  }
0x5e: {  	[spmem:s16] =	stream.linear.scatter [tilespmem:s24], [sflag:$0xB], $0x2800, $0x38;
	[tilespmem:$0x1DC80] =	vst v63  }
0x5f: {  	_ =	swait.ge [sflag:s25], $0x2800  }
0x60: {  	[sflag:s25] =	ssyncset.done $0x0  }
0x61: {  	s14 =	simm.s32 @!p0 $0x400;
	s15 =	rddreg [dreg:$0x19];
	[sflag:s25] =	ssyncadd.s32 $0xFFFFD800  }
0x62: {  	[spmem:s15] =	stream.linear.scatter @!p0 [tilespmem:s14], [sflag:$0xB], $0x2800, $0x38;
	[tilespmem:$0x1DC80] =	vst v63  }
0x63: {  	s14 =	simm.s32 @!p0 $0xB  }
0x64: {  	_ =	swait.ge @!p0 [sflag:s14], $0x2800  }
0x65: {  	[sflag:s14] =	ssyncset.done @!p0 $0x0  }
0x66: {  	p1 =	por $0x1, $0x1;
	[sflag:s14] =	ssyncadd.s32 @!p0 $0xFFFFD800  }
0x67: {  	s14 =	simm.s32 @!p1 $0x7;
	[bflag:$0x0] =	sbarrier.arrive $0xFFFF  }
0x68: {  	_ =	swait.ge @!p1 [sflag:s14], $0x2800  }
0x69: {  	[sflag:s14] =	ssyncset.done @!p1 $0x0  }
0x6a: {  	[sflag:s14] =	ssyncadd.s32 @!p1 $0xFFFFD800;
	s14 =	simm.s32 @!p1 $0x8  }
0x6b: {  	_ =	swait.ge @!p1 [sflag:s14], $0x2800  }
0x6c: {  	[sflag:s14] =	ssyncset.done @!p1 $0x0  }
0x6d: {  	[sflag:s14] =	ssyncadd.s32 @!p1 $0xFFFFD800;
	s14 =	simm.s32 @!p1 $0x9  }
0x6e: {  	_ =	swait.ge @!p1 [sflag:s14], $0x2800  }
0x6f: {  	[sflag:s14] =	ssyncset.done @!p1 $0x0  }
0x70: {  	[sflag:s14] =	ssyncadd.s32 @!p1 $0xFFFFD800;
	s14 =	simm.s32 @!p1 $0xA  }
0x71: {  	_ =	swait.ge @!p1 [sflag:s14], $0x2800  }
0x72: {  	s20 =	smov.u32 s17;
	s17 =	rddreg [dreg:$0xa];
	[sflag:s14] =	ssyncset.done @!p1 $0x0  }
0x73: {  	s16 =	rddreg [dreg:$0x9];
	[sflag:s14] =	ssyncadd.s32 @!p1 $0xFFFFD800;
	s18 =	sadd.s32 $0x0, s17  }
0x74: {  	[tilespmem:s2], [sflag:$0x5] =	stream.linear.gather [hbm4b:s18+s2], $0x50, $0x38;
	[tilespmem:$0x1DC80] =	vst v63  }
0x75: {  	s19 =	rddreg [dreg:$0x8];
	s17 =	sadd.s32 $0x0, s16  }
0x76: {  	[tilespmem:s26], [sflag:$0x6] =	stream.linear.gather [hbm4b:s17+s2], $0x50, $0x38;
	[tilespmem:$0x1DC80] =	vst v63  }
0x77: {  	s14 =	sadd.s32 $0x0, s19;
	s18 =	rddreg [dreg:$0x7]  }
0x78: {  	[tilespmem:s28], [sflag:$0x5] =	stream.linear.gather [hbm4b:s14+s2], $0x50, $0x38;
	[tilespmem:$0x1DC80] =	vst v63  }
0x79: {  	s19 =	rddreg [dreg:$0x6];
	s15 =	sadd.s32 $0x0, s18  }
0x7a: {  	[tilespmem:s29], [sflag:$0x6] =	stream.linear.gather [hbm4b:s15+s2], $0x50, $0x38;
	[tilespmem:$0x1DC80] =	vst v63  }
0x7b: {  	s16 =	rddreg [dreg:$0x5];
	s14 =	sadd.s32 $0x0, s19  }
0x7c: {  	[tilespmem:s30], [sflag:$0x5] =	stream.linear.gather [hbm4b:s14+s2], $0x50, $0x38;
	[tilespmem:$0x1DC80] =	vst v63  }
0x7d: {  	s17 =	rddreg [dreg:$0x4];
	s15 =	sadd.s32 $0x0, s16  }
0x7e: {  	[tilespmem:s31], [sflag:$0x6] =	stream.linear.gather [hbm4b:s15+s2], $0x50, $0x38;
	[tilespmem:$0x1DC80] =	vst v63  }
0x7f: {  	s18 =	rddreg [dreg:$0x3];
	s14 =	sadd.s32 $0x0, s17  }
0x80: {  	[tilespmem:s0], [sflag:$0x5] =	stream.linear.gather [hbm4b:s14+s2], $0x50, $0x38;
	[tilespmem:$0x1DC80] =	vst v63  }
0x81: {  	s19 =	sadd.s32 $0x0, s18  }
0x82: {  	[tilespmem:s3], [sflag:$0x6] =	stream.linear.gather [hbm4b:s19+s2], $0x50, $0x38;
	[tilespmem:$0x1DC80] =	vst v63  }
0x83: {  	_ =	swait.ge [sflag:s4], $0x50  }
0x84: {  	[sflag:s4] =	ssyncset.done $0x0  }
0x85: {  	[sflag:s4] =	ssyncadd.s32 $0xFFFFFFB0  }
0x86: {  	_ =	swait.ge [sflag:s5], $0x50  }
0x87: {  	[sflag:s5] =	ssyncset.done $0x0  }
0x88: {  	[sflag:s5] =	ssyncadd.s32 $0xFFFFFFB0  }
0x89: {  	[tilespmem:s24], [sflag:$0x1] =	stream.indirect.gather [hbm4b:s12+s6], $0x80, s2, s6, $0xb8;
	[tilespmem:$0x1DC80] =	vst v63  }
0x8a: {  	_ =	swait.ge [sflag:s4], $0x50  }
0x8b: {  	[sflag:s4] =	ssyncset.done $0x0  }
0x8c: {  	[sflag:s4] =	ssyncadd.s32 $0xFFFFFFB0  }
0x8d: {  	_ =	swait.ge [sflag:s5], $0x50  }
0x8e: {  	[sflag:s5] =	ssyncset.done $0x0  }
0x8f: {  	[sflag:s5] =	ssyncadd.s32 $0xFFFFFFB0  }
0x90: {  	[tilespmem:s7], [sflag:$0x2] =	stream.indirect.gather [hbm4b:s12+s6], $0x80, s28, s6, $0xb8;
	[tilespmem:$0x1DC80] =	vst v63  }
0x91: {  	_ =	swait.ge [sflag:s4], $0x50  }
0x92: {  	[sflag:s4] =	ssyncset.done $0x0  }
0x93: {  	[sflag:s4] =	ssyncadd.s32 $0xFFFFFFB0  }
0x94: {  	_ =	swait.ge [sflag:s5], $0x50  }
0x95: {  	[sflag:s5] =	ssyncset.done $0x0  }
0x96: {  	[sflag:s5] =	ssyncadd.s32 $0xFFFFFFB0  }
0x97: {  	[tilespmem:s8], [sflag:$0x3] =	stream.indirect.gather [hbm4b:s12+s6], $0x80, s30, s6, $0xb8;
	[tilespmem:$0x1DC80] =	vst v63  }
0x98: {  	_ =	swait.ge [sflag:s4], $0x50  }
0x99: {  	[sflag:s4] =	ssyncset.done $0x0  }
0x9a: {  	[sflag:s4] =	ssyncadd.s32 $0xFFFFFFB0  }
0x9b: {  	_ =	swait.ge [sflag:s5], $0x50  }
0x9c: {  	[sflag:s5] =	ssyncset.done $0x0  }
0x9d: {  	[sflag:s5] =	ssyncadd.s32 $0xFFFFFFB0  }
0x9e: {  	[tilespmem:s9], [sflag:$0x4] =	stream.indirect.gather [hbm4b:s12+s6], $0x80, s0, s6, $0xb8;
	[tilespmem:$0x1DC80] =	vst v63  }
0x9f: {  	_ =	swait.ge [sflag:s10], $0x2800  }
0xa0: {  	[sflag:s10] =	ssyncset.done $0x0  }
0xa1: {  	[sflag:s10] =	ssyncadd.s32 $0xFFFFD800  }
0xa2: {  	[spmem:s1] =	stream.indirect.scatter.add.f32 [tilespmem:s24], [sflag:$0x7], $0x80, s26, s6, $0xb8;
	[tilespmem:$0x1DC80] =	vst v63  }
0xa3: {  	_ =	swait.ge [sflag:s11], $0x2800  }
0xa4: {  	[sflag:s11] =	ssyncset.done $0x0  }
0xa5: {  	[sflag:s11] =	ssyncadd.s32 $0xFFFFD800  }
0xa6: {  	[spmem:s1] =	stream.indirect.scatter.add.f32 [tilespmem:s7], [sflag:$0x8], $0x80, s29, s6, $0xb8;
	[tilespmem:$0x1DC80] =	vst v63  }
0xa7: {  	_ =	swait.ge [sflag:s21], $0x2800  }
0xa8: {  	[sflag:s21] =	ssyncset.done $0x0  }
0xa9: {  	[sflag:s21] =	ssyncadd.s32 $0xFFFFD800  }
0xaa: {  	[spmem:s1] =	stream.indirect.scatter.add.f32 [tilespmem:s8], [sflag:$0x9], $0x80, s31, s6, $0xb8;
	[tilespmem:$0x1DC80] =	vst v63  }
0xab: {  	p2 =	por $0x0, $0x0;
	_ =	swait.ge [sflag:s22], $0x2800  }
0xac: {  	s15 =	simm.s32 $0x50;
	s14 =	simm.s32 $0x28;
	[sflag:s22] =	ssyncset.done $0x0  }
.LBB2_4:
0xad: {  	s17 =	simm.s32 @!p2 $0x7;
	[sflag:s22] =	ssyncadd.s32 $0xFFFFD800  }
0xae: {  	[spmem:s1] =	stream.indirect.scatter.add.f32 [tilespmem:s9], [sflag:$0xA], $0x80, s3, s6, $0xb8;
	[tilespmem:$0x1DC80] =	vst v63  }
0xaf: {  	_ =	swait.ge @!p2 [sflag:s17], $0x2800  }
0xb0: {  	[sflag:s17] =	ssyncset.done @!p2 $0x0  }
0xb1: {  	[sflag:s17] =	ssyncadd.s32 @!p2 $0xFFFFD800;
	s17 =	simm.s32 @!p2 $0x8  }
0xb2: {  	_ =	swait.ge @!p2 [sflag:s17], $0x2800  }
0xb3: {  	[sflag:s17] =	ssyncset.done @!p2 $0x0  }
0xb4: {  	[sflag:s17] =	ssyncadd.s32 @!p2 $0xFFFFD800;
	s17 =	simm.s32 @!p2 $0x9  }
0xb5: {  	_ =	swait.ge @!p2 [sflag:s17], $0x2800  }
0xb6: {  	[sflag:s17] =	ssyncset.done @!p2 $0x0  }
0xb7: {  	[sflag:s17] =	ssyncadd.s32 @!p2 $0xFFFFD800;
	s17 =	simm.s32 @!p2 $0xA  }
0xb8: {  	_ =	swait.ge @!p2 [sflag:s17], $0x2800  }
0xb9: {  	s18 =	rddreg [dreg:$0xa];
	[sflag:s17] =	ssyncset.done @!p2 $0x0  }
0xba: {  	s19 =	rddreg [dreg:$0x9];
	[sflag:s17] =	ssyncadd.s32 @!p2 $0xFFFFD800;
	s17 =	sadd.s32 s14, s18  }
0xbb: {  	[tilespmem:s2], [sflag:$0x5] =	stream.linear.gather [hbm4b:s17+s2], $0x50, $0x38;
	[tilespmem:$0x1DC80] =	vst v63  }
0xbc: {  	s18 =	rddreg [dreg:$0x8];
	s17 =	sadd.s32 s14, s19  }
0xbd: {  	[tilespmem:s26], [sflag:$0x6] =	stream.linear.gather [hbm4b:s17+s2], $0x50, $0x38;
	[tilespmem:$0x1DC80] =	vst v63  }
0xbe: {  	s19 =	rddreg [dreg:$0x7];
	s17 =	sadd.s32 s14, s18  }
0xbf: {  	[tilespmem:s28], [sflag:$0x5] =	stream.linear.gather [hbm4b:s17+s2], $0x50, $0x38;
	[tilespmem:$0x1DC80] =	vst v63  }
0xc0: {  	s18 =	rddreg [dreg:$0x6];
	s17 =	sadd.s32 s14, s19  }
0xc1: {  	[tilespmem:s29], [sflag:$0x6] =	stream.linear.gather [hbm4b:s17+s2], $0x50, $0x38;
	[tilespmem:$0x1DC80] =	vst v63  }
0xc2: {  	s19 =	rddreg [dreg:$0x5];
	s17 =	sadd.s32 s14, s18  }
0xc3: {  	[tilespmem:s30], [sflag:$0x5] =	stream.linear.gather [hbm4b:s17+s2], $0x50, $0x38;
	[tilespmem:$0x1DC80] =	vst v63  }
0xc4: {  	s18 =	rddreg [dreg:$0x4];
	s17 =	sadd.s32 s14, s19  }
0xc5: {  	[tilespmem:s31], [sflag:$0x6] =	stream.linear.gather [hbm4b:s17+s2], $0x50, $0x38;
	[tilespmem:$0x1DC80] =	vst v63  }
0xc6: {  	s18 =	sadd.s32 s14, s18;
	s19 =	rddreg [dreg:$0x3]  }
0xc7: {  	[tilespmem:s0], [sflag:$0x5] =	stream.linear.gather [hbm4b:s18+s2], $0x50, $0x38;
	[tilespmem:$0x1DC80] =	vst v63  }
0xc8: {  	s19 =	sadd.s32 s14, s19  }
0xc9: {  	[tilespmem:s3], [sflag:$0x6] =	stream.linear.gather [hbm4b:s19+s2], $0x50, $0x38;
	[tilespmem:$0x1DC80] =	vst v63  }
0xca: {  	_ =	swait.ge [sflag:s4], $0x50  }
0xcb: {  	[sflag:s4] =	ssyncset.done $0x0  }
0xcc: {  	[sflag:s4] =	ssyncadd.s32 $0xFFFFFFB0  }
0xcd: {  	_ =	swait.ge [sflag:s5], $0x50  }
0xce: {  	[sflag:s5] =	ssyncset.done $0x0  }
0xcf: {  	[sflag:s5] =	ssyncadd.s32 $0xFFFFFFB0  }
0xd0: {  	[tilespmem:s24], [sflag:$0x1] =	stream.indirect.gather [hbm4b:s12+s6], $0x80, s2, s6, $0xb8;
	[tilespmem:$0x1DC80] =	vst v63  }
0xd1: {  	_ =	swait.ge [sflag:s4], $0x50  }
0xd2: {  	[sflag:s4] =	ssyncset.done $0x0  }
0xd3: {  	[sflag:s4] =	ssyncadd.s32 $0xFFFFFFB0  }
0xd4: {  	_ =	swait.ge [sflag:s5], $0x50  }
0xd5: {  	[sflag:s5] =	ssyncset.done $0x0  }
0xd6: {  	[sflag:s5] =	ssyncadd.s32 $0xFFFFFFB0  }
0xd7: {  	[tilespmem:s7], [sflag:$0x2] =	stream.indirect.gather [hbm4b:s12+s6], $0x80, s28, s6, $0xb8;
	[tilespmem:$0x1DC80] =	vst v63  }
0xd8: {  	_ =	swait.ge [sflag:s4], $0x50  }
0xd9: {  	[sflag:s4] =	ssyncset.done $0x0  }
0xda: {  	[sflag:s4] =	ssyncadd.s32 $0xFFFFFFB0  }
0xdb: {  	_ =	swait.ge [sflag:s5], $0x50  }
0xdc: {  	[sflag:s5] =	ssyncset.done $0x0  }
0xdd: {  	[sflag:s5] =	ssyncadd.s32 $0xFFFFFFB0  }
0xde: {  	[tilespmem:s8], [sflag:$0x3] =	stream.indirect.gather [hbm4b:s12+s6], $0x80, s30, s6, $0xb8;
	[tilespmem:$0x1DC80] =	vst v63  }
0xdf: {  	_ =	swait.ge [sflag:s4], $0x50  }
0xe0: {  	[sflag:s4] =	ssyncset.done $0x0  }
0xe1: {  	[sflag:s4] =	ssyncadd.s32 $0xFFFFFFB0  }
0xe2: {  	_ =	swait.ge [sflag:s5], $0x50  }
0xe3: {  	[sflag:s5] =	ssyncset.done $0x0  }
0xe4: {  	[sflag:s5] =	ssyncadd.s32 $0xFFFFFFB0  }
0xe5: {  	[tilespmem:s9], [sflag:$0x4] =	stream.indirect.gather [hbm4b:s12+s6], $0x80, s0, s6, $0xb8;
	[tilespmem:$0x1DC80] =	vst v63  }
0xe6: {  	_ =	swait.ge [sflag:s10], $0x2800  }
0xe7: {  	[sflag:s10] =	ssyncset.done $0x0  }
0xe8: {  	[sflag:s10] =	ssyncadd.s32 $0xFFFFD800  }
0xe9: {  	[spmem:s1] =	stream.indirect.scatter.add.f32 [tilespmem:s24], [sflag:$0x7], $0x80, s26, s6, $0xb8;
	[tilespmem:$0x1DC80] =	vst v63  }
0xea: {  	_ =	swait.ge [sflag:s11], $0x2800  }
0xeb: {  	[sflag:s11] =	ssyncset.done $0x0  }
0xec: {  	s16 =	smov.u32 s15;
	s15 =	sadd.s32 $0x28, s15;
	[sflag:s11] =	ssyncadd.s32 $0xFFFFD800  }
0xed: {  	[spmem:s1] =	stream.indirect.scatter.add.f32 [tilespmem:s7], [sflag:$0x8], $0x80, s29, s6, $0xb8;
	[tilespmem:$0x1DC80] =	vst v63  }
0xee: {  	p1 =	sne.s32 s15, $0x4D8;
	_ =	swait.ge [sflag:s21], $0x2800  }
.Ltmp1:
0xef: {  	[sflag:s21] =	ssyncset.done $0x0;
	(pc) =	sbr.rel @p1 .LBB2_4-.Ltmp1, $4  }
0xf0: {  	[sflag:s21] =	ssyncadd.s32 $0xFFFFD800  }
0xf1: {  	[spmem:s1] =	stream.indirect.scatter.add.f32 [tilespmem:s8], [sflag:$0x9], $0x80, s31, s6, $0xb8;
	[tilespmem:$0x1DC80] =	vst v63  }
0xf2: {  	s14 =	smov.u32 s16;
	_ =	swait.ge [sflag:s22], $0x2800  }
0xf3: {  	p2 =	seq.s32 s14, $0x0;
	[sflag:s22] =	ssyncset.done $0x0  }
0xf4: {  	s15 =	simm.s32 @!p2 $0x7;
	[sflag:s22] =	ssyncadd.s32 $0xFFFFD800  }
0xf5: {  	[spmem:s1] =	stream.indirect.scatter.add.f32 [tilespmem:s9], [sflag:$0xA], $0x80, s3, s6, $0xb8;
	[tilespmem:$0x1DC80] =	vst v63  }
0xf6: {  	_ =	swait.ge @!p2 [sflag:s15], $0x2800  }
0xf7: {  	[sflag:s15] =	ssyncset.done @!p2 $0x0  }
0xf8: {  	[sflag:s15] =	ssyncadd.s32 @!p2 $0xFFFFD800;
	s15 =	simm.s32 @!p2 $0x8  }
0xf9: {  	_ =	swait.ge @!p2 [sflag:s15], $0x2800  }
0xfa: {  	[sflag:s15] =	ssyncset.done @!p2 $0x0  }
0xfb: {  	[sflag:s15] =	ssyncadd.s32 @!p2 $0xFFFFD800;
	s15 =	simm.s32 @!p2 $0x9  }
0xfc: {  	_ =	swait.ge @!p2 [sflag:s15], $0x2800  }
0xfd: {  	[sflag:s15] =	ssyncset.done @!p2 $0x0  }
0xfe: {  	[sflag:s15] =	ssyncadd.s32 @!p2 $0xFFFFD800;
	s15 =	simm.s32 @!p2 $0xA  }
0xff: {  	_ =	swait.ge @!p2 [sflag:s15], $0x2800  }
0x100: {  	s16 =	rddreg [dreg:$0xa];
	[sflag:s15] =	ssyncset.done @!p2 $0x0  }
0x101: {  	s17 =	rddreg [dreg:$0x9];
	[sflag:s15] =	ssyncadd.s32 @!p2 $0xFFFFD800;
	s16 =	sadd.s32 s14, s16  }
0x102: {  	[tilespmem:s2], [sflag:$0x5] =	stream.linear.gather [hbm4b:s16+s2], $0x50, $0x38;
	[tilespmem:$0x1DC80] =	vst v63  }
0x103: {  	s18 =	rddreg [dreg:$0x8];
	s19 =	sadd.s32 s14, s17  }
0x104: {  	[tilespmem:s26], [sflag:$0x6] =	stream.linear.gather [hbm4b:s19+s2], $0x50, $0x38;
	[tilespmem:$0x1DC80] =	vst v63  }
0x105: {  	s17 =	rddreg [dreg:$0x7];
	s15 =	sadd.s32 s14, s18  }
0x106: {  	[tilespmem:s28], [sflag:$0x5] =	stream.linear.gather [hbm4b:s15+s2], $0x50, $0x38;
	[tilespmem:$0x1DC80] =	vst v63  }
0x107: {  	s18 =	rddreg [dreg:$0x6];
	s16 =	sadd.s32 s14, s17  }
0x108: {  	[tilespmem:s29], [sflag:$0x6] =	stream.linear.gather [hbm4b:s16+s2], $0x50, $0x38;
	[tilespmem:$0x1DC80] =	vst v63  }
0x109: {  	s19 =	rddreg [dreg:$0x5];
	s15 =	sadd.s32 s14, s18  }
0x10a: {  	[tilespmem:s30], [sflag:$0x5] =	stream.linear.gather [hbm4b:s15+s2], $0x50, $0x38;
	[tilespmem:$0x1DC80] =	vst v63  }
0x10b: {  	s17 =	rddreg [dreg:$0x4];
	s16 =	sadd.s32 s14, s19  }
0x10c: {  	[tilespmem:s31], [sflag:$0x6] =	stream.linear.gather [hbm4b:s16+s2], $0x50, $0x38;
	[tilespmem:$0x1DC80] =	vst v63  }
0x10d: {  	s18 =	rddreg [dreg:$0x3];
	s15 =	sadd.s32 s14, s17  }
0x10e: {  	[tilespmem:s0], [sflag:$0x5] =	stream.linear.gather [hbm4b:s15+s2], $0x50, $0x38;
	[tilespmem:$0x1DC80] =	vst v63  }
0x10f: {  	s19 =	sadd.s32 s14, s18  }
0x110: {  	[tilespmem:s3], [sflag:$0x6] =	stream.linear.gather [hbm4b:s19+s2], $0x50, $0x38;
	[tilespmem:$0x1DC80] =	vst v63  }
0x111: {  	_ =	swait.ge [sflag:s4], $0x50  }
0x112: {  	[sflag:s4] =	ssyncset.done $0x0  }
0x113: {  	[sflag:s4] =	ssyncadd.s32 $0xFFFFFFB0  }
0x114: {  	_ =	swait.ge [sflag:s5], $0x50  }
0x115: {  	[sflag:s5] =	ssyncset.done $0x0  }
0x116: {  	[sflag:s5] =	ssyncadd.s32 $0xFFFFFFB0  }
0x117: {  	[tilespmem:s24], [sflag:$0x1] =	stream.indirect.gather [hbm4b:s12+s6], $0x80, s2, s6, $0xb8;
	[tilespmem:$0x1DC80] =	vst v63  }
0x118: {  	_ =	swait.ge [sflag:s4], $0x50  }
0x119: {  	[sflag:s4] =	ssyncset.done $0x0  }
0x11a: {  	[sflag:s4] =	ssyncadd.s32 $0xFFFFFFB0  }
0x11b: {  	_ =	swait.ge [sflag:s5], $0x50  }
0x11c: {  	[sflag:s5] =	ssyncset.done $0x0  }
0x11d: {  	[sflag:s5] =	ssyncadd.s32 $0xFFFFFFB0  }
0x11e: {  	[tilespmem:s7], [sflag:$0x2] =	stream.indirect.gather [hbm4b:s12+s6], $0x80, s28, s6, $0xb8;
	[tilespmem:$0x1DC80] =	vst v63  }
0x11f: {  	_ =	swait.ge [sflag:s4], $0x50  }
0x120: {  	[sflag:s4] =	ssyncset.done $0x0  }
0x121: {  	[sflag:s4] =	ssyncadd.s32 $0xFFFFFFB0  }
0x122: {  	_ =	swait.ge [sflag:s5], $0x50  }
0x123: {  	[sflag:s5] =	ssyncset.done $0x0  }
0x124: {  	[sflag:s5] =	ssyncadd.s32 $0xFFFFFFB0  }
0x125: {  	[tilespmem:s8], [sflag:$0x3] =	stream.indirect.gather [hbm4b:s12+s6], $0x80, s30, s6, $0xb8;
	[tilespmem:$0x1DC80] =	vst v63  }
0x126: {  	_ =	swait.ge [sflag:s4], $0x50  }
0x127: {  	[sflag:s4] =	ssyncset.done $0x0  }
0x128: {  	[sflag:s4] =	ssyncadd.s32 $0xFFFFFFB0  }
0x129: {  	_ =	swait.ge [sflag:s5], $0x50  }
0x12a: {  	[sflag:s5] =	ssyncset.done $0x0  }
0x12b: {  	[sflag:s5] =	ssyncadd.s32 $0xFFFFFFB0  }
0x12c: {  	[tilespmem:s9], [sflag:$0x4] =	stream.indirect.gather [hbm4b:s12+s6], $0x80, s0, s6, $0xb8;
	[tilespmem:$0x1DC80] =	vst v63  }
0x12d: {  	_ =	swait.ge [sflag:s10], $0x2800  }
0x12e: {  	[sflag:s10] =	ssyncset.done $0x0  }
0x12f: {  	[sflag:s10] =	ssyncadd.s32 $0xFFFFD800  }
0x130: {  	[spmem:s1] =	stream.indirect.scatter.add.f32 [tilespmem:s24], [sflag:$0x7], $0x80, s26, s6, $0xb8;
	[tilespmem:$0x1DC80] =	vst v63  }
0x131: {  	_ =	swait.ge [sflag:s11], $0x2800  }
0x132: {  	[sflag:s11] =	ssyncset.done $0x0  }
0x133: {  	[sflag:s11] =	ssyncadd.s32 $0xFFFFD800  }
0x134: {  	[spmem:s1] =	stream.indirect.scatter.add.f32 [tilespmem:s7], [sflag:$0x8], $0x80, s29, s6, $0xb8;
	[tilespmem:$0x1DC80] =	vst v63  }
0x135: {  	_ =	swait.ge [sflag:s21], $0x2800  }
0x136: {  	[sflag:s21] =	ssyncset.done $0x0  }
0x137: {  	[sflag:s21] =	ssyncadd.s32 $0xFFFFD800  }
0x138: {  	[spmem:s1] =	stream.indirect.scatter.add.f32 [tilespmem:s8], [sflag:$0x9], $0x80, s31, s6, $0xb8;
	[tilespmem:$0x1DC80] =	vst v63  }
0x139: {  	_ =	swait.ge [sflag:s22], $0x2800  }
0x13a: {  	[sflag:s22] =	ssyncset.done $0x0  }
0x13b: {  	[sflag:s22] =	ssyncadd.s32 $0xFFFFD800  }
0x13c: {  	[spmem:s1] =	stream.indirect.scatter.add.f32 [tilespmem:s9], [sflag:$0xA], $0x80, s3, s6, $0xb8;
	[tilespmem:$0x1DC80] =	vst v63  }
0x13d: {  	_ =	swait.ge [sflag:s23], $0x2800  }
0x13e: {  	[sflag:s23] =	ssyncset.done $0x0  }
0x13f: {  	s15 =	simm.s32 $0x8;
	[sflag:s23] =	ssyncadd.s32 $0xFFFFD800  }
0x140: {  	_ =	swait.ge [sflag:s15], $0x2800  }
0x141: {  	[sflag:s15] =	ssyncset.done $0x0  }
0x142: {  	s16 =	simm.s32 $0x9;
	[sflag:s15] =	ssyncadd.s32 $0xFFFFD800  }
0x143: {  	_ =	swait.ge [sflag:s16], $0x2800  }
0x144: {  	[sflag:s16] =	ssyncset.done $0x0  }
0x145: {  	s17 =	simm.s32 $0xA;
	[sflag:s16] =	ssyncadd.s32 $0xFFFFD800  }
0x146: {  	_ =	swait.ge [sflag:s17], $0x2800  }
0x147: {  	[sflag:s17] =	ssyncset.done $0x0  }
0x148: {  	s18 =	rddreg [dreg:$0x1b];
	[sflag:s17] =	ssyncadd.s32 $0xFFFFD800  }
0x149: {  	[tilespmem:s2], [sflag:$0x5] =	stream.linear.gather [hbm4b:s18+s2], $0x50, $0x38;
	[tilespmem:$0x1DC80] =	vst v63  }
0x14a: {  	s19 =	rddreg [dreg:$0x1a]  }
0x14b: {  	[tilespmem:s26], [sflag:$0x6] =	stream.linear.gather [hbm4b:s19+s2], $0x50, $0x38;
	[tilespmem:$0x1DC80] =	vst v63  }
0x14c: {  	_ =	swait.ge [sflag:s4], $0x50  }
0x14d: {  	[sflag:s4] =	ssyncset.done $0x0  }
0x14e: {  	[sflag:s4] =	ssyncadd.s32 $0xFFFFFFB0  }
0x14f: {  	_ =	swait.ge [sflag:s5], $0x50  }
0x150: {  	[sflag:s5] =	ssyncset.done $0x0  }
0x151: {  	[sflag:s5] =	ssyncadd.s32 $0xFFFFFFB0  }
0x152: {  	[tilespmem:s24], [sflag:$0x1] =	stream.indirect.gather [hbm4b:s12+s6], $0x80, s2, s6, $0xb8;
	[tilespmem:$0x1DC80] =	vst v63  }
0x153: {  	_ =	swait.ge [sflag:s10], $0x2800  }
0x154: {  	[sflag:s10] =	ssyncset.done $0x0  }
0x155: {  	[sflag:s10] =	ssyncadd.s32 $0xFFFFD800  }
0x156: {  	[spmem:s1] =	stream.indirect.scatter.add.f32 [tilespmem:s24], [sflag:$0x7], $0x80, s26, s6, $0xb8;
	[tilespmem:$0x1DC80] =	vst v63  }
0x157: {  	_ =	swait.ge [sflag:s23], $0x2800  }
0x158: {  	[sflag:s23] =	ssyncset.done $0x0  }
0x159: {  	s15 =	stileid.u32;
	[sflag:s23] =	ssyncadd.s32 $0xFFFFD800  }
0x15a: {  	s14 =	sshll.u32 s15, $0x6;
	[bflag:$0x0] =	sbarrier.arrive $0xFFFF  }
0x15b: {  	s14 =	sor.u32 $0x1C0B, s14;
	s16 =	sshrl.u32 s20, $0x3;
	s18 =	rddreg [dreg:$0xb]  }
0x15c: {  	[hbm:s18], [sflag:s14] =	dma.local [spmem:s16], $0x500  }
0x15d: {  	_ =	swait.ge [sflag:s25], $0x500  }
0x15e: {  	s17 =	smov.u32 s20;
	[sflag:s25] =	ssyncset.done $0x0;
	s18 =	rddreg [dreg:$0x13]  }
0x15f: {  	s20 =	rddreg [dreg:$0xc];
	[sflag:s25] =	ssyncadd.s32 $0xFFFFFB00;
	s19 =	sshrl.u32 s18, $0x3  }
0x160: {  	[hbm:s20], [sflag:s14] =	dma.local [spmem:s19], $0x500  }
0x161: {  	_ =	swait.ge [sflag:s25], $0x500  }
0x162: {  	[sflag:s25] =	ssyncset.done $0x0;
	s19 =	rddreg [dreg:$0x14]  }
0x163: {  	s20 =	rddreg [dreg:$0xd];
	[sflag:s25] =	ssyncadd.s32 $0xFFFFFB00;
	s16 =	sshrl.u32 s19, $0x3  }
0x164: {  	[hbm:s20], [sflag:s14] =	dma.local [spmem:s16], $0x500  }
0x165: {  	_ =	swait.ge [sflag:s25], $0x500  }
0x166: {  	[sflag:s25] =	ssyncset.done $0x0;
	s16 =	rddreg [dreg:$0x15]  }
0x167: {  	s20 =	rddreg [dreg:$0xe];
	[sflag:s25] =	ssyncadd.s32 $0xFFFFFB00;
	s15 =	sshrl.u32 s16, $0x3  }
0x168: {  	[hbm:s20], [sflag:s14] =	dma.local [spmem:s15], $0x500  }
0x169: {  	_ =	swait.ge [sflag:s25], $0x500  }
0x16a: {  	[sflag:s25] =	ssyncset.done $0x0;
	s16 =	rddreg [dreg:$0x16]  }
0x16b: {  	s20 =	rddreg [dreg:$0xf];
	[sflag:s25] =	ssyncadd.s32 $0xFFFFFB00;
	s15 =	sshrl.u32 s16, $0x3  }
0x16c: {  	[hbm:s20], [sflag:s14] =	dma.local [spmem:s15], $0x500  }
0x16d: {  	_ =	swait.ge [sflag:s25], $0x500  }
0x16e: {  	[sflag:s25] =	ssyncset.done $0x0;
	s16 =	rddreg [dreg:$0x17]  }
0x16f: {  	s20 =	rddreg [dreg:$0x10];
	[sflag:s25] =	ssyncadd.s32 $0xFFFFFB00;
	s15 =	sshrl.u32 s16, $0x3  }
0x170: {  	[hbm:s20], [sflag:s14] =	dma.local [spmem:s15], $0x500  }
0x171: {  	_ =	swait.ge [sflag:s25], $0x500  }
0x172: {  	[sflag:s25] =	ssyncset.done $0x0;
	s16 =	rddreg [dreg:$0x18]  }
0x173: {  	s20 =	rddreg [dreg:$0x11];
	[sflag:s25] =	ssyncadd.s32 $0xFFFFFB00;
	s15 =	sshrl.u32 s16, $0x3  }
0x174: {  	[hbm:s20], [sflag:s14] =	dma.local [spmem:s15], $0x500  }
0x175: {  	_ =	swait.ge [sflag:s25], $0x500  }
0x176: {  	[sflag:s25] =	ssyncset.done $0x0;
	s15 =	rddreg [dreg:$0x19]  }
0x177: {  	s16 =	rddreg [dreg:$0x12];
	[sflag:s25] =	ssyncadd.s32 $0xFFFFFB00;
	s15 =	sshrl.u32 @!p0 s15, $0x3  }
0x178: {  	[hbm:s16], [sflag:s14] =	dma.local @!p0 [spmem:s15], $0x500  }
0x179: {  	s14 =	simm.s32 @!p0 $0xB  }
0x17a: {  	_ =	swait.ge @!p0 [sflag:s14], $0x500  }
0x17b: {  	s13 =	sadd.s32 $0x1, s13;
	s20 =	rddreg [dreg:$0x1c]  }
0x17c: {  	p1 =	sne.s32 s13, s20  }
.Ltmp2:
0x17d: {  	_ = 	snop;
	(pc) =	sbr.rel @p1 .LBB2_1-.Ltmp2, $3  }
0x17e: {  	_ =	sdelay $0x1  }
0x17f: {  	[sflag:s14] =	ssyncset.done @!p0 $0x0  }
0x180: {  	[sflag:s14] =	ssyncadd.s32 @!p0 $0xFFFFFB00  }
0x181: {  	_ =	sfence.sel $0x180000  }
0x182: {  	[bflag:$0x0] =	sbarrier.arrive $0xFFFF  }
0x183: {  	_ =	strace $0x9000004A  }
0x184: {  	s0 =	stileid.u32;
	[bflag:$0x2] =	sbarrier.arrive $0xFFFF  }
0x185: {  	p0 =	sne.s32 s0, $0x0;
	s0 =	rddreg [dreg:$0x2]  }
0x186: {  	s0 =	sadd.s32 @!p0 $0x100000, s0  }
0x187: {  	[sflag:s0] =	ssyncadd.tile.s32 @!p0 $0x1;
	_ =	shalt  }
.Lfunc_end2:
_tile_overlayer_lowered:
.L_overlay_start_2:
0x188: {  	(tag) =	ssettag $0x2  }
0x189: {  	s0 =	rddreg [dreg:$0x0];
	s2 =	stileid.u32  }
0x18a: {  	s1 =	rddreg [dreg:$0x1];
	p0 =	sne.s32 s2, $0x0  }
0x18b: {  	s3 =	rddreg [dreg:$0x2];
	[bflag:$0x3] =	sbarrier.arrive $0xFFFF;
	s2 =	simm.s32 @!p0 $0x1C0B  }
0x18c: {  	[timem:s3], [sflag:s2] =	dma.local @!p0 [hbm:s0], s1  }
0x18d: {  	s0 =	simm.s32 @!p0 $0xB  }
0x18e: {  	_ =	swait.ge @!p0 [sflag:s0], s1  }
0x18f: {  	s1 =	ssub.s32 @!p0 $0x0, s1;
	[sflag:s0] =	ssyncset.done @!p0 $0x0  }
0x190: {  	[sflag:s0] =	ssyncadd.s32 @!p0 s1  }
0x191: {  	[bflag:$0x3] =	sbarrier.arrive $0xFFFF  }
0x192: {  	_ =	shalt  }

// kernel: kernel.14.cloned.1.call-start
scs
__scs_entry_jumppad:
0x0: {  	(pc) =	sbr.rel $0x88, $3  }
0x1: {  	(tag) =	ssettag $0x0;
	lr =	simm.s32 $0x1  }
0x2: {  	[smem:$0x3F84] =	sst lr;
	_ =	strace $0xD0000000  }
0x3: {  	_ = 	snop  }
0x4: {  	_ = 	snop  }
0x5: {  	_ = 	snop  }
0x6: {  	_ = 	snop  }
0x7: {  	_ = 	snop  }
__scs_overlays_trampoline_lowered:
0x8: {  	[smem:$0x3F93] =	sst s0  }
0x9: {  	[smem:$0x3F94] =	sst s1  }
0xa: {  	[smem:$0x3F95] =	sst s2  }
0xb: {  	[smem:$0x3F96] =	sst s3  }
0xc: {  	[smem:$0x3F97] =	sst s4  }
0xd: {  	[smem:$0x3F98] =	sst s5  }
0xe: {  	[smem:$0x3F99] =	sst s6  }
0xf: {  	[smem:$0x3F9A] =	sst s7  }
0x10: {  	[smem:$0x3F9B] =	sst s8  }
0x11: {  	[smem:$0x3F9C] =	sst s9;
	s0 =	simm.s32 @!p0 $0x0  }
0x12: {  	s1 =	sld [smem:$0x3F82];
	s0 =	simm.s32 @p0 $0x1  }
0x13: {  	[smem:$0x3F9D] =	sst s0;
	s0 =	simm.s32 @!p1 $0x0  }
0x14: {  	s2 =	sld [smem:$0x3F81];
	s0 =	simm.s32 @p1 $0x1  }
0x15: {  	[smem:$0x3F9E] =	sst s0;
	s0 =	simm.s32 @!p2 $0x0  }
0x16: {  	s3 =	sld [smem:$0x3FDB];
	s0 =	simm.s32 @p2 $0x1  }
0x17: {  	s4 =	simm.s32 $0x1BF5;
	[smem:$0x3FA0] =	sst s0  }
0x18: {  	s0 =	sld [smem:$0x3F83];
	_ =	swait.ge [sflag:s4], $0x0  }
0x19: {  	s7 =	sld [smem:$0x3F84]  }
0x1a: {  	s8 =	sadd.s32 $0xFFFFE003, lr  }
0x1b: {  	s9 =	sadd.s32 $0xFFFFFEF7, lr;
	s5 =	simm.s32 $0xFFFFFFFF;
	p2 =	slt.u32 s8, $0xFFFFF086  }
0x1c: {  	p1 =	slt.u32 s9, $0xF7A;
	s5 =	simm.s32 @!p2 $0x0  }
0x1d: {  	s5 =	simm.s32 @p1 $0x1;
	p0 =	seq.s32 s7, s2  }
0x1e: {  	s7 =	smul.u32 @!p0 $0xF7A, s2;
	p2 =	seq.s32 @!p0 s5, $0x0  }
0x1f: {  	s9 =	smul.u32 $0xF7A, s1;
	s8 =	simm.s32 @!p0 $0x1BF5;
	p2 =	por !p2, p0  }
0x20: {  	[sflag:s8] =	ssyncset.s32 @!p0 $0xFFFFF086;
	s6 =	sadd.s32 @!p0 s3, s7;
	s7 =	simm.s32 @!p0 $0x108  }
0x21: {  	s3 =	sadd.s32 s3, s9;
	s6 =	sadd.s32 @!p0 $0x88, s6;
	s7 =	simm.s32 @p2 $0x1082  }
0x22: {  	[simem:s7], [sflag:s8] =	dma.local @!p0 [hbm:s6], $0xF7A  }
0x23: {  	s9 =	sor.u32 $0xD0000000, s2;
	s6 =	simm.s32 $0x108;
	_ =	swait.ge @!p0 [sflag:s8], $0x0  }
0x24: {  	s3 =	sadd.s32 $0x88, s3;
	s6 =	simm.s32 @!p1 $0x1082;
	[sflag:s4] =	ssyncset.s32 $0xFFFFF086  }
0x25: {  	[simem:s6], [sflag:s4] =	dma.local [hbm:s3], $0xF7A  }
0x26: {  	[smem:$0x3F84] =	sst s1;
	(tag) =	ssettag s2;
	_ =	strace s9  }
0x27: {  	s1 =	sld [smem:$0x3F94]  }
0x28: {  	s2 =	sld [smem:$0x3F95]  }
0x29: {  	s4 =	sld [smem:$0x3F97]  }
0x2a: {  	p0 =	seq.s32 s5, $0x0;
	s5 =	sld [smem:$0x3F98]  }
0x2b: {  	s6 =	sld [smem:$0x3F99]  }
0x2c: {  	s7 =	sld [smem:$0x3F9A]  }
0x2d: {  	s3 =	simm.s32 $0x108;
	s8 =	sld [smem:$0x3F9B]  }
0x2e: {  	s3 =	simm.s32 @!p0 $0x1082;
	s9 =	sld [smem:$0x3F9C]  }
0x2f: {  	lr =	sadd.s32 s0, s3;
	s0 =	sld [smem:$0x3F93]  }
0x30: {  	s3 =	sld [smem:$0x3F96]  }
0x31: {  	[smem:$0x3F9F] =	sst s10  }
0x32: {  	s10 =	sld [smem:$0x3F9D];
	_ =	sdelay $0x3  }
0x33: {  	p0 =	seq.s32 s10, $0x1;
	s10 =	sld [smem:$0x3F9F];
	_ =	sdelay $0x3  }
0x34: {  	[smem:$0x3F9F] =	sst s10  }
0x35: {  	s10 =	sld [smem:$0x3F9E];
	_ =	sdelay $0x3  }
0x36: {  	p1 =	seq.s32 s10, $0x1;
	s10 =	sld [smem:$0x3F9F];
	_ =	sdelay $0x3  }
0x37: {  	[smem:$0x3F9F] =	sst s10  }
0x38: {  	s10 =	sld [smem:$0x3FA0]  }
0x39: {  	_ = 	snop;
	(pc) =	sbr.ind lr, $3  }
0x3a: {  	_ = 	snop  }
0x3b: {  	_ = 	snop  }
0x3c: {  	p2 =	seq.s32 s10, $0x1;
	s10 =	sld [smem:$0x3F9F]  }
0x3d: {  	_ =	shalt  }
0x3e: {  	_ =	shalt  }
0x3f: {  	_ =	shalt  }
0x40: {  	_ =	shalt  }
0x41: {  	_ =	shalt  }
0x42: {  	_ =	shalt  }
0x43: {  	_ =	shalt  }
0x44: {  	_ =	shalt  }
0x45: {  	_ =	shalt  }
0x46: {  	_ =	shalt  }
0x47: {  	_ =	shalt  }
0x48: {  	_ =	shalt  }
0x49: {  	_ =	shalt  }
0x4a: {  	_ =	shalt  }
0x4b: {  	_ =	shalt  }
0x4c: {  	_ =	shalt  }
0x4d: {  	_ =	shalt  }
0x4e: {  	_ =	shalt  }
0x4f: {  	_ =	shalt  }
0x50: {  	_ =	shalt  }
0x51: {  	_ =	shalt  }
0x52: {  	_ =	shalt  }
0x53: {  	_ =	shalt  }
0x54: {  	_ =	shalt  }
0x55: {  	_ =	shalt  }
0x56: {  	_ =	shalt  }
0x57: {  	_ =	shalt  }
0x58: {  	_ =	shalt  }
0x59: {  	_ =	shalt  }
0x5a: {  	_ =	shalt  }
0x5b: {  	_ =	shalt  }
0x5c: {  	_ =	shalt  }
0x5d: {  	_ =	shalt  }
0x5e: {  	_ =	shalt  }
0x5f: {  	_ =	shalt  }
0x60: {  	_ =	shalt  }
0x61: {  	_ =	shalt  }
0x62: {  	_ =	shalt  }
0x63: {  	_ =	shalt  }
0x64: {  	_ =	shalt  }
0x65: {  	_ =	shalt  }
0x66: {  	_ =	shalt  }
0x67: {  	_ =	shalt  }
0x68: {  	_ =	shalt  }
0x69: {  	_ =	shalt  }
0x6a: {  	_ =	shalt  }
0x6b: {  	_ =	shalt  }
0x6c: {  	_ =	shalt  }
0x6d: {  	_ =	shalt  }
0x6e: {  	_ =	shalt  }
0x6f: {  	_ =	shalt  }
0x70: {  	_ =	shalt  }
0x71: {  	_ =	shalt  }
0x72: {  	_ =	shalt  }
0x73: {  	_ =	shalt  }
0x74: {  	_ =	shalt  }
0x75: {  	_ =	shalt  }
0x76: {  	_ =	shalt  }
0x77: {  	_ =	shalt  }
0x78: {  	_ =	shalt  }
0x79: {  	_ =	shalt  }
0x7a: {  	_ =	shalt  }
0x7b: {  	_ =	shalt  }
0x7c: {  	_ =	shalt  }
0x7d: {  	_ =	shalt  }
0x7e: {  	_ =	shalt  }
0x7f: {  	_ =	shalt  }
0x80: {  	_ =	shalt  }
0x81: {  	_ =	shalt  }
0x82: {  	_ =	shalt  }
0x83: {  	_ =	shalt  }
0x84: {  	_ =	shalt  }
0x85: {  	_ =	shalt  }
0x86: {  	_ =	shalt  }
0x87: {  	_ =	shalt  }
.Lfunc_end0:
.L_simem_size_0:
called_computation.2_lowered:
.L_overlay_start_0:
0x88: {  	s2 =	sld [smem:$0x3FD9]  }
0x89: {  	s3 =	sld [smem:$0x3FFE];
	_ =	sdelay $0x1  }
0x8a: {  	s1 =	srdreg.scid  }
0x8b: {  	s0 =	sand.u32 $0x1, s1  }
0x8c: {  	s16 =	sshll.u32 s0, $0xA;
	s2 =	sadd.s32 s3, s2  }
0x8d: {  	s2 =	sadd.s32 s2, s16  }
0x8e: {  	[smem:$0x3FAB] =	sst s2  }
0x8f: {  	_ = 	snop  }
0x90: {  	(tm) =	ssettm $0x1  }
0x91: {  	s17 =	sld [smem:$0x3FFB];
	_ =	sdelay $0x3  }
0x92: {  	_ =	strace s17  }
0x93: {  	s2 =	sld [smem:$0x3FFC];
	_ =	sdelay $0x3  }
0x94: {  	_ =	strace s2  }
0x95: {  	s2 =	sld [smem:$0x3FFD];
	_ =	sdelay $0x3  }
0x96: {  	_ =	strace s2  }
0x97: {  	_ =	strace $0x8FFFFFFF  }
0x98: {  	s18 =	sld [smem:$0x3FDB];
	_ =	sdelay $0x1  }
0x99: {  	s19 =	simm.s32 $_scs_section_size  }
0x9a: {  	s4 =	simm.s32 $_size__tile_overlayer_lowered;
	s5 =	simm.s32 $_tile_overlayer_lowered  }
0x9b: {  	s22 =	simm.s32 $0x1BFF;
	s21 =	sshll.u32 s5, $0x1;
	s2 =	sadd.s32 s19, s18  }
0x9c: {  	s6 =	simm.s32 $0x0;
	s20 =	sshll.u32 s4, $0x1;
	s4 =	sadd.s32 s21, s2  }
0x9d: {  	[timem:s6], [sflag:s22] =	dma.local [hbm:s4], s20  }
0x9e: {  	_ =	swait.ge [sflag:s22], s20  }
0x9f: {  	s3 =	ssub.s32 $0x0, s20;
	[sflag:s22] =	ssyncset.done $0x0  }
0xa0: {  	[sflag:s22] =	ssyncadd.s32 s3;
	_ =	sdelay $0x1  }
0xa1: {  	s23 =	simm.s32 $0x1B8B  }
0xa2: {  	_ =	swait.ge [sflag:s23], $0x1  }
0xa3: {  	[sflag:s23] =	ssyncset.done $0x0  }
0xa4: {  	s25 =	simm.s32 $0x1B8E;
	s24 =	sld [smem:$0x3FFE];
	[sflag:s23] =	ssyncadd.s32 $0xFFFFFFFF  }
0xa5: {  	s26 =	simm.s32 $execute0_lowered;
	[smem:$0x3FD2] =	sst s25  }
0xa6: {  	s4 =	sshll.u32 s26, $0x1;
	_ =	strace $0x8000004C;
	[dreg:$0x1] =	wrdreg $0xFFFFFFFF  }
0xa7: {  	s28 =	simm.s32 $_size_execute0_lowered;
	s2 =	sadd.s32 s2, s4;
	[dreg:$0x0] =	wrdreg $0x0  }
0xa8: {  	s4 =	sshll.u32 s28, $0x1;
	[dreg:$0x2] =	wrdreg s2  }
0xa9: {  	[dreg:$0x3] =	wrdreg s4  }
0xaa: {  	[dreg:$0x4] =	wrdreg $0xC0  }
0xab: {  	_ =	task [dreg:s6], $0x5FFFF  }
0xac: {  	[dreg:$0x1] =	wrdreg $0xFFFFFFFF  }
0xad: {  	[dreg:$0x0] =	wrdreg $0x60  }
0xae: {  	[dreg:$0x2] =	wrdreg s24  }
0xaf: {  	[dreg:$0x3] =	wrdreg $0xA4000  }
0xb0: {  	[dreg:$0x4] =	wrdreg $0x9  }
0xb1: {  	_ =	task.clear_ibuf [dreg:s6], $0x5FFFF;
	_ =	strace $0x9000004C  }
0xb2: {  	s29 =	simm.s32 $0x9;
	_ =	strace $0x8000004E  }
0xb3: {  	_ =	swait.ge [sflag:s29], $0x1  }
0xb4: {  	[sflag:s29] =	ssyncadd.s32 $0xFFFFFFFF  }
0xb5: {  	_ =	strace $0x9000004E  }
0xb6: {  	_ =	sfence  }
0xb7: {  	s30 =	sld [smem:$0x0];
	_ =	sdelay $0x2  }
0xb8: {  	s31 =	sshll.u32 s1, $0xD;
	s1 =	sshrl.u32 s1, $0x2  }
0xb9: {  	s3 =	sand.u32 $0x4000, s31;
	s1 =	sadd.s32 s1, s30  }
0xba: {  	s0 =	sor.u32 s3, s0;
	s1 =	sshll.u32 s1, $0x11  }
0xbb: {  	s0 =	sor.u32 s1, s0  }
0xbc: {  	s0 =	sadd.s32 $0x8F2B, s0  }
0xbd: {  	[sflag:s0] =	ssyncadd.remote.s32 $0x1  }
0xbe: {  	_ =	sfence.sel $0xFFFF  }
0xbf: {  	[dreg:$0x0] =	wrdreg $0xFFFFFFFF;
	(pc) =	sbr.abs _section_cstart, $3  }
0xc0: {  	[dreg:$0x1] =	wrdreg $0xFFFFFFFF  }
0xc1: {  	_ =	task.clear_ibuf [dreg:s6], $0x2FFFF;
	_ =	strace $0x9FFFFFFF  }
0xc2: {  	(tm) =	ssettm $0x7FFFFFFF  }
0xc3: {  	_ =	shalt  }
tec
execute0_lowered:
.L_overlay_start_1:
0x0: {  	(tag) =	ssettag $0x1  }
0x1: {  	s5 =	rddreg [dreg:$0x0]  }
0x2: {  	s1 =	rddreg [dreg:$0x1];
	s2 =	simm.s32 $0x0  }
0x3: {  	s0 =	srdreg.scid;
	s25 =	stileid.u32;
	s28 =	simm.s32 $0x80  }
0x4: {  	s29 =	simm.s32 $0x280;
	s30 =	simm.s32 $0x100;
	s16 =	smul.u32 $0x2710, s25  }
0x5: {  	s31 =	simm.s32 $0x300;
	s6 =	sand.u32 $0x1, s0;
	s17 =	smul.u32 $0x50, s25  }
0x6: {  	[smem:$0x7FF] =	sst s2;
	s0 =	sadd.s32 $0xEE00, s5;
	s13 =	smul.u32 $0x2710, s6  }
0x7: {  	s3 =	sadd.s32 $0x5000, s5;
	s14 =	sor.u32 $0x10, s25;
	s15 =	smul.u32 $0x27100, s6  }
0x8: {  	s11 =	sor.u32 $0x20, s25;
	s10 =	sor.u32 $0x30, s25;
	s18 =	smul.u32 $0x50, s14  }
0x9: {  	s9 =	sor.u32 $0x40, s25;
	s8 =	sor.u32 $0x50, s25;
	s20 =	smul.u32 $0x50, s10  }
0xa: {  	p0 =	sgt.u32 s25, $0xC;
	_ =	strace $0x8000004D;
	s21 =	smul.u32 $0x50, s9  }
0xb: {  	s4 =	ssub.s32 $0x2, s6;
	s12 =	sshll.u32 s6, $0x4;
	s14 =	smul.u32 $0xA000, s14  }
0xc: {  	s6 =	sor.u32 $0x70, s25;
	s10 =	smul.u32 $0xA000, s10;
	s7 =	sshrl.u32 s4, $0x1  }
0xd: {  	s9 =	smul.u32 $0xA000, s9;
	s12 =	sor.u32 s25, s12;
	s4 =	ssub.s32 s4, s7  }
0xe: {  	s7 =	sor.u32 $0x60, s25;
	s15 =	sadd.s32 s16, s15;
	s16 =	sadd.s32 s17, s13  }
0xf: {  	s17 =	smul.u32 $0x50, s11;
	s18 =	sadd.s32 s13, s18;
	s20 =	sadd.s32 s13, s20  }
0x10: {  	s21 =	sadd.s32 s13, s21;
	s11 =	smul.u32 $0xA000, s11;
	s9 =	sshrl.u32 s9, $0x2  }
0x11: {  	s19 =	sadd.s32 $0xF0, s15;
	s23 =	sadd.s32 $0xA0, s15;
	s24 =	sadd.s32 $0x50, s15  }
0x12: {  	s15 =	sshrl.u32 s15, $0x3;
	s19 =	sshrl.u32 s19, $0x3;
	s26 =	sshrl.u32 s23, $0x3  }
0x13: {  	s17 =	sadd.s32 s13, s17;
	s11 =	sshrl.u32 s11, $0x2;
	s22 =	sadd.s32 s19, s3  }
0x14: {  	s19 =	sadd.s32 s19, s0;
	s23 =	sadd.s32 s26, s3;
	[dreg:$0x3] =	wrdreg s22  }
0x15: {  	s26 =	sadd.s32 s26, s0;
	[dreg:$0x5] =	wrdreg s23;
	s23 =	smul.u32 $0x50, s8  }
0x16: {  	s17 =	sshll.u32 s17, $0x4;
	[dreg:$0x6] =	wrdreg s26;
	s26 =	smul.u32 $0x50, s7  }
0x17: {  	[dreg:$0x4] =	wrdreg s19;
	s22 =	sshrl.u32 s24, $0x3;
	s8 =	smul.u32 $0xA000, s8  }
0x18: {  	s7 =	smul.u32 $0xA000, s7;
	s24 =	sadd.s32 s22, s3;
	s22 =	sadd.s32 s22, s0  }
0x19: {  	[dreg:$0x7] =	wrdreg s24;
	s24 =	smul.u32 $0x50, s6;
	s23 =	sadd.s32 s13, s23  }
0x1a: {  	s19 =	sadd.s32 s13, s26;
	[dreg:$0x8] =	wrdreg s22;
	s22 =	sadd.s32 $0x3FE00, s5  }
0x1b: {  	s26 =	sshll.u32 s16, $0x4;
	s16 =	sshll.u32 s18, $0x4;
	s18 =	sshll.u32 s20, $0x4  }
0x1c: {  	s8 =	sshrl.u32 s8, $0x2;
	s6 =	smul.u32 $0xA000, s6;
	s20 =	sadd.s32 s22, s18  }
0x1d: {  	s13 =	sadd.s32 s13, s24;
	s24 =	smul.u32 $0x2710, s12;
	s12 =	sadd.s32 s22, s26  }
0x1e: {  	[dreg:$0xe] =	wrdreg s20;
	s26 =	sshll.u32 s21, $0x4;
	s20 =	smul.u32 $0xA000, s25  }
0x1f: {  	s21 =	sadd.s32 s15, s3;
	s6 =	sshrl.u32 s6, $0x2;
	[dreg:$0xb] =	wrdreg s12  }
0x20: {  	s25 =	simm.s32 $0xB;
	s12 =	sadd.s32 s22, s16;
	[dreg:$0x9] =	wrdreg s21  }
0x21: {  	s16 =	sshll.u32 s23, $0x4;
	[dreg:$0xc] =	wrdreg s12;
	s12 =	sadd.s32 s22, s17  }
0x22: {  	s17 =	sshll.u32 s19, $0x4;
	s19 =	sshll.u32 s13, $0x4;
	s23 =	sshrl.u32 s20, $0x2  }
0x23: {  	s13 =	sshrl.u32 s10, $0x2;
	s20 =	sshrl.u32 s7, $0x2;
	s21 =	sshrl.u32 s24, $0x3  }
0x24: {  	s7 =	simm.s32 $0x2C00;
	s10 =	simm.s32 $0x1;
	[dreg:$0xd] =	wrdreg s12  }
0x25: {  	s12 =	sadd.s32 s22, s26;
	s18 =	sadd.s32 s22, s17;
	s17 =	sadd.s32 s23, s1  }
0x26: {  	s26 =	sshrl.u32 s14, $0x2;
	s14 =	sadd.s32 s9, s1;
	[dreg:$0xf] =	wrdreg s12  }
0x27: {  	s23 =	sadd.s32 $0x4D8, s21;
	s9 =	simm.s32 $0x7C00;
	[dreg:$0x11] =	wrdreg s18  }
0x28: {  	s21 =	simm.s32 $0x3;
	s12 =	sadd.s32 s22, s16;
	[dreg:$0x16] =	wrdreg s14  }
0x29: {  	s18 =	sadd.s32 s26, s1;
	s16 =	sadd.s32 s8, s1;
	[dreg:$0x10] =	wrdreg s12  }
0x2a: {  	s3 =	sadd.s32 s3, s23;
	s24 =	sadd.s32 s0, s23;
	[dreg:$0x17] =	wrdreg s16  }
0x2b: {  	s0 =	sadd.s32 s15, s0;
	s26 =	smax.u32 s4, $0x1;
	[dreg:$0x1a] =	wrdreg s3  }
0x2c: {  	s4 =	simm.s32 $0x5;
	s8 =	simm.s32 $0x5400;
	[dreg:$0x1b] =	wrdreg s24  }
0x2d: {  	s23 =	simm.s32 $0x7;
	s12 =	sadd.s32 s22, s19;
	[dreg:$0x1c] =	wrdreg s26  }
0x2e: {  	s19 =	sadd.s32 s11, s1;
	s22 =	sadd.s32 s6, s1;
	[dreg:$0xa] =	wrdreg s0  }
0x2f: {  	s24 =	simm.s32 $0x400;
	s26 =	simm.s32 $0x200;
	[dreg:$0x13] =	wrdreg s18  }
0x30: {  	s0 =	simm.s32 $0x180;
	s3 =	simm.s32 $0x380;
	[dreg:$0x12] =	wrdreg s12  }
0x31: {  	s6 =	simm.s32 $0x50;
	s11 =	simm.s32 $0x2;
	[dreg:$0x19] =	wrdreg s22  }
0x32: {  	s12 =	sadd.s32 $0x18C00, s5;
	s5 =	sadd.s32 s13, s1;
	[dreg:$0x14] =	wrdreg s19  }
0x33: {  	s22 =	simm.s32 $0x4;
	[dreg:$0x15] =	wrdreg s5;
	s5 =	sadd.s32 s20, s1  }
0x34: {  	v0 =	vimm.f32 $0.0e+00;
	s13 =	simm.s32 $0x0;
	[dreg:$0x18] =	wrdreg s5;
	s5 =	simm.s32 $0x6  }
.LBB2_1:
0x35: {  	s14 =	simm.s32 $0x0;
	s15 =	simm.s32 $0x200  }
.LBB2_2:
0x36: {  	p1 =	sne.s32 s15, $0x9E00;
	[tilespmem:s14+$0x470] =	vst v0  }
0x37: {  	[tilespmem:s14+$0x400] =	vst v0  }
0x38: {  	[tilespmem:s14+$0x410] =	vst v0  }
.Ltmp0:
0x39: {  	[tilespmem:s14+$0x420] =	vst v0;
	(pc) =	sbr.rel @p1 .LBB2_2-.Ltmp0, $4  }
0x3a: {  	[tilespmem:s14+$0x430] =	vst v0  }
0x3b: {  	[tilespmem:s14+$0x440] =	vst v0  }
0x3c: {  	[tilespmem:s14+$0x450] =	vst v0  }
0x3d: {  	[tilespmem:s14+$0x460] =	vst v0;
	s14 =	sshra.s32 s15, $0x2;
	s15 =	sadd.s32 $0x200, s15  }
0x3e: {  	[tilespmem:s14+$0x470] =	vst v0  }
0x3f: {  	[tilespmem:s14+$0x400] =	vst v0  }
0x40: {  	[tilespmem:s14+$0x410] =	vst v0  }
0x41: {  	[tilespmem:s14+$0x420] =	vst v0  }
0x42: {  	[tilespmem:s14+$0x430] =	vst v0  }
0x43: {  	[tilespmem:s14+$0x440] =	vst v0  }
0x44: {  	[tilespmem:s14+$0x450] =	vst v0  }
0x45: {  	[tilespmem:s14+$0x460] =	vst v0  }
0x46: {  	[spmem:s17] =	stream.linear.scatter [tilespmem:s24], [sflag:$0xB], $0x2800, $0x38;
	[tilespmem:$0x1DC80] =	vst v63  }
0x47: {  	_ =	swait.ge [sflag:s25], $0x2800  }
0x48: {  	[sflag:s25] =	ssyncset.done $0x0  }
0x49: {  	[sflag:s25] =	ssyncadd.s32 $0xFFFFD800  }
0x4a: {  	[spmem:s18] =	stream.linear.scatter [tilespmem:s24], [sflag:$0xB], $0x2800, $0x38;
	[tilespmem:$0x1DC80] =	vst v63  }
0x4b: {  	_ =	swait.ge [sflag:s25], $0x2800  }
0x4c: {  	[sflag:s25] =	ssyncset.done $0x0  }
0x4d: {  	[sflag:s25] =	ssyncadd.s32 $0xFFFFD800  }
0x4e: {  	[spmem:s19] =	stream.linear.scatter [tilespmem:s24], [sflag:$0xB], $0x2800, $0x38;
	[tilespmem:$0x1DC80] =	vst v63  }
0x4f: {  	_ =	swait.ge [sflag:s25], $0x2800  }
0x50: {  	[sflag:s25] =	ssyncset.done $0x0  }
0x51: {  	s18 =	rddreg [dreg:$0x15];
	[sflag:s25] =	ssyncadd.s32 $0xFFFFD800  }
0x52: {  	[spmem:s18] =	stream.linear.scatter [tilespmem:s24], [sflag:$0xB], $0x2800, $0x38;
	[tilespmem:$0x1DC80] =	vst v63  }
0x53: {  	_ =	swait.ge [sflag:s25], $0x2800  }
0x54: {  	[sflag:s25] =	ssyncset.done $0x0  }
0x55: {  	s19 =	rddreg [dreg:$0x16];
	[sflag:s25] =	ssyncadd.s32 $0xFFFFD800  }
0x56: {  	[spmem:s19] =	stream.linear.scatter [tilespmem:s24], [sflag:$0xB], $0x2800, $0x38;
	[tilespmem:$0x1DC80] =	vst v63  }
0x57: {  	_ =	swait.ge [sflag:s25], $0x2800  }
0x58: {  	[sflag:s25] =	ssyncset.done $0x0  }
0x59: {  	s15 =	rddreg [dreg:$0x17];
	[sflag:s25] =	ssyncadd.s32 $0xFFFFD800  }
0x5a: {  	[spmem:s15] =	stream.linear.scatter [tilespmem:s24], [sflag:$0xB], $0x2800, $0x38;
	[tilespmem:$0x1DC80] =	vst v63  }
0x5b: {  	_ =	swait.ge [sflag:s25], $0x2800  }
0x5c: {  	[sflag:s25] =	ssyncset.done $0x0  }
0x5d: {  	s16 =	rddreg [dreg:$0x18];
	[sflag:s25] =	ssyncadd.s32 $0xFFFFD800  }
0x5e: {  	[spmem:s16] =	stream.linear.scatter [tilespmem:s24], [sflag:$0xB], $0x2800, $0x38;
	[tilespmem:$0x1DC80] =	vst v63  }
0x5f: {  	_ =	swait.ge [sflag:s25], $0x2800  }
0x60: {  	[sflag:s25] =	ssyncset.done $0x0  }
0x61: {  	s14 =	simm.s32 @!p0 $0x400;
	s15 =	rddreg [dreg:$0x19];
	[sflag:s25] =	ssyncadd.s32 $0xFFFFD800  }
0x62: {  	[spmem:s15] =	stream.linear.scatter @!p0 [tilespmem:s14], [sflag:$0xB], $0x2800, $0x38;
	[tilespmem:$0x1DC80] =	vst v63  }
0x63: {  	s14 =	simm.s32 @!p0 $0xB  }
0x64: {  	_ =	swait.ge @!p0 [sflag:s14], $0x2800  }
0x65: {  	[sflag:s14] =	ssyncset.done @!p0 $0x0  }
0x66: {  	p1 =	por $0x1, $0x1;
	[sflag:s14] =	ssyncadd.s32 @!p0 $0xFFFFD800  }
0x67: {  	s14 =	simm.s32 @!p1 $0x7;
	[bflag:$0x0] =	sbarrier.arrive $0xFFFF  }
0x68: {  	_ =	swait.ge @!p1 [sflag:s14], $0x2800  }
0x69: {  	[sflag:s14] =	ssyncset.done @!p1 $0x0  }
0x6a: {  	[sflag:s14] =	ssyncadd.s32 @!p1 $0xFFFFD800;
	s14 =	simm.s32 @!p1 $0x8  }
0x6b: {  	_ =	swait.ge @!p1 [sflag:s14], $0x2800  }
0x6c: {  	[sflag:s14] =	ssyncset.done @!p1 $0x0  }
0x6d: {  	[sflag:s14] =	ssyncadd.s32 @!p1 $0xFFFFD800;
	s14 =	simm.s32 @!p1 $0x9  }
0x6e: {  	_ =	swait.ge @!p1 [sflag:s14], $0x2800  }
0x6f: {  	[sflag:s14] =	ssyncset.done @!p1 $0x0  }
0x70: {  	[sflag:s14] =	ssyncadd.s32 @!p1 $0xFFFFD800;
	s14 =	simm.s32 @!p1 $0xA  }
0x71: {  	_ =	swait.ge @!p1 [sflag:s14], $0x2800  }
0x72: {  	s20 =	smov.u32 s17;
	s17 =	rddreg [dreg:$0xa];
	[sflag:s14] =	ssyncset.done @!p1 $0x0  }
0x73: {  	s16 =	rddreg [dreg:$0x9];
	[sflag:s14] =	ssyncadd.s32 @!p1 $0xFFFFD800;
	s18 =	sadd.s32 $0x0, s17  }
0x74: {  	[tilespmem:s2], [sflag:$0x5] =	stream.linear.gather [hbm4b:s18+s2], $0x50, $0x38;
	[tilespmem:$0x1DC80] =	vst v63  }
0x75: {  	s19 =	rddreg [dreg:$0x8];
	s17 =	sadd.s32 $0x0, s16  }
0x76: {  	[tilespmem:s26], [sflag:$0x6] =	stream.linear.gather [hbm4b:s17+s2], $0x50, $0x38;
	[tilespmem:$0x1DC80] =	vst v63  }
0x77: {  	s14 =	sadd.s32 $0x0, s19;
	s18 =	rddreg [dreg:$0x7]  }
0x78: {  	[tilespmem:s28], [sflag:$0x5] =	stream.linear.gather [hbm4b:s14+s2], $0x50, $0x38;
	[tilespmem:$0x1DC80] =	vst v63  }
0x79: {  	s19 =	rddreg [dreg:$0x6];
	s15 =	sadd.s32 $0x0, s18  }
0x7a: {  	[tilespmem:s29], [sflag:$0x6] =	stream.linear.gather [hbm4b:s15+s2], $0x50, $0x38;
	[tilespmem:$0x1DC80] =	vst v63  }
0x7b: {  	s16 =	rddreg [dreg:$0x5];
	s14 =	sadd.s32 $0x0, s19  }
0x7c: {  	[tilespmem:s30], [sflag:$0x5] =	stream.linear.gather [hbm4b:s14+s2], $0x50, $0x38;
	[tilespmem:$0x1DC80] =	vst v63  }
0x7d: {  	s17 =	rddreg [dreg:$0x4];
	s15 =	sadd.s32 $0x0, s16  }
0x7e: {  	[tilespmem:s31], [sflag:$0x6] =	stream.linear.gather [hbm4b:s15+s2], $0x50, $0x38;
	[tilespmem:$0x1DC80] =	vst v63  }
0x7f: {  	s18 =	rddreg [dreg:$0x3];
	s14 =	sadd.s32 $0x0, s17  }
0x80: {  	[tilespmem:s0], [sflag:$0x5] =	stream.linear.gather [hbm4b:s14+s2], $0x50, $0x38;
	[tilespmem:$0x1DC80] =	vst v63  }
0x81: {  	s19 =	sadd.s32 $0x0, s18  }
0x82: {  	[tilespmem:s3], [sflag:$0x6] =	stream.linear.gather [hbm4b:s19+s2], $0x50, $0x38;
	[tilespmem:$0x1DC80] =	vst v63  }
0x83: {  	_ =	swait.ge [sflag:s4], $0x50  }
0x84: {  	[sflag:s4] =	ssyncset.done $0x0  }
0x85: {  	[sflag:s4] =	ssyncadd.s32 $0xFFFFFFB0  }
0x86: {  	_ =	swait.ge [sflag:s5], $0x50  }
0x87: {  	[sflag:s5] =	ssyncset.done $0x0  }
0x88: {  	[sflag:s5] =	ssyncadd.s32 $0xFFFFFFB0  }
0x89: {  	[tilespmem:s24], [sflag:$0x1] =	stream.indirect.gather [hbm4b:s12+s6], $0x80, s2, s6, $0xb8;
	[tilespmem:$0x1DC80] =	vst v63  }
0x8a: {  	_ =	swait.ge [sflag:s4], $0x50  }
0x8b: {  	[sflag:s4] =	ssyncset.done $0x0  }
0x8c: {  	[sflag:s4] =	ssyncadd.s32 $0xFFFFFFB0  }
0x8d: {  	_ =	swait.ge [sflag:s5], $0x50  }
0x8e: {  	[sflag:s5] =	ssyncset.done $0x0  }
0x8f: {  	[sflag:s5] =	ssyncadd.s32 $0xFFFFFFB0  }
0x90: {  	[tilespmem:s7], [sflag:$0x2] =	stream.indirect.gather [hbm4b:s12+s6], $0x80, s28, s6, $0xb8;
	[tilespmem:$0x1DC80] =	vst v63  }
0x91: {  	_ =	swait.ge [sflag:s4], $0x50  }
0x92: {  	[sflag:s4] =	ssyncset.done $0x0  }
0x93: {  	[sflag:s4] =	ssyncadd.s32 $0xFFFFFFB0  }
0x94: {  	_ =	swait.ge [sflag:s5], $0x50  }
0x95: {  	[sflag:s5] =	ssyncset.done $0x0  }
0x96: {  	[sflag:s5] =	ssyncadd.s32 $0xFFFFFFB0  }
0x97: {  	[tilespmem:s8], [sflag:$0x3] =	stream.indirect.gather [hbm4b:s12+s6], $0x80, s30, s6, $0xb8;
	[tilespmem:$0x1DC80] =	vst v63  }
0x98: {  	_ =	swait.ge [sflag:s4], $0x50  }
0x99: {  	[sflag:s4] =	ssyncset.done $0x0  }
0x9a: {  	[sflag:s4] =	ssyncadd.s32 $0xFFFFFFB0  }
0x9b: {  	_ =	swait.ge [sflag:s5], $0x50  }
0x9c: {  	[sflag:s5] =	ssyncset.done $0x0  }
0x9d: {  	[sflag:s5] =	ssyncadd.s32 $0xFFFFFFB0  }
0x9e: {  	[tilespmem:s9], [sflag:$0x4] =	stream.indirect.gather [hbm4b:s12+s6], $0x80, s0, s6, $0xb8;
	[tilespmem:$0x1DC80] =	vst v63  }
0x9f: {  	_ =	swait.ge [sflag:s10], $0x2800  }
0xa0: {  	[sflag:s10] =	ssyncset.done $0x0  }
0xa1: {  	[sflag:s10] =	ssyncadd.s32 $0xFFFFD800  }
0xa2: {  	[spmem:s1] =	stream.indirect.scatter.add.f32 [tilespmem:s24], [sflag:$0x7], $0x80, s26, s6, $0xb8;
	[tilespmem:$0x1DC80] =	vst v63  }
0xa3: {  	_ =	swait.ge [sflag:s11], $0x2800  }
0xa4: {  	[sflag:s11] =	ssyncset.done $0x0  }
0xa5: {  	[sflag:s11] =	ssyncadd.s32 $0xFFFFD800  }
0xa6: {  	[spmem:s1] =	stream.indirect.scatter.add.f32 [tilespmem:s7], [sflag:$0x8], $0x80, s29, s6, $0xb8;
	[tilespmem:$0x1DC80] =	vst v63  }
0xa7: {  	_ =	swait.ge [sflag:s21], $0x2800  }
0xa8: {  	[sflag:s21] =	ssyncset.done $0x0  }
0xa9: {  	[sflag:s21] =	ssyncadd.s32 $0xFFFFD800  }
0xaa: {  	[spmem:s1] =	stream.indirect.scatter.add.f32 [tilespmem:s8], [sflag:$0x9], $0x80, s31, s6, $0xb8;
	[tilespmem:$0x1DC80] =	vst v63  }
0xab: {  	p2 =	por $0x0, $0x0;
	_ =	swait.ge [sflag:s22], $0x2800  }
0xac: {  	s15 =	simm.s32 $0x50;
	s14 =	simm.s32 $0x28;
	[sflag:s22] =	ssyncset.done $0x0  }
.LBB2_4:
0xad: {  	s17 =	simm.s32 @!p2 $0x7;
	[sflag:s22] =	ssyncadd.s32 $0xFFFFD800  }
0xae: {  	[spmem:s1] =	stream.indirect.scatter.add.f32 [tilespmem:s9], [sflag:$0xA], $0x80, s3, s6, $0xb8;
	[tilespmem:$0x1DC80] =	vst v63  }
0xaf: {  	_ =	swait.ge @!p2 [sflag:s17], $0x2800  }
0xb0: {  	[sflag:s17] =	ssyncset.done @!p2 $0x0  }
0xb1: {  	[sflag:s17] =	ssyncadd.s32 @!p2 $0xFFFFD800;
	s17 =	simm.s32 @!p2 $0x8  }
0xb2: {  	_ =	swait.ge @!p2 [sflag:s17], $0x2800  }
0xb3: {  	[sflag:s17] =	ssyncset.done @!p2 $0x0  }
0xb4: {  	[sflag:s17] =	ssyncadd.s32 @!p2 $0xFFFFD800;
	s17 =	simm.s32 @!p2 $0x9  }
0xb5: {  	_ =	swait.ge @!p2 [sflag:s17], $0x2800  }
0xb6: {  	[sflag:s17] =	ssyncset.done @!p2 $0x0  }
0xb7: {  	[sflag:s17] =	ssyncadd.s32 @!p2 $0xFFFFD800;
	s17 =	simm.s32 @!p2 $0xA  }
0xb8: {  	_ =	swait.ge @!p2 [sflag:s17], $0x2800  }
0xb9: {  	s18 =	rddreg [dreg:$0xa];
	[sflag:s17] =	ssyncset.done @!p2 $0x0  }
0xba: {  	s19 =	rddreg [dreg:$0x9];
	[sflag:s17] =	ssyncadd.s32 @!p2 $0xFFFFD800;
	s17 =	sadd.s32 s14, s18  }
0xbb: {  	[tilespmem:s2], [sflag:$0x5] =	stream.linear.gather [hbm4b:s17+s2], $0x50, $0x38;
	[tilespmem:$0x1DC80] =	vst v63  }
0xbc: {  	s18 =	rddreg [dreg:$0x8];
	s17 =	sadd.s32 s14, s19  }
0xbd: {  	[tilespmem:s26], [sflag:$0x6] =	stream.linear.gather [hbm4b:s17+s2], $0x50, $0x38;
	[tilespmem:$0x1DC80] =	vst v63  }
0xbe: {  	s19 =	rddreg [dreg:$0x7];
	s17 =	sadd.s32 s14, s18  }
0xbf: {  	[tilespmem:s28], [sflag:$0x5] =	stream.linear.gather [hbm4b:s17+s2], $0x50, $0x38;
	[tilespmem:$0x1DC80] =	vst v63  }
0xc0: {  	s18 =	rddreg [dreg:$0x6];
	s17 =	sadd.s32 s14, s19  }
0xc1: {  	[tilespmem:s29], [sflag:$0x6] =	stream.linear.gather [hbm4b:s17+s2], $0x50, $0x38;
	[tilespmem:$0x1DC80] =	vst v63  }
0xc2: {  	s19 =	rddreg [dreg:$0x5];
	s17 =	sadd.s32 s14, s18  }
0xc3: {  	[tilespmem:s30], [sflag:$0x5] =	stream.linear.gather [hbm4b:s17+s2], $0x50, $0x38;
	[tilespmem:$0x1DC80] =	vst v63  }
0xc4: {  	s18 =	rddreg [dreg:$0x4];
	s17 =	sadd.s32 s14, s19  }
0xc5: {  	[tilespmem:s31], [sflag:$0x6] =	stream.linear.gather [hbm4b:s17+s2], $0x50, $0x38;
	[tilespmem:$0x1DC80] =	vst v63  }
0xc6: {  	s18 =	sadd.s32 s14, s18;
	s19 =	rddreg [dreg:$0x3]  }
0xc7: {  	[tilespmem:s0], [sflag:$0x5] =	stream.linear.gather [hbm4b:s18+s2], $0x50, $0x38;
	[tilespmem:$0x1DC80] =	vst v63  }
0xc8: {  	s19 =	sadd.s32 s14, s19  }
0xc9: {  	[tilespmem:s3], [sflag:$0x6] =	stream.linear.gather [hbm4b:s19+s2], $0x50, $0x38;
	[tilespmem:$0x1DC80] =	vst v63  }
0xca: {  	_ =	swait.ge [sflag:s4], $0x50  }
0xcb: {  	[sflag:s4] =	ssyncset.done $0x0  }
0xcc: {  	[sflag:s4] =	ssyncadd.s32 $0xFFFFFFB0  }
0xcd: {  	_ =	swait.ge [sflag:s5], $0x50  }
0xce: {  	[sflag:s5] =	ssyncset.done $0x0  }
0xcf: {  	[sflag:s5] =	ssyncadd.s32 $0xFFFFFFB0  }
0xd0: {  	[tilespmem:s24], [sflag:$0x1] =	stream.indirect.gather [hbm4b:s12+s6], $0x80, s2, s6, $0xb8;
	[tilespmem:$0x1DC80] =	vst v63  }
0xd1: {  	_ =	swait.ge [sflag:s4], $0x50  }
0xd2: {  	[sflag:s4] =	ssyncset.done $0x0  }
0xd3: {  	[sflag:s4] =	ssyncadd.s32 $0xFFFFFFB0  }
0xd4: {  	_ =	swait.ge [sflag:s5], $0x50  }
0xd5: {  	[sflag:s5] =	ssyncset.done $0x0  }
0xd6: {  	[sflag:s5] =	ssyncadd.s32 $0xFFFFFFB0  }
0xd7: {  	[tilespmem:s7], [sflag:$0x2] =	stream.indirect.gather [hbm4b:s12+s6], $0x80, s28, s6, $0xb8;
	[tilespmem:$0x1DC80] =	vst v63  }
0xd8: {  	_ =	swait.ge [sflag:s4], $0x50  }
0xd9: {  	[sflag:s4] =	ssyncset.done $0x0  }
0xda: {  	[sflag:s4] =	ssyncadd.s32 $0xFFFFFFB0  }
0xdb: {  	_ =	swait.ge [sflag:s5], $0x50  }
0xdc: {  	[sflag:s5] =	ssyncset.done $0x0  }
0xdd: {  	[sflag:s5] =	ssyncadd.s32 $0xFFFFFFB0  }
0xde: {  	[tilespmem:s8], [sflag:$0x3] =	stream.indirect.gather [hbm4b:s12+s6], $0x80, s30, s6, $0xb8;
	[tilespmem:$0x1DC80] =	vst v63  }
0xdf: {  	_ =	swait.ge [sflag:s4], $0x50  }
0xe0: {  	[sflag:s4] =	ssyncset.done $0x0  }
0xe1: {  	[sflag:s4] =	ssyncadd.s32 $0xFFFFFFB0  }
0xe2: {  	_ =	swait.ge [sflag:s5], $0x50  }
0xe3: {  	[sflag:s5] =	ssyncset.done $0x0  }
0xe4: {  	[sflag:s5] =	ssyncadd.s32 $0xFFFFFFB0  }
0xe5: {  	[tilespmem:s9], [sflag:$0x4] =	stream.indirect.gather [hbm4b:s12+s6], $0x80, s0, s6, $0xb8;
	[tilespmem:$0x1DC80] =	vst v63  }
0xe6: {  	_ =	swait.ge [sflag:s10], $0x2800  }
0xe7: {  	[sflag:s10] =	ssyncset.done $0x0  }
0xe8: {  	[sflag:s10] =	ssyncadd.s32 $0xFFFFD800  }
0xe9: {  	[spmem:s1] =	stream.indirect.scatter.add.f32 [tilespmem:s24], [sflag:$0x7], $0x80, s26, s6, $0xb8;
	[tilespmem:$0x1DC80] =	vst v63  }
0xea: {  	_ =	swait.ge [sflag:s11], $0x2800  }
0xeb: {  	[sflag:s11] =	ssyncset.done $0x0  }
0xec: {  	s16 =	smov.u32 s15;
	s15 =	sadd.s32 $0x28, s15;
	[sflag:s11] =	ssyncadd.s32 $0xFFFFD800  }
0xed: {  	[spmem:s1] =	stream.indirect.scatter.add.f32 [tilespmem:s7], [sflag:$0x8], $0x80, s29, s6, $0xb8;
	[tilespmem:$0x1DC80] =	vst v63  }
0xee: {  	p1 =	sne.s32 s15, $0x4D8;
	_ =	swait.ge [sflag:s21], $0x2800  }
.Ltmp1:
0xef: {  	[sflag:s21] =	ssyncset.done $0x0;
	(pc) =	sbr.rel @p1 .LBB2_4-.Ltmp1, $4  }
0xf0: {  	[sflag:s21] =	ssyncadd.s32 $0xFFFFD800  }
0xf1: {  	[spmem:s1] =	stream.indirect.scatter.add.f32 [tilespmem:s8], [sflag:$0x9], $0x80, s31, s6, $0xb8;
	[tilespmem:$0x1DC80] =	vst v63  }
0xf2: {  	s14 =	smov.u32 s16;
	_ =	swait.ge [sflag:s22], $0x2800  }
0xf3: {  	p2 =	seq.s32 s14, $0x0;
	[sflag:s22] =	ssyncset.done $0x0  }
0xf4: {  	s15 =	simm.s32 @!p2 $0x7;
	[sflag:s22] =	ssyncadd.s32 $0xFFFFD800  }
0xf5: {  	[spmem:s1] =	stream.indirect.scatter.add.f32 [tilespmem:s9], [sflag:$0xA], $0x80, s3, s6, $0xb8;
	[tilespmem:$0x1DC80] =	vst v63  }
0xf6: {  	_ =	swait.ge @!p2 [sflag:s15], $0x2800  }
0xf7: {  	[sflag:s15] =	ssyncset.done @!p2 $0x0  }
0xf8: {  	[sflag:s15] =	ssyncadd.s32 @!p2 $0xFFFFD800;
	s15 =	simm.s32 @!p2 $0x8  }
0xf9: {  	_ =	swait.ge @!p2 [sflag:s15], $0x2800  }
0xfa: {  	[sflag:s15] =	ssyncset.done @!p2 $0x0  }
0xfb: {  	[sflag:s15] =	ssyncadd.s32 @!p2 $0xFFFFD800;
	s15 =	simm.s32 @!p2 $0x9  }
0xfc: {  	_ =	swait.ge @!p2 [sflag:s15], $0x2800  }
0xfd: {  	[sflag:s15] =	ssyncset.done @!p2 $0x0  }
0xfe: {  	[sflag:s15] =	ssyncadd.s32 @!p2 $0xFFFFD800;
	s15 =	simm.s32 @!p2 $0xA  }
0xff: {  	_ =	swait.ge @!p2 [sflag:s15], $0x2800  }
0x100: {  	s16 =	rddreg [dreg:$0xa];
	[sflag:s15] =	ssyncset.done @!p2 $0x0  }
0x101: {  	s17 =	rddreg [dreg:$0x9];
	[sflag:s15] =	ssyncadd.s32 @!p2 $0xFFFFD800;
	s16 =	sadd.s32 s14, s16  }
0x102: {  	[tilespmem:s2], [sflag:$0x5] =	stream.linear.gather [hbm4b:s16+s2], $0x50, $0x38;
	[tilespmem:$0x1DC80] =	vst v63  }
0x103: {  	s18 =	rddreg [dreg:$0x8];
	s19 =	sadd.s32 s14, s17  }
0x104: {  	[tilespmem:s26], [sflag:$0x6] =	stream.linear.gather [hbm4b:s19+s2], $0x50, $0x38;
	[tilespmem:$0x1DC80] =	vst v63  }
0x105: {  	s17 =	rddreg [dreg:$0x7];
	s15 =	sadd.s32 s14, s18  }
0x106: {  	[tilespmem:s28], [sflag:$0x5] =	stream.linear.gather [hbm4b:s15+s2], $0x50, $0x38;
	[tilespmem:$0x1DC80] =	vst v63  }
0x107: {  	s18 =	rddreg [dreg:$0x6];
	s16 =	sadd.s32 s14, s17  }
0x108: {  	[tilespmem:s29], [sflag:$0x6] =	stream.linear.gather [hbm4b:s16+s2], $0x50, $0x38;
	[tilespmem:$0x1DC80] =	vst v63  }
0x109: {  	s19 =	rddreg [dreg:$0x5];
	s15 =	sadd.s32 s14, s18  }
0x10a: {  	[tilespmem:s30], [sflag:$0x5] =	stream.linear.gather [hbm4b:s15+s2], $0x50, $0x38;
	[tilespmem:$0x1DC80] =	vst v63  }
0x10b: {  	s17 =	rddreg [dreg:$0x4];
	s16 =	sadd.s32 s14, s19  }
0x10c: {  	[tilespmem:s31], [sflag:$0x6] =	stream.linear.gather [hbm4b:s16+s2], $0x50, $0x38;
	[tilespmem:$0x1DC80] =	vst v63  }
0x10d: {  	s18 =	rddreg [dreg:$0x3];
	s15 =	sadd.s32 s14, s17  }
0x10e: {  	[tilespmem:s0], [sflag:$0x5] =	stream.linear.gather [hbm4b:s15+s2], $0x50, $0x38;
	[tilespmem:$0x1DC80] =	vst v63  }
0x10f: {  	s19 =	sadd.s32 s14, s18  }
0x110: {  	[tilespmem:s3], [sflag:$0x6] =	stream.linear.gather [hbm4b:s19+s2], $0x50, $0x38;
	[tilespmem:$0x1DC80] =	vst v63  }
0x111: {  	_ =	swait.ge [sflag:s4], $0x50  }
0x112: {  	[sflag:s4] =	ssyncset.done $0x0  }
0x113: {  	[sflag:s4] =	ssyncadd.s32 $0xFFFFFFB0  }
0x114: {  	_ =	swait.ge [sflag:s5], $0x50  }
0x115: {  	[sflag:s5] =	ssyncset.done $0x0  }
0x116: {  	[sflag:s5] =	ssyncadd.s32 $0xFFFFFFB0  }
0x117: {  	[tilespmem:s24], [sflag:$0x1] =	stream.indirect.gather [hbm4b:s12+s6], $0x80, s2, s6, $0xb8;
	[tilespmem:$0x1DC80] =	vst v63  }
0x118: {  	_ =	swait.ge [sflag:s4], $0x50  }
0x119: {  	[sflag:s4] =	ssyncset.done $0x0  }
0x11a: {  	[sflag:s4] =	ssyncadd.s32 $0xFFFFFFB0  }
0x11b: {  	_ =	swait.ge [sflag:s5], $0x50  }
0x11c: {  	[sflag:s5] =	ssyncset.done $0x0  }
0x11d: {  	[sflag:s5] =	ssyncadd.s32 $0xFFFFFFB0  }
0x11e: {  	[tilespmem:s7], [sflag:$0x2] =	stream.indirect.gather [hbm4b:s12+s6], $0x80, s28, s6, $0xb8;
	[tilespmem:$0x1DC80] =	vst v63  }
0x11f: {  	_ =	swait.ge [sflag:s4], $0x50  }
0x120: {  	[sflag:s4] =	ssyncset.done $0x0  }
0x121: {  	[sflag:s4] =	ssyncadd.s32 $0xFFFFFFB0  }
0x122: {  	_ =	swait.ge [sflag:s5], $0x50  }
0x123: {  	[sflag:s5] =	ssyncset.done $0x0  }
0x124: {  	[sflag:s5] =	ssyncadd.s32 $0xFFFFFFB0  }
0x125: {  	[tilespmem:s8], [sflag:$0x3] =	stream.indirect.gather [hbm4b:s12+s6], $0x80, s30, s6, $0xb8;
	[tilespmem:$0x1DC80] =	vst v63  }
0x126: {  	_ =	swait.ge [sflag:s4], $0x50  }
0x127: {  	[sflag:s4] =	ssyncset.done $0x0  }
0x128: {  	[sflag:s4] =	ssyncadd.s32 $0xFFFFFFB0  }
0x129: {  	_ =	swait.ge [sflag:s5], $0x50  }
0x12a: {  	[sflag:s5] =	ssyncset.done $0x0  }
0x12b: {  	[sflag:s5] =	ssyncadd.s32 $0xFFFFFFB0  }
0x12c: {  	[tilespmem:s9], [sflag:$0x4] =	stream.indirect.gather [hbm4b:s12+s6], $0x80, s0, s6, $0xb8;
	[tilespmem:$0x1DC80] =	vst v63  }
0x12d: {  	_ =	swait.ge [sflag:s10], $0x2800  }
0x12e: {  	[sflag:s10] =	ssyncset.done $0x0  }
0x12f: {  	[sflag:s10] =	ssyncadd.s32 $0xFFFFD800  }
0x130: {  	[spmem:s1] =	stream.indirect.scatter.add.f32 [tilespmem:s24], [sflag:$0x7], $0x80, s26, s6, $0xb8;
	[tilespmem:$0x1DC80] =	vst v63  }
0x131: {  	_ =	swait.ge [sflag:s11], $0x2800  }
0x132: {  	[sflag:s11] =	ssyncset.done $0x0  }
0x133: {  	[sflag:s11] =	ssyncadd.s32 $0xFFFFD800  }
0x134: {  	[spmem:s1] =	stream.indirect.scatter.add.f32 [tilespmem:s7], [sflag:$0x8], $0x80, s29, s6, $0xb8;
	[tilespmem:$0x1DC80] =	vst v63  }
0x135: {  	_ =	swait.ge [sflag:s21], $0x2800  }
0x136: {  	[sflag:s21] =	ssyncset.done $0x0  }
0x137: {  	[sflag:s21] =	ssyncadd.s32 $0xFFFFD800  }
0x138: {  	[spmem:s1] =	stream.indirect.scatter.add.f32 [tilespmem:s8], [sflag:$0x9], $0x80, s31, s6, $0xb8;
	[tilespmem:$0x1DC80] =	vst v63  }
0x139: {  	_ =	swait.ge [sflag:s22], $0x2800  }
0x13a: {  	[sflag:s22] =	ssyncset.done $0x0  }
0x13b: {  	[sflag:s22] =	ssyncadd.s32 $0xFFFFD800  }
0x13c: {  	[spmem:s1] =	stream.indirect.scatter.add.f32 [tilespmem:s9], [sflag:$0xA], $0x80, s3, s6, $0xb8;
	[tilespmem:$0x1DC80] =	vst v63  }
0x13d: {  	_ =	swait.ge [sflag:s23], $0x2800  }
0x13e: {  	[sflag:s23] =	ssyncset.done $0x0  }
0x13f: {  	s15 =	simm.s32 $0x8;
	[sflag:s23] =	ssyncadd.s32 $0xFFFFD800  }
0x140: {  	_ =	swait.ge [sflag:s15], $0x2800  }
0x141: {  	[sflag:s15] =	ssyncset.done $0x0  }
0x142: {  	s16 =	simm.s32 $0x9;
	[sflag:s15] =	ssyncadd.s32 $0xFFFFD800  }
0x143: {  	_ =	swait.ge [sflag:s16], $0x2800  }
0x144: {  	[sflag:s16] =	ssyncset.done $0x0  }
0x145: {  	s17 =	simm.s32 $0xA;
	[sflag:s16] =	ssyncadd.s32 $0xFFFFD800  }
0x146: {  	_ =	swait.ge [sflag:s17], $0x2800  }
0x147: {  	[sflag:s17] =	ssyncset.done $0x0  }
0x148: {  	s18 =	rddreg [dreg:$0x1b];
	[sflag:s17] =	ssyncadd.s32 $0xFFFFD800  }
0x149: {  	[tilespmem:s2], [sflag:$0x5] =	stream.linear.gather [hbm4b:s18+s2], $0x50, $0x38;
	[tilespmem:$0x1DC80] =	vst v63  }
0x14a: {  	s19 =	rddreg [dreg:$0x1a]  }
0x14b: {  	[tilespmem:s26], [sflag:$0x6] =	stream.linear.gather [hbm4b:s19+s2], $0x50, $0x38;
	[tilespmem:$0x1DC80] =	vst v63  }
0x14c: {  	_ =	swait.ge [sflag:s4], $0x50  }
0x14d: {  	[sflag:s4] =	ssyncset.done $0x0  }
0x14e: {  	[sflag:s4] =	ssyncadd.s32 $0xFFFFFFB0  }
0x14f: {  	_ =	swait.ge [sflag:s5], $0x50  }
0x150: {  	[sflag:s5] =	ssyncset.done $0x0  }
0x151: {  	[sflag:s5] =	ssyncadd.s32 $0xFFFFFFB0  }
0x152: {  	[tilespmem:s24], [sflag:$0x1] =	stream.indirect.gather [hbm4b:s12+s6], $0x80, s2, s6, $0xb8;
	[tilespmem:$0x1DC80] =	vst v63  }
0x153: {  	_ =	swait.ge [sflag:s10], $0x2800  }
0x154: {  	[sflag:s10] =	ssyncset.done $0x0  }
0x155: {  	[sflag:s10] =	ssyncadd.s32 $0xFFFFD800  }
0x156: {  	[spmem:s1] =	stream.indirect.scatter.add.f32 [tilespmem:s24], [sflag:$0x7], $0x80, s26, s6, $0xb8;
	[tilespmem:$0x1DC80] =	vst v63  }
0x157: {  	_ =	swait.ge [sflag:s23], $0x2800  }
0x158: {  	[sflag:s23] =	ssyncset.done $0x0  }
0x159: {  	s15 =	stileid.u32;
	[sflag:s23] =	ssyncadd.s32 $0xFFFFD800  }
0x15a: {  	s14 =	sshll.u32 s15, $0x6;
	[bflag:$0x0] =	sbarrier.arrive $0xFFFF  }
0x15b: {  	s14 =	sor.u32 $0x1C0B, s14;
	s16 =	sshrl.u32 s20, $0x3;
	s18 =	rddreg [dreg:$0xb]  }
0x15c: {  	[hbm:s18], [sflag:s14] =	dma.local [spmem:s16], $0x500  }
0x15d: {  	_ =	swait.ge [sflag:s25], $0x500  }
0x15e: {  	s17 =	smov.u32 s20;
	[sflag:s25] =	ssyncset.done $0x0;
	s18 =	rddreg [dreg:$0x13]  }
0x15f: {  	s20 =	rddreg [dreg:$0xc];
	[sflag:s25] =	ssyncadd.s32 $0xFFFFFB00;
	s19 =	sshrl.u32 s18, $0x3  }
0x160: {  	[hbm:s20], [sflag:s14] =	dma.local [spmem:s19], $0x500  }
0x161: {  	_ =	swait.ge [sflag:s25], $0x500  }
0x162: {  	[sflag:s25] =	ssyncset.done $0x0;
	s19 =	rddreg [dreg:$0x14]  }
0x163: {  	s20 =	rddreg [dreg:$0xd];
	[sflag:s25] =	ssyncadd.s32 $0xFFFFFB00;
	s16 =	sshrl.u32 s19, $0x3  }
0x164: {  	[hbm:s20], [sflag:s14] =	dma.local [spmem:s16], $0x500  }
0x165: {  	_ =	swait.ge [sflag:s25], $0x500  }
0x166: {  	[sflag:s25] =	ssyncset.done $0x0;
	s16 =	rddreg [dreg:$0x15]  }
0x167: {  	s20 =	rddreg [dreg:$0xe];
	[sflag:s25] =	ssyncadd.s32 $0xFFFFFB00;
	s15 =	sshrl.u32 s16, $0x3  }
0x168: {  	[hbm:s20], [sflag:s14] =	dma.local [spmem:s15], $0x500  }
0x169: {  	_ =	swait.ge [sflag:s25], $0x500  }
0x16a: {  	[sflag:s25] =	ssyncset.done $0x0;
	s16 =	rddreg [dreg:$0x16]  }
0x16b: {  	s20 =	rddreg [dreg:$0xf];
	[sflag:s25] =	ssyncadd.s32 $0xFFFFFB00;
	s15 =	sshrl.u32 s16, $0x3  }
0x16c: {  	[hbm:s20], [sflag:s14] =	dma.local [spmem:s15], $0x500  }
0x16d: {  	_ =	swait.ge [sflag:s25], $0x500  }
0x16e: {  	[sflag:s25] =	ssyncset.done $0x0;
	s16 =	rddreg [dreg:$0x17]  }
0x16f: {  	s20 =	rddreg [dreg:$0x10];
	[sflag:s25] =	ssyncadd.s32 $0xFFFFFB00;
	s15 =	sshrl.u32 s16, $0x3  }
0x170: {  	[hbm:s20], [sflag:s14] =	dma.local [spmem:s15], $0x500  }
0x171: {  	_ =	swait.ge [sflag:s25], $0x500  }
0x172: {  	[sflag:s25] =	ssyncset.done $0x0;
	s16 =	rddreg [dreg:$0x18]  }
0x173: {  	s20 =	rddreg [dreg:$0x11];
	[sflag:s25] =	ssyncadd.s32 $0xFFFFFB00;
	s15 =	sshrl.u32 s16, $0x3  }
0x174: {  	[hbm:s20], [sflag:s14] =	dma.local [spmem:s15], $0x500  }
0x175: {  	_ =	swait.ge [sflag:s25], $0x500  }
0x176: {  	[sflag:s25] =	ssyncset.done $0x0;
	s15 =	rddreg [dreg:$0x19]  }
0x177: {  	s16 =	rddreg [dreg:$0x12];
	[sflag:s25] =	ssyncadd.s32 $0xFFFFFB00;
	s15 =	sshrl.u32 @!p0 s15, $0x3  }
0x178: {  	[hbm:s16], [sflag:s14] =	dma.local @!p0 [spmem:s15], $0x500  }
0x179: {  	s14 =	simm.s32 @!p0 $0xB  }
0x17a: {  	_ =	swait.ge @!p0 [sflag:s14], $0x500  }
0x17b: {  	s13 =	sadd.s32 $0x1, s13;
	s20 =	rddreg [dreg:$0x1c]  }
0x17c: {  	p1 =	sne.s32 s13, s20  }
.Ltmp2:
0x17d: {  	_ = 	snop;
	(pc) =	sbr.rel @p1 .LBB2_1-.Ltmp2, $3  }
0x17e: {  	_ =	sdelay $0x1  }
0x17f: {  	[sflag:s14] =	ssyncset.done @!p0 $0x0  }
0x180: {  	[sflag:s14] =	ssyncadd.s32 @!p0 $0xFFFFFB00  }
0x181: {  	_ =	sfence.sel $0x180000  }
0x182: {  	[bflag:$0x0] =	sbarrier.arrive $0xFFFF  }
0x183: {  	_ =	strace $0x9000004D  }
0x184: {  	s0 =	stileid.u32;
	[bflag:$0x2] =	sbarrier.arrive $0xFFFF  }
0x185: {  	p0 =	sne.s32 s0, $0x0;
	s0 =	rddreg [dreg:$0x2]  }
0x186: {  	s0 =	sadd.s32 @!p0 $0x100000, s0  }
0x187: {  	[sflag:s0] =	ssyncadd.tile.s32 @!p0 $0x1;
	_ =	shalt  }
.Lfunc_end2:
_tile_overlayer_lowered:
.L_overlay_start_2:
0x188: {  	(tag) =	ssettag $0x2  }
0x189: {  	s0 =	rddreg [dreg:$0x0];
	s2 =	stileid.u32  }
0x18a: {  	s1 =	rddreg [dreg:$0x1];
	p0 =	sne.s32 s2, $0x0  }
0x18b: {  	s3 =	rddreg [dreg:$0x2];
	[bflag:$0x3] =	sbarrier.arrive $0xFFFF;
	s2 =	simm.s32 @!p0 $0x1C0B  }
0x18c: {  	[timem:s3], [sflag:s2] =	dma.local @!p0 [hbm:s0], s1  }
0x18d: {  	s0 =	simm.s32 @!p0 $0xB  }
0x18e: {  	_ =	swait.ge @!p0 [sflag:s0], s1  }
0x18f: {  	s1 =	ssub.s32 @!p0 $0x0, s1;
	[sflag:s0] =	ssyncset.done @!p0 $0x0  }
0x190: {  	[sflag:s0] =	ssyncadd.s32 @!p0 s1  }
0x191: {  	[bflag:$0x3] =	sbarrier.arrive $0xFFFF  }
0x192: {  	_ =	shalt  }

// kernel: kernel.8.cloned.1.call-start
scs
__scs_entry_jumppad:
0x0: {  	(pc) =	sbr.rel $0x88, $3  }
0x1: {  	(tag) =	ssettag $0x0;
	lr =	simm.s32 $0x1  }
0x2: {  	[smem:$0x3F84] =	sst lr;
	_ =	strace $0xD0000000  }
0x3: {  	_ = 	snop  }
0x4: {  	_ = 	snop  }
0x5: {  	_ = 	snop  }
0x6: {  	_ = 	snop  }
0x7: {  	_ = 	snop  }
__scs_overlays_trampoline_lowered:
0x8: {  	[smem:$0x3F93] =	sst s0  }
0x9: {  	[smem:$0x3F94] =	sst s1  }
0xa: {  	[smem:$0x3F95] =	sst s2  }
0xb: {  	[smem:$0x3F96] =	sst s3  }
0xc: {  	[smem:$0x3F97] =	sst s4  }
0xd: {  	[smem:$0x3F98] =	sst s5  }
0xe: {  	[smem:$0x3F99] =	sst s6  }
0xf: {  	[smem:$0x3F9A] =	sst s7  }
0x10: {  	[smem:$0x3F9B] =	sst s8  }
0x11: {  	[smem:$0x3F9C] =	sst s9;
	s0 =	simm.s32 @!p0 $0x0  }
0x12: {  	s1 =	sld [smem:$0x3F82];
	s0 =	simm.s32 @p0 $0x1  }
0x13: {  	[smem:$0x3F9D] =	sst s0;
	s0 =	simm.s32 @!p1 $0x0  }
0x14: {  	s2 =	sld [smem:$0x3F81];
	s0 =	simm.s32 @p1 $0x1  }
0x15: {  	[smem:$0x3F9E] =	sst s0;
	s0 =	simm.s32 @!p2 $0x0  }
0x16: {  	s3 =	sld [smem:$0x3FDB];
	s0 =	simm.s32 @p2 $0x1  }
0x17: {  	s4 =	simm.s32 $0x1BF5;
	[smem:$0x3FA0] =	sst s0  }
0x18: {  	s0 =	sld [smem:$0x3F83];
	_ =	swait.ge [sflag:s4], $0x0  }
0x19: {  	s7 =	sld [smem:$0x3F84]  }
0x1a: {  	s8 =	sadd.s32 $0xFFFFE003, lr  }
0x1b: {  	s9 =	sadd.s32 $0xFFFFFEF7, lr;
	s5 =	simm.s32 $0xFFFFFFFF;
	p2 =	slt.u32 s8, $0xFFFFF086  }
0x1c: {  	p1 =	slt.u32 s9, $0xF7A;
	s5 =	simm.s32 @!p2 $0x0  }
0x1d: {  	s5 =	simm.s32 @p1 $0x1;
	p0 =	seq.s32 s7, s2  }
0x1e: {  	s7 =	smul.u32 @!p0 $0xF7A, s2;
	p2 =	seq.s32 @!p0 s5, $0x0  }
0x1f: {  	s9 =	smul.u32 $0xF7A, s1;
	s8 =	simm.s32 @!p0 $0x1BF5;
	p2 =	por !p2, p0  }
0x20: {  	[sflag:s8] =	ssyncset.s32 @!p0 $0xFFFFF086;
	s6 =	sadd.s32 @!p0 s3, s7;
	s7 =	simm.s32 @!p0 $0x108  }
0x21: {  	s3 =	sadd.s32 s3, s9;
	s6 =	sadd.s32 @!p0 $0x88, s6;
	s7 =	simm.s32 @p2 $0x1082  }
0x22: {  	[simem:s7], [sflag:s8] =	dma.local @!p0 [hbm:s6], $0xF7A  }
0x23: {  	s9 =	sor.u32 $0xD0000000, s2;
	s6 =	simm.s32 $0x108;
	_ =	swait.ge @!p0 [sflag:s8], $0x0  }
0x24: {  	s3 =	sadd.s32 $0x88, s3;
	s6 =	simm.s32 @!p1 $0x1082;
	[sflag:s4] =	ssyncset.s32 $0xFFFFF086  }
0x25: {  	[simem:s6], [sflag:s4] =	dma.local [hbm:s3], $0xF7A  }
0x26: {  	[smem:$0x3F84] =	sst s1;
	(tag) =	ssettag s2;
	_ =	strace s9  }
0x27: {  	s1 =	sld [smem:$0x3F94]  }
0x28: {  	s2 =	sld [smem:$0x3F95]  }
0x29: {  	s4 =	sld [smem:$0x3F97]  }
0x2a: {  	p0 =	seq.s32 s5, $0x0;
	s5 =	sld [smem:$0x3F98]  }
0x2b: {  	s6 =	sld [smem:$0x3F99]  }
0x2c: {  	s7 =	sld [smem:$0x3F9A]  }
0x2d: {  	s3 =	simm.s32 $0x108;
	s8 =	sld [smem:$0x3F9B]  }
0x2e: {  	s3 =	simm.s32 @!p0 $0x1082;
	s9 =	sld [smem:$0x3F9C]  }
0x2f: {  	lr =	sadd.s32 s0, s3;
	s0 =	sld [smem:$0x3F93]  }
0x30: {  	s3 =	sld [smem:$0x3F96]  }
0x31: {  	[smem:$0x3F9F] =	sst s10  }
0x32: {  	s10 =	sld [smem:$0x3F9D];
	_ =	sdelay $0x3  }
0x33: {  	p0 =	seq.s32 s10, $0x1;
	s10 =	sld [smem:$0x3F9F];
	_ =	sdelay $0x3  }
0x34: {  	[smem:$0x3F9F] =	sst s10  }
0x35: {  	s10 =	sld [smem:$0x3F9E];
	_ =	sdelay $0x3  }
0x36: {  	p1 =	seq.s32 s10, $0x1;
	s10 =	sld [smem:$0x3F9F];
	_ =	sdelay $0x3  }
0x37: {  	[smem:$0x3F9F] =	sst s10  }
0x38: {  	s10 =	sld [smem:$0x3FA0]  }
0x39: {  	_ = 	snop;
	(pc) =	sbr.ind lr, $3  }
0x3a: {  	_ = 	snop  }
0x3b: {  	_ = 	snop  }
0x3c: {  	p2 =	seq.s32 s10, $0x1;
	s10 =	sld [smem:$0x3F9F]  }
0x3d: {  	_ =	shalt  }
0x3e: {  	_ =	shalt  }
0x3f: {  	_ =	shalt  }
0x40: {  	_ =	shalt  }
0x41: {  	_ =	shalt  }
0x42: {  	_ =	shalt  }
0x43: {  	_ =	shalt  }
0x44: {  	_ =	shalt  }
0x45: {  	_ =	shalt  }
0x46: {  	_ =	shalt  }
0x47: {  	_ =	shalt  }
0x48: {  	_ =	shalt  }
0x49: {  	_ =	shalt  }
0x4a: {  	_ =	shalt  }
0x4b: {  	_ =	shalt  }
0x4c: {  	_ =	shalt  }
0x4d: {  	_ =	shalt  }
0x4e: {  	_ =	shalt  }
0x4f: {  	_ =	shalt  }
0x50: {  	_ =	shalt  }
0x51: {  	_ =	shalt  }
0x52: {  	_ =	shalt  }
0x53: {  	_ =	shalt  }
0x54: {  	_ =	shalt  }
0x55: {  	_ =	shalt  }
0x56: {  	_ =	shalt  }
0x57: {  	_ =	shalt  }
0x58: {  	_ =	shalt  }
0x59: {  	_ =	shalt  }
0x5a: {  	_ =	shalt  }
0x5b: {  	_ =	shalt  }
0x5c: {  	_ =	shalt  }
0x5d: {  	_ =	shalt  }
0x5e: {  	_ =	shalt  }
0x5f: {  	_ =	shalt  }
0x60: {  	_ =	shalt  }
0x61: {  	_ =	shalt  }
0x62: {  	_ =	shalt  }
0x63: {  	_ =	shalt  }
0x64: {  	_ =	shalt  }
0x65: {  	_ =	shalt  }
0x66: {  	_ =	shalt  }
0x67: {  	_ =	shalt  }
0x68: {  	_ =	shalt  }
0x69: {  	_ =	shalt  }
0x6a: {  	_ =	shalt  }
0x6b: {  	_ =	shalt  }
0x6c: {  	_ =	shalt  }
0x6d: {  	_ =	shalt  }
0x6e: {  	_ =	shalt  }
0x6f: {  	_ =	shalt  }
0x70: {  	_ =	shalt  }
0x71: {  	_ =	shalt  }
0x72: {  	_ =	shalt  }
0x73: {  	_ =	shalt  }
0x74: {  	_ =	shalt  }
0x75: {  	_ =	shalt  }
0x76: {  	_ =	shalt  }
0x77: {  	_ =	shalt  }
0x78: {  	_ =	shalt  }
0x79: {  	_ =	shalt  }
0x7a: {  	_ =	shalt  }
0x7b: {  	_ =	shalt  }
0x7c: {  	_ =	shalt  }
0x7d: {  	_ =	shalt  }
0x7e: {  	_ =	shalt  }
0x7f: {  	_ =	shalt  }
0x80: {  	_ =	shalt  }
0x81: {  	_ =	shalt  }
0x82: {  	_ =	shalt  }
0x83: {  	_ =	shalt  }
0x84: {  	_ =	shalt  }
0x85: {  	_ =	shalt  }
0x86: {  	_ =	shalt  }
0x87: {  	_ =	shalt  }
.Lfunc_end0:
.L_simem_size_0:
called_computation_lowered:
.L_overlay_start_0:
0x88: {  	s2 =	sld [smem:$0x3FD9]  }
0x89: {  	s3 =	sld [smem:$0x3FFE];
	_ =	sdelay $0x1  }
0x8a: {  	s1 =	srdreg.scid  }
0x8b: {  	s0 =	sand.u32 $0x1, s1  }
0x8c: {  	s17 =	sshll.u32 s0, $0xA;
	s2 =	sadd.s32 s3, s2  }
0x8d: {  	s2 =	sadd.s32 s2, s17  }
0x8e: {  	[smem:$0x3FAB] =	sst s2  }
0x8f: {  	_ = 	snop  }
0x90: {  	s2 =	sld [smem:$0x3FC9];
	(tm) =	ssettm $0x1  }
0x91: {  	s18 =	sld [smem:$0x3FFB];
	_ =	sdelay $0x3  }
0x92: {  	_ =	strace s18  }
0x93: {  	s3 =	sld [smem:$0x3FFC];
	_ =	sdelay $0x3  }
0x94: {  	_ =	strace s3  }
0x95: {  	s3 =	sld [smem:$0x3FFD];
	_ =	sdelay $0x3  }
0x96: {  	_ =	strace s3  }
0x97: {  	_ =	strace $0x8FFFFFFF  }
0x98: {  	s19 =	sld [smem:$0x3FDB];
	_ =	sdelay $0x1  }
0x99: {  	s4 =	simm.s32 $_scs_section_size  }
0x9a: {  	s5 =	simm.s32 $_size__tile_overlayer_lowered;
	s6 =	simm.s32 $_tile_overlayer_lowered  }
0x9b: {  	s22 =	simm.s32 $0x1BFF;
	s21 =	sshll.u32 s6, $0x1;
	s3 =	sadd.s32 s4, s19  }
0x9c: {  	s7 =	simm.s32 $0x0;
	s20 =	sshll.u32 s5, $0x1;
	s5 =	sadd.s32 s21, s3  }
0x9d: {  	[timem:s7], [sflag:s22] =	dma.local [hbm:s5], s20  }
0x9e: {  	_ =	swait.ge [sflag:s22], s20  }
0x9f: {  	s4 =	ssub.s32 $0x0, s20;
	[sflag:s22] =	ssyncset.done $0x0  }
0xa0: {  	[sflag:s22] =	ssyncadd.s32 s4;
	_ =	sdelay $0x1  }
0xa1: {  	s23 =	simm.s32 $0x1B8B  }
0xa2: {  	_ =	swait.ge [sflag:s23], $0x1  }
0xa3: {  	[sflag:s23] =	ssyncset.done $0x0  }
0xa4: {  	s25 =	simm.s32 $0x1B8E;
	s24 =	sld [smem:$0x3FFE];
	[sflag:s23] =	ssyncadd.s32 $0xFFFFFFFF  }
0xa5: {  	s26 =	simm.s32 $execute0_lowered;
	[smem:$0x3FD2] =	sst s25  }
0xa6: {  	s5 =	sshll.u32 s26, $0x1;
	_ =	strace $0x80000046;
	[dreg:$0x1] =	wrdreg $0xFFFFFFFF  }
0xa7: {  	s28 =	simm.s32 $_size_execute0_lowered;
	s3 =	sadd.s32 s3, s5;
	[dreg:$0x0] =	wrdreg $0x0  }
0xa8: {  	s5 =	sshll.u32 s28, $0x1;
	[dreg:$0x2] =	wrdreg s3  }
0xa9: {  	[dreg:$0x3] =	wrdreg s5  }
0xaa: {  	[dreg:$0x4] =	wrdreg $0xC0  }
0xab: {  	_ =	task [dreg:s7], $0x5FFFF  }
0xac: {  	[dreg:$0x1] =	wrdreg $0xFFFFFFFF  }
0xad: {  	[dreg:$0x0] =	wrdreg $0x60  }
0xae: {  	[dreg:$0x2] =	wrdreg s2  }
0xaf: {  	[dreg:$0x3] =	wrdreg s24  }
0xb0: {  	[dreg:$0x4] =	wrdreg $0xA4000  }
0xb1: {  	[dreg:$0x5] =	wrdreg $0x9  }
0xb2: {  	_ =	task.clear_ibuf [dreg:s7], $0x6FFFF;
	_ =	strace $0x90000046  }
0xb3: {  	s29 =	simm.s32 $0x9;
	_ =	strace $0x80000048  }
0xb4: {  	_ =	swait.ge [sflag:s29], $0x1  }
0xb5: {  	[sflag:s29] =	ssyncadd.s32 $0xFFFFFFFF  }
0xb6: {  	_ =	strace $0x90000048  }
0xb7: {  	_ =	sfence  }
0xb8: {  	s30 =	sld [smem:$0x0];
	_ =	sdelay $0x2  }
0xb9: {  	s31 =	sshll.u32 s1, $0xD;
	s1 =	sshrl.u32 s1, $0x2  }
0xba: {  	s3 =	sand.u32 $0x4000, s31;
	s1 =	sadd.s32 s1, s30  }
0xbb: {  	s0 =	sor.u32 s3, s0;
	s1 =	sshll.u32 s1, $0x11  }
0xbc: {  	s0 =	sor.u32 s1, s0  }
0xbd: {  	s0 =	sadd.s32 $0x8F2B, s0  }
0xbe: {  	[sflag:s0] =	ssyncadd.remote.s32 $0x1  }
0xbf: {  	_ =	sfence.sel $0xFFFF  }
0xc0: {  	[dreg:$0x0] =	wrdreg $0xFFFFFFFF;
	(pc) =	sbr.abs _section_cstart, $3  }
0xc1: {  	[dreg:$0x1] =	wrdreg $0xFFFFFFFF  }
0xc2: {  	_ =	task.clear_ibuf [dreg:s7], $0x2FFFF;
	_ =	strace $0x9FFFFFFF  }
0xc3: {  	(tm) =	ssettm $0x7FFFFFFF  }
tec
execute0_lowered:
.L_overlay_start_1:
0x0: {  	(tag) =	ssettag $0x1  }
0x1: {  	s1 =	rddreg [dreg:$0x0]  }
0x2: {  	s12 =	rddreg [dreg:$0x1]  }
0x3: {  	s2 =	rddreg [dreg:$0x2];
	s26 =	stileid.u32  }
0x4: {  	s0 =	srdreg.scid;
	s8 =	smul.u32 $0x2710, s26  }
0x5: {  	s3 =	simm.s32 $0x0;
	s13 =	sand.u32 $0x1, s0;
	s16 =	smul.u32 $0x50, s26  }
0x6: {  	s28 =	simm.s32 $0x80;
	s29 =	simm.s32 $0x280;
	s7 =	smul.u32 $0x27100, s13  }
0x7: {  	s30 =	simm.s32 $0x100;
	s14 =	sor.u32 $0x10, s26;
	s15 =	smul.u32 $0x2710, s13  }
0x8: {  	s31 =	simm.s32 $0x300;
	s11 =	sor.u32 $0x20, s26;
	s18 =	smul.u32 $0x50, s14  }
0x9: {  	[smem:$0x7FF] =	sst s3;
	s10 =	sor.u32 $0x30, s26;
	s20 =	smul.u32 $0x50, s11  }
0xa: {  	s0 =	sadd.s32 $0xEE00, s12;
	s9 =	sor.u32 $0x40, s26;
	s21 =	smul.u32 $0x50, s10  }
0xb: {  	s4 =	sadd.s32 $0x5000, s12;
	s12 =	sadd.s32 $0x18C00, s12;
	s25 =	smul.u32 $0x50, s9  }
0xc: {  	p0 =	sgt.u32 s26, $0xC;
	_ =	strace $0x80000047;
	s11 =	smul.u32 $0xA000, s11  }
0xd: {  	s5 =	ssub.s32 $0x2, s13;
	s13 =	sshll.u32 s13, $0x4;
	s10 =	smul.u32 $0xA000, s10  }
0xe: {  	s9 =	smul.u32 $0xA000, s9;
	s6 =	sshrl.u32 s5, $0x1;
	s13 =	sor.u32 s26, s13  }
0xf: {  	s5 =	ssub.s32 s5, s6;
	s6 =	sor.u32 $0x50, s26;
	s17 =	sadd.s32 s8, s7  }
0x10: {  	s7 =	sor.u32 $0x60, s26;
	s8 =	sor.u32 $0x70, s26;
	s16 =	sadd.s32 s16, s15  }
0x11: {  	s18 =	sadd.s32 s15, s18;
	s20 =	sadd.s32 s15, s20;
	s21 =	sadd.s32 s15, s21  }
0x12: {  	s13 =	smul.u32 $0x2710, s13;
	s11 =	sshrl.u32 s11, $0x2;
	s10 =	sshrl.u32 s10, $0x2  }
0x13: {  	s9 =	sshrl.u32 s9, $0x2;
	s19 =	sadd.s32 $0xF0, s17;
	s10 =	sadd.s32 s10, s2  }
0x14: {  	s9 =	sadd.s32 s9, s2;
	s19 =	sshrl.u32 s19, $0x3;
	[dreg:$0x16] =	wrdreg s10  }
0x15: {  	s23 =	sadd.s32 $0xA0, s17;
	[dreg:$0x17] =	wrdreg s9;
	s22 =	sadd.s32 s19, s4  }
0x16: {  	s16 =	sshll.u32 s16, $0x4;
	s19 =	sadd.s32 s19, s0;
	[dreg:$0x4] =	wrdreg s22  }
0x17: {  	s16 =	sadd.s32 s12, s16;
	[dreg:$0x5] =	wrdreg s19;
	s19 =	smul.u32 $0x50, s6  }
0x18: {  	s22 =	sshrl.u32 s23, $0x3;
	s23 =	sadd.s32 s15, s25;
	s25 =	smul.u32 $0x50, s8  }
0x19: {  	s9 =	simm.s32 $0x5400;
	s10 =	simm.s32 $0x7C00;
	s6 =	smul.u32 $0xA000, s6  }
0x1a: {  	[dreg:$0xc] =	wrdreg s16;
	s8 =	smul.u32 $0xA000, s8;
	s24 =	sadd.s32 s22, s4  }
0x1b: {  	s22 =	sadd.s32 s22, s0;
	[dreg:$0x6] =	wrdreg s24;
	s24 =	smul.u32 $0x50, s7  }
0x1c: {  	s19 =	sadd.s32 s15, s19;
	[dreg:$0x7] =	wrdreg s22;
	s22 =	sshll.u32 s23, $0x4  }
0x1d: {  	s7 =	smul.u32 $0xA000, s7;
	s6 =	sshrl.u32 s6, $0x2;
	s23 =	sshll.u32 s19, $0x4  }
0x1e: {  	s6 =	sadd.s32 s6, s2;
	s24 =	sadd.s32 s15, s24;
	s15 =	sadd.s32 s15, s25  }
0x1f: {  	s25 =	sshll.u32 s18, $0x4;
	s18 =	sshll.u32 s20, $0x4;
	s20 =	sshll.u32 s21, $0x4  }
0x20: {  	[dreg:$0x18] =	wrdreg s6;
	s16 =	sadd.s32 s12, s25;
	s21 =	sadd.s32 s12, s20  }
0x21: {  	s25 =	sadd.s32 $0x50, s17;
	s19 =	sshll.u32 s24, $0x4;
	[dreg:$0xd] =	wrdreg s16  }
0x22: {  	s15 =	sshll.u32 s15, $0x4;
	s16 =	sadd.s32 s12, s18;
	[dreg:$0xf] =	wrdreg s21  }
0x23: {  	s18 =	sshrl.u32 s25, $0x3;
	[dreg:$0xe] =	wrdreg s16;
	s16 =	sadd.s32 s12, s22  }
0x24: {  	s21 =	smul.u32 $0xA000, s14;
	s20 =	sadd.s32 s18, s4;
	[dreg:$0x10] =	wrdreg s16  }
0x25: {  	s22 =	sadd.s32 s18, s0;
	s16 =	sadd.s32 s12, s23;
	[dreg:$0x8] =	wrdreg s20  }
0x26: {  	s23 =	smul.u32 $0xA000, s26;
	[dreg:$0x9] =	wrdreg s22;
	s20 =	sshrl.u32 s8, $0x2  }
0x27: {  	s26 =	simm.s32 $0x200;
	s8 =	simm.s32 $0x2C00;
	[dreg:$0x11] =	wrdreg s16  }
0x28: {  	s16 =	sadd.s32 s12, s19;
	s12 =	sadd.s32 s12, s15;
	s15 =	sshrl.u32 s17, $0x3  }
0x29: {  	s19 =	sadd.s32 s11, s2;
	s22 =	sadd.s32 s20, s2;
	[dreg:$0x12] =	wrdreg s16  }
0x2a: {  	s11 =	simm.s32 $0x1;
	[dreg:$0x13] =	wrdreg s12;
	s24 =	sadd.s32 s15, s4  }
0x2b: {  	s25 =	sshrl.u32 s23, $0x2;
	s12 =	sshrl.u32 s21, $0x2;
	s16 =	sshrl.u32 s7, $0x2  }
0x2c: {  	s21 =	sshrl.u32 s13, $0x3;
	[dreg:$0x1a] =	wrdreg s22;
	s7 =	simm.s32 $0x50  }
0x2d: {  	s22 =	simm.s32 $0x4;
	s13 =	simm.s32 $0x0;
	[dreg:$0x15] =	wrdreg s19  }
0x2e: {  	[dreg:$0xa] =	wrdreg s24;
	s17 =	sadd.s32 s25, s2;
	s6 =	sadd.s32 s16, s2  }
0x2f: {  	s18 =	sadd.s32 s12, s2;
	s25 =	smax.u32 s5, $0x1;
	[dreg:$0x19] =	wrdreg s6  }
0x30: {  	s23 =	sadd.s32 $0x4D8, s21;
	s5 =	simm.s32 $0x5;
	[dreg:$0x1d] =	wrdreg s25  }
0x31: {  	s12 =	simm.s32 $0x2;
	s4 =	sadd.s32 s4, s23;
	[dreg:$0x14] =	wrdreg s18  }
0x32: {  	s21 =	simm.s32 $0x3;
	s24 =	sadd.s32 s0, s23;
	[dreg:$0x1b] =	wrdreg s4  }
0x33: {  	s0 =	sadd.s32 s15, s0;
	s25 =	simm.s32 $0xB;
	[dreg:$0x1c] =	wrdreg s24  }
0x34: {  	s6 =	simm.s32 $0x6;
	s23 =	simm.s32 $0x7;
	[dreg:$0xb] =	wrdreg s0  }
0x35: {  	v0 =	vimm.f32 $0.0e+00;
	s24 =	simm.s32 $0x400;
	s0 =	simm.s32 $0x180;
	s4 =	simm.s32 $0x380  }
.LBB2_1:
0x36: {  	s14 =	simm.s32 $0x0;
	s15 =	simm.s32 $0x200  }
.LBB2_2:
0x37: {  	p1 =	sne.s32 s15, $0x9E00;
	[tilespmem:s14+$0x470] =	vst v0  }
0x38: {  	[tilespmem:s14+$0x400] =	vst v0  }
0x39: {  	[tilespmem:s14+$0x410] =	vst v0  }
.Ltmp0:
0x3a: {  	[tilespmem:s14+$0x420] =	vst v0;
	(pc) =	sbr.rel @p1 .LBB2_2-.Ltmp0, $4  }
0x3b: {  	[tilespmem:s14+$0x430] =	vst v0  }
0x3c: {  	[tilespmem:s14+$0x440] =	vst v0  }
0x3d: {  	[tilespmem:s14+$0x450] =	vst v0  }
0x3e: {  	[tilespmem:s14+$0x460] =	vst v0;
	s14 =	sshra.s32 s15, $0x2;
	s15 =	sadd.s32 $0x200, s15  }
0x3f: {  	[tilespmem:s14+$0x470] =	vst v0  }
0x40: {  	[tilespmem:s14+$0x400] =	vst v0  }
0x41: {  	[tilespmem:s14+$0x410] =	vst v0  }
0x42: {  	[tilespmem:s14+$0x420] =	vst v0  }
0x43: {  	[tilespmem:s14+$0x430] =	vst v0  }
0x44: {  	[tilespmem:s14+$0x440] =	vst v0  }
0x45: {  	[tilespmem:s14+$0x450] =	vst v0  }
0x46: {  	[tilespmem:s14+$0x460] =	vst v0  }
0x47: {  	[spmem:s17] =	stream.linear.scatter [tilespmem:s24], [sflag:$0xB], $0x2800, $0x38;
	[tilespmem:$0x1DC80] =	vst v63  }
0x48: {  	_ =	swait.ge [sflag:s25], $0x2800  }
0x49: {  	[sflag:s25] =	ssyncset.done $0x0  }
0x4a: {  	[sflag:s25] =	ssyncadd.s32 $0xFFFFD800  }
0x4b: {  	[spmem:s18] =	stream.linear.scatter [tilespmem:s24], [sflag:$0xB], $0x2800, $0x38;
	[tilespmem:$0x1DC80] =	vst v63  }
0x4c: {  	_ =	swait.ge [sflag:s25], $0x2800  }
0x4d: {  	[sflag:s25] =	ssyncset.done $0x0  }
0x4e: {  	[sflag:s25] =	ssyncadd.s32 $0xFFFFD800  }
0x4f: {  	[spmem:s19] =	stream.linear.scatter [tilespmem:s24], [sflag:$0xB], $0x2800, $0x38;
	[tilespmem:$0x1DC80] =	vst v63  }
0x50: {  	_ =	swait.ge [sflag:s25], $0x2800  }
0x51: {  	[sflag:s25] =	ssyncset.done $0x0  }
0x52: {  	s18 =	rddreg [dreg:$0x16];
	[sflag:s25] =	ssyncadd.s32 $0xFFFFD800  }
0x53: {  	[spmem:s18] =	stream.linear.scatter [tilespmem:s24], [sflag:$0xB], $0x2800, $0x38;
	[tilespmem:$0x1DC80] =	vst v63  }
0x54: {  	_ =	swait.ge [sflag:s25], $0x2800  }
0x55: {  	[sflag:s25] =	ssyncset.done $0x0  }
0x56: {  	s19 =	rddreg [dreg:$0x17];
	[sflag:s25] =	ssyncadd.s32 $0xFFFFD800  }
0x57: {  	[spmem:s19] =	stream.linear.scatter [tilespmem:s24], [sflag:$0xB], $0x2800, $0x38;
	[tilespmem:$0x1DC80] =	vst v63  }
0x58: {  	_ =	swait.ge [sflag:s25], $0x2800  }
0x59: {  	[sflag:s25] =	ssyncset.done $0x0  }
0x5a: {  	s15 =	rddreg [dreg:$0x18];
	[sflag:s25] =	ssyncadd.s32 $0xFFFFD800  }
0x5b: {  	[spmem:s15] =	stream.linear.scatter [tilespmem:s24], [sflag:$0xB], $0x2800, $0x38;
	[tilespmem:$0x1DC80] =	vst v63  }
0x5c: {  	_ =	swait.ge [sflag:s25], $0x2800  }
0x5d: {  	[sflag:s25] =	ssyncset.done $0x0  }
0x5e: {  	s16 =	rddreg [dreg:$0x19];
	[sflag:s25] =	ssyncadd.s32 $0xFFFFD800  }
0x5f: {  	[spmem:s16] =	stream.linear.scatter [tilespmem:s24], [sflag:$0xB], $0x2800, $0x38;
	[tilespmem:$0x1DC80] =	vst v63  }
0x60: {  	_ =	swait.ge [sflag:s25], $0x2800  }
0x61: {  	[sflag:s25] =	ssyncset.done $0x0  }
0x62: {  	s14 =	simm.s32 @!p0 $0x400;
	s15 =	rddreg [dreg:$0x1a];
	[sflag:s25] =	ssyncadd.s32 $0xFFFFD800  }
0x63: {  	[spmem:s15] =	stream.linear.scatter @!p0 [tilespmem:s14], [sflag:$0xB], $0x2800, $0x38;
	[tilespmem:$0x1DC80] =	vst v63  }
0x64: {  	s14 =	simm.s32 @!p0 $0xB  }
0x65: {  	_ =	swait.ge @!p0 [sflag:s14], $0x2800  }
0x66: {  	[sflag:s14] =	ssyncset.done @!p0 $0x0  }
0x67: {  	p1 =	por $0x1, $0x1;
	[sflag:s14] =	ssyncadd.s32 @!p0 $0xFFFFD800  }
0x68: {  	s14 =	simm.s32 @!p1 $0x7;
	[bflag:$0x0] =	sbarrier.arrive $0xFFFF  }
0x69: {  	_ =	swait.ge @!p1 [sflag:s14], $0x2800  }
0x6a: {  	[sflag:s14] =	ssyncset.done @!p1 $0x0  }
0x6b: {  	[sflag:s14] =	ssyncadd.s32 @!p1 $0xFFFFD800;
	s14 =	simm.s32 @!p1 $0x8  }
0x6c: {  	_ =	swait.ge @!p1 [sflag:s14], $0x2800  }
0x6d: {  	[sflag:s14] =	ssyncset.done @!p1 $0x0  }
0x6e: {  	[sflag:s14] =	ssyncadd.s32 @!p1 $0xFFFFD800;
	s14 =	simm.s32 @!p1 $0x9  }
0x6f: {  	_ =	swait.ge @!p1 [sflag:s14], $0x2800  }
0x70: {  	[sflag:s14] =	ssyncset.done @!p1 $0x0  }
0x71: {  	[sflag:s14] =	ssyncadd.s32 @!p1 $0xFFFFD800;
	s14 =	simm.s32 @!p1 $0xA  }
0x72: {  	_ =	swait.ge @!p1 [sflag:s14], $0x2800  }
0x73: {  	s20 =	smov.u32 s17;
	s17 =	rddreg [dreg:$0xb];
	[sflag:s14] =	ssyncset.done @!p1 $0x0  }
0x74: {  	s16 =	rddreg [dreg:$0xa];
	[sflag:s14] =	ssyncadd.s32 @!p1 $0xFFFFD800;
	s18 =	sadd.s32 $0x0, s17  }
0x75: {  	[tilespmem:s3], [sflag:$0x5] =	stream.linear.gather [hbm4b:s18+s3], $0x50, $0x38;
	[tilespmem:$0x1DC80] =	vst v63  }
0x76: {  	s19 =	rddreg [dreg:$0x9];
	s17 =	sadd.s32 $0x0, s16  }
0x77: {  	[tilespmem:s26], [sflag:$0x6] =	stream.linear.gather [hbm4b:s17+s3], $0x50, $0x38;
	[tilespmem:$0x1DC80] =	vst v63  }
0x78: {  	s14 =	sadd.s32 $0x0, s19;
	s18 =	rddreg [dreg:$0x8]  }
0x79: {  	[tilespmem:s28], [sflag:$0x5] =	stream.linear.gather [hbm4b:s14+s3], $0x50, $0x38;
	[tilespmem:$0x1DC80] =	vst v63  }
0x7a: {  	s19 =	rddreg [dreg:$0x7];
	s15 =	sadd.s32 $0x0, s18  }
0x7b: {  	[tilespmem:s29], [sflag:$0x6] =	stream.linear.gather [hbm4b:s15+s3], $0x50, $0x38;
	[tilespmem:$0x1DC80] =	vst v63  }
0x7c: {  	s16 =	rddreg [dreg:$0x6];
	s14 =	sadd.s32 $0x0, s19  }
0x7d: {  	[tilespmem:s30], [sflag:$0x5] =	stream.linear.gather [hbm4b:s14+s3], $0x50, $0x38;
	[tilespmem:$0x1DC80] =	vst v63  }
0x7e: {  	s17 =	rddreg [dreg:$0x5];
	s15 =	sadd.s32 $0x0, s16  }
0x7f: {  	[tilespmem:s31], [sflag:$0x6] =	stream.linear.gather [hbm4b:s15+s3], $0x50, $0x38;
	[tilespmem:$0x1DC80] =	vst v63  }
0x80: {  	s18 =	rddreg [dreg:$0x4];
	s14 =	sadd.s32 $0x0, s17  }
0x81: {  	[tilespmem:s0], [sflag:$0x5] =	stream.linear.gather [hbm4b:s14+s3], $0x50, $0x38;
	[tilespmem:$0x1DC80] =	vst v63  }
0x82: {  	s19 =	sadd.s32 $0x0, s18  }
0x83: {  	[tilespmem:s4], [sflag:$0x6] =	stream.linear.gather [hbm4b:s19+s3], $0x50, $0x38;
	[tilespmem:$0x1DC80] =	vst v63  }
0x84: {  	_ =	swait.ge [sflag:s5], $0x50  }
0x85: {  	[sflag:s5] =	ssyncset.done $0x0  }
0x86: {  	[sflag:s5] =	ssyncadd.s32 $0xFFFFFFB0  }
0x87: {  	_ =	swait.ge [sflag:s6], $0x50  }
0x88: {  	[sflag:s6] =	ssyncset.done $0x0  }
0x89: {  	[sflag:s6] =	ssyncadd.s32 $0xFFFFFFB0  }
0x8a: {  	[tilespmem:s24], [sflag:$0x1] =	stream.indirect.gather [hbm4b:s1+s7], $0x80, s3, s7, $0xb8;
	[tilespmem:$0x1DC80] =	vst v63  }
0x8b: {  	_ =	swait.ge [sflag:s5], $0x50  }
0x8c: {  	[sflag:s5] =	ssyncset.done $0x0  }
0x8d: {  	[sflag:s5] =	ssyncadd.s32 $0xFFFFFFB0  }
0x8e: {  	_ =	swait.ge [sflag:s6], $0x50  }
0x8f: {  	[sflag:s6] =	ssyncset.done $0x0  }
0x90: {  	[sflag:s6] =	ssyncadd.s32 $0xFFFFFFB0  }
0x91: {  	[tilespmem:s8], [sflag:$0x2] =	stream.indirect.gather [hbm4b:s1+s7], $0x80, s28, s7, $0xb8;
	[tilespmem:$0x1DC80] =	vst v63  }
0x92: {  	_ =	swait.ge [sflag:s5], $0x50  }
0x93: {  	[sflag:s5] =	ssyncset.done $0x0  }
0x94: {  	[sflag:s5] =	ssyncadd.s32 $0xFFFFFFB0  }
0x95: {  	_ =	swait.ge [sflag:s6], $0x50  }
0x96: {  	[sflag:s6] =	ssyncset.done $0x0  }
0x97: {  	[sflag:s6] =	ssyncadd.s32 $0xFFFFFFB0  }
0x98: {  	[tilespmem:s9], [sflag:$0x3] =	stream.indirect.gather [hbm4b:s1+s7], $0x80, s30, s7, $0xb8;
	[tilespmem:$0x1DC80] =	vst v63  }
0x99: {  	_ =	swait.ge [sflag:s5], $0x50  }
0x9a: {  	[sflag:s5] =	ssyncset.done $0x0  }
0x9b: {  	[sflag:s5] =	ssyncadd.s32 $0xFFFFFFB0  }
0x9c: {  	_ =	swait.ge [sflag:s6], $0x50  }
0x9d: {  	[sflag:s6] =	ssyncset.done $0x0  }
0x9e: {  	[sflag:s6] =	ssyncadd.s32 $0xFFFFFFB0  }
0x9f: {  	[tilespmem:s10], [sflag:$0x4] =	stream.indirect.gather [hbm4b:s1+s7], $0x80, s0, s7, $0xb8;
	[tilespmem:$0x1DC80] =	vst v63  }
0xa0: {  	_ =	swait.ge [sflag:s11], $0x2800  }
0xa1: {  	[sflag:s11] =	ssyncset.done $0x0  }
0xa2: {  	[sflag:s11] =	ssyncadd.s32 $0xFFFFD800  }
0xa3: {  	[spmem:s2] =	stream.indirect.scatter.add.f32 [tilespmem:s24], [sflag:$0x7], $0x80, s26, s7, $0xb8;
	[tilespmem:$0x1DC80] =	vst v63  }
0xa4: {  	_ =	swait.ge [sflag:s12], $0x2800  }
0xa5: {  	[sflag:s12] =	ssyncset.done $0x0  }
0xa6: {  	[sflag:s12] =	ssyncadd.s32 $0xFFFFD800  }
0xa7: {  	[spmem:s2] =	stream.indirect.scatter.add.f32 [tilespmem:s8], [sflag:$0x8], $0x80, s29, s7, $0xb8;
	[tilespmem:$0x1DC80] =	vst v63  }
0xa8: {  	_ =	swait.ge [sflag:s21], $0x2800  }
0xa9: {  	[sflag:s21] =	ssyncset.done $0x0  }
0xaa: {  	[sflag:s21] =	ssyncadd.s32 $0xFFFFD800  }
0xab: {  	[spmem:s2] =	stream.indirect.scatter.add.f32 [tilespmem:s9], [sflag:$0x9], $0x80, s31, s7, $0xb8;
	[tilespmem:$0x1DC80] =	vst v63  }
0xac: {  	p2 =	por $0x0, $0x0;
	_ =	swait.ge [sflag:s22], $0x2800  }
0xad: {  	s15 =	simm.s32 $0x50;
	s14 =	simm.s32 $0x28;
	[sflag:s22] =	ssyncset.done $0x0  }
.LBB2_4:
0xae: {  	s17 =	simm.s32 @!p2 $0x7;
	[sflag:s22] =	ssyncadd.s32 $0xFFFFD800  }
0xaf: {  	[spmem:s2] =	stream.indirect.scatter.add.f32 [tilespmem:s10], [sflag:$0xA], $0x80, s4, s7, $0xb8;
	[tilespmem:$0x1DC80] =	vst v63  }
0xb0: {  	_ =	swait.ge @!p2 [sflag:s17], $0x2800  }
0xb1: {  	[sflag:s17] =	ssyncset.done @!p2 $0x0  }
0xb2: {  	[sflag:s17] =	ssyncadd.s32 @!p2 $0xFFFFD800;
	s17 =	simm.s32 @!p2 $0x8  }
0xb3: {  	_ =	swait.ge @!p2 [sflag:s17], $0x2800  }
0xb4: {  	[sflag:s17] =	ssyncset.done @!p2 $0x0  }
0xb5: {  	[sflag:s17] =	ssyncadd.s32 @!p2 $0xFFFFD800;
	s17 =	simm.s32 @!p2 $0x9  }
0xb6: {  	_ =	swait.ge @!p2 [sflag:s17], $0x2800  }
0xb7: {  	[sflag:s17] =	ssyncset.done @!p2 $0x0  }
0xb8: {  	[sflag:s17] =	ssyncadd.s32 @!p2 $0xFFFFD800;
	s17 =	simm.s32 @!p2 $0xA  }
0xb9: {  	_ =	swait.ge @!p2 [sflag:s17], $0x2800  }
0xba: {  	s18 =	rddreg [dreg:$0xb];
	[sflag:s17] =	ssyncset.done @!p2 $0x0  }
0xbb: {  	s19 =	rddreg [dreg:$0xa];
	[sflag:s17] =	ssyncadd.s32 @!p2 $0xFFFFD800;
	s17 =	sadd.s32 s14, s18  }
0xbc: {  	[tilespmem:s3], [sflag:$0x5] =	stream.linear.gather [hbm4b:s17+s3], $0x50, $0x38;
	[tilespmem:$0x1DC80] =	vst v63  }
0xbd: {  	s18 =	rddreg [dreg:$0x9];
	s17 =	sadd.s32 s14, s19  }
0xbe: {  	[tilespmem:s26], [sflag:$0x6] =	stream.linear.gather [hbm4b:s17+s3], $0x50, $0x38;
	[tilespmem:$0x1DC80] =	vst v63  }
0xbf: {  	s19 =	rddreg [dreg:$0x8];
	s17 =	sadd.s32 s14, s18  }
0xc0: {  	[tilespmem:s28], [sflag:$0x5] =	stream.linear.gather [hbm4b:s17+s3], $0x50, $0x38;
	[tilespmem:$0x1DC80] =	vst v63  }
0xc1: {  	s18 =	rddreg [dreg:$0x7];
	s17 =	sadd.s32 s14, s19  }
0xc2: {  	[tilespmem:s29], [sflag:$0x6] =	stream.linear.gather [hbm4b:s17+s3], $0x50, $0x38;
	[tilespmem:$0x1DC80] =	vst v63  }
0xc3: {  	s19 =	rddreg [dreg:$0x6];
	s17 =	sadd.s32 s14, s18  }
0xc4: {  	[tilespmem:s30], [sflag:$0x5] =	stream.linear.gather [hbm4b:s17+s3], $0x50, $0x38;
	[tilespmem:$0x1DC80] =	vst v63  }
0xc5: {  	s18 =	rddreg [dreg:$0x5];
	s17 =	sadd.s32 s14, s19  }
0xc6: {  	[tilespmem:s31], [sflag:$0x6] =	stream.linear.gather [hbm4b:s17+s3], $0x50, $0x38;
	[tilespmem:$0x1DC80] =	vst v63  }
0xc7: {  	s18 =	sadd.s32 s14, s18;
	s19 =	rddreg [dreg:$0x4]  }
0xc8: {  	[tilespmem:s0], [sflag:$0x5] =	stream.linear.gather [hbm4b:s18+s3], $0x50, $0x38;
	[tilespmem:$0x1DC80] =	vst v63  }
0xc9: {  	s19 =	sadd.s32 s14, s19  }
0xca: {  	[tilespmem:s4], [sflag:$0x6] =	stream.linear.gather [hbm4b:s19+s3], $0x50, $0x38;
	[tilespmem:$0x1DC80] =	vst v63  }
0xcb: {  	_ =	swait.ge [sflag:s5], $0x50  }
0xcc: {  	[sflag:s5] =	ssyncset.done $0x0  }
0xcd: {  	[sflag:s5] =	ssyncadd.s32 $0xFFFFFFB0  }
0xce: {  	_ =	swait.ge [sflag:s6], $0x50  }
0xcf: {  	[sflag:s6] =	ssyncset.done $0x0  }
0xd0: {  	[sflag:s6] =	ssyncadd.s32 $0xFFFFFFB0  }
0xd1: {  	[tilespmem:s24], [sflag:$0x1] =	stream.indirect.gather [hbm4b:s1+s7], $0x80, s3, s7, $0xb8;
	[tilespmem:$0x1DC80] =	vst v63  }
0xd2: {  	_ =	swait.ge [sflag:s5], $0x50  }
0xd3: {  	[sflag:s5] =	ssyncset.done $0x0  }
0xd4: {  	[sflag:s5] =	ssyncadd.s32 $0xFFFFFFB0  }
0xd5: {  	_ =	swait.ge [sflag:s6], $0x50  }
0xd6: {  	[sflag:s6] =	ssyncset.done $0x0  }
0xd7: {  	[sflag:s6] =	ssyncadd.s32 $0xFFFFFFB0  }
0xd8: {  	[tilespmem:s8], [sflag:$0x2] =	stream.indirect.gather [hbm4b:s1+s7], $0x80, s28, s7, $0xb8;
	[tilespmem:$0x1DC80] =	vst v63  }
0xd9: {  	_ =	swait.ge [sflag:s5], $0x50  }
0xda: {  	[sflag:s5] =	ssyncset.done $0x0  }
0xdb: {  	[sflag:s5] =	ssyncadd.s32 $0xFFFFFFB0  }
0xdc: {  	_ =	swait.ge [sflag:s6], $0x50  }
0xdd: {  	[sflag:s6] =	ssyncset.done $0x0  }
0xde: {  	[sflag:s6] =	ssyncadd.s32 $0xFFFFFFB0  }
0xdf: {  	[tilespmem:s9], [sflag:$0x3] =	stream.indirect.gather [hbm4b:s1+s7], $0x80, s30, s7, $0xb8;
	[tilespmem:$0x1DC80] =	vst v63  }
0xe0: {  	_ =	swait.ge [sflag:s5], $0x50  }
0xe1: {  	[sflag:s5] =	ssyncset.done $0x0  }
0xe2: {  	[sflag:s5] =	ssyncadd.s32 $0xFFFFFFB0  }
0xe3: {  	_ =	swait.ge [sflag:s6], $0x50  }
0xe4: {  	[sflag:s6] =	ssyncset.done $0x0  }
0xe5: {  	[sflag:s6] =	ssyncadd.s32 $0xFFFFFFB0  }
0xe6: {  	[tilespmem:s10], [sflag:$0x4] =	stream.indirect.gather [hbm4b:s1+s7], $0x80, s0, s7, $0xb8;
	[tilespmem:$0x1DC80] =	vst v63  }
0xe7: {  	_ =	swait.ge [sflag:s11], $0x2800  }
0xe8: {  	[sflag:s11] =	ssyncset.done $0x0  }
0xe9: {  	[sflag:s11] =	ssyncadd.s32 $0xFFFFD800  }
0xea: {  	[spmem:s2] =	stream.indirect.scatter.add.f32 [tilespmem:s24], [sflag:$0x7], $0x80, s26, s7, $0xb8;
	[tilespmem:$0x1DC80] =	vst v63  }
0xeb: {  	_ =	swait.ge [sflag:s12], $0x2800  }
0xec: {  	[sflag:s12] =	ssyncset.done $0x0  }
0xed: {  	s16 =	smov.u32 s15;
	s15 =	sadd.s32 $0x28, s15;
	[sflag:s12] =	ssyncadd.s32 $0xFFFFD800  }
0xee: {  	[spmem:s2] =	stream.indirect.scatter.add.f32 [tilespmem:s8], [sflag:$0x8], $0x80, s29, s7, $0xb8;
	[tilespmem:$0x1DC80] =	vst v63  }
0xef: {  	p1 =	sne.s32 s15, $0x4D8;
	_ =	swait.ge [sflag:s21], $0x2800  }
.Ltmp1:
0xf0: {  	[sflag:s21] =	ssyncset.done $0x0;
	(pc) =	sbr.rel @p1 .LBB2_4-.Ltmp1, $4  }
0xf1: {  	[sflag:s21] =	ssyncadd.s32 $0xFFFFD800  }
0xf2: {  	[spmem:s2] =	stream.indirect.scatter.add.f32 [tilespmem:s9], [sflag:$0x9], $0x80, s31, s7, $0xb8;
	[tilespmem:$0x1DC80] =	vst v63  }
0xf3: {  	s14 =	smov.u32 s16;
	_ =	swait.ge [sflag:s22], $0x2800  }
0xf4: {  	p2 =	seq.s32 s14, $0x0;
	[sflag:s22] =	ssyncset.done $0x0  }
0xf5: {  	s15 =	simm.s32 @!p2 $0x7;
	[sflag:s22] =	ssyncadd.s32 $0xFFFFD800  }
0xf6: {  	[spmem:s2] =	stream.indirect.scatter.add.f32 [tilespmem:s10], [sflag:$0xA], $0x80, s4, s7, $0xb8;
	[tilespmem:$0x1DC80] =	vst v63  }
0xf7: {  	_ =	swait.ge @!p2 [sflag:s15], $0x2800  }
0xf8: {  	[sflag:s15] =	ssyncset.done @!p2 $0x0  }
0xf9: {  	[sflag:s15] =	ssyncadd.s32 @!p2 $0xFFFFD800;
	s15 =	simm.s32 @!p2 $0x8  }
0xfa: {  	_ =	swait.ge @!p2 [sflag:s15], $0x2800  }
0xfb: {  	[sflag:s15] =	ssyncset.done @!p2 $0x0  }
0xfc: {  	[sflag:s15] =	ssyncadd.s32 @!p2 $0xFFFFD800;
	s15 =	simm.s32 @!p2 $0x9  }
0xfd: {  	_ =	swait.ge @!p2 [sflag:s15], $0x2800  }
0xfe: {  	[sflag:s15] =	ssyncset.done @!p2 $0x0  }
0xff: {  	[sflag:s15] =	ssyncadd.s32 @!p2 $0xFFFFD800;
	s15 =	simm.s32 @!p2 $0xA  }
0x100: {  	_ =	swait.ge @!p2 [sflag:s15], $0x2800  }
0x101: {  	s16 =	rddreg [dreg:$0xb];
	[sflag:s15] =	ssyncset.done @!p2 $0x0  }
0x102: {  	s17 =	rddreg [dreg:$0xa];
	[sflag:s15] =	ssyncadd.s32 @!p2 $0xFFFFD800;
	s16 =	sadd.s32 s14, s16  }
0x103: {  	[tilespmem:s3], [sflag:$0x5] =	stream.linear.gather [hbm4b:s16+s3], $0x50, $0x38;
	[tilespmem:$0x1DC80] =	vst v63  }
0x104: {  	s18 =	rddreg [dreg:$0x9];
	s19 =	sadd.s32 s14, s17  }
0x105: {  	[tilespmem:s26], [sflag:$0x6] =	stream.linear.gather [hbm4b:s19+s3], $0x50, $0x38;
	[tilespmem:$0x1DC80] =	vst v63  }
0x106: {  	s17 =	rddreg [dreg:$0x8];
	s15 =	sadd.s32 s14, s18  }
0x107: {  	[tilespmem:s28], [sflag:$0x5] =	stream.linear.gather [hbm4b:s15+s3], $0x50, $0x38;
	[tilespmem:$0x1DC80] =	vst v63  }
0x108: {  	s18 =	rddreg [dreg:$0x7];
	s16 =	sadd.s32 s14, s17  }
0x109: {  	[tilespmem:s29], [sflag:$0x6] =	stream.linear.gather [hbm4b:s16+s3], $0x50, $0x38;
	[tilespmem:$0x1DC80] =	vst v63  }
0x10a: {  	s19 =	rddreg [dreg:$0x6];
	s15 =	sadd.s32 s14, s18  }
0x10b: {  	[tilespmem:s30], [sflag:$0x5] =	stream.linear.gather [hbm4b:s15+s3], $0x50, $0x38;
	[tilespmem:$0x1DC80] =	vst v63  }
0x10c: {  	s17 =	rddreg [dreg:$0x5];
	s16 =	sadd.s32 s14, s19  }
0x10d: {  	[tilespmem:s31], [sflag:$0x6] =	stream.linear.gather [hbm4b:s16+s3], $0x50, $0x38;
	[tilespmem:$0x1DC80] =	vst v63  }
0x10e: {  	s18 =	rddreg [dreg:$0x4];
	s15 =	sadd.s32 s14, s17  }
0x10f: {  	[tilespmem:s0], [sflag:$0x5] =	stream.linear.gather [hbm4b:s15+s3], $0x50, $0x38;
	[tilespmem:$0x1DC80] =	vst v63  }
0x110: {  	s19 =	sadd.s32 s14, s18  }
0x111: {  	[tilespmem:s4], [sflag:$0x6] =	stream.linear.gather [hbm4b:s19+s3], $0x50, $0x38;
	[tilespmem:$0x1DC80] =	vst v63  }
0x112: {  	_ =	swait.ge [sflag:s5], $0x50  }
0x113: {  	[sflag:s5] =	ssyncset.done $0x0  }
0x114: {  	[sflag:s5] =	ssyncadd.s32 $0xFFFFFFB0  }
0x115: {  	_ =	swait.ge [sflag:s6], $0x50  }
0x116: {  	[sflag:s6] =	ssyncset.done $0x0  }
0x117: {  	[sflag:s6] =	ssyncadd.s32 $0xFFFFFFB0  }
0x118: {  	[tilespmem:s24], [sflag:$0x1] =	stream.indirect.gather [hbm4b:s1+s7], $0x80, s3, s7, $0xb8;
	[tilespmem:$0x1DC80] =	vst v63  }
0x119: {  	_ =	swait.ge [sflag:s5], $0x50  }
0x11a: {  	[sflag:s5] =	ssyncset.done $0x0  }
0x11b: {  	[sflag:s5] =	ssyncadd.s32 $0xFFFFFFB0  }
0x11c: {  	_ =	swait.ge [sflag:s6], $0x50  }
0x11d: {  	[sflag:s6] =	ssyncset.done $0x0  }
0x11e: {  	[sflag:s6] =	ssyncadd.s32 $0xFFFFFFB0  }
0x11f: {  	[tilespmem:s8], [sflag:$0x2] =	stream.indirect.gather [hbm4b:s1+s7], $0x80, s28, s7, $0xb8;
	[tilespmem:$0x1DC80] =	vst v63  }
0x120: {  	_ =	swait.ge [sflag:s5], $0x50  }
0x121: {  	[sflag:s5] =	ssyncset.done $0x0  }
0x122: {  	[sflag:s5] =	ssyncadd.s32 $0xFFFFFFB0  }
0x123: {  	_ =	swait.ge [sflag:s6], $0x50  }
0x124: {  	[sflag:s6] =	ssyncset.done $0x0  }
0x125: {  	[sflag:s6] =	ssyncadd.s32 $0xFFFFFFB0  }
0x126: {  	[tilespmem:s9], [sflag:$0x3] =	stream.indirect.gather [hbm4b:s1+s7], $0x80, s30, s7, $0xb8;
	[tilespmem:$0x1DC80] =	vst v63  }
0x127: {  	_ =	swait.ge [sflag:s5], $0x50  }
0x128: {  	[sflag:s5] =	ssyncset.done $0x0  }
0x129: {  	[sflag:s5] =	ssyncadd.s32 $0xFFFFFFB0  }
0x12a: {  	_ =	swait.ge [sflag:s6], $0x50  }
0x12b: {  	[sflag:s6] =	ssyncset.done $0x0  }
0x12c: {  	[sflag:s6] =	ssyncadd.s32 $0xFFFFFFB0  }
0x12d: {  	[tilespmem:s10], [sflag:$0x4] =	stream.indirect.gather [hbm4b:s1+s7], $0x80, s0, s7, $0xb8;
	[tilespmem:$0x1DC80] =	vst v63  }
0x12e: {  	_ =	swait.ge [sflag:s11], $0x2800  }
0x12f: {  	[sflag:s11] =	ssyncset.done $0x0  }
0x130: {  	[sflag:s11] =	ssyncadd.s32 $0xFFFFD800  }
0x131: {  	[spmem:s2] =	stream.indirect.scatter.add.f32 [tilespmem:s24], [sflag:$0x7], $0x80, s26, s7, $0xb8;
	[tilespmem:$0x1DC80] =	vst v63  }
0x132: {  	_ =	swait.ge [sflag:s12], $0x2800  }
0x133: {  	[sflag:s12] =	ssyncset.done $0x0  }
0x134: {  	[sflag:s12] =	ssyncadd.s32 $0xFFFFD800  }
0x135: {  	[spmem:s2] =	stream.indirect.scatter.add.f32 [tilespmem:s8], [sflag:$0x8], $0x80, s29, s7, $0xb8;
	[tilespmem:$0x1DC80] =	vst v63  }
0x136: {  	_ =	swait.ge [sflag:s21], $0x2800  }
0x137: {  	[sflag:s21] =	ssyncset.done $0x0  }
0x138: {  	[sflag:s21] =	ssyncadd.s32 $0xFFFFD800  }
0x139: {  	[spmem:s2] =	stream.indirect.scatter.add.f32 [tilespmem:s9], [sflag:$0x9], $0x80, s31, s7, $0xb8;
	[tilespmem:$0x1DC80] =	vst v63  }
0x13a: {  	_ =	swait.ge [sflag:s22], $0x2800  }
0x13b: {  	[sflag:s22] =	ssyncset.done $0x0  }
0x13c: {  	[sflag:s22] =	ssyncadd.s32 $0xFFFFD800  }
0x13d: {  	[spmem:s2] =	stream.indirect.scatter.add.f32 [tilespmem:s10], [sflag:$0xA], $0x80, s4, s7, $0xb8;
	[tilespmem:$0x1DC80] =	vst v63  }
0x13e: {  	_ =	swait.ge [sflag:s23], $0x2800  }
0x13f: {  	[sflag:s23] =	ssyncset.done $0x0  }
0x140: {  	s15 =	simm.s32 $0x8;
	[sflag:s23] =	ssyncadd.s32 $0xFFFFD800  }
0x141: {  	_ =	swait.ge [sflag:s15], $0x2800  }
0x142: {  	[sflag:s15] =	ssyncset.done $0x0  }
0x143: {  	s16 =	simm.s32 $0x9;
	[sflag:s15] =	ssyncadd.s32 $0xFFFFD800  }
0x144: {  	_ =	swait.ge [sflag:s16], $0x2800  }
0x145: {  	[sflag:s16] =	ssyncset.done $0x0  }
0x146: {  	s17 =	simm.s32 $0xA;
	[sflag:s16] =	ssyncadd.s32 $0xFFFFD800  }
0x147: {  	_ =	swait.ge [sflag:s17], $0x2800  }
0x148: {  	[sflag:s17] =	ssyncset.done $0x0  }
0x149: {  	s18 =	rddreg [dreg:$0x1c];
	[sflag:s17] =	ssyncadd.s32 $0xFFFFD800  }
0x14a: {  	[tilespmem:s3], [sflag:$0x5] =	stream.linear.gather [hbm4b:s18+s3], $0x50, $0x38;
	[tilespmem:$0x1DC80] =	vst v63  }
0x14b: {  	s19 =	rddreg [dreg:$0x1b]  }
0x14c: {  	[tilespmem:s26], [sflag:$0x6] =	stream.linear.gather [hbm4b:s19+s3], $0x50, $0x38;
	[tilespmem:$0x1DC80] =	vst v63  }
0x14d: {  	_ =	swait.ge [sflag:s5], $0x50  }
0x14e: {  	[sflag:s5] =	ssyncset.done $0x0  }
0x14f: {  	[sflag:s5] =	ssyncadd.s32 $0xFFFFFFB0  }
0x150: {  	_ =	swait.ge [sflag:s6], $0x50  }
0x151: {  	[sflag:s6] =	ssyncset.done $0x0  }
0x152: {  	[sflag:s6] =	ssyncadd.s32 $0xFFFFFFB0  }
0x153: {  	[tilespmem:s24], [sflag:$0x1] =	stream.indirect.gather [hbm4b:s1+s7], $0x80, s3, s7, $0xb8;
	[tilespmem:$0x1DC80] =	vst v63  }
0x154: {  	_ =	swait.ge [sflag:s11], $0x2800  }
0x155: {  	[sflag:s11] =	ssyncset.done $0x0  }
0x156: {  	[sflag:s11] =	ssyncadd.s32 $0xFFFFD800  }
0x157: {  	[spmem:s2] =	stream.indirect.scatter.add.f32 [tilespmem:s24], [sflag:$0x7], $0x80, s26, s7, $0xb8;
	[tilespmem:$0x1DC80] =	vst v63  }
0x158: {  	_ =	swait.ge [sflag:s23], $0x2800  }
0x159: {  	[sflag:s23] =	ssyncset.done $0x0  }
0x15a: {  	s15 =	stileid.u32;
	[sflag:s23] =	ssyncadd.s32 $0xFFFFD800  }
0x15b: {  	s14 =	sshll.u32 s15, $0x6;
	[bflag:$0x0] =	sbarrier.arrive $0xFFFF  }
0x15c: {  	s14 =	sor.u32 $0x1C0B, s14;
	s16 =	sshrl.u32 s20, $0x3;
	s18 =	rddreg [dreg:$0xc]  }
0x15d: {  	[hbm:s18], [sflag:s14] =	dma.local [spmem:s16], $0x500  }
0x15e: {  	_ =	swait.ge [sflag:s25], $0x500  }
0x15f: {  	s17 =	smov.u32 s20;
	[sflag:s25] =	ssyncset.done $0x0;
	s18 =	rddreg [dreg:$0x14]  }
0x160: {  	s20 =	rddreg [dreg:$0xd];
	[sflag:s25] =	ssyncadd.s32 $0xFFFFFB00;
	s19 =	sshrl.u32 s18, $0x3  }
0x161: {  	[hbm:s20], [sflag:s14] =	dma.local [spmem:s19], $0x500  }
0x162: {  	_ =	swait.ge [sflag:s25], $0x500  }
0x163: {  	[sflag:s25] =	ssyncset.done $0x0;
	s19 =	rddreg [dreg:$0x15]  }
0x164: {  	s20 =	rddreg [dreg:$0xe];
	[sflag:s25] =	ssyncadd.s32 $0xFFFFFB00;
	s16 =	sshrl.u32 s19, $0x3  }
0x165: {  	[hbm:s20], [sflag:s14] =	dma.local [spmem:s16], $0x500  }
0x166: {  	_ =	swait.ge [sflag:s25], $0x500  }
0x167: {  	[sflag:s25] =	ssyncset.done $0x0;
	s16 =	rddreg [dreg:$0x16]  }
0x168: {  	s20 =	rddreg [dreg:$0xf];
	[sflag:s25] =	ssyncadd.s32 $0xFFFFFB00;
	s15 =	sshrl.u32 s16, $0x3  }
0x169: {  	[hbm:s20], [sflag:s14] =	dma.local [spmem:s15], $0x500  }
0x16a: {  	_ =	swait.ge [sflag:s25], $0x500  }
0x16b: {  	[sflag:s25] =	ssyncset.done $0x0;
	s16 =	rddreg [dreg:$0x17]  }
0x16c: {  	s20 =	rddreg [dreg:$0x10];
	[sflag:s25] =	ssyncadd.s32 $0xFFFFFB00;
	s15 =	sshrl.u32 s16, $0x3  }
0x16d: {  	[hbm:s20], [sflag:s14] =	dma.local [spmem:s15], $0x500  }
0x16e: {  	_ =	swait.ge [sflag:s25], $0x500  }
0x16f: {  	[sflag:s25] =	ssyncset.done $0x0;
	s16 =	rddreg [dreg:$0x18]  }
0x170: {  	s20 =	rddreg [dreg:$0x11];
	[sflag:s25] =	ssyncadd.s32 $0xFFFFFB00;
	s15 =	sshrl.u32 s16, $0x3  }
0x171: {  	[hbm:s20], [sflag:s14] =	dma.local [spmem:s15], $0x500  }
0x172: {  	_ =	swait.ge [sflag:s25], $0x500  }
0x173: {  	[sflag:s25] =	ssyncset.done $0x0;
	s16 =	rddreg [dreg:$0x19]  }
0x174: {  	s20 =	rddreg [dreg:$0x12];
	[sflag:s25] =	ssyncadd.s32 $0xFFFFFB00;
	s15 =	sshrl.u32 s16, $0x3  }
0x175: {  	[hbm:s20], [sflag:s14] =	dma.local [spmem:s15], $0x500  }
0x176: {  	_ =	swait.ge [sflag:s25], $0x500  }
0x177: {  	[sflag:s25] =	ssyncset.done $0x0;
	s15 =	rddreg [dreg:$0x1a]  }
0x178: {  	s16 =	rddreg [dreg:$0x13];
	[sflag:s25] =	ssyncadd.s32 $0xFFFFFB00;
	s15 =	sshrl.u32 @!p0 s15, $0x3  }
0x179: {  	[hbm:s16], [sflag:s14] =	dma.local @!p0 [spmem:s15], $0x500  }
0x17a: {  	s14 =	simm.s32 @!p0 $0xB  }
0x17b: {  	_ =	swait.ge @!p0 [sflag:s14], $0x500  }
0x17c: {  	s13 =	sadd.s32 $0x1, s13;
	s20 =	rddreg [dreg:$0x1d]  }
0x17d: {  	p1 =	sne.s32 s13, s20  }
.Ltmp2:
0x17e: {  	_ = 	snop;
	(pc) =	sbr.rel @p1 .LBB2_1-.Ltmp2, $3  }
0x17f: {  	_ =	sdelay $0x1  }
0x180: {  	[sflag:s14] =	ssyncset.done @!p0 $0x0  }
0x181: {  	[sflag:s14] =	ssyncadd.s32 @!p0 $0xFFFFFB00  }
0x182: {  	_ =	sfence.sel $0x180000  }
0x183: {  	[bflag:$0x0] =	sbarrier.arrive $0xFFFF  }
0x184: {  	_ =	strace $0x90000047  }
0x185: {  	s0 =	stileid.u32;
	[bflag:$0x2] =	sbarrier.arrive $0xFFFF  }
0x186: {  	p0 =	sne.s32 s0, $0x0;
	s0 =	rddreg [dreg:$0x3]  }
0x187: {  	s0 =	sadd.s32 @!p0 $0x100000, s0  }
0x188: {  	[sflag:s0] =	ssyncadd.tile.s32 @!p0 $0x1;
	_ =	shalt  }
.Lfunc_end2:
_tile_overlayer_lowered:
.L_overlay_start_2:
0x189: {  	(tag) =	ssettag $0x2  }
0x18a: {  	s0 =	rddreg [dreg:$0x0];
	s2 =	stileid.u32  }
0x18b: {  	s1 =	rddreg [dreg:$0x1];
	p0 =	sne.s32 s2, $0x0  }
0x18c: {  	s3 =	rddreg [dreg:$0x2];
	[bflag:$0x3] =	sbarrier.arrive $0xFFFF;
	s2 =	simm.s32 @!p0 $0x1C0B  }
0x18d: {  	[timem:s3], [sflag:s2] =	dma.local @!p0 [hbm:s0], s1  }
0x18e: {  	s0 =	simm.s32 @!p0 $0xB  }
0x18f: {  	_ =	swait.ge @!p0 [sflag:s0], s1  }
0x190: {  	s1 =	ssub.s32 @!p0 $0x0, s1;
	[sflag:s0] =	ssyncset.done @!p0 $0x0  }
0x191: {  	[sflag:s0] =	ssyncadd.s32 @!p0 s1  }
0x192: {  	[bflag:$0x3] =	sbarrier.arrive $0xFFFF  }
0x193: {  	_ =	shalt  }

</sc_bundles>
